<compile_context>
chip_gen: v7x
topology: tpu7x:2x2x1
jax: 0.10.2.dev20260603
libtpu: 0.0.44.dev20260713+nightly
codegen_flags: <defaults>
</compile_context>

<pallas_src>
import functools

import jax
import jax.numpy as jnp
from jax import lax
from jax.experimental import pallas as pl
from jax.experimental.pallas import tpu as pltpu
from jax.experimental.pallas import tpu_sc as plsc

N = 10000
D = 128
E = 320000

NUM_CORES = 2
NUM_SUBCORES = 16
NUM_TILES = NUM_CORES * NUM_SUBCORES

CHUNK = 128
CHUNKS_PER_TILE = 80
CHUNKS_ALLOC = CHUNKS_PER_TILE + 2
E_PAD = NUM_TILES * CHUNKS_PER_TILE * CHUNK

N_PAD = 10240
ROWS_PER_SUBCORE = N_PAD // NUM_SUBCORES
BLK_ROWS = 128

_SELU_ALPHA = 1.6732632423543772
_SELU_SCALE = 1.0507009873554805


def _sc_aggregate(x_pack, src, dst, adj):
    mesh = plsc.VectorSubcoreMesh(core_axis_name="c", subcore_axis_name="s")

    @functools.partial(
        pl.kernel,
        mesh=mesh,
        out_type=jax.ShapeDtypeStruct((NUM_CORES * N_PAD, D), jnp.bfloat16),
        compiler_params=pltpu.CompilerParams(
            needs_layout_passes=False, use_tc_tiling_on_sc=False),
        scratch_types=[
            pltpu.VMEM((CHUNKS_ALLOC, CHUNK), jnp.int32),
            pltpu.VMEM((CHUNK,), jnp.int32),
            pltpu.VMEM((CHUNK,), jnp.int32),
            pltpu.VMEM((CHUNK,), jnp.int32),
            pltpu.VMEM((CHUNK,), jnp.int32),
            pltpu.VMEM((CHUNK,), jnp.int32),
            pltpu.VMEM((CHUNK,), jnp.float32),
            pltpu.VMEM((CHUNK,), jnp.float32),
            pltpu.VMEM((CHUNK, D // 2), jnp.int32),
            pltpu.VMEM((CHUNK, D // 2), jnp.int32),
            pltpu.VMEM((CHUNK, D), jnp.bfloat16),
            pltpu.VMEM((CHUNK, D), jnp.bfloat16),
            pltpu.VMEM_SHARED((N_PAD, D // 2), jnp.int32),
            pltpu.VMEM_SHARED((N_PAD, D), jnp.bfloat16),
            pltpu.SemaphoreType.DMA,
            pltpu.SemaphoreType.DMA,
            pltpu.SemaphoreType.DMA,
            pltpu.SemaphoreType.DMA,
            pltpu.SemaphoreType.DMA,
            pltpu.SemaphoreType.DMA,
        ],
    )
    def agg(x_hbm, src_hbm, dst_hbm, adj_hbm, out_hbm,
            srcv, dst0, dst1, dsc0, dsc1, idx0, adj0, adj1,
            rows0, rows1, msg0, msg1, xs, acc,
            semg0, semg1, semd0, semd1, sems0, sems1):
        c = lax.axis_index("c")
        s = lax.axis_index("s")
        wid = c * NUM_SUBCORES + s

        pltpu.sync_copy(src_hbm.at[wid], srcv)

        n_blk = ROWS_PER_SUBCORE // BLK_ROWS
        sbase = s * ROWS_PER_SUBCORE
        pltpu.async_copy(x_hbm.at[pl.ds(sbase, BLK_ROWS)], rows0, semg0)
        for k in range(n_blk):
            r0 = sbase + k * BLK_ROWS
            rows_k = rows0 if k % 2 == 0 else rows1
            rows_n = rows1 if k % 2 == 0 else rows0
            semk = semg0 if k % 2 == 0 else semg1
            semn = semg1 if k % 2 == 0 else semg0
            if k + 1 < n_blk:
                pltpu.async_copy(
                    x_hbm.at[pl.ds(r0 + BLK_ROWS, BLK_ROWS)], rows_n, semn)
            pltpu.make_async_copy(
                x_hbm.at[pl.ds(r0, BLK_ROWS)], rows_k, semk).wait()
            pltpu.sync_copy(rows_k, xs.at[pl.ds(r0, BLK_ROWS)])

        def zero_row(r, carry):
            for g in range(D // 32):
                msg0[r, pl.ds(g * 32, 32)] = jnp.zeros((32,), jnp.bfloat16)
                msg1[r, pl.ds(g * 32, 32)] = jnp.zeros((32,), jnp.bfloat16)
            return carry

        lax.fori_loop(0, BLK_ROWS, zero_row, 0)
        for g in range(CHUNK // 16):
            idx0[pl.ds(g * 16, 16)] = jnp.zeros((16,), jnp.int32)
        for k in range(n_blk):
            r0 = sbase + k * BLK_ROWS
            pltpu.sync_copy(msg0, acc.at[pl.ds(r0, BLK_ROWS)])
        plsc.subcore_barrier()

        def scale_rows(rows, adjb, msgb):
            def scale_group(g16, c2):
                r0 = g16 * 16
                avec = adjb[pl.ds(r0, 16)]
                for j in range(16):
                    af = jnp.full((16,), avec[j], jnp.float32)
                    ab = plsc.pack(af, af, format=plsc.PackFormat.INTERLEAVED)
                    for g in range(D // 32):
                        hv32 = rows[r0 + j, pl.ds(g * 16, 16)]
                        hv = plsc.bitcast(hv32, jnp.bfloat16)
                        msgb[r0 + j, pl.ds(g * 32, 32)] = hv * ab
                return c2

            lax.fori_loop(0, CHUNK // 16, scale_group, 0)

        cbase = wid * CHUNKS_ALLOC * CHUNK

        pltpu.async_copy(dst_hbm.at[pl.ds(cbase, CHUNK)], dst0, semd0)
        pltpu.async_copy(adj_hbm.at[pl.ds(cbase, CHUNK)], adj0, semd0)
        pltpu.async_copy(dst_hbm.at[pl.ds(cbase + CHUNK, CHUNK)], dst1, semd1)
        pltpu.async_copy(adj_hbm.at[pl.ds(cbase + CHUNK, CHUNK)], adj1, semd1)
        pltpu.async_copy(xs.at[srcv.at[0]], rows0, semg0)
        pltpu.async_copy(xs.at[srcv.at[1]], rows1, semg1)
        pltpu.async_copy(msg0, acc.at[idx0], sems0, add=True)
        pltpu.async_copy(msg1, acc.at[idx0], sems1, add=True)

        def half(a, rows, dstp, dscp, adjb, msgb, semg, semd, sems):
            pltpu.make_async_copy(xs.at[srcv.at[a]], rows, semg).wait()
            pltpu.make_async_copy(
                dst_hbm.at[pl.ds(cbase + a * CHUNK, CHUNK)], dstp, semd).wait()
            pltpu.make_async_copy(
                adj_hbm.at[pl.ds(cbase + a * CHUNK, CHUNK)], adjb, semd).wait()
            pltpu.make_async_copy(msgb, acc.at[dscp], sems).wait()
            for g in range(CHUNK // 16):
                dscp[pl.ds(g * 16, 16)] = dstp[pl.ds(g * 16, 16)]
            scale_rows(rows, adjb, msgb)
            pltpu.async_copy(msgb, acc.at[dscp], sems, add=True)
            pltpu.async_copy(
                dst_hbm.at[pl.ds(cbase + (a + 2) * CHUNK, CHUNK)], dstp, semd)
            pltpu.async_copy(
                adj_hbm.at[pl.ds(cbase + (a + 2) * CHUNK, CHUNK)], adjb, semd)
            pltpu.async_copy(xs.at[srcv.at[a + 2]], rows, semg)

        def pipe_body(i, carry):
            a = 2 * i
            half(a, rows0, dst0, dsc0, adj0, msg0, semg0, semd0, sems0)
            half(a + 1, rows1, dst1, dsc1, adj1, msg1, semg1, semd1, sems1)
            return carry

        lax.fori_loop(0, CHUNKS_PER_TILE // 2, pipe_body, 0)
        pltpu.make_async_copy(
            xs.at[srcv.at[CHUNKS_PER_TILE]], rows0, semg0).wait()
        pltpu.make_async_copy(
            xs.at[srcv.at[CHUNKS_PER_TILE + 1]], rows1, semg1).wait()
        pltpu.make_async_copy(
            dst_hbm.at[pl.ds(cbase + CHUNKS_PER_TILE * CHUNK, CHUNK)],
            dst0, semd0).wait()
        pltpu.make_async_copy(
            adj_hbm.at[pl.ds(cbase + CHUNKS_PER_TILE * CHUNK, CHUNK)],
            adj0, semd0).wait()
        pltpu.make_async_copy(
            dst_hbm.at[pl.ds(cbase + (CHUNKS_PER_TILE + 1) * CHUNK, CHUNK)],
            dst1, semd1).wait()
        pltpu.make_async_copy(
            adj_hbm.at[pl.ds(cbase + (CHUNKS_PER_TILE + 1) * CHUNK, CHUNK)],
            adj1, semd1).wait()
        pltpu.make_async_copy(msg0, acc.at[dsc0], sems0).wait()
        pltpu.make_async_copy(msg1, acc.at[dsc1], sems1).wait()
        plsc.subcore_barrier()

        for k in range(n_blk):
            r0 = sbase + k * BLK_ROWS
            pltpu.sync_copy(acc.at[pl.ds(r0, BLK_ROWS)], msg0)
            pltpu.sync_copy(msg0, out_hbm.at[pl.ds(c * N_PAD + r0, BLK_ROWS)])

    return agg(x_pack, src, dst, adj)


def _finalize_body(p0_ref, p1_ref, w_ref, b_ref, o_ref):
    acc = (p0_ref[...].astype(jnp.float32) + p1_ref[...].astype(jnp.float32))
    h = jnp.dot(acc, w_ref[...], preferred_element_type=jnp.float32)
    neg = _SELU_ALPHA * (jnp.exp(h) - 1.0)
    o_ref[...] = _SELU_SCALE * jnp.where(h > 0, h, neg) + b_ref[...]


def _tc_finalize(p0, p1, W, b):
    blk = 1000
    grid = (N // blk,)
    return pl.pallas_call(
        _finalize_body,
        grid=grid,
        in_specs=[
            pl.BlockSpec((blk, D), lambda i: (i, 0)),
            pl.BlockSpec((blk, D), lambda i: (i, 0)),
            pl.BlockSpec((D, D), lambda i: (0, 0)),
            pl.BlockSpec((1, D), lambda i: (0, 0)),
        ],
        out_specs=pl.BlockSpec((blk, D), lambda i: (i, 0)),
        out_shape=jax.ShapeDtypeStruct((N, D), jnp.float32),
    )(p0, p1, W, b)


@jax.jit
def kernel(x, adj_values, edge_index, W, b):
    pad = E_PAD - E
    shape3 = (NUM_TILES, CHUNKS_PER_TILE, CHUNK)
    src = jnp.concatenate(
        [edge_index[1].astype(jnp.int32), jnp.zeros((pad,), jnp.int32)])
    dst = jnp.concatenate(
        [edge_index[0].astype(jnp.int32), jnp.zeros((pad,), jnp.int32)])
    adj = jnp.concatenate(
        [adj_values.astype(jnp.float32), jnp.zeros((pad,), jnp.float32)])
    pad_chunk_i = jnp.zeros((NUM_TILES, 2, CHUNK), jnp.int32)
    pad_chunk_f = jnp.zeros((NUM_TILES, 2, CHUNK), jnp.float32)
    src = jnp.concatenate([src.reshape(shape3), pad_chunk_i], axis=1)
    dst = jnp.concatenate([dst.reshape(shape3), pad_chunk_i], axis=1).reshape(-1)
    adj = jnp.concatenate([adj.reshape(shape3), pad_chunk_f], axis=1).reshape(-1)

    xb = x.astype(jnp.bfloat16)
    x_pack = lax.bitcast_convert_type(xb.reshape(N, D // 2, 2), jnp.int32)
    x_pack = jnp.concatenate(
        [x_pack, jnp.zeros((N_PAD - N, D // 2), jnp.int32)])

    partials = _sc_aggregate(x_pack, src, dst, adj)
    p0 = partials[:N]
    p1 = partials[N_PAD:N_PAD + N]
    return _tc_finalize(p0, p1, W, b.reshape(1, D))

# --- scband reference (transcript-rebuilt; emitter-appended) ---
"""Pipeline reference for scband-graph-convolution-83786222010494 (READ-ONLY COPY).

The authoritative reference and input builder live on the scoring server;
editing this copy changes nothing except your own understanding.
"""

import jax, jax.numpy as jnp
import numpy as np

N = 10000
E = 320000
D_IN = 128
D_OUT = 128

def setup_inputs(seed: int = 0):
    key = jax.random.key(seed)
    k1, k2, k3, k4 = jax.random.split(key, 4)
    x = jax.random.normal(k1, (N, D_IN), dtype=jnp.float32)
    edge_index = jax.random.randint(k2, (2, E), 0, N)
    adj_values = jax.random.uniform(k3, (E,), dtype=jnp.float32)
    # xavier_normal_ with gain 3/4 as in act_func='selu_xn'
    std = 0.75 * np.sqrt(2.0 / (D_IN + D_OUT))
    W = jax.random.normal(k4, (D_IN, D_OUT), dtype=jnp.float32) * std
    b = jnp.zeros((D_OUT,), dtype=jnp.float32)
    return {"x": x, "adj_values": adj_values, "edge_index": edge_index, "W": W, "b": b}

def reference(x, adj_values, edge_index, W, b):
    # support = x @ weight
    support = x @ W
    # sparse.mm(adj, support): out[i] = sum_j adj[i, j] * support[j]
    # edge_index[0] = row (dst), edge_index[1] = col (src)
    msgs = adj_values[:, None] * jnp.take(support, edge_index[1], axis=0)
    out = jax.ops.segment_sum(msgs, edge_index[0], num_segments=N)
    # UniformDropout is identity in eval mode
    out = jax.nn.selu(out)
    return out + b

if __name__ == "__main__":
    import jax
    _d = setup_inputs()
    print(jax.jit(kernel)(*tuple(_d.values())))

</pallas_src>

<mosaic_0001>
#map = affine_map<(d0, d1) -> (0, 0)>
#map1 = affine_map<(d0, d1) -> (0, 0, 0)>
#map2 = affine_map<(d0, d1) -> (0)>
module attributes {stable_mosaic.version = 14 : i64} {
  func.func @agg(%arg0: i32, %arg1: i32, %arg2: memref<10240x64xi32, #tpu.memory_space<hbm>>, %arg3: memref<32x82x128xi32, #tpu.memory_space<hbm>>, %arg4: memref<335872xi32, #tpu.memory_space<hbm>>, %arg5: memref<335872xf32, #tpu.memory_space<hbm>>, %arg6: memref<20480x128xbf16, #tpu.memory_space<hbm>>, %arg7: memref<82x128xi32, #tpu.memory_space<vmem>>, %arg8: memref<128xi32, #tpu.memory_space<vmem>>, %arg9: memref<128xi32, #tpu.memory_space<vmem>>, %arg10: memref<128xi32, #tpu.memory_space<vmem>>, %arg11: memref<128xi32, #tpu.memory_space<vmem>>, %arg12: memref<128xi32, #tpu.memory_space<vmem>>, %arg13: memref<128xf32, #tpu.memory_space<vmem>>, %arg14: memref<128xf32, #tpu.memory_space<vmem>>, %arg15: memref<128x64xi32, #tpu.memory_space<vmem>>, %arg16: memref<128x64xi32, #tpu.memory_space<vmem>>, %arg17: memref<128x128xbf16, #tpu.memory_space<vmem>>, %arg18: memref<128x128xbf16, #tpu.memory_space<vmem>>, %arg19: memref<10240x64xi32, #tpu.memory_space<vmem_shared>>, %arg20: memref<10240x128xbf16, #tpu.memory_space<vmem_shared>>, %arg21: memref<!tpu.dma_semaphore, #tpu.memory_space<semaphore_mem>>, %arg22: memref<!tpu.dma_semaphore, #tpu.memory_space<semaphore_mem>>, %arg23: memref<!tpu.dma_semaphore, #tpu.memory_space<semaphore_mem>>, %arg24: memref<!tpu.dma_semaphore, #tpu.memory_space<semaphore_mem>>, %arg25: memref<!tpu.dma_semaphore, #tpu.memory_space<semaphore_mem>>, %arg26: memref<!tpu.dma_semaphore, #tpu.memory_space<semaphore_mem>>) attributes {dimension_semantics = [#tpu.dimension_semantics<core_parallel>, #tpu.dimension_semantics<subcore_parallel>], iteration_bounds = array<i64: 2, 16>, scalar_prefetch = 0 : i64, scratch_operands = 20 : i64, tpu.core_type = #tpu.core_type<sc_vector_subcore>, window_params = [{transform_indices = #map}, {transform_indices = #map1}, {transform_indices = #map2}, {transform_indices = #map2}, {transform_indices = #map}]} {
    %mul3A = arith.constant 16 : i32
    %mul3A_0 = arith.muli %arg0, %mul3A : i32
    %add3A = arith.addi %mul3A_0, %arg1 : i32
    "tpu.region"() ({
      %run_scoped3A = tpu.sem_alloc : memref<!tpu.dma_semaphore, #tpu.memory_space<semaphore_mem>>
      %dma_start3A_208 = arith.constant 0 : i32
      %dma_start3A_209 = arith.constant 0 : i32
      %dma_start3A_210 = tpu.memref_slice %arg3[%add3A, %dma_start3A_208, %dma_start3A_209] : memref<32x82x128xi32, #tpu.memory_space<hbm>> -> memref<1x82x128xi32, #tpu.memory_space<hbm>>
      %dma_start3A_211 = tpu.memref_squeeze %dma_start3A_210 : memref<1x82x128xi32, #tpu.memory_space<hbm>> -> memref<82x128xi32, #tpu.memory_space<hbm>>
      %dma_start3A_212 = arith.constant 0 : i32
      %dma_start3A_213 = arith.constant 0 : i32
      %dma_start3A_214 = tpu.memref_slice %arg3[%add3A, %dma_start3A_212, %dma_start3A_213] : memref<32x82x128xi32, #tpu.memory_space<hbm>> -> memref<1x82x128xi32, #tpu.memory_space<hbm>>
      %dma_start3A_215 = tpu.memref_squeeze %dma_start3A_214 : memref<1x82x128xi32, #tpu.memory_space<hbm>> -> memref<82x128xi32, #tpu.memory_space<hbm>>
      tpu.enqueue_dma source(%dma_start3A_215 : memref<82x128xi32, #tpu.memory_space<hbm>>) target(%arg7 : memref<82x128xi32, #tpu.memory_space<vmem>>) target_semaphore(%run_scoped3A : memref<!tpu.dma_semaphore, #tpu.memory_space<semaphore_mem>>)
      %dma_wait3A_216 = arith.constant 0 : i32
      %dma_wait3A_217 = arith.constant 0 : i32
      %dma_wait3A_218 = tpu.memref_slice %arg3[%add3A, %dma_wait3A_216, %dma_wait3A_217] : memref<32x82x128xi32, #tpu.memory_space<hbm>> -> memref<1x82x128xi32, #tpu.memory_space<hbm>>
      %dma_wait3A_219 = tpu.memref_squeeze %dma_wait3A_218 : memref<1x82x128xi32, #tpu.memory_space<hbm>> -> memref<82x128xi32, #tpu.memory_space<hbm>>
      %dma_wait3A_220 = arith.constant 0 : i32
      %dma_wait3A_221 = arith.constant 0 : i32
      %dma_wait3A_222 = tpu.memref_slice %arg3[%add3A, %dma_wait3A_220, %dma_wait3A_221] : memref<32x82x128xi32, #tpu.memory_space<hbm>> -> memref<1x82x128xi32, #tpu.memory_space<hbm>>
      %dma_wait3A_223 = tpu.memref_squeeze %dma_wait3A_222 : memref<1x82x128xi32, #tpu.memory_space<hbm>> -> memref<82x128xi32, #tpu.memory_space<hbm>>
      tpu.wait_dma2 semaphore(%run_scoped3A : memref<!tpu.dma_semaphore, #tpu.memory_space<semaphore_mem>>) src(%dma_wait3A_223 : memref<82x128xi32, #tpu.memory_space<hbm>>) dst(%arg7 : memref<82x128xi32, #tpu.memory_space<vmem>>)
      tpu.yield
    }) : () -> ()
    %mul3A_1 = arith.constant 640 : i32
    %mul3A_2 = arith.muli %arg1, %mul3A_1 : i32
    %dma_start3A = arith.constant 0 : i32
    %dma_start3A_3 = tpu.memref_slice %arg2[%mul3A_2, %dma_start3A] : memref<10240x64xi32, #tpu.memory_space<hbm>> -> memref<128x64xi32, #tpu.memory_space<hbm>>
    %dma_start3A_4 = arith.constant 0 : i32
    %dma_start3A_5 = tpu.memref_slice %arg2[%mul3A_2, %dma_start3A_4] : memref<10240x64xi32, #tpu.memory_space<hbm>> -> memref<128x64xi32, #tpu.memory_space<hbm>>
    tpu.enqueue_dma source(%dma_start3A_5 : memref<128x64xi32, #tpu.memory_space<hbm>>) target(%arg15 : memref<128x64xi32, #tpu.memory_space<vmem>>) target_semaphore(%arg21 : memref<!tpu.dma_semaphore, #tpu.memory_space<semaphore_mem>>)
    %add3A_6 = arith.constant 0 : i32
    %add3A_7 = arith.addi %mul3A_2, %add3A_6 : i32
    %add3A_8 = arith.constant 128 : i32
    %add3A_9 = arith.addi %add3A_7, %add3A_8 : i32
    %dma_start3A_10 = arith.constant 0 : i32
    %dma_start3A_11 = tpu.memref_slice %arg2[%add3A_9, %dma_start3A_10] : memref<10240x64xi32, #tpu.memory_space<hbm>> -> memref<128x64xi32, #tpu.memory_space<hbm>>
    %dma_start3A_12 = arith.constant 0 : i32
    %dma_start3A_13 = tpu.memref_slice %arg2[%add3A_9, %dma_start3A_12] : memref<10240x64xi32, #tpu.memory_space<hbm>> -> memref<128x64xi32, #tpu.memory_space<hbm>>
    tpu.enqueue_dma source(%dma_start3A_13 : memref<128x64xi32, #tpu.memory_space<hbm>>) target(%arg16 : memref<128x64xi32, #tpu.memory_space<vmem>>) target_semaphore(%arg22 : memref<!tpu.dma_semaphore, #tpu.memory_space<semaphore_mem>>)
    %dma_wait3A = arith.constant 0 : i32
    %dma_wait3A_14 = tpu.memref_slice %arg2[%add3A_7, %dma_wait3A] : memref<10240x64xi32, #tpu.memory_space<hbm>> -> memref<128x64xi32, #tpu.memory_space<hbm>>
    %dma_wait3A_15 = arith.constant 0 : i32
    %dma_wait3A_16 = tpu.memref_slice %arg2[%add3A_7, %dma_wait3A_15] : memref<10240x64xi32, #tpu.memory_space<hbm>> -> memref<128x64xi32, #tpu.memory_space<hbm>>
    tpu.wait_dma2 semaphore(%arg21 : memref<!tpu.dma_semaphore, #tpu.memory_space<semaphore_mem>>) src(%dma_wait3A_16 : memref<128x64xi32, #tpu.memory_space<hbm>>) dst(%arg15 : memref<128x64xi32, #tpu.memory_space<vmem>>)
    "tpu.region"() ({
      %run_scoped3A = tpu.sem_alloc : memref<!tpu.dma_semaphore, #tpu.memory_space<semaphore_mem>>
      %dma_start3A_208 = arith.constant 0 : i32
      %dma_start3A_209 = tpu.memref_slice %arg19[%add3A_7, %dma_start3A_208] : memref<10240x64xi32, #tpu.memory_space<vmem_shared>> -> memref<128x64xi32, #tpu.memory_space<vmem_shared>>
      %dma_start3A_210 = arith.constant 0 : i32
      %dma_start3A_211 = tpu.memref_slice %arg19[%add3A_7, %dma_start3A_210] : memref<10240x64xi32, #tpu.memory_space<vmem_shared>> -> memref<128x64xi32, #tpu.memory_space<vmem_shared>>
      tpu.enqueue_dma source(%arg15 : memref<128x64xi32, #tpu.memory_space<vmem>>) target(%dma_start3A_211 : memref<128x64xi32, #tpu.memory_space<vmem_shared>>) target_semaphore(%run_scoped3A : memref<!tpu.dma_semaphore, #tpu.memory_space<semaphore_mem>>)
      %dma_wait3A_212 = arith.constant 0 : i32
      %dma_wait3A_213 = tpu.memref_slice %arg19[%add3A_7, %dma_wait3A_212] : memref<10240x64xi32, #tpu.memory_space<vmem_shared>> -> memref<128x64xi32, #tpu.memory_space<vmem_shared>>
      %dma_wait3A_214 = arith.constant 0 : i32
      %dma_wait3A_215 = tpu.memref_slice %arg19[%add3A_7, %dma_wait3A_214] : memref<10240x64xi32, #tpu.memory_space<vmem_shared>> -> memref<128x64xi32, #tpu.memory_space<vmem_shared>>
      tpu.wait_dma2 semaphore(%run_scoped3A : memref<!tpu.dma_semaphore, #tpu.memory_space<semaphore_mem>>) src(%arg15 : memref<128x64xi32, #tpu.memory_space<vmem>>) dst(%dma_wait3A_215 : memref<128x64xi32, #tpu.memory_space<vmem_shared>>)
      tpu.yield
    }) : () -> ()
    %add3A_17 = arith.constant 128 : i32
    %add3A_18 = arith.addi %mul3A_2, %add3A_17 : i32
    %add3A_19 = arith.constant 128 : i32
    %add3A_20 = arith.addi %add3A_18, %add3A_19 : i32
    %dma_start3A_21 = arith.constant 0 : i32
    %dma_start3A_22 = tpu.memref_slice %arg2[%add3A_20, %dma_start3A_21] : memref<10240x64xi32, #tpu.memory_space<hbm>> -> memref<128x64xi32, #tpu.memory_space<hbm>>
    %dma_start3A_23 = arith.constant 0 : i32
    %dma_start3A_24 = tpu.memref_slice %arg2[%add3A_20, %dma_start3A_23] : memref<10240x64xi32, #tpu.memory_space<hbm>> -> memref<128x64xi32, #tpu.memory_space<hbm>>
    tpu.enqueue_dma source(%dma_start3A_24 : memref<128x64xi32, #tpu.memory_space<hbm>>) target(%arg15 : memref<128x64xi32, #tpu.memory_space<vmem>>) target_semaphore(%arg21 : memref<!tpu.dma_semaphore, #tpu.memory_space<semaphore_mem>>)
    %dma_wait3A_25 = arith.constant 0 : i32
    %dma_wait3A_26 = tpu.memref_slice %arg2[%add3A_18, %dma_wait3A_25] : memref<10240x64xi32, #tpu.memory_space<hbm>> -> memref<128x64xi32, #tpu.memory_space<hbm>>
    %dma_wait3A_27 = arith.constant 0 : i32
    %dma_wait3A_28 = tpu.memref_slice %arg2[%add3A_18, %dma_wait3A_27] : memref<10240x64xi32, #tpu.memory_space<hbm>> -> memref<128x64xi32, #tpu.memory_space<hbm>>
    tpu.wait_dma2 semaphore(%arg22 : memref<!tpu.dma_semaphore, #tpu.memory_space<semaphore_mem>>) src(%dma_wait3A_28 : memref<128x64xi32, #tpu.memory_space<hbm>>) dst(%arg16 : memref<128x64xi32, #tpu.memory_space<vmem>>)
    "tpu.region"() ({
      %run_scoped3A = tpu.sem_alloc : memref<!tpu.dma_semaphore, #tpu.memory_space<semaphore_mem>>
      %dma_start3A_208 = arith.constant 0 : i32
      %dma_start3A_209 = tpu.memref_slice %arg19[%add3A_18, %dma_start3A_208] : memref<10240x64xi32, #tpu.memory_space<vmem_shared>> -> memref<128x64xi32, #tpu.memory_space<vmem_shared>>
      %dma_start3A_210 = arith.constant 0 : i32
      %dma_start3A_211 = tpu.memref_slice %arg19[%add3A_18, %dma_start3A_210] : memref<10240x64xi32, #tpu.memory_space<vmem_shared>> -> memref<128x64xi32, #tpu.memory_space<vmem_shared>>
      tpu.enqueue_dma source(%arg16 : memref<128x64xi32, #tpu.memory_space<vmem>>) target(%dma_start3A_211 : memref<128x64xi32, #tpu.memory_space<vmem_shared>>) target_semaphore(%run_scoped3A : memref<!tpu.dma_semaphore, #tpu.memory_space<semaphore_mem>>)
      %dma_wait3A_212 = arith.constant 0 : i32
      %dma_wait3A_213 = tpu.memref_slice %arg19[%add3A_18, %dma_wait3A_212] : memref<10240x64xi32, #tpu.memory_space<vmem_shared>> -> memref<128x64xi32, #tpu.memory_space<vmem_shared>>
      %dma_wait3A_214 = arith.constant 0 : i32
      %dma_wait3A_215 = tpu.memref_slice %arg19[%add3A_18, %dma_wait3A_214] : memref<10240x64xi32, #tpu.memory_space<vmem_shared>> -> memref<128x64xi32, #tpu.memory_space<vmem_shared>>
      tpu.wait_dma2 semaphore(%run_scoped3A : memref<!tpu.dma_semaphore, #tpu.memory_space<semaphore_mem>>) src(%arg16 : memref<128x64xi32, #tpu.memory_space<vmem>>) dst(%dma_wait3A_215 : memref<128x64xi32, #tpu.memory_space<vmem_shared>>)
      tpu.yield
    }) : () -> ()
    %add3A_29 = arith.constant 256 : i32
    %add3A_30 = arith.addi %mul3A_2, %add3A_29 : i32
    %add3A_31 = arith.constant 128 : i32
    %add3A_32 = arith.addi %add3A_30, %add3A_31 : i32
    %dma_start3A_33 = arith.constant 0 : i32
    %dma_start3A_34 = tpu.memref_slice %arg2[%add3A_32, %dma_start3A_33] : memref<10240x64xi32, #tpu.memory_space<hbm>> -> memref<128x64xi32, #tpu.memory_space<hbm>>
    %dma_start3A_35 = arith.constant 0 : i32
    %dma_start3A_36 = tpu.memref_slice %arg2[%add3A_32, %dma_start3A_35] : memref<10240x64xi32, #tpu.memory_space<hbm>> -> memref<128x64xi32, #tpu.memory_space<hbm>>
    tpu.enqueue_dma source(%dma_start3A_36 : memref<128x64xi32, #tpu.memory_space<hbm>>) target(%arg16 : memref<128x64xi32, #tpu.memory_space<vmem>>) target_semaphore(%arg22 : memref<!tpu.dma_semaphore, #tpu.memory_space<semaphore_mem>>)
    %dma_wait3A_37 = arith.constant 0 : i32
    %dma_wait3A_38 = tpu.memref_slice %arg2[%add3A_30, %dma_wait3A_37] : memref<10240x64xi32, #tpu.memory_space<hbm>> -> memref<128x64xi32, #tpu.memory_space<hbm>>
    %dma_wait3A_39 = arith.constant 0 : i32
    %dma_wait3A_40 = tpu.memref_slice %arg2[%add3A_30, %dma_wait3A_39] : memref<10240x64xi32, #tpu.memory_space<hbm>> -> memref<128x64xi32, #tpu.memory_space<hbm>>
    tpu.wait_dma2 semaphore(%arg21 : memref<!tpu.dma_semaphore, #tpu.memory_space<semaphore_mem>>) src(%dma_wait3A_40 : memref<128x64xi32, #tpu.memory_space<hbm>>) dst(%arg15 : memref<128x64xi32, #tpu.memory_space<vmem>>)
    "tpu.region"() ({
      %run_scoped3A = tpu.sem_alloc : memref<!tpu.dma_semaphore, #tpu.memory_space<semaphore_mem>>
      %dma_start3A_208 = arith.constant 0 : i32
      %dma_start3A_209 = tpu.memref_slice %arg19[%add3A_30, %dma_start3A_208] : memref<10240x64xi32, #tpu.memory_space<vmem_shared>> -> memref<128x64xi32, #tpu.memory_space<vmem_shared>>
      %dma_start3A_210 = arith.constant 0 : i32
      %dma_start3A_211 = tpu.memref_slice %arg19[%add3A_30, %dma_start3A_210] : memref<10240x64xi32, #tpu.memory_space<vmem_shared>> -> memref<128x64xi32, #tpu.memory_space<vmem_shared>>
      tpu.enqueue_dma source(%arg15 : memref<128x64xi32, #tpu.memory_space<vmem>>) target(%dma_start3A_211 : memref<128x64xi32, #tpu.memory_space<vmem_shared>>) target_semaphore(%run_scoped3A : memref<!tpu.dma_semaphore, #tpu.memory_space<semaphore_mem>>)
      %dma_wait3A_212 = arith.constant 0 : i32
      %dma_wait3A_213 = tpu.memref_slice %arg19[%add3A_30, %dma_wait3A_212] : memref<10240x64xi32, #tpu.memory_space<vmem_shared>> -> memref<128x64xi32, #tpu.memory_space<vmem_shared>>
      %dma_wait3A_214 = arith.constant 0 : i32
      %dma_wait3A_215 = tpu.memref_slice %arg19[%add3A_30, %dma_wait3A_214] : memref<10240x64xi32, #tpu.memory_space<vmem_shared>> -> memref<128x64xi32, #tpu.memory_space<vmem_shared>>
      tpu.wait_dma2 semaphore(%run_scoped3A : memref<!tpu.dma_semaphore, #tpu.memory_space<semaphore_mem>>) src(%arg15 : memref<128x64xi32, #tpu.memory_space<vmem>>) dst(%dma_wait3A_215 : memref<128x64xi32, #tpu.memory_space<vmem_shared>>)
      tpu.yield
    }) : () -> ()
    %add3A_41 = arith.constant 384 : i32
    %add3A_42 = arith.addi %mul3A_2, %add3A_41 : i32
    %add3A_43 = arith.constant 128 : i32
    %add3A_44 = arith.addi %add3A_42, %add3A_43 : i32
    %dma_start3A_45 = arith.constant 0 : i32
    %dma_start3A_46 = tpu.memref_slice %arg2[%add3A_44, %dma_start3A_45] : memref<10240x64xi32, #tpu.memory_space<hbm>> -> memref<128x64xi32, #tpu.memory_space<hbm>>
    %dma_start3A_47 = arith.constant 0 : i32
    %dma_start3A_48 = tpu.memref_slice %arg2[%add3A_44, %dma_start3A_47] : memref<10240x64xi32, #tpu.memory_space<hbm>> -> memref<128x64xi32, #tpu.memory_space<hbm>>
    tpu.enqueue_dma source(%dma_start3A_48 : memref<128x64xi32, #tpu.memory_space<hbm>>) target(%arg15 : memref<128x64xi32, #tpu.memory_space<vmem>>) target_semaphore(%arg21 : memref<!tpu.dma_semaphore, #tpu.memory_space<semaphore_mem>>)
    %dma_wait3A_49 = arith.constant 0 : i32
    %dma_wait3A_50 = tpu.memref_slice %arg2[%add3A_42, %dma_wait3A_49] : memref<10240x64xi32, #tpu.memory_space<hbm>> -> memref<128x64xi32, #tpu.memory_space<hbm>>
    %dma_wait3A_51 = arith.constant 0 : i32
    %dma_wait3A_52 = tpu.memref_slice %arg2[%add3A_42, %dma_wait3A_51] : memref<10240x64xi32, #tpu.memory_space<hbm>> -> memref<128x64xi32, #tpu.memory_space<hbm>>
    tpu.wait_dma2 semaphore(%arg22 : memref<!tpu.dma_semaphore, #tpu.memory_space<semaphore_mem>>) src(%dma_wait3A_52 : memref<128x64xi32, #tpu.memory_space<hbm>>) dst(%arg16 : memref<128x64xi32, #tpu.memory_space<vmem>>)
    "tpu.region"() ({
      %run_scoped3A = tpu.sem_alloc : memref<!tpu.dma_semaphore, #tpu.memory_space<semaphore_mem>>
      %dma_start3A_208 = arith.constant 0 : i32
      %dma_start3A_209 = tpu.memref_slice %arg19[%add3A_42, %dma_start3A_208] : memref<10240x64xi32, #tpu.memory_space<vmem_shared>> -> memref<128x64xi32, #tpu.memory_space<vmem_shared>>
      %dma_start3A_210 = arith.constant 0 : i32
      %dma_start3A_211 = tpu.memref_slice %arg19[%add3A_42, %dma_start3A_210] : memref<10240x64xi32, #tpu.memory_space<vmem_shared>> -> memref<128x64xi32, #tpu.memory_space<vmem_shared>>
      tpu.enqueue_dma source(%arg16 : memref<128x64xi32, #tpu.memory_space<vmem>>) target(%dma_start3A_211 : memref<128x64xi32, #tpu.memory_space<vmem_shared>>) target_semaphore(%run_scoped3A : memref<!tpu.dma_semaphore, #tpu.memory_space<semaphore_mem>>)
      %dma_wait3A_212 = arith.constant 0 : i32
      %dma_wait3A_213 = tpu.memref_slice %arg19[%add3A_42, %dma_wait3A_212] : memref<10240x64xi32, #tpu.memory_space<vmem_shared>> -> memref<128x64xi32, #tpu.memory_space<vmem_shared>>
      %dma_wait3A_214 = arith.constant 0 : i32
      %dma_wait3A_215 = tpu.memref_slice %arg19[%add3A_42, %dma_wait3A_214] : memref<10240x64xi32, #tpu.memory_space<vmem_shared>> -> memref<128x64xi32, #tpu.memory_space<vmem_shared>>
      tpu.wait_dma2 semaphore(%run_scoped3A : memref<!tpu.dma_semaphore, #tpu.memory_space<semaphore_mem>>) src(%arg16 : memref<128x64xi32, #tpu.memory_space<vmem>>) dst(%dma_wait3A_215 : memref<128x64xi32, #tpu.memory_space<vmem_shared>>)
      tpu.yield
    }) : () -> ()
    %add3A_53 = arith.constant 512 : i32
    %add3A_54 = arith.addi %mul3A_2, %add3A_53 : i32
    %dma_wait3A_55 = arith.constant 0 : i32
    %dma_wait3A_56 = tpu.memref_slice %arg2[%add3A_54, %dma_wait3A_55] : memref<10240x64xi32, #tpu.memory_space<hbm>> -> memref<128x64xi32, #tpu.memory_space<hbm>>
    %dma_wait3A_57 = arith.constant 0 : i32
    %dma_wait3A_58 = tpu.memref_slice %arg2[%add3A_54, %dma_wait3A_57] : memref<10240x64xi32, #tpu.memory_space<hbm>> -> memref<128x64xi32, #tpu.memory_space<hbm>>
    tpu.wait_dma2 semaphore(%arg21 : memref<!tpu.dma_semaphore, #tpu.memory_space<semaphore_mem>>) src(%dma_wait3A_58 : memref<128x64xi32, #tpu.memory_space<hbm>>) dst(%arg15 : memref<128x64xi32, #tpu.memory_space<vmem>>)
    "tpu.region"() ({
      %run_scoped3A = tpu.sem_alloc : memref<!tpu.dma_semaphore, #tpu.memory_space<semaphore_mem>>
      %dma_start3A_208 = arith.constant 0 : i32
      %dma_start3A_209 = tpu.memref_slice %arg19[%add3A_54, %dma_start3A_208] : memref<10240x64xi32, #tpu.memory_space<vmem_shared>> -> memref<128x64xi32, #tpu.memory_space<vmem_shared>>
      %dma_start3A_210 = arith.constant 0 : i32
      %dma_start3A_211 = tpu.memref_slice %arg19[%add3A_54, %dma_start3A_210] : memref<10240x64xi32, #tpu.memory_space<vmem_shared>> -> memref<128x64xi32, #tpu.memory_space<vmem_shared>>
      tpu.enqueue_dma source(%arg15 : memref<128x64xi32, #tpu.memory_space<vmem>>) target(%dma_start3A_211 : memref<128x64xi32, #tpu.memory_space<vmem_shared>>) target_semaphore(%run_scoped3A : memref<!tpu.dma_semaphore, #tpu.memory_space<semaphore_mem>>)
      %dma_wait3A_212 = arith.constant 0 : i32
      %dma_wait3A_213 = tpu.memref_slice %arg19[%add3A_54, %dma_wait3A_212] : memref<10240x64xi32, #tpu.memory_space<vmem_shared>> -> memref<128x64xi32, #tpu.memory_space<vmem_shared>>
      %dma_wait3A_214 = arith.constant 0 : i32
      %dma_wait3A_215 = tpu.memref_slice %arg19[%add3A_54, %dma_wait3A_214] : memref<10240x64xi32, #tpu.memory_space<vmem_shared>> -> memref<128x64xi32, #tpu.memory_space<vmem_shared>>
      tpu.wait_dma2 semaphore(%run_scoped3A : memref<!tpu.dma_semaphore, #tpu.memory_space<semaphore_mem>>) src(%arg15 : memref<128x64xi32, #tpu.memory_space<vmem>>) dst(%dma_wait3A_215 : memref<128x64xi32, #tpu.memory_space<vmem_shared>>)
      tpu.yield
    }) : () -> ()
    %scan3A = arith.constant 0 : i32
    %scan3A_59 = arith.constant 0 : i32
    %scan3A_60 = arith.constant 128 : i32
    %scan3A_61 = arith.addi %scan3A_59, %scan3A_60 : i32
    %scan3A_62 = arith.constant 1 : i32
    scf.for %scan3A_208 = %scan3A_59 to %scan3A_61 step %scan3A_62  : i32 {
      %broadcast_in_dim3A_209 = arith.constant 0.000000e+00 : bf16
      %broadcast_in_dim3A_210 = vector.broadcast %broadcast_in_dim3A_209 : bf16 to vector<32xbf16>
      %swap3A_211 = arith.index_cast %scan3A_208 : i32 to index
      %swap3A_212 = arith.constant 0 : index
      %swap3A_213 = tpu.vector_load %arg17[%swap3A_211, %swap3A_212] {strides = array<i32>} : memref<128x128xbf16, #tpu.memory_space<vmem>>, vector<32xbf16>,
      tpu.vector_store %arg17[%swap3A_211, %swap3A_212], %broadcast_in_dim3A_210 {strides = array<i32>} : memref<128x128xbf16, #tpu.memory_space<vmem>>, vector<32xbf16>,
      %broadcast_in_dim3A_214 = arith.constant 0.000000e+00 : bf16
      %broadcast_in_dim3A_215 = vector.broadcast %broadcast_in_dim3A_214 : bf16 to vector<32xbf16>
      %swap3A_216 = arith.index_cast %scan3A_208 : i32 to index
      %swap3A_217 = arith.constant 0 : index
      %swap3A_218 = tpu.vector_load %arg18[%swap3A_216, %swap3A_217] {strides = array<i32>} : memref<128x128xbf16, #tpu.memory_space<vmem>>, vector<32xbf16>,
      tpu.vector_store %arg18[%swap3A_216, %swap3A_217], %broadcast_in_dim3A_215 {strides = array<i32>} : memref<128x128xbf16, #tpu.memory_space<vmem>>, vector<32xbf16>,
      %broadcast_in_dim3A_219 = arith.constant 0.000000e+00 : bf16
      %broadcast_in_dim3A_220 = vector.broadcast %broadcast_in_dim3A_219 : bf16 to vector<32xbf16>
      %swap3A_221 = arith.index_cast %scan3A_208 : i32 to index
      %swap3A_222 = arith.constant 32 : index
      %swap3A_223 = tpu.vector_load %arg17[%swap3A_221, %swap3A_222] {strides = array<i32>} : memref<128x128xbf16, #tpu.memory_space<vmem>>, vector<32xbf16>,
      tpu.vector_store %arg17[%swap3A_221, %swap3A_222], %broadcast_in_dim3A_220 {strides = array<i32>} : memref<128x128xbf16, #tpu.memory_space<vmem>>, vector<32xbf16>,
      %broadcast_in_dim3A_224 = arith.constant 0.000000e+00 : bf16
      %broadcast_in_dim3A_225 = vector.broadcast %broadcast_in_dim3A_224 : bf16 to vector<32xbf16>
      %swap3A_226 = arith.index_cast %scan3A_208 : i32 to index
      %swap3A_227 = arith.constant 32 : index
      %swap3A_228 = tpu.vector_load %arg18[%swap3A_226, %swap3A_227] {strides = array<i32>} : memref<128x128xbf16, #tpu.memory_space<vmem>>, vector<32xbf16>,
      tpu.vector_store %arg18[%swap3A_226, %swap3A_227], %broadcast_in_dim3A_225 {strides = array<i32>} : memref<128x128xbf16, #tpu.memory_space<vmem>>, vector<32xbf16>,
      %broadcast_in_dim3A_229 = arith.constant 0.000000e+00 : bf16
      %broadcast_in_dim3A_230 = vector.broadcast %broadcast_in_dim3A_229 : bf16 to vector<32xbf16>
      %swap3A_231 = arith.index_cast %scan3A_208 : i32 to index
      %swap3A_232 = arith.constant 64 : index
      %swap3A_233 = tpu.vector_load %arg17[%swap3A_231, %swap3A_232] {strides = array<i32>} : memref<128x128xbf16, #tpu.memory_space<vmem>>, vector<32xbf16>,
      tpu.vector_store %arg17[%swap3A_231, %swap3A_232], %broadcast_in_dim3A_230 {strides = array<i32>} : memref<128x128xbf16, #tpu.memory_space<vmem>>, vector<32xbf16>,
      %broadcast_in_dim3A_234 = arith.constant 0.000000e+00 : bf16
      %broadcast_in_dim3A_235 = vector.broadcast %broadcast_in_dim3A_234 : bf16 to vector<32xbf16>
      %swap3A_236 = arith.index_cast %scan3A_208 : i32 to index
      %swap3A_237 = arith.constant 64 : index
      %swap3A_238 = tpu.vector_load %arg18[%swap3A_236, %swap3A_237] {strides = array<i32>} : memref<128x128xbf16, #tpu.memory_space<vmem>>, vector<32xbf16>,
      tpu.vector_store %arg18[%swap3A_236, %swap3A_237], %broadcast_in_dim3A_235 {strides = array<i32>} : memref<128x128xbf16, #tpu.memory_space<vmem>>, vector<32xbf16>,
      %broadcast_in_dim3A_239 = arith.constant 0.000000e+00 : bf16
      %broadcast_in_dim3A_240 = vector.broadcast %broadcast_in_dim3A_239 : bf16 to vector<32xbf16>
      %swap3A_241 = arith.index_cast %scan3A_208 : i32 to index
      %swap3A_242 = arith.constant 96 : index
      %swap3A_243 = tpu.vector_load %arg17[%swap3A_241, %swap3A_242] {strides = array<i32>} : memref<128x128xbf16, #tpu.memory_space<vmem>>, vector<32xbf16>,
      tpu.vector_store %arg17[%swap3A_241, %swap3A_242], %broadcast_in_dim3A_240 {strides = array<i32>} : memref<128x128xbf16, #tpu.memory_space<vmem>>, vector<32xbf16>,
      %broadcast_in_dim3A_244 = arith.constant 0.000000e+00 : bf16
      %broadcast_in_dim3A_245 = vector.broadcast %broadcast_in_dim3A_244 : bf16 to vector<32xbf16>
      %swap3A_246 = arith.index_cast %scan3A_208 : i32 to index
      %swap3A_247 = arith.constant 96 : index
      %swap3A_248 = tpu.vector_load %arg18[%swap3A_246, %swap3A_247] {strides = array<i32>} : memref<128x128xbf16, #tpu.memory_space<vmem>>, vector<32xbf16>,
      tpu.vector_store %arg18[%swap3A_246, %swap3A_247], %broadcast_in_dim3A_245 {strides = array<i32>} : memref<128x128xbf16, #tpu.memory_space<vmem>>, vector<32xbf16>,
    }
    %scan3A_63 = arith.constant 128 : i32
    %broadcast_in_dim3A = arith.constant 0 : i32
    %broadcast_in_dim3A_64 = vector.broadcast %broadcast_in_dim3A : i32 to vector<16xi32>
    %swap3A = arith.constant 0 : index
    %swap3A_65 = tpu.vector_load %arg12[%swap3A] {strides = array<i32>} : memref<128xi32, #tpu.memory_space<vmem>>, vector<16xi32>,
    tpu.vector_store %arg12[%swap3A], %broadcast_in_dim3A_64 {strides = array<i32>} : memref<128xi32, #tpu.memory_space<vmem>>, vector<16xi32>,
    %broadcast_in_dim3A_66 = arith.constant 0 : i32
    %broadcast_in_dim3A_67 = vector.broadcast %broadcast_in_dim3A_66 : i32 to vector<16xi32>
    %swap3A_68 = arith.constant 16 : index
    %swap3A_69 = tpu.vector_load %arg12[%swap3A_68] {strides = array<i32>} : memref<128xi32, #tpu.memory_space<vmem>>, vector<16xi32>,
    tpu.vector_store %arg12[%swap3A_68], %broadcast_in_dim3A_67 {strides = array<i32>} : memref<128xi32, #tpu.memory_space<vmem>>, vector<16xi32>,
    %broadcast_in_dim3A_70 = arith.constant 0 : i32
    %broadcast_in_dim3A_71 = vector.broadcast %broadcast_in_dim3A_70 : i32 to vector<16xi32>
    %swap3A_72 = arith.constant 32 : index
    %swap3A_73 = tpu.vector_load %arg12[%swap3A_72] {strides = array<i32>} : memref<128xi32, #tpu.memory_space<vmem>>, vector<16xi32>,
    tpu.vector_store %arg12[%swap3A_72], %broadcast_in_dim3A_71 {strides = array<i32>} : memref<128xi32, #tpu.memory_space<vmem>>, vector<16xi32>,
    %broadcast_in_dim3A_74 = arith.constant 0 : i32
    %broadcast_in_dim3A_75 = vector.broadcast %broadcast_in_dim3A_74 : i32 to vector<16xi32>
    %swap3A_76 = arith.constant 48 : index
    %swap3A_77 = tpu.vector_load %arg12[%swap3A_76] {strides = array<i32>} : memref<128xi32, #tpu.memory_space<vmem>>, vector<16xi32>,
    tpu.vector_store %arg12[%swap3A_76], %broadcast_in_dim3A_75 {strides = array<i32>} : memref<128xi32, #tpu.memory_space<vmem>>, vector<16xi32>,
    %broadcast_in_dim3A_78 = arith.constant 0 : i32
    %broadcast_in_dim3A_79 = vector.broadcast %broadcast_in_dim3A_78 : i32 to vector<16xi32>
    %swap3A_80 = arith.constant 64 : index
    %swap3A_81 = tpu.vector_load %arg12[%swap3A_80] {strides = array<i32>} : memref<128xi32, #tpu.memory_space<vmem>>, vector<16xi32>,
    tpu.vector_store %arg12[%swap3A_80], %broadcast_in_dim3A_79 {strides = array<i32>} : memref<128xi32, #tpu.memory_space<vmem>>, vector<16xi32>,
    %broadcast_in_dim3A_82 = arith.constant 0 : i32
    %broadcast_in_dim3A_83 = vector.broadcast %broadcast_in_dim3A_82 : i32 to vector<16xi32>
    %swap3A_84 = arith.constant 80 : index
    %swap3A_85 = tpu.vector_load %arg12[%swap3A_84] {strides = array<i32>} : memref<128xi32, #tpu.memory_space<vmem>>, vector<16xi32>,
    tpu.vector_store %arg12[%swap3A_84], %broadcast_in_dim3A_83 {strides = array<i32>} : memref<128xi32, #tpu.memory_space<vmem>>, vector<16xi32>,
    %broadcast_in_dim3A_86 = arith.constant 0 : i32
    %broadcast_in_dim3A_87 = vector.broadcast %broadcast_in_dim3A_86 : i32 to vector<16xi32>
    %swap3A_88 = arith.constant 96 : index
    %swap3A_89 = tpu.vector_load %arg12[%swap3A_88] {strides = array<i32>} : memref<128xi32, #tpu.memory_space<vmem>>, vector<16xi32>,
    tpu.vector_store %arg12[%swap3A_88], %broadcast_in_dim3A_87 {strides = array<i32>} : memref<128xi32, #tpu.memory_space<vmem>>, vector<16xi32>,
    %broadcast_in_dim3A_90 = arith.constant 0 : i32
    %broadcast_in_dim3A_91 = vector.broadcast %broadcast_in_dim3A_90 : i32 to vector<16xi32>
    %swap3A_92 = arith.constant 112 : index
    %swap3A_93 = tpu.vector_load %arg12[%swap3A_92] {strides = array<i32>} : memref<128xi32, #tpu.memory_space<vmem>>, vector<16xi32>,
    tpu.vector_store %arg12[%swap3A_92], %broadcast_in_dim3A_91 {strides = array<i32>} : memref<128xi32, #tpu.memory_space<vmem>>, vector<16xi32>,
    %add3A_94 = arith.constant 0 : i32
    %add3A_95 = arith.addi %mul3A_2, %add3A_94 : i32
    "tpu.region"() ({
      %run_scoped3A = tpu.sem_alloc : memref<!tpu.dma_semaphore, #tpu.memory_space<semaphore_mem>>
      %dma_start3A_208 = arith.constant 0 : i32
      %dma_start3A_209 = tpu.memref_slice %arg20[%add3A_95, %dma_start3A_208] : memref<10240x128xbf16, #tpu.memory_space<vmem_shared>> -> memref<128x128xbf16, #tpu.memory_space<vmem_shared>>
      %dma_start3A_210 = arith.constant 0 : i32
      %dma_start3A_211 = tpu.memref_slice %arg20[%add3A_95, %dma_start3A_210] : memref<10240x128xbf16, #tpu.memory_space<vmem_shared>> -> memref<128x128xbf16, #tpu.memory_space<vmem_shared>>
      tpu.enqueue_dma source(%arg17 : memref<128x128xbf16, #tpu.memory_space<vmem>>) target(%dma_start3A_211 : memref<128x128xbf16, #tpu.memory_space<vmem_shared>>) target_semaphore(%run_scoped3A : memref<!tpu.dma_semaphore, #tpu.memory_space<semaphore_mem>>)
      %dma_wait3A_212 = arith.constant 0 : i32
      %dma_wait3A_213 = tpu.memref_slice %arg20[%add3A_95, %dma_wait3A_212] : memref<10240x128xbf16, #tpu.memory_space<vmem_shared>> -> memref<128x128xbf16, #tpu.memory_space<vmem_shared>>
      %dma_wait3A_214 = arith.constant 0 : i32
      %dma_wait3A_215 = tpu.memref_slice %arg20[%add3A_95, %dma_wait3A_214] : memref<10240x128xbf16, #tpu.memory_space<vmem_shared>> -> memref<128x128xbf16, #tpu.memory_space<vmem_shared>>
      tpu.wait_dma2 semaphore(%run_scoped3A : memref<!tpu.dma_semaphore, #tpu.memory_space<semaphore_mem>>) src(%arg17 : memref<128x128xbf16, #tpu.memory_space<vmem>>) dst(%dma_wait3A_215 : memref<128x128xbf16, #tpu.memory_space<vmem_shared>>)
      tpu.yield
    }) : () -> ()
    %add3A_96 = arith.constant 128 : i32
    %add3A_97 = arith.addi %mul3A_2, %add3A_96 : i32
    "tpu.region"() ({
      %run_scoped3A = tpu.sem_alloc : memref<!tpu.dma_semaphore, #tpu.memory_space<semaphore_mem>>
      %dma_start3A_208 = arith.constant 0 : i32
      %dma_start3A_209 = tpu.memref_slice %arg20[%add3A_97, %dma_start3A_208] : memref<10240x128xbf16, #tpu.memory_space<vmem_shared>> -> memref<128x128xbf16, #tpu.memory_space<vmem_shared>>
      %dma_start3A_210 = arith.constant 0 : i32
      %dma_start3A_211 = tpu.memref_slice %arg20[%add3A_97, %dma_start3A_210] : memref<10240x128xbf16, #tpu.memory_space<vmem_shared>> -> memref<128x128xbf16, #tpu.memory_space<vmem_shared>>
      tpu.enqueue_dma source(%arg17 : memref<128x128xbf16, #tpu.memory_space<vmem>>) target(%dma_start3A_211 : memref<128x128xbf16, #tpu.memory_space<vmem_shared>>) target_semaphore(%run_scoped3A : memref<!tpu.dma_semaphore, #tpu.memory_space<semaphore_mem>>)
      %dma_wait3A_212 = arith.constant 0 : i32
      %dma_wait3A_213 = tpu.memref_slice %arg20[%add3A_97, %dma_wait3A_212] : memref<10240x128xbf16, #tpu.memory_space<vmem_shared>> -> memref<128x128xbf16, #tpu.memory_space<vmem_shared>>
      %dma_wait3A_214 = arith.constant 0 : i32
      %dma_wait3A_215 = tpu.memref_slice %arg20[%add3A_97, %dma_wait3A_214] : memref<10240x128xbf16, #tpu.memory_space<vmem_shared>> -> memref<128x128xbf16, #tpu.memory_space<vmem_shared>>
      tpu.wait_dma2 semaphore(%run_scoped3A : memref<!tpu.dma_semaphore, #tpu.memory_space<semaphore_mem>>) src(%arg17 : memref<128x128xbf16, #tpu.memory_space<vmem>>) dst(%dma_wait3A_215 : memref<128x128xbf16, #tpu.memory_space<vmem_shared>>)
      tpu.yield
    }) : () -> ()
    %add3A_98 = arith.constant 256 : i32
    %add3A_99 = arith.addi %mul3A_2, %add3A_98 : i32
    "tpu.region"() ({
      %run_scoped3A = tpu.sem_alloc : memref<!tpu.dma_semaphore, #tpu.memory_space<semaphore_mem>>
      %dma_start3A_208 = arith.constant 0 : i32
      %dma_start3A_209 = tpu.memref_slice %arg20[%add3A_99, %dma_start3A_208] : memref<10240x128xbf16, #tpu.memory_space<vmem_shared>> -> memref<128x128xbf16, #tpu.memory_space<vmem_shared>>
      %dma_start3A_210 = arith.constant 0 : i32
      %dma_start3A_211 = tpu.memref_slice %arg20[%add3A_99, %dma_start3A_210] : memref<10240x128xbf16, #tpu.memory_space<vmem_shared>> -> memref<128x128xbf16, #tpu.memory_space<vmem_shared>>
      tpu.enqueue_dma source(%arg17 : memref<128x128xbf16, #tpu.memory_space<vmem>>) target(%dma_start3A_211 : memref<128x128xbf16, #tpu.memory_space<vmem_shared>>) target_semaphore(%run_scoped3A : memref<!tpu.dma_semaphore, #tpu.memory_space<semaphore_mem>>)
      %dma_wait3A_212 = arith.constant 0 : i32
      %dma_wait3A_213 = tpu.memref_slice %arg20[%add3A_99, %dma_wait3A_212] : memref<10240x128xbf16, #tpu.memory_space<vmem_shared>> -> memref<128x128xbf16, #tpu.memory_space<vmem_shared>>
      %dma_wait3A_214 = arith.constant 0 : i32
      %dma_wait3A_215 = tpu.memref_slice %arg20[%add3A_99, %dma_wait3A_214] : memref<10240x128xbf16, #tpu.memory_space<vmem_shared>> -> memref<128x128xbf16, #tpu.memory_space<vmem_shared>>
      tpu.wait_dma2 semaphore(%run_scoped3A : memref<!tpu.dma_semaphore, #tpu.memory_space<semaphore_mem>>) src(%arg17 : memref<128x128xbf16, #tpu.memory_space<vmem>>) dst(%dma_wait3A_215 : memref<128x128xbf16, #tpu.memory_space<vmem_shared>>)
      tpu.yield
    }) : () -> ()
    %add3A_100 = arith.constant 384 : i32
    %add3A_101 = arith.addi %mul3A_2, %add3A_100 : i32
    "tpu.region"() ({
      %run_scoped3A = tpu.sem_alloc : memref<!tpu.dma_semaphore, #tpu.memory_space<semaphore_mem>>
      %dma_start3A_208 = arith.constant 0 : i32
      %dma_start3A_209 = tpu.memref_slice %arg20[%add3A_101, %dma_start3A_208] : memref<10240x128xbf16, #tpu.memory_space<vmem_shared>> -> memref<128x128xbf16, #tpu.memory_space<vmem_shared>>
      %dma_start3A_210 = arith.constant 0 : i32
      %dma_start3A_211 = tpu.memref_slice %arg20[%add3A_101, %dma_start3A_210] : memref<10240x128xbf16, #tpu.memory_space<vmem_shared>> -> memref<128x128xbf16, #tpu.memory_space<vmem_shared>>
      tpu.enqueue_dma source(%arg17 : memref<128x128xbf16, #tpu.memory_space<vmem>>) target(%dma_start3A_211 : memref<128x128xbf16, #tpu.memory_space<vmem_shared>>) target_semaphore(%run_scoped3A : memref<!tpu.dma_semaphore, #tpu.memory_space<semaphore_mem>>)
      %dma_wait3A_212 = arith.constant 0 : i32
      %dma_wait3A_213 = tpu.memref_slice %arg20[%add3A_101, %dma_wait3A_212] : memref<10240x128xbf16, #tpu.memory_space<vmem_shared>> -> memref<128x128xbf16, #tpu.memory_space<vmem_shared>>
      %dma_wait3A_214 = arith.constant 0 : i32
      %dma_wait3A_215 = tpu.memref_slice %arg20[%add3A_101, %dma_wait3A_214] : memref<10240x128xbf16, #tpu.memory_space<vmem_shared>> -> memref<128x128xbf16, #tpu.memory_space<vmem_shared>>
      tpu.wait_dma2 semaphore(%run_scoped3A : memref<!tpu.dma_semaphore, #tpu.memory_space<semaphore_mem>>) src(%arg17 : memref<128x128xbf16, #tpu.memory_space<vmem>>) dst(%dma_wait3A_215 : memref<128x128xbf16, #tpu.memory_space<vmem_shared>>)
      tpu.yield
    }) : () -> ()
    %add3A_102 = arith.constant 512 : i32
    %add3A_103 = arith.addi %mul3A_2, %add3A_102 : i32
    "tpu.region"() ({
      %run_scoped3A = tpu.sem_alloc : memref<!tpu.dma_semaphore, #tpu.memory_space<semaphore_mem>>
      %dma_start3A_208 = arith.constant 0 : i32
      %dma_start3A_209 = tpu.memref_slice %arg20[%add3A_103, %dma_start3A_208] : memref<10240x128xbf16, #tpu.memory_space<vmem_shared>> -> memref<128x128xbf16, #tpu.memory_space<vmem_shared>>
      %dma_start3A_210 = arith.constant 0 : i32
      %dma_start3A_211 = tpu.memref_slice %arg20[%add3A_103, %dma_start3A_210] : memref<10240x128xbf16, #tpu.memory_space<vmem_shared>> -> memref<128x128xbf16, #tpu.memory_space<vmem_shared>>
      tpu.enqueue_dma source(%arg17 : memref<128x128xbf16, #tpu.memory_space<vmem>>) target(%dma_start3A_211 : memref<128x128xbf16, #tpu.memory_space<vmem_shared>>) target_semaphore(%run_scoped3A : memref<!tpu.dma_semaphore, #tpu.memory_space<semaphore_mem>>)
      %dma_wait3A_212 = arith.constant 0 : i32
      %dma_wait3A_213 = tpu.memref_slice %arg20[%add3A_103, %dma_wait3A_212] : memref<10240x128xbf16, #tpu.memory_space<vmem_shared>> -> memref<128x128xbf16, #tpu.memory_space<vmem_shared>>
      %dma_wait3A_214 = arith.constant 0 : i32
      %dma_wait3A_215 = tpu.memref_slice %arg20[%add3A_103, %dma_wait3A_214] : memref<10240x128xbf16, #tpu.memory_space<vmem_shared>> -> memref<128x128xbf16, #tpu.memory_space<vmem_shared>>
      tpu.wait_dma2 semaphore(%run_scoped3A : memref<!tpu.dma_semaphore, #tpu.memory_space<semaphore_mem>>) src(%arg17 : memref<128x128xbf16, #tpu.memory_space<vmem>>) dst(%dma_wait3A_215 : memref<128x128xbf16, #tpu.memory_space<vmem_shared>>)
      tpu.yield
    }) : () -> ()
    %barrier3A = arith.constant 0 : index
    tpu.barrier barrier_id(%barrier3A)
    %mul3A_104 = arith.constant 82 : i32
    %mul3A_105 = arith.muli %add3A, %mul3A_104 : i32
    %mul3A_106 = arith.constant 128 : i32
    %mul3A_107 = arith.muli %mul3A_105, %mul3A_106 : i32
    %dma_start3A_108 = tpu.memref_slice %arg4[%mul3A_107] : memref<335872xi32, #tpu.memory_space<hbm>> -> memref<128xi32, #tpu.memory_space<hbm>>
    %dma_start3A_109 = tpu.memref_slice %arg4[%mul3A_107] : memref<335872xi32, #tpu.memory_space<hbm>> -> memref<128xi32, #tpu.memory_space<hbm>>
    tpu.enqueue_dma source(%dma_start3A_109 : memref<128xi32, #tpu.memory_space<hbm>>) target(%arg8 : memref<128xi32, #tpu.memory_space<vmem>>) target_semaphore(%arg23 : memref<!tpu.dma_semaphore, #tpu.memory_space<semaphore_mem>>)
    %dma_start3A_110 = tpu.memref_slice %arg5[%mul3A_107] : memref<335872xf32, #tpu.memory_space<hbm>> -> memref<128xf32, #tpu.memory_space<hbm>>
    %dma_start3A_111 = tpu.memref_slice %arg5[%mul3A_107] : memref<335872xf32, #tpu.memory_space<hbm>> -> memref<128xf32, #tpu.memory_space<hbm>>
    tpu.enqueue_dma source(%dma_start3A_111 : memref<128xf32, #tpu.memory_space<hbm>>) target(%arg13 : memref<128xf32, #tpu.memory_space<vmem>>) target_semaphore(%arg23 : memref<!tpu.dma_semaphore, #tpu.memory_space<semaphore_mem>>)
    %add3A_112 = arith.constant 128 : i32
    %add3A_113 = arith.addi %mul3A_107, %add3A_112 : i32
    %dma_start3A_114 = tpu.memref_slice %arg4[%add3A_113] : memref<335872xi32, #tpu.memory_space<hbm>> -> memref<128xi32, #tpu.memory_space<hbm>>
    %dma_start3A_115 = tpu.memref_slice %arg4[%add3A_113] : memref<335872xi32, #tpu.memory_space<hbm>> -> memref<128xi32, #tpu.memory_space<hbm>>
    tpu.enqueue_dma source(%dma_start3A_115 : memref<128xi32, #tpu.memory_space<hbm>>) target(%arg9 : memref<128xi32, #tpu.memory_space<vmem>>) target_semaphore(%arg24 : memref<!tpu.dma_semaphore, #tpu.memory_space<semaphore_mem>>)
    %add3A_116 = arith.constant 128 : i32
    %add3A_117 = arith.addi %mul3A_107, %add3A_116 : i32
    %dma_start3A_118 = tpu.memref_slice %arg5[%add3A_117] : memref<335872xf32, #tpu.memory_space<hbm>> -> memref<128xf32, #tpu.memory_space<hbm>>
    %dma_start3A_119 = tpu.memref_slice %arg5[%add3A_117] : memref<335872xf32, #tpu.memory_space<hbm>> -> memref<128xf32, #tpu.memory_space<hbm>>
    tpu.enqueue_dma source(%dma_start3A_119 : memref<128xf32, #tpu.memory_space<hbm>>) target(%arg14 : memref<128xf32, #tpu.memory_space<vmem>>) target_semaphore(%arg24 : memref<!tpu.dma_semaphore, #tpu.memory_space<semaphore_mem>>)
    %dma_start3A_120 = arith.constant 0 : i32
    %dma_start3A_121 = arith.constant 0 : i32
    %dma_start3A_122 = tpu.memref_slice %arg7[%dma_start3A_120, %dma_start3A_121] : memref<82x128xi32, #tpu.memory_space<vmem>> -> memref<1x128xi32, #tpu.memory_space<vmem>>
    %dma_start3A_123 = tpu.memref_squeeze %dma_start3A_122 : memref<1x128xi32, #tpu.memory_space<vmem>> -> memref<128xi32, #tpu.memory_space<vmem>>
    %dma_start3A_124 = arith.constant 0 : i32
    %dma_start3A_125 = arith.constant 0 : i32
    %dma_start3A_126 = tpu.memref_slice %arg19[%dma_start3A_124, %dma_start3A_125] : memref<10240x64xi32, #tpu.memory_space<vmem_shared>> -> memref<10240x64xi32, #tpu.memory_space<vmem_shared>>
    tpu.enqueue_indirect_dma source(%dma_start3A_126 : memref<10240x64xi32, #tpu.memory_space<vmem_shared>>) target(%arg15 : memref<128x64xi32, #tpu.memory_space<vmem>>) offsets(%dma_start3A_123 : memref<128xi32, #tpu.memory_space<vmem>>) semaphore(%arg21 : memref<!tpu.dma_semaphore, #tpu.memory_space<semaphore_mem>>)
    %dma_start3A_127 = arith.constant 1 : i32
    %dma_start3A_128 = arith.constant 0 : i32
    %dma_start3A_129 = tpu.memref_slice %arg7[%dma_start3A_127, %dma_start3A_128] : memref<82x128xi32, #tpu.memory_space<vmem>> -> memref<1x128xi32, #tpu.memory_space<vmem>>
    %dma_start3A_130 = tpu.memref_squeeze %dma_start3A_129 : memref<1x128xi32, #tpu.memory_space<vmem>> -> memref<128xi32, #tpu.memory_space<vmem>>
    %dma_start3A_131 = arith.constant 0 : i32
    %dma_start3A_132 = arith.constant 0 : i32
    %dma_start3A_133 = tpu.memref_slice %arg19[%dma_start3A_131, %dma_start3A_132] : memref<10240x64xi32, #tpu.memory_space<vmem_shared>> -> memref<10240x64xi32, #tpu.memory_space<vmem_shared>>
    tpu.enqueue_indirect_dma source(%dma_start3A_133 : memref<10240x64xi32, #tpu.memory_space<vmem_shared>>) target(%arg16 : memref<128x64xi32, #tpu.memory_space<vmem>>) offsets(%dma_start3A_130 : memref<128xi32, #tpu.memory_space<vmem>>) semaphore(%arg22 : memref<!tpu.dma_semaphore, #tpu.memory_space<semaphore_mem>>)
    %dma_start3A_134 = arith.constant 0 : i32
    %dma_start3A_135 = arith.constant 0 : i32
    %dma_start3A_136 = tpu.memref_slice %arg20[%dma_start3A_134, %dma_start3A_135] : memref<10240x128xbf16, #tpu.memory_space<vmem_shared>> -> memref<10240x128xbf16, #tpu.memory_space<vmem_shared>>
    tpu.enqueue_indirect_dma source(%arg17 : memref<128x128xbf16, #tpu.memory_space<vmem>>) target(%dma_start3A_136 : memref<10240x128xbf16, #tpu.memory_space<vmem_shared>>) offsets(%arg12 : memref<128xi32, #tpu.memory_space<vmem>>) semaphore(%arg25 : memref<!tpu.dma_semaphore, #tpu.memory_space<semaphore_mem>>) {add = true}
    %dma_start3A_137 = arith.constant 0 : i32
    %dma_start3A_138 = arith.constant 0 : i32
    %dma_start3A_139 = tpu.memref_slice %arg20[%dma_start3A_137, %dma_start3A_138] : memref<10240x128xbf16, #tpu.memory_space<vmem_shared>> -> memref<10240x128xbf16, #tpu.memory_space<vmem_shared>>
    tpu.enqueue_indirect_dma source(%arg18 : memref<128x128xbf16, #tpu.memory_space<vmem>>) target(%dma_start3A_139 : memref<10240x128xbf16, #tpu.memory_space<vmem_shared>>) offsets(%arg12 : memref<128xi32, #tpu.memory_space<vmem>>) semaphore(%arg26 : memref<!tpu.dma_semaphore, #tpu.memory_space<semaphore_mem>>) {add = true}
    %scan3A_140 = arith.constant 0 : i32
    %scan3A_141 = arith.constant 0 : i32
    %scan3A_142 = arith.constant 40 : i32
    %scan3A_143 = arith.addi %scan3A_141, %scan3A_142 : i32
    %scan3A_144 = arith.constant 1 : i32
    scf.for %scan3A_208 = %scan3A_141 to %scan3A_143 step %scan3A_144  : i32 {
      %mul3A_209 = arith.constant 2 : i32
      %mul3A_210 = arith.muli %mul3A_209, %scan3A_208 : i32
      %dma_wait3A_211 = arith.constant 0 : i32
      %dma_wait3A_212 = tpu.memref_slice %arg7[%mul3A_210, %dma_wait3A_211] : memref<82x128xi32, #tpu.memory_space<vmem>> -> memref<1x128xi32, #tpu.memory_space<vmem>>
      %dma_wait3A_213 = tpu.memref_squeeze %dma_wait3A_212 : memref<1x128xi32, #tpu.memory_space<vmem>> -> memref<128xi32, #tpu.memory_space<vmem>>
      %dma_wait3A_214 = arith.constant 0 : i32
      %dma_wait3A_215 = arith.constant 0 : i32
      %dma_wait3A_216 = tpu.memref_slice %arg19[%dma_wait3A_214, %dma_wait3A_215] : memref<10240x64xi32, #tpu.memory_space<vmem_shared>> -> memref<10240x64xi32, #tpu.memory_space<vmem_shared>>
      tpu.wait_indirect_dma semaphore(%arg21 : memref<!tpu.dma_semaphore, #tpu.memory_space<semaphore_mem>>) src(%dma_wait3A_216 : memref<10240x64xi32, #tpu.memory_space<vmem_shared>>) dst(%arg15 : memref<128x64xi32, #tpu.memory_space<vmem>>)
      %mul3A_217 = arith.constant 128 : i32
      %mul3A_218 = arith.muli %mul3A_210, %mul3A_217 : i32
      %add3A_219 = arith.addi %mul3A_107, %mul3A_218 : i32
      %dma_wait3A_220 = tpu.memref_slice %arg4[%add3A_219] : memref<335872xi32, #tpu.memory_space<hbm>> -> memref<128xi32, #tpu.memory_space<hbm>>
      %dma_wait3A_221 = tpu.memref_slice %arg4[%add3A_219] : memref<335872xi32, #tpu.memory_space<hbm>> -> memref<128xi32, #tpu.memory_space<hbm>>
      tpu.wait_dma2 semaphore(%arg23 : memref<!tpu.dma_semaphore, #tpu.memory_space<semaphore_mem>>) src(%dma_wait3A_221 : memref<128xi32, #tpu.memory_space<hbm>>) dst(%arg8 : memref<128xi32, #tpu.memory_space<vmem>>)
      %mul3A_222 = arith.constant 128 : i32
      %mul3A_223 = arith.muli %mul3A_210, %mul3A_222 : i32
      %add3A_224 = arith.addi %mul3A_107, %mul3A_223 : i32
      %dma_wait3A_225 = tpu.memref_slice %arg5[%add3A_224] : memref<335872xf32, #tpu.memory_space<hbm>> -> memref<128xf32, #tpu.memory_space<hbm>>
      %dma_wait3A_226 = tpu.memref_slice %arg5[%add3A_224] : memref<335872xf32, #tpu.memory_space<hbm>> -> memref<128xf32, #tpu.memory_space<hbm>>
      tpu.wait_dma2 semaphore(%arg23 : memref<!tpu.dma_semaphore, #tpu.memory_space<semaphore_mem>>) src(%dma_wait3A_226 : memref<128xf32, #tpu.memory_space<hbm>>) dst(%arg13 : memref<128xf32, #tpu.memory_space<vmem>>)
      %dma_wait3A_227 = arith.constant 0 : i32
      %dma_wait3A_228 = arith.constant 0 : i32
      %dma_wait3A_229 = tpu.memref_slice %arg20[%dma_wait3A_227, %dma_wait3A_228] : memref<10240x128xbf16, #tpu.memory_space<vmem_shared>> -> memref<10240x128xbf16, #tpu.memory_space<vmem_shared>>
      tpu.wait_indirect_dma semaphore(%arg25 : memref<!tpu.dma_semaphore, #tpu.memory_space<semaphore_mem>>) src(%arg17 : memref<128x128xbf16, #tpu.memory_space<vmem>>) dst(%dma_wait3A_229 : memref<10240x128xbf16, #tpu.memory_space<vmem_shared>>)
      %get3A = arith.constant 0 : index
      %get3A_230 = tpu.vector_load %arg8[%get3A] {strides = array<i32>} : memref<128xi32, #tpu.memory_space<vmem>>, vector<16xi32>,
      %swap3A_231 = arith.constant 0 : index
      %swap3A_232 = tpu.vector_load %arg10[%swap3A_231] {strides = array<i32>} : memref<128xi32, #tpu.memory_space<vmem>>, vector<16xi32>,
      tpu.vector_store %arg10[%swap3A_231], %get3A_230 {strides = array<i32>} : memref<128xi32, #tpu.memory_space<vmem>>, vector<16xi32>,
      %get3A_233 = arith.constant 16 : index
      %get3A_234 = tpu.vector_load %arg8[%get3A_233] {strides = array<i32>} : memref<128xi32, #tpu.memory_space<vmem>>, vector<16xi32>,
      %swap3A_235 = arith.constant 16 : index
      %swap3A_236 = tpu.vector_load %arg10[%swap3A_235] {strides = array<i32>} : memref<128xi32, #tpu.memory_space<vmem>>, vector<16xi32>,
      tpu.vector_store %arg10[%swap3A_235], %get3A_234 {strides = array<i32>} : memref<128xi32, #tpu.memory_space<vmem>>, vector<16xi32>,
      %get3A_237 = arith.constant 32 : index
      %get3A_238 = tpu.vector_load %arg8[%get3A_237] {strides = array<i32>} : memref<128xi32, #tpu.memory_space<vmem>>, vector<16xi32>,
      %swap3A_239 = arith.constant 32 : index
      %swap3A_240 = tpu.vector_load %arg10[%swap3A_239] {strides = array<i32>} : memref<128xi32, #tpu.memory_space<vmem>>, vector<16xi32>,
      tpu.vector_store %arg10[%swap3A_239], %get3A_238 {strides = array<i32>} : memref<128xi32, #tpu.memory_space<vmem>>, vector<16xi32>,
      %get3A_241 = arith.constant 48 : index
      %get3A_242 = tpu.vector_load %arg8[%get3A_241] {strides = array<i32>} : memref<128xi32, #tpu.memory_space<vmem>>, vector<16xi32>,
      %swap3A_243 = arith.constant 48 : index
      %swap3A_244 = tpu.vector_load %arg10[%swap3A_243] {strides = array<i32>} : memref<128xi32, #tpu.memory_space<vmem>>, vector<16xi32>,
      tpu.vector_store %arg10[%swap3A_243], %get3A_242 {strides = array<i32>} : memref<128xi32, #tpu.memory_space<vmem>>, vector<16xi32>,
      %get3A_245 = arith.constant 64 : index
      %get3A_246 = tpu.vector_load %arg8[%get3A_245] {strides = array<i32>} : memref<128xi32, #tpu.memory_space<vmem>>, vector<16xi32>,
      %swap3A_247 = arith.constant 64 : index
      %swap3A_248 = tpu.vector_load %arg10[%swap3A_247] {strides = array<i32>} : memref<128xi32, #tpu.memory_space<vmem>>, vector<16xi32>,
      tpu.vector_store %arg10[%swap3A_247], %get3A_246 {strides = array<i32>} : memref<128xi32, #tpu.memory_space<vmem>>, vector<16xi32>,
      %get3A_249 = arith.constant 80 : index
      %get3A_250 = tpu.vector_load %arg8[%get3A_249] {strides = array<i32>} : memref<128xi32, #tpu.memory_space<vmem>>, vector<16xi32>,
      %swap3A_251 = arith.constant 80 : index
      %swap3A_252 = tpu.vector_load %arg10[%swap3A_251] {strides = array<i32>} : memref<128xi32, #tpu.memory_space<vmem>>, vector<16xi32>,
      tpu.vector_store %arg10[%swap3A_251], %get3A_250 {strides = array<i32>} : memref<128xi32, #tpu.memory_space<vmem>>, vector<16xi32>,
      %get3A_253 = arith.constant 96 : index
      %get3A_254 = tpu.vector_load %arg8[%get3A_253] {strides = array<i32>} : memref<128xi32, #tpu.memory_space<vmem>>, vector<16xi32>,
      %swap3A_255 = arith.constant 96 : index
      %swap3A_256 = tpu.vector_load %arg10[%swap3A_255] {strides = array<i32>} : memref<128xi32, #tpu.memory_space<vmem>>, vector<16xi32>,
      tpu.vector_store %arg10[%swap3A_255], %get3A_254 {strides = array<i32>} : memref<128xi32, #tpu.memory_space<vmem>>, vector<16xi32>,
      %get3A_257 = arith.constant 112 : index
      %get3A_258 = tpu.vector_load %arg8[%get3A_257] {strides = array<i32>} : memref<128xi32, #tpu.memory_space<vmem>>, vector<16xi32>,
      %swap3A_259 = arith.constant 112 : index
      %swap3A_260 = tpu.vector_load %arg10[%swap3A_259] {strides = array<i32>} : memref<128xi32, #tpu.memory_space<vmem>>, vector<16xi32>,
      tpu.vector_store %arg10[%swap3A_259], %get3A_258 {strides = array<i32>} : memref<128xi32, #tpu.memory_space<vmem>>, vector<16xi32>,
      %scan3A_261 = arith.constant 0 : i32
      %scan3A_262 = arith.constant 0 : i32
      %scan3A_263 = arith.constant 8 : i32
      %scan3A_264 = arith.addi %scan3A_262, %scan3A_263 : i32
      %scan3A_265 = arith.constant 1 : i32
      scf.for %scan3A_376 = %scan3A_262 to %scan3A_264 step %scan3A_265  : i32 {
        %mul3A_377 = arith.constant 16 : i32
        %mul3A_378 = arith.muli %scan3A_376, %mul3A_377 : i32
        %get3A_379 = arith.index_cast %mul3A_378 : i32 to index
        %get3A_380 = tpu.vector_load %arg13[%get3A_379] {strides = array<i32>} : memref<128xf32, #tpu.memory_space<vmem>>, vector<16xf32>,
        %slice3A = vector.extract_strided_slice %get3A_380 {offsets = [0], sizes = [1], strides = [1]} : vector<16xf32> to vector<1xf32>
        %squeeze3A = vector.extract %slice3A[0] : f32 from vector<1xf32>
        %broadcast_in_dim3A_381 = vector.broadcast %squeeze3A : f32 to vector<16xf32>
        %pack3A = tpu.pack_subelements %broadcast_in_dim3A_381, %broadcast_in_dim3A_381 {pack_format = #tpu.pack_format<interleaved>, positions = array<i32: 0, 1>} : vector<16xf32>, vector<16xf32> -> vector<32xbf16>
        %add3A_382 = arith.constant 0 : i32
        %add3A_383 = arith.addi %mul3A_378, %add3A_382 : i32
        %get3A_384 = arith.index_cast %add3A_383 : i32 to index
        %get3A_385 = arith.constant 0 : index
        %get3A_386 = tpu.vector_load %arg15[%get3A_384, %get3A_385] {strides = array<i32>} : memref<128x64xi32, #tpu.memory_space<vmem>>, vector<16xi32>,
        %bitcast3A = vector.bitcast %get3A_386 : vector<16xi32> to vector<32xbf16>
        %mul3A_387 = arith.mulf %bitcast3A, %pack3A : vector<32xbf16>
        %add3A_388 = arith.constant 0 : i32
        %add3A_389 = arith.addi %mul3A_378, %add3A_388 : i32
        %swap3A_390 = arith.index_cast %add3A_389 : i32 to index
        %swap3A_391 = arith.constant 0 : index
        %swap3A_392 = tpu.vector_load %arg17[%swap3A_390, %swap3A_391] {strides = array<i32>} : memref<128x128xbf16, #tpu.memory_space<vmem>>, vector<32xbf16>,
        tpu.vector_store %arg17[%swap3A_390, %swap3A_391], %mul3A_387 {strides = array<i32>} : memref<128x128xbf16, #tpu.memory_space<vmem>>, vector<32xbf16>,
        %add3A_393 = arith.constant 0 : i32
        %add3A_394 = arith.addi %mul3A_378, %add3A_393 : i32
        %get3A_395 = arith.index_cast %add3A_394 : i32 to index
        %get3A_396 = arith.constant 16 : index
        %get3A_397 = tpu.vector_load %arg15[%get3A_395, %get3A_396] {strides = array<i32>} : memref<128x64xi32, #tpu.memory_space<vmem>>, vector<16xi32>,
        %bitcast3A_398 = vector.bitcast %get3A_397 : vector<16xi32> to vector<32xbf16>
        %mul3A_399 = arith.mulf %bitcast3A_398, %pack3A : vector<32xbf16>
        %add3A_400 = arith.constant 0 : i32
        %add3A_401 = arith.addi %mul3A_378, %add3A_400 : i32
        %swap3A_402 = arith.index_cast %add3A_401 : i32 to index
        %swap3A_403 = arith.constant 32 : index
        %swap3A_404 = tpu.vector_load %arg17[%swap3A_402, %swap3A_403] {strides = array<i32>} : memref<128x128xbf16, #tpu.memory_space<vmem>>, vector<32xbf16>,
        tpu.vector_store %arg17[%swap3A_402, %swap3A_403], %mul3A_399 {strides = array<i32>} : memref<128x128xbf16, #tpu.memory_space<vmem>>, vector<32xbf16>,
        %add3A_405 = arith.constant 0 : i32
        %add3A_406 = arith.addi %mul3A_378, %add3A_405 : i32
        %get3A_407 = arith.index_cast %add3A_406 : i32 to index
        %get3A_408 = arith.constant 32 : index
        %get3A_409 = tpu.vector_load %arg15[%get3A_407, %get3A_408] {strides = array<i32>} : memref<128x64xi32, #tpu.memory_space<vmem>>, vector<16xi32>,
        %bitcast3A_410 = vector.bitcast %get3A_409 : vector<16xi32> to vector<32xbf16>
        %mul3A_411 = arith.mulf %bitcast3A_410, %pack3A : vector<32xbf16>
        %add3A_412 = arith.constant 0 : i32
        %add3A_413 = arith.addi %mul3A_378, %add3A_412 : i32
        %swap3A_414 = arith.index_cast %add3A_413 : i32 to index
        %swap3A_415 = arith.constant 64 : index
        %swap3A_416 = tpu.vector_load %arg17[%swap3A_414, %swap3A_415] {strides = array<i32>} : memref<128x128xbf16, #tpu.memory_space<vmem>>, vector<32xbf16>,
        tpu.vector_store %arg17[%swap3A_414, %swap3A_415], %mul3A_411 {strides = array<i32>} : memref<128x128xbf16, #tpu.memory_space<vmem>>, vector<32xbf16>,
        %add3A_417 = arith.constant 0 : i32
        %add3A_418 = arith.addi %mul3A_378, %add3A_417 : i32
        %get3A_419 = arith.index_cast %add3A_418 : i32 to index
        %get3A_420 = arith.constant 48 : index
        %get3A_421 = tpu.vector_load %arg15[%get3A_419, %get3A_420] {strides = array<i32>} : memref<128x64xi32, #tpu.memory_space<vmem>>, vector<16xi32>,
        %bitcast3A_422 = vector.bitcast %get3A_421 : vector<16xi32> to vector<32xbf16>
        %mul3A_423 = arith.mulf %bitcast3A_422, %pack3A : vector<32xbf16>
        %add3A_424 = arith.constant 0 : i32
        %add3A_425 = arith.addi %mul3A_378, %add3A_424 : i32
        %swap3A_426 = arith.index_cast %add3A_425 : i32 to index
        %swap3A_427 = arith.constant 96 : index
        %swap3A_428 = tpu.vector_load %arg17[%swap3A_426, %swap3A_427] {strides = array<i32>} : memref<128x128xbf16, #tpu.memory_space<vmem>>, vector<32xbf16>,
        tpu.vector_store %arg17[%swap3A_426, %swap3A_427], %mul3A_423 {strides = array<i32>} : memref<128x128xbf16, #tpu.memory_space<vmem>>, vector<32xbf16>,
        %slice3A_429 = vector.extract_strided_slice %get3A_380 {offsets = [1], sizes = [1], strides = [1]} : vector<16xf32> to vector<1xf32>
        %squeeze3A_430 = vector.extract %slice3A_429[0] : f32 from vector<1xf32>
        %broadcast_in_dim3A_431 = vector.broadcast %squeeze3A_430 : f32 to vector<16xf32>
        %pack3A_432 = tpu.pack_subelements %broadcast_in_dim3A_431, %broadcast_in_dim3A_431 {pack_format = #tpu.pack_format<interleaved>, positions = array<i32: 0, 1>} : vector<16xf32>, vector<16xf32> -> vector<32xbf16>
        %add3A_433 = arith.constant 1 : i32
        %add3A_434 = arith.addi %mul3A_378, %add3A_433 : i32
        %get3A_435 = arith.index_cast %add3A_434 : i32 to index
        %get3A_436 = arith.constant 0 : index
        %get3A_437 = tpu.vector_load %arg15[%get3A_435, %get3A_436] {strides = array<i32>} : memref<128x64xi32, #tpu.memory_space<vmem>>, vector<16xi32>,
        %bitcast3A_438 = vector.bitcast %get3A_437 : vector<16xi32> to vector<32xbf16>
        %mul3A_439 = arith.mulf %bitcast3A_438, %pack3A_432 : vector<32xbf16>
        %add3A_440 = arith.constant 1 : i32
        %add3A_441 = arith.addi %mul3A_378, %add3A_440 : i32
        %swap3A_442 = arith.index_cast %add3A_441 : i32 to index
        %swap3A_443 = arith.constant 0 : index
        %swap3A_444 = tpu.vector_load %arg17[%swap3A_442, %swap3A_443] {strides = array<i32>} : memref<128x128xbf16, #tpu.memory_space<vmem>>, vector<32xbf16>,
        tpu.vector_store %arg17[%swap3A_442, %swap3A_443], %mul3A_439 {strides = array<i32>} : memref<128x128xbf16, #tpu.memory_space<vmem>>, vector<32xbf16>,
        %add3A_445 = arith.constant 1 : i32
        %add3A_446 = arith.addi %mul3A_378, %add3A_445 : i32
        %get3A_447 = arith.index_cast %add3A_446 : i32 to index
        %get3A_448 = arith.constant 16 : index
        %get3A_449 = tpu.vector_load %arg15[%get3A_447, %get3A_448] {strides = array<i32>} : memref<128x64xi32, #tpu.memory_space<vmem>>, vector<16xi32>,
        %bitcast3A_450 = vector.bitcast %get3A_449 : vector<16xi32> to vector<32xbf16>
        %mul3A_451 = arith.mulf %bitcast3A_450, %pack3A_432 : vector<32xbf16>
        %add3A_452 = arith.constant 1 : i32
        %add3A_453 = arith.addi %mul3A_378, %add3A_452 : i32
        %swap3A_454 = arith.index_cast %add3A_453 : i32 to index
        %swap3A_455 = arith.constant 32 : index
        %swap3A_456 = tpu.vector_load %arg17[%swap3A_454, %swap3A_455] {strides = array<i32>} : memref<128x128xbf16, #tpu.memory_space<vmem>>, vector<32xbf16>,
        tpu.vector_store %arg17[%swap3A_454, %swap3A_455], %mul3A_451 {strides = array<i32>} : memref<128x128xbf16, #tpu.memory_space<vmem>>, vector<32xbf16>,
        %add3A_457 = arith.constant 1 : i32
        %add3A_458 = arith.addi %mul3A_378, %add3A_457 : i32
        %get3A_459 = arith.index_cast %add3A_458 : i32 to index
        %get3A_460 = arith.constant 32 : index
        %get3A_461 = tpu.vector_load %arg15[%get3A_459, %get3A_460] {strides = array<i32>} : memref<128x64xi32, #tpu.memory_space<vmem>>, vector<16xi32>,
        %bitcast3A_462 = vector.bitcast %get3A_461 : vector<16xi32> to vector<32xbf16>
        %mul3A_463 = arith.mulf %bitcast3A_462, %pack3A_432 : vector<32xbf16>
        %add3A_464 = arith.constant 1 : i32
        %add3A_465 = arith.addi %mul3A_378, %add3A_464 : i32
        %swap3A_466 = arith.index_cast %add3A_465 : i32 to index
        %swap3A_467 = arith.constant 64 : index
        %swap3A_468 = tpu.vector_load %arg17[%swap3A_466, %swap3A_467] {strides = array<i32>} : memref<128x128xbf16, #tpu.memory_space<vmem>>, vector<32xbf16>,
        tpu.vector_store %arg17[%swap3A_466, %swap3A_467], %mul3A_463 {strides = array<i32>} : memref<128x128xbf16, #tpu.memory_space<vmem>>, vector<32xbf16>,
        %add3A_469 = arith.constant 1 : i32
        %add3A_470 = arith.addi %mul3A_378, %add3A_469 : i32
        %get3A_471 = arith.index_cast %add3A_470 : i32 to index
        %get3A_472 = arith.constant 48 : index
        %get3A_473 = tpu.vector_load %arg15[%get3A_471, %get3A_472] {strides = array<i32>} : memref<128x64xi32, #tpu.memory_space<vmem>>, vector<16xi32>,
        %bitcast3A_474 = vector.bitcast %get3A_473 : vector<16xi32> to vector<32xbf16>
        %mul3A_475 = arith.mulf %bitcast3A_474, %pack3A_432 : vector<32xbf16>
        %add3A_476 = arith.constant 1 : i32
        %add3A_477 = arith.addi %mul3A_378, %add3A_476 : i32
        %swap3A_478 = arith.index_cast %add3A_477 : i32 to index
        %swap3A_479 = arith.constant 96 : index
        %swap3A_480 = tpu.vector_load %arg17[%swap3A_478, %swap3A_479] {strides = array<i32>} : memref<128x128xbf16, #tpu.memory_space<vmem>>, vector<32xbf16>,
        tpu.vector_store %arg17[%swap3A_478, %swap3A_479], %mul3A_475 {strides = array<i32>} : memref<128x128xbf16, #tpu.memory_space<vmem>>, vector<32xbf16>,
        %slice3A_481 = vector.extract_strided_slice %get3A_380 {offsets = [2], sizes = [1], strides = [1]} : vector<16xf32> to vector<1xf32>
        %squeeze3A_482 = vector.extract %slice3A_481[0] : f32 from vector<1xf32>
        %broadcast_in_dim3A_483 = vector.broadcast %squeeze3A_482 : f32 to vector<16xf32>
        %pack3A_484 = tpu.pack_subelements %broadcast_in_dim3A_483, %broadcast_in_dim3A_483 {pack_format = #tpu.pack_format<interleaved>, positions = array<i32: 0, 1>} : vector<16xf32>, vector<16xf32> -> vector<32xbf16>
        %add3A_485 = arith.constant 2 : i32
        %add3A_486 = arith.addi %mul3A_378, %add3A_485 : i32
        %get3A_487 = arith.index_cast %add3A_486 : i32 to index
        %get3A_488 = arith.constant 0 : index
        %get3A_489 = tpu.vector_load %arg15[%get3A_487, %get3A_488] {strides = array<i32>} : memref<128x64xi32, #tpu.memory_space<vmem>>, vector<16xi32>,
        %bitcast3A_490 = vector.bitcast %get3A_489 : vector<16xi32> to vector<32xbf16>
        %mul3A_491 = arith.mulf %bitcast3A_490, %pack3A_484 : vector<32xbf16>
        %add3A_492 = arith.constant 2 : i32
        %add3A_493 = arith.addi %mul3A_378, %add3A_492 : i32
        %swap3A_494 = arith.index_cast %add3A_493 : i32 to index
        %swap3A_495 = arith.constant 0 : index
        %swap3A_496 = tpu.vector_load %arg17[%swap3A_494, %swap3A_495] {strides = array<i32>} : memref<128x128xbf16, #tpu.memory_space<vmem>>, vector<32xbf16>,
        tpu.vector_store %arg17[%swap3A_494, %swap3A_495], %mul3A_491 {strides = array<i32>} : memref<128x128xbf16, #tpu.memory_space<vmem>>, vector<32xbf16>,
        %add3A_497 = arith.constant 2 : i32
        %add3A_498 = arith.addi %mul3A_378, %add3A_497 : i32
        %get3A_499 = arith.index_cast %add3A_498 : i32 to index
        %get3A_500 = arith.constant 16 : index
        %get3A_501 = tpu.vector_load %arg15[%get3A_499, %get3A_500] {strides = array<i32>} : memref<128x64xi32, #tpu.memory_space<vmem>>, vector<16xi32>,
        %bitcast3A_502 = vector.bitcast %get3A_501 : vector<16xi32> to vector<32xbf16>
        %mul3A_503 = arith.mulf %bitcast3A_502, %pack3A_484 : vector<32xbf16>
        %add3A_504 = arith.constant 2 : i32
        %add3A_505 = arith.addi %mul3A_378, %add3A_504 : i32
        %swap3A_506 = arith.index_cast %add3A_505 : i32 to index
        %swap3A_507 = arith.constant 32 : index
        %swap3A_508 = tpu.vector_load %arg17[%swap3A_506, %swap3A_507] {strides = array<i32>} : memref<128x128xbf16, #tpu.memory_space<vmem>>, vector<32xbf16>,
        tpu.vector_store %arg17[%swap3A_506, %swap3A_507], %mul3A_503 {strides = array<i32>} : memref<128x128xbf16, #tpu.memory_space<vmem>>, vector<32xbf16>,
        %add3A_509 = arith.constant 2 : i32
        %add3A_510 = arith.addi %mul3A_378, %add3A_509 : i32
        %get3A_511 = arith.index_cast %add3A_510 : i32 to index
        %get3A_512 = arith.constant 32 : index
        %get3A_513 = tpu.vector_load %arg15[%get3A_511, %get3A_512] {strides = array<i32>} : memref<128x64xi32, #tpu.memory_space<vmem>>, vector<16xi32>,
        %bitcast3A_514 = vector.bitcast %get3A_513 : vector<16xi32> to vector<32xbf16>
        %mul3A_515 = arith.mulf %bitcast3A_514, %pack3A_484 : vector<32xbf16>
        %add3A_516 = arith.constant 2 : i32
        %add3A_517 = arith.addi %mul3A_378, %add3A_516 : i32
        %swap3A_518 = arith.index_cast %add3A_517 : i32 to index
        %swap3A_519 = arith.constant 64 : index
        %swap3A_520 = tpu.vector_load %arg17[%swap3A_518, %swap3A_519] {strides = array<i32>} : memref<128x128xbf16, #tpu.memory_space<vmem>>, vector<32xbf16>,
        tpu.vector_store %arg17[%swap3A_518, %swap3A_519], %mul3A_515 {strides = array<i32>} : memref<128x128xbf16, #tpu.memory_space<vmem>>, vector<32xbf16>,
        %add3A_521 = arith.constant 2 : i32
        %add3A_522 = arith.addi %mul3A_378, %add3A_521 : i32
        %get3A_523 = arith.index_cast %add3A_522 : i32 to index
        %get3A_524 = arith.constant 48 : index
        %get3A_525 = tpu.vector_load %arg15[%get3A_523, %get3A_524] {strides = array<i32>} : memref<128x64xi32, #tpu.memory_space<vmem>>, vector<16xi32>,
        %bitcast3A_526 = vector.bitcast %get3A_525 : vector<16xi32> to vector<32xbf16>
        %mul3A_527 = arith.mulf %bitcast3A_526, %pack3A_484 : vector<32xbf16>
        %add3A_528 = arith.constant 2 : i32
        %add3A_529 = arith.addi %mul3A_378, %add3A_528 : i32
        %swap3A_530 = arith.index_cast %add3A_529 : i32 to index
        %swap3A_531 = arith.constant 96 : index
        %swap3A_532 = tpu.vector_load %arg17[%swap3A_530, %swap3A_531] {strides = array<i32>} : memref<128x128xbf16, #tpu.memory_space<vmem>>, vector<32xbf16>,
        tpu.vector_store %arg17[%swap3A_530, %swap3A_531], %mul3A_527 {strides = array<i32>} : memref<128x128xbf16, #tpu.memory_space<vmem>>, vector<32xbf16>,
        %slice3A_533 = vector.extract_strided_slice %get3A_380 {offsets = [3], sizes = [1], strides = [1]} : vector<16xf32> to vector<1xf32>
        %squeeze3A_534 = vector.extract %slice3A_533[0] : f32 from vector<1xf32>
        %broadcast_in_dim3A_535 = vector.broadcast %squeeze3A_534 : f32 to vector<16xf32>
        %pack3A_536 = tpu.pack_subelements %broadcast_in_dim3A_535, %broadcast_in_dim3A_535 {pack_format = #tpu.pack_format<interleaved>, positions = array<i32: 0, 1>} : vector<16xf32>, vector<16xf32> -> vector<32xbf16>
        %add3A_537 = arith.constant 3 : i32
        %add3A_538 = arith.addi %mul3A_378, %add3A_537 : i32
        %get3A_539 = arith.index_cast %add3A_538 : i32 to index
        %get3A_540 = arith.constant 0 : index
        %get3A_541 = tpu.vector_load %arg15[%get3A_539, %get3A_540] {strides = array<i32>} : memref<128x64xi32, #tpu.memory_space<vmem>>, vector<16xi32>,
        %bitcast3A_542 = vector.bitcast %get3A_541 : vector<16xi32> to vector<32xbf16>
        %mul3A_543 = arith.mulf %bitcast3A_542, %pack3A_536 : vector<32xbf16>
        %add3A_544 = arith.constant 3 : i32
        %add3A_545 = arith.addi %mul3A_378, %add3A_544 : i32
        %swap3A_546 = arith.index_cast %add3A_545 : i32 to index
        %swap3A_547 = arith.constant 0 : index
        %swap3A_548 = tpu.vector_load %arg17[%swap3A_546, %swap3A_547] {strides = array<i32>} : memref<128x128xbf16, #tpu.memory_space<vmem>>, vector<32xbf16>,
        tpu.vector_store %arg17[%swap3A_546, %swap3A_547], %mul3A_543 {strides = array<i32>} : memref<128x128xbf16, #tpu.memory_space<vmem>>, vector<32xbf16>,
        %add3A_549 = arith.constant 3 : i32
        %add3A_550 = arith.addi %mul3A_378, %add3A_549 : i32
        %get3A_551 = arith.index_cast %add3A_550 : i32 to index
        %get3A_552 = arith.constant 16 : index
        %get3A_553 = tpu.vector_load %arg15[%get3A_551, %get3A_552] {strides = array<i32>} : memref<128x64xi32, #tpu.memory_space<vmem>>, vector<16xi32>,
        %bitcast3A_554 = vector.bitcast %get3A_553 : vector<16xi32> to vector<32xbf16>
        %mul3A_555 = arith.mulf %bitcast3A_554, %pack3A_536 : vector<32xbf16>
        %add3A_556 = arith.constant 3 : i32
        %add3A_557 = arith.addi %mul3A_378, %add3A_556 : i32
        %swap3A_558 = arith.index_cast %add3A_557 : i32 to index
        %swap3A_559 = arith.constant 32 : index
        %swap3A_560 = tpu.vector_load %arg17[%swap3A_558, %swap3A_559] {strides = array<i32>} : memref<128x128xbf16, #tpu.memory_space<vmem>>, vector<32xbf16>,
        tpu.vector_store %arg17[%swap3A_558, %swap3A_559], %mul3A_555 {strides = array<i32>} : memref<128x128xbf16, #tpu.memory_space<vmem>>, vector<32xbf16>,
        %add3A_561 = arith.constant 3 : i32
        %add3A_562 = arith.addi %mul3A_378, %add3A_561 : i32
        %get3A_563 = arith.index_cast %add3A_562 : i32 to index
        %get3A_564 = arith.constant 32 : index
        %get3A_565 = tpu.vector_load %arg15[%get3A_563, %get3A_564] {strides = array<i32>} : memref<128x64xi32, #tpu.memory_space<vmem>>, vector<16xi32>,
        %bitcast3A_566 = vector.bitcast %get3A_565 : vector<16xi32> to vector<32xbf16>
        %mul3A_567 = arith.mulf %bitcast3A_566, %pack3A_536 : vector<32xbf16>
        %add3A_568 = arith.constant 3 : i32
        %add3A_569 = arith.addi %mul3A_378, %add3A_568 : i32
        %swap3A_570 = arith.index_cast %add3A_569 : i32 to index
        %swap3A_571 = arith.constant 64 : index
        %swap3A_572 = tpu.vector_load %arg17[%swap3A_570, %swap3A_571] {strides = array<i32>} : memref<128x128xbf16, #tpu.memory_space<vmem>>, vector<32xbf16>,
        tpu.vector_store %arg17[%swap3A_570, %swap3A_571], %mul3A_567 {strides = array<i32>} : memref<128x128xbf16, #tpu.memory_space<vmem>>, vector<32xbf16>,
        %add3A_573 = arith.constant 3 : i32
        %add3A_574 = arith.addi %mul3A_378, %add3A_573 : i32
        %get3A_575 = arith.index_cast %add3A_574 : i32 to index
        %get3A_576 = arith.constant 48 : index
        %get3A_577 = tpu.vector_load %arg15[%get3A_575, %get3A_576] {strides = array<i32>} : memref<128x64xi32, #tpu.memory_space<vmem>>, vector<16xi32>,
        %bitcast3A_578 = vector.bitcast %get3A_577 : vector<16xi32> to vector<32xbf16>
        %mul3A_579 = arith.mulf %bitcast3A_578, %pack3A_536 : vector<32xbf16>
        %add3A_580 = arith.constant 3 : i32
        %add3A_581 = arith.addi %mul3A_378, %add3A_580 : i32
        %swap3A_582 = arith.index_cast %add3A_581 : i32 to index
        %swap3A_583 = arith.constant 96 : index
        %swap3A_584 = tpu.vector_load %arg17[%swap3A_582, %swap3A_583] {strides = array<i32>} : memref<128x128xbf16, #tpu.memory_space<vmem>>, vector<32xbf16>,
        tpu.vector_store %arg17[%swap3A_582, %swap3A_583], %mul3A_579 {strides = array<i32>} : memref<128x128xbf16, #tpu.memory_space<vmem>>, vector<32xbf16>,
        %slice3A_585 = vector.extract_strided_slice %get3A_380 {offsets = [4], sizes = [1], strides = [1]} : vector<16xf32> to vector<1xf32>
        %squeeze3A_586 = vector.extract %slice3A_585[0] : f32 from vector<1xf32>
        %broadcast_in_dim3A_587 = vector.broadcast %squeeze3A_586 : f32 to vector<16xf32>
        %pack3A_588 = tpu.pack_subelements %broadcast_in_dim3A_587, %broadcast_in_dim3A_587 {pack_format = #tpu.pack_format<interleaved>, positions = array<i32: 0, 1>} : vector<16xf32>, vector<16xf32> -> vector<32xbf16>
        %add3A_589 = arith.constant 4 : i32
        %add3A_590 = arith.addi %mul3A_378, %add3A_589 : i32
        %get3A_591 = arith.index_cast %add3A_590 : i32 to index
        %get3A_592 = arith.constant 0 : index
        %get3A_593 = tpu.vector_load %arg15[%get3A_591, %get3A_592] {strides = array<i32>} : memref<128x64xi32, #tpu.memory_space<vmem>>, vector<16xi32>,
        %bitcast3A_594 = vector.bitcast %get3A_593 : vector<16xi32> to vector<32xbf16>
        %mul3A_595 = arith.mulf %bitcast3A_594, %pack3A_588 : vector<32xbf16>
        %add3A_596 = arith.constant 4 : i32
        %add3A_597 = arith.addi %mul3A_378, %add3A_596 : i32
        %swap3A_598 = arith.index_cast %add3A_597 : i32 to index
        %swap3A_599 = arith.constant 0 : index
        %swap3A_600 = tpu.vector_load %arg17[%swap3A_598, %swap3A_599] {strides = array<i32>} : memref<128x128xbf16, #tpu.memory_space<vmem>>, vector<32xbf16>,
        tpu.vector_store %arg17[%swap3A_598, %swap3A_599], %mul3A_595 {strides = array<i32>} : memref<128x128xbf16, #tpu.memory_space<vmem>>, vector<32xbf16>,
        %add3A_601 = arith.constant 4 : i32
        %add3A_602 = arith.addi %mul3A_378, %add3A_601 : i32
        %get3A_603 = arith.index_cast %add3A_602 : i32 to index
        %get3A_604 = arith.constant 16 : index
        %get3A_605 = tpu.vector_load %arg15[%get3A_603, %get3A_604] {strides = array<i32>} : memref<128x64xi32, #tpu.memory_space<vmem>>, vector<16xi32>,
        %bitcast3A_606 = vector.bitcast %get3A_605 : vector<16xi32> to vector<32xbf16>
        %mul3A_607 = arith.mulf %bitcast3A_606, %pack3A_588 : vector<32xbf16>
        %add3A_608 = arith.constant 4 : i32
        %add3A_609 = arith.addi %mul3A_378, %add3A_608 : i32
        %swap3A_610 = arith.index_cast %add3A_609 : i32 to index
        %swap3A_611 = arith.constant 32 : index
        %swap3A_612 = tpu.vector_load %arg17[%swap3A_610, %swap3A_611] {strides = array<i32>} : memref<128x128xbf16, #tpu.memory_space<vmem>>, vector<32xbf16>,
        tpu.vector_store %arg17[%swap3A_610, %swap3A_611], %mul3A_607 {strides = array<i32>} : memref<128x128xbf16, #tpu.memory_space<vmem>>, vector<32xbf16>,
        %add3A_613 = arith.constant 4 : i32
        %add3A_614 = arith.addi %mul3A_378, %add3A_613 : i32
        %get3A_615 = arith.index_cast %add3A_614 : i32 to index
        %get3A_616 = arith.constant 32 : index
        %get3A_617 = tpu.vector_load %arg15[%get3A_615, %get3A_616] {strides = array<i32>} : memref<128x64xi32, #tpu.memory_space<vmem>>, vector<16xi32>,
        %bitcast3A_618 = vector.bitcast %get3A_617 : vector<16xi32> to vector<32xbf16>
        %mul3A_619 = arith.mulf %bitcast3A_618, %pack3A_588 : vector<32xbf16>
        %add3A_620 = arith.constant 4 : i32
        %add3A_621 = arith.addi %mul3A_378, %add3A_620 : i32
        %swap3A_622 = arith.index_cast %add3A_621 : i32 to index
        %swap3A_623 = arith.constant 64 : index
        %swap3A_624 = tpu.vector_load %arg17[%swap3A_622, %swap3A_623] {strides = array<i32>} : memref<128x128xbf16, #tpu.memory_space<vmem>>, vector<32xbf16>,
        tpu.vector_store %arg17[%swap3A_622, %swap3A_623], %mul3A_619 {strides = array<i32>} : memref<128x128xbf16, #tpu.memory_space<vmem>>, vector<32xbf16>,
        %add3A_625 = arith.constant 4 : i32
        %add3A_626 = arith.addi %mul3A_378, %add3A_625 : i32
        %get3A_627 = arith.index_cast %add3A_626 : i32 to index
        %get3A_628 = arith.constant 48 : index
        %get3A_629 = tpu.vector_load %arg15[%get3A_627, %get3A_628] {strides = array<i32>} : memref<128x64xi32, #tpu.memory_space<vmem>>, vector<16xi32>,
        %bitcast3A_630 = vector.bitcast %get3A_629 : vector<16xi32> to vector<32xbf16>
        %mul3A_631 = arith.mulf %bitcast3A_630, %pack3A_588 : vector<32xbf16>
        %add3A_632 = arith.constant 4 : i32
        %add3A_633 = arith.addi %mul3A_378, %add3A_632 : i32
        %swap3A_634 = arith.index_cast %add3A_633 : i32 to index
        %swap3A_635 = arith.constant 96 : index
        %swap3A_636 = tpu.vector_load %arg17[%swap3A_634, %swap3A_635] {strides = array<i32>} : memref<128x128xbf16, #tpu.memory_space<vmem>>, vector<32xbf16>,
        tpu.vector_store %arg17[%swap3A_634, %swap3A_635], %mul3A_631 {strides = array<i32>} : memref<128x128xbf16, #tpu.memory_space<vmem>>, vector<32xbf16>,
        %slice3A_637 = vector.extract_strided_slice %get3A_380 {offsets = [5], sizes = [1], strides = [1]} : vector<16xf32> to vector<1xf32>
        %squeeze3A_638 = vector.extract %slice3A_637[0] : f32 from vector<1xf32>
        %broadcast_in_dim3A_639 = vector.broadcast %squeeze3A_638 : f32 to vector<16xf32>
        %pack3A_640 = tpu.pack_subelements %broadcast_in_dim3A_639, %broadcast_in_dim3A_639 {pack_format = #tpu.pack_format<interleaved>, positions = array<i32: 0, 1>} : vector<16xf32>, vector<16xf32> -> vector<32xbf16>
        %add3A_641 = arith.constant 5 : i32
        %add3A_642 = arith.addi %mul3A_378, %add3A_641 : i32
        %get3A_643 = arith.index_cast %add3A_642 : i32 to index
        %get3A_644 = arith.constant 0 : index
        %get3A_645 = tpu.vector_load %arg15[%get3A_643, %get3A_644] {strides = array<i32>} : memref<128x64xi32, #tpu.memory_space<vmem>>, vector<16xi32>,
        %bitcast3A_646 = vector.bitcast %get3A_645 : vector<16xi32> to vector<32xbf16>
        %mul3A_647 = arith.mulf %bitcast3A_646, %pack3A_640 : vector<32xbf16>
        %add3A_648 = arith.constant 5 : i32
        %add3A_649 = arith.addi %mul3A_378, %add3A_648 : i32
        %swap3A_650 = arith.index_cast %add3A_649 : i32 to index
        %swap3A_651 = arith.constant 0 : index
        %swap3A_652 = tpu.vector_load %arg17[%swap3A_650, %swap3A_651] {strides = array<i32>} : memref<128x128xbf16, #tpu.memory_space<vmem>>, vector<32xbf16>,
        tpu.vector_store %arg17[%swap3A_650, %swap3A_651], %mul3A_647 {strides = array<i32>} : memref<128x128xbf16, #tpu.memory_space<vmem>>, vector<32xbf16>,
        %add3A_653 = arith.constant 5 : i32
        %add3A_654 = arith.addi %mul3A_378, %add3A_653 : i32
        %get3A_655 = arith.index_cast %add3A_654 : i32 to index
        %get3A_656 = arith.constant 16 : index
        %get3A_657 = tpu.vector_load %arg15[%get3A_655, %get3A_656] {strides = array<i32>} : memref<128x64xi32, #tpu.memory_space<vmem>>, vector<16xi32>,
        %bitcast3A_658 = vector.bitcast %get3A_657 : vector<16xi32> to vector<32xbf16>
        %mul3A_659 = arith.mulf %bitcast3A_658, %pack3A_640 : vector<32xbf16>
        %add3A_660 = arith.constant 5 : i32
        %add3A_661 = arith.addi %mul3A_378, %add3A_660 : i32
        %swap3A_662 = arith.index_cast %add3A_661 : i32 to index
        %swap3A_663 = arith.constant 32 : index
        %swap3A_664 = tpu.vector_load %arg17[%swap3A_662, %swap3A_663] {strides = array<i32>} : memref<128x128xbf16, #tpu.memory_space<vmem>>, vector<32xbf16>,
        tpu.vector_store %arg17[%swap3A_662, %swap3A_663], %mul3A_659 {strides = array<i32>} : memref<128x128xbf16, #tpu.memory_space<vmem>>, vector<32xbf16>,
        %add3A_665 = arith.constant 5 : i32
        %add3A_666 = arith.addi %mul3A_378, %add3A_665 : i32
        %get3A_667 = arith.index_cast %add3A_666 : i32 to index
        %get3A_668 = arith.constant 32 : index
        %get3A_669 = tpu.vector_load %arg15[%get3A_667, %get3A_668] {strides = array<i32>} : memref<128x64xi32, #tpu.memory_space<vmem>>, vector<16xi32>,
        %bitcast3A_670 = vector.bitcast %get3A_669 : vector<16xi32> to vector<32xbf16>
        %mul3A_671 = arith.mulf %bitcast3A_670, %pack3A_640 : vector<32xbf16>
        %add3A_672 = arith.constant 5 : i32
        %add3A_673 = arith.addi %mul3A_378, %add3A_672 : i32
        %swap3A_674 = arith.index_cast %add3A_673 : i32 to index
        %swap3A_675 = arith.constant 64 : index
        %swap3A_676 = tpu.vector_load %arg17[%swap3A_674, %swap3A_675] {strides = array<i32>} : memref<128x128xbf16, #tpu.memory_space<vmem>>, vector<32xbf16>,
        tpu.vector_store %arg17[%swap3A_674, %swap3A_675], %mul3A_671 {strides = array<i32>} : memref<128x128xbf16, #tpu.memory_space<vmem>>, vector<32xbf16>,
        %add3A_677 = arith.constant 5 : i32
        %add3A_678 = arith.addi %mul3A_378, %add3A_677 : i32
        %get3A_679 = arith.index_cast %add3A_678 : i32 to index
        %get3A_680 = arith.constant 48 : index
        %get3A_681 = tpu.vector_load %arg15[%get3A_679, %get3A_680] {strides = array<i32>} : memref<128x64xi32, #tpu.memory_space<vmem>>, vector<16xi32>,
        %bitcast3A_682 = vector.bitcast %get3A_681 : vector<16xi32> to vector<32xbf16>
        %mul3A_683 = arith.mulf %bitcast3A_682, %pack3A_640 : vector<32xbf16>
        %add3A_684 = arith.constant 5 : i32
        %add3A_685 = arith.addi %mul3A_378, %add3A_684 : i32
        %swap3A_686 = arith.index_cast %add3A_685 : i32 to index
        %swap3A_687 = arith.constant 96 : index
        %swap3A_688 = tpu.vector_load %arg17[%swap3A_686, %swap3A_687] {strides = array<i32>} : memref<128x128xbf16, #tpu.memory_space<vmem>>, vector<32xbf16>,
        tpu.vector_store %arg17[%swap3A_686, %swap3A_687], %mul3A_683 {strides = array<i32>} : memref<128x128xbf16, #tpu.memory_space<vmem>>, vector<32xbf16>,
        %slice3A_689 = vector.extract_strided_slice %get3A_380 {offsets = [6], sizes = [1], strides = [1]} : vector<16xf32> to vector<1xf32>
        %squeeze3A_690 = vector.extract %slice3A_689[0] : f32 from vector<1xf32>
        %broadcast_in_dim3A_691 = vector.broadcast %squeeze3A_690 : f32 to vector<16xf32>
        %pack3A_692 = tpu.pack_subelements %broadcast_in_dim3A_691, %broadcast_in_dim3A_691 {pack_format = #tpu.pack_format<interleaved>, positions = array<i32: 0, 1>} : vector<16xf32>, vector<16xf32> -> vector<32xbf16>
        %add3A_693 = arith.constant 6 : i32
        %add3A_694 = arith.addi %mul3A_378, %add3A_693 : i32
        %get3A_695 = arith.index_cast %add3A_694 : i32 to index
        %get3A_696 = arith.constant 0 : index
        %get3A_697 = tpu.vector_load %arg15[%get3A_695, %get3A_696] {strides = array<i32>} : memref<128x64xi32, #tpu.memory_space<vmem>>, vector<16xi32>,
        %bitcast3A_698 = vector.bitcast %get3A_697 : vector<16xi32> to vector<32xbf16>
        %mul3A_699 = arith.mulf %bitcast3A_698, %pack3A_692 : vector<32xbf16>
        %add3A_700 = arith.constant 6 : i32
        %add3A_701 = arith.addi %mul3A_378, %add3A_700 : i32
        %swap3A_702 = arith.index_cast %add3A_701 : i32 to index
        %swap3A_703 = arith.constant 0 : index
        %swap3A_704 = tpu.vector_load %arg17[%swap3A_702, %swap3A_703] {strides = array<i32>} : memref<128x128xbf16, #tpu.memory_space<vmem>>, vector<32xbf16>,
        tpu.vector_store %arg17[%swap3A_702, %swap3A_703], %mul3A_699 {strides = array<i32>} : memref<128x128xbf16, #tpu.memory_space<vmem>>, vector<32xbf16>,
        %add3A_705 = arith.constant 6 : i32
        %add3A_706 = arith.addi %mul3A_378, %add3A_705 : i32
        %get3A_707 = arith.index_cast %add3A_706 : i32 to index
        %get3A_708 = arith.constant 16 : index
        %get3A_709 = tpu.vector_load %arg15[%get3A_707, %get3A_708] {strides = array<i32>} : memref<128x64xi32, #tpu.memory_space<vmem>>, vector<16xi32>,
        %bitcast3A_710 = vector.bitcast %get3A_709 : vector<16xi32> to vector<32xbf16>
        %mul3A_711 = arith.mulf %bitcast3A_710, %pack3A_692 : vector<32xbf16>
        %add3A_712 = arith.constant 6 : i32
        %add3A_713 = arith.addi %mul3A_378, %add3A_712 : i32
        %swap3A_714 = arith.index_cast %add3A_713 : i32 to index
        %swap3A_715 = arith.constant 32 : index
        %swap3A_716 = tpu.vector_load %arg17[%swap3A_714, %swap3A_715] {strides = array<i32>} : memref<128x128xbf16, #tpu.memory_space<vmem>>, vector<32xbf16>,
        tpu.vector_store %arg17[%swap3A_714, %swap3A_715], %mul3A_711 {strides = array<i32>} : memref<128x128xbf16, #tpu.memory_space<vmem>>, vector<32xbf16>,
        %add3A_717 = arith.constant 6 : i32
        %add3A_718 = arith.addi %mul3A_378, %add3A_717 : i32
        %get3A_719 = arith.index_cast %add3A_718 : i32 to index
        %get3A_720 = arith.constant 32 : index
        %get3A_721 = tpu.vector_load %arg15[%get3A_719, %get3A_720] {strides = array<i32>} : memref<128x64xi32, #tpu.memory_space<vmem>>, vector<16xi32>,
        %bitcast3A_722 = vector.bitcast %get3A_721 : vector<16xi32> to vector<32xbf16>
        %mul3A_723 = arith.mulf %bitcast3A_722, %pack3A_692 : vector<32xbf16>
        %add3A_724 = arith.constant 6 : i32
        %add3A_725 = arith.addi %mul3A_378, %add3A_724 : i32
        %swap3A_726 = arith.index_cast %add3A_725 : i32 to index
        %swap3A_727 = arith.constant 64 : index
        %swap3A_728 = tpu.vector_load %arg17[%swap3A_726, %swap3A_727] {strides = array<i32>} : memref<128x128xbf16, #tpu.memory_space<vmem>>, vector<32xbf16>,
        tpu.vector_store %arg17[%swap3A_726, %swap3A_727], %mul3A_723 {strides = array<i32>} : memref<128x128xbf16, #tpu.memory_space<vmem>>, vector<32xbf16>,
        %add3A_729 = arith.constant 6 : i32
        %add3A_730 = arith.addi %mul3A_378, %add3A_729 : i32
        %get3A_731 = arith.index_cast %add3A_730 : i32 to index
        %get3A_732 = arith.constant 48 : index
        %get3A_733 = tpu.vector_load %arg15[%get3A_731, %get3A_732] {strides = array<i32>} : memref<128x64xi32, #tpu.memory_space<vmem>>, vector<16xi32>,
        %bitcast3A_734 = vector.bitcast %get3A_733 : vector<16xi32> to vector<32xbf16>
        %mul3A_735 = arith.mulf %bitcast3A_734, %pack3A_692 : vector<32xbf16>
        %add3A_736 = arith.constant 6 : i32
        %add3A_737 = arith.addi %mul3A_378, %add3A_736 : i32
        %swap3A_738 = arith.index_cast %add3A_737 : i32 to index
        %swap3A_739 = arith.constant 96 : index
        %swap3A_740 = tpu.vector_load %arg17[%swap3A_738, %swap3A_739] {strides = array<i32>} : memref<128x128xbf16, #tpu.memory_space<vmem>>, vector<32xbf16>,
        tpu.vector_store %arg17[%swap3A_738, %swap3A_739], %mul3A_735 {strides = array<i32>} : memref<128x128xbf16, #tpu.memory_space<vmem>>, vector<32xbf16>,
        %slice3A_741 = vector.extract_strided_slice %get3A_380 {offsets = [7], sizes = [1], strides = [1]} : vector<16xf32> to vector<1xf32>
        %squeeze3A_742 = vector.extract %slice3A_741[0] : f32 from vector<1xf32>
        %broadcast_in_dim3A_743 = vector.broadcast %squeeze3A_742 : f32 to vector<16xf32>
        %pack3A_744 = tpu.pack_subelements %broadcast_in_dim3A_743, %broadcast_in_dim3A_743 {pack_format = #tpu.pack_format<interleaved>, positions = array<i32: 0, 1>} : vector<16xf32>, vector<16xf32> -> vector<32xbf16>
        %add3A_745 = arith.constant 7 : i32
        %add3A_746 = arith.addi %mul3A_378, %add3A_745 : i32
        %get3A_747 = arith.index_cast %add3A_746 : i32 to index
        %get3A_748 = arith.constant 0 : index
        %get3A_749 = tpu.vector_load %arg15[%get3A_747, %get3A_748] {strides = array<i32>} : memref<128x64xi32, #tpu.memory_space<vmem>>, vector<16xi32>,
        %bitcast3A_750 = vector.bitcast %get3A_749 : vector<16xi32> to vector<32xbf16>
        %mul3A_751 = arith.mulf %bitcast3A_750, %pack3A_744 : vector<32xbf16>
        %add3A_752 = arith.constant 7 : i32
        %add3A_753 = arith.addi %mul3A_378, %add3A_752 : i32
        %swap3A_754 = arith.index_cast %add3A_753 : i32 to index
        %swap3A_755 = arith.constant 0 : index
        %swap3A_756 = tpu.vector_load %arg17[%swap3A_754, %swap3A_755] {strides = array<i32>} : memref<128x128xbf16, #tpu.memory_space<vmem>>, vector<32xbf16>,
        tpu.vector_store %arg17[%swap3A_754, %swap3A_755], %mul3A_751 {strides = array<i32>} : memref<128x128xbf16, #tpu.memory_space<vmem>>, vector<32xbf16>,
        %add3A_757 = arith.constant 7 : i32
        %add3A_758 = arith.addi %mul3A_378, %add3A_757 : i32
        %get3A_759 = arith.index_cast %add3A_758 : i32 to index
        %get3A_760 = arith.constant 16 : index
        %get3A_761 = tpu.vector_load %arg15[%get3A_759, %get3A_760] {strides = array<i32>} : memref<128x64xi32, #tpu.memory_space<vmem>>, vector<16xi32>,
        %bitcast3A_762 = vector.bitcast %get3A_761 : vector<16xi32> to vector<32xbf16>
        %mul3A_763 = arith.mulf %bitcast3A_762, %pack3A_744 : vector<32xbf16>
        %add3A_764 = arith.constant 7 : i32
        %add3A_765 = arith.addi %mul3A_378, %add3A_764 : i32
        %swap3A_766 = arith.index_cast %add3A_765 : i32 to index
        %swap3A_767 = arith.constant 32 : index
        %swap3A_768 = tpu.vector_load %arg17[%swap3A_766, %swap3A_767] {strides = array<i32>} : memref<128x128xbf16, #tpu.memory_space<vmem>>, vector<32xbf16>,
        tpu.vector_store %arg17[%swap3A_766, %swap3A_767], %mul3A_763 {strides = array<i32>} : memref<128x128xbf16, #tpu.memory_space<vmem>>, vector<32xbf16>,
        %add3A_769 = arith.constant 7 : i32
        %add3A_770 = arith.addi %mul3A_378, %add3A_769 : i32
        %get3A_771 = arith.index_cast %add3A_770 : i32 to index
        %get3A_772 = arith.constant 32 : index
        %get3A_773 = tpu.vector_load %arg15[%get3A_771, %get3A_772] {strides = array<i32>} : memref<128x64xi32, #tpu.memory_space<vmem>>, vector<16xi32>,
        %bitcast3A_774 = vector.bitcast %get3A_773 : vector<16xi32> to vector<32xbf16>
        %mul3A_775 = arith.mulf %bitcast3A_774, %pack3A_744 : vector<32xbf16>
        %add3A_776 = arith.constant 7 : i32
        %add3A_777 = arith.addi %mul3A_378, %add3A_776 : i32
        %swap3A_778 = arith.index_cast %add3A_777 : i32 to index
        %swap3A_779 = arith.constant 64 : index
        %swap3A_780 = tpu.vector_load %arg17[%swap3A_778, %swap3A_779] {strides = array<i32>} : memref<128x128xbf16, #tpu.memory_space<vmem>>, vector<32xbf16>,
        tpu.vector_store %arg17[%swap3A_778, %swap3A_779], %mul3A_775 {strides = array<i32>} : memref<128x128xbf16, #tpu.memory_space<vmem>>, vector<32xbf16>,
        %add3A_781 = arith.constant 7 : i32
        %add3A_782 = arith.addi %mul3A_378, %add3A_781 : i32
        %get3A_783 = arith.index_cast %add3A_782 : i32 to index
        %get3A_784 = arith.constant 48 : index
        %get3A_785 = tpu.vector_load %arg15[%get3A_783, %get3A_784] {strides = array<i32>} : memref<128x64xi32, #tpu.memory_space<vmem>>, vector<16xi32>,
        %bitcast3A_786 = vector.bitcast %get3A_785 : vector<16xi32> to vector<32xbf16>
        %mul3A_787 = arith.mulf %bitcast3A_786, %pack3A_744 : vector<32xbf16>
        %add3A_788 = arith.constant 7 : i32
        %add3A_789 = arith.addi %mul3A_378, %add3A_788 : i32
        %swap3A_790 = arith.index_cast %add3A_789 : i32 to index
        %swap3A_791 = arith.constant 96 : index
        %swap3A_792 = tpu.vector_load %arg17[%swap3A_790, %swap3A_791] {strides = array<i32>} : memref<128x128xbf16, #tpu.memory_space<vmem>>, vector<32xbf16>,
        tpu.vector_store %arg17[%swap3A_790, %swap3A_791], %mul3A_787 {strides = array<i32>} : memref<128x128xbf16, #tpu.memory_space<vmem>>, vector<32xbf16>,
        %slice3A_793 = vector.extract_strided_slice %get3A_380 {offsets = [8], sizes = [1], strides = [1]} : vector<16xf32> to vector<1xf32>
        %squeeze3A_794 = vector.extract %slice3A_793[0] : f32 from vector<1xf32>
        %broadcast_in_dim3A_795 = vector.broadcast %squeeze3A_794 : f32 to vector<16xf32>
        %pack3A_796 = tpu.pack_subelements %broadcast_in_dim3A_795, %broadcast_in_dim3A_795 {pack_format = #tpu.pack_format<interleaved>, positions = array<i32: 0, 1>} : vector<16xf32>, vector<16xf32> -> vector<32xbf16>
        %add3A_797 = arith.constant 8 : i32
        %add3A_798 = arith.addi %mul3A_378, %add3A_797 : i32
        %get3A_799 = arith.index_cast %add3A_798 : i32 to index
        %get3A_800 = arith.constant 0 : index
        %get3A_801 = tpu.vector_load %arg15[%get3A_799, %get3A_800] {strides = array<i32>} : memref<128x64xi32, #tpu.memory_space<vmem>>, vector<16xi32>,
        %bitcast3A_802 = vector.bitcast %get3A_801 : vector<16xi32> to vector<32xbf16>
        %mul3A_803 = arith.mulf %bitcast3A_802, %pack3A_796 : vector<32xbf16>
        %add3A_804 = arith.constant 8 : i32
        %add3A_805 = arith.addi %mul3A_378, %add3A_804 : i32
        %swap3A_806 = arith.index_cast %add3A_805 : i32 to index
        %swap3A_807 = arith.constant 0 : index
        %swap3A_808 = tpu.vector_load %arg17[%swap3A_806, %swap3A_807] {strides = array<i32>} : memref<128x128xbf16, #tpu.memory_space<vmem>>, vector<32xbf16>,
        tpu.vector_store %arg17[%swap3A_806, %swap3A_807], %mul3A_803 {strides = array<i32>} : memref<128x128xbf16, #tpu.memory_space<vmem>>, vector<32xbf16>,
        %add3A_809 = arith.constant 8 : i32
        %add3A_810 = arith.addi %mul3A_378, %add3A_809 : i32
        %get3A_811 = arith.index_cast %add3A_810 : i32 to index
        %get3A_812 = arith.constant 16 : index
        %get3A_813 = tpu.vector_load %arg15[%get3A_811, %get3A_812] {strides = array<i32>} : memref<128x64xi32, #tpu.memory_space<vmem>>, vector<16xi32>,
        %bitcast3A_814 = vector.bitcast %get3A_813 : vector<16xi32> to vector<32xbf16>
        %mul3A_815 = arith.mulf %bitcast3A_814, %pack3A_796 : vector<32xbf16>
        %add3A_816 = arith.constant 8 : i32
        %add3A_817 = arith.addi %mul3A_378, %add3A_816 : i32
        %swap3A_818 = arith.index_cast %add3A_817 : i32 to index
        %swap3A_819 = arith.constant 32 : index
        %swap3A_820 = tpu.vector_load %arg17[%swap3A_818, %swap3A_819] {strides = array<i32>} : memref<128x128xbf16, #tpu.memory_space<vmem>>, vector<32xbf16>,
        tpu.vector_store %arg17[%swap3A_818, %swap3A_819], %mul3A_815 {strides = array<i32>} : memref<128x128xbf16, #tpu.memory_space<vmem>>, vector<32xbf16>,
        %add3A_821 = arith.constant 8 : i32
        %add3A_822 = arith.addi %mul3A_378, %add3A_821 : i32
        %get3A_823 = arith.index_cast %add3A_822 : i32 to index
        %get3A_824 = arith.constant 32 : index
        %get3A_825 = tpu.vector_load %arg15[%get3A_823, %get3A_824] {strides = array<i32>} : memref<128x64xi32, #tpu.memory_space<vmem>>, vector<16xi32>,
        %bitcast3A_826 = vector.bitcast %get3A_825 : vector<16xi32> to vector<32xbf16>
        %mul3A_827 = arith.mulf %bitcast3A_826, %pack3A_796 : vector<32xbf16>
        %add3A_828 = arith.constant 8 : i32
        %add3A_829 = arith.addi %mul3A_378, %add3A_828 : i32
        %swap3A_830 = arith.index_cast %add3A_829 : i32 to index
        %swap3A_831 = arith.constant 64 : index
        %swap3A_832 = tpu.vector_load %arg17[%swap3A_830, %swap3A_831] {strides = array<i32>} : memref<128x128xbf16, #tpu.memory_space<vmem>>, vector<32xbf16>,
        tpu.vector_store %arg17[%swap3A_830, %swap3A_831], %mul3A_827 {strides = array<i32>} : memref<128x128xbf16, #tpu.memory_space<vmem>>, vector<32xbf16>,
        %add3A_833 = arith.constant 8 : i32
        %add3A_834 = arith.addi %mul3A_378, %add3A_833 : i32
        %get3A_835 = arith.index_cast %add3A_834 : i32 to index
        %get3A_836 = arith.constant 48 : index
        %get3A_837 = tpu.vector_load %arg15[%get3A_835, %get3A_836] {strides = array<i32>} : memref<128x64xi32, #tpu.memory_space<vmem>>, vector<16xi32>,
        %bitcast3A_838 = vector.bitcast %get3A_837 : vector<16xi32> to vector<32xbf16>
        %mul3A_839 = arith.mulf %bitcast3A_838, %pack3A_796 : vector<32xbf16>
        %add3A_840 = arith.constant 8 : i32
        %add3A_841 = arith.addi %mul3A_378, %add3A_840 : i32
        %swap3A_842 = arith.index_cast %add3A_841 : i32 to index
        %swap3A_843 = arith.constant 96 : index
        %swap3A_844 = tpu.vector_load %arg17[%swap3A_842, %swap3A_843] {strides = array<i32>} : memref<128x128xbf16, #tpu.memory_space<vmem>>, vector<32xbf16>,
        tpu.vector_store %arg17[%swap3A_842, %swap3A_843], %mul3A_839 {strides = array<i32>} : memref<128x128xbf16, #tpu.memory_space<vmem>>, vector<32xbf16>,
        %slice3A_845 = vector.extract_strided_slice %get3A_380 {offsets = [9], sizes = [1], strides = [1]} : vector<16xf32> to vector<1xf32>
        %squeeze3A_846 = vector.extract %slice3A_845[0] : f32 from vector<1xf32>
        %broadcast_in_dim3A_847 = vector.broadcast %squeeze3A_846 : f32 to vector<16xf32>
        %pack3A_848 = tpu.pack_subelements %broadcast_in_dim3A_847, %broadcast_in_dim3A_847 {pack_format = #tpu.pack_format<interleaved>, positions = array<i32: 0, 1>} : vector<16xf32>, vector<16xf32> -> vector<32xbf16>
        %add3A_849 = arith.constant 9 : i32
        %add3A_850 = arith.addi %mul3A_378, %add3A_849 : i32
        %get3A_851 = arith.index_cast %add3A_850 : i32 to index
        %get3A_852 = arith.constant 0 : index
        %get3A_853 = tpu.vector_load %arg15[%get3A_851, %get3A_852] {strides = array<i32>} : memref<128x64xi32, #tpu.memory_space<vmem>>, vector<16xi32>,
        %bitcast3A_854 = vector.bitcast %get3A_853 : vector<16xi32> to vector<32xbf16>
        %mul3A_855 = arith.mulf %bitcast3A_854, %pack3A_848 : vector<32xbf16>
        %add3A_856 = arith.constant 9 : i32
        %add3A_857 = arith.addi %mul3A_378, %add3A_856 : i32
        %swap3A_858 = arith.index_cast %add3A_857 : i32 to index
        %swap3A_859 = arith.constant 0 : index
        %swap3A_860 = tpu.vector_load %arg17[%swap3A_858, %swap3A_859] {strides = array<i32>} : memref<128x128xbf16, #tpu.memory_space<vmem>>, vector<32xbf16>,
        tpu.vector_store %arg17[%swap3A_858, %swap3A_859], %mul3A_855 {strides = array<i32>} : memref<128x128xbf16, #tpu.memory_space<vmem>>, vector<32xbf16>,
        %add3A_861 = arith.constant 9 : i32
        %add3A_862 = arith.addi %mul3A_378, %add3A_861 : i32
        %get3A_863 = arith.index_cast %add3A_862 : i32 to index
        %get3A_864 = arith.constant 16 : index
        %get3A_865 = tpu.vector_load %arg15[%get3A_863, %get3A_864] {strides = array<i32>} : memref<128x64xi32, #tpu.memory_space<vmem>>, vector<16xi32>,
        %bitcast3A_866 = vector.bitcast %get3A_865 : vector<16xi32> to vector<32xbf16>
        %mul3A_867 = arith.mulf %bitcast3A_866, %pack3A_848 : vector<32xbf16>
        %add3A_868 = arith.constant 9 : i32
        %add3A_869 = arith.addi %mul3A_378, %add3A_868 : i32
        %swap3A_870 = arith.index_cast %add3A_869 : i32 to index
        %swap3A_871 = arith.constant 32 : index
        %swap3A_872 = tpu.vector_load %arg17[%swap3A_870, %swap3A_871] {strides = array<i32>} : memref<128x128xbf16, #tpu.memory_space<vmem>>, vector<32xbf16>,
        tpu.vector_store %arg17[%swap3A_870, %swap3A_871], %mul3A_867 {strides = array<i32>} : memref<128x128xbf16, #tpu.memory_space<vmem>>, vector<32xbf16>,
        %add3A_873 = arith.constant 9 : i32
        %add3A_874 = arith.addi %mul3A_378, %add3A_873 : i32
        %get3A_875 = arith.index_cast %add3A_874 : i32 to index
        %get3A_876 = arith.constant 32 : index
        %get3A_877 = tpu.vector_load %arg15[%get3A_875, %get3A_876] {strides = array<i32>} : memref<128x64xi32, #tpu.memory_space<vmem>>, vector<16xi32>,
        %bitcast3A_878 = vector.bitcast %get3A_877 : vector<16xi32> to vector<32xbf16>
        %mul3A_879 = arith.mulf %bitcast3A_878, %pack3A_848 : vector<32xbf16>
        %add3A_880 = arith.constant 9 : i32
        %add3A_881 = arith.addi %mul3A_378, %add3A_880 : i32
        %swap3A_882 = arith.index_cast %add3A_881 : i32 to index
        %swap3A_883 = arith.constant 64 : index
        %swap3A_884 = tpu.vector_load %arg17[%swap3A_882, %swap3A_883] {strides = array<i32>} : memref<128x128xbf16, #tpu.memory_space<vmem>>, vector<32xbf16>,
        tpu.vector_store %arg17[%swap3A_882, %swap3A_883], %mul3A_879 {strides = array<i32>} : memref<128x128xbf16, #tpu.memory_space<vmem>>, vector<32xbf16>,
        %add3A_885 = arith.constant 9 : i32
        %add3A_886 = arith.addi %mul3A_378, %add3A_885 : i32
        %get3A_887 = arith.index_cast %add3A_886 : i32 to index
        %get3A_888 = arith.constant 48 : index
        %get3A_889 = tpu.vector_load %arg15[%get3A_887, %get3A_888] {strides = array<i32>} : memref<128x64xi32, #tpu.memory_space<vmem>>, vector<16xi32>,
        %bitcast3A_890 = vector.bitcast %get3A_889 : vector<16xi32> to vector<32xbf16>
        %mul3A_891 = arith.mulf %bitcast3A_890, %pack3A_848 : vector<32xbf16>
        %add3A_892 = arith.constant 9 : i32
        %add3A_893 = arith.addi %mul3A_378, %add3A_892 : i32
        %swap3A_894 = arith.index_cast %add3A_893 : i32 to index
        %swap3A_895 = arith.constant 96 : index
        %swap3A_896 = tpu.vector_load %arg17[%swap3A_894, %swap3A_895] {strides = array<i32>} : memref<128x128xbf16, #tpu.memory_space<vmem>>, vector<32xbf16>,
        tpu.vector_store %arg17[%swap3A_894, %swap3A_895], %mul3A_891 {strides = array<i32>} : memref<128x128xbf16, #tpu.memory_space<vmem>>, vector<32xbf16>,
        %slice3A_897 = vector.extract_strided_slice %get3A_380 {offsets = [10], sizes = [1], strides = [1]} : vector<16xf32> to vector<1xf32>
        %squeeze3A_898 = vector.extract %slice3A_897[0] : f32 from vector<1xf32>
        %broadcast_in_dim3A_899 = vector.broadcast %squeeze3A_898 : f32 to vector<16xf32>
        %pack3A_900 = tpu.pack_subelements %broadcast_in_dim3A_899, %broadcast_in_dim3A_899 {pack_format = #tpu.pack_format<interleaved>, positions = array<i32: 0, 1>} : vector<16xf32>, vector<16xf32> -> vector<32xbf16>
        %add3A_901 = arith.constant 10 : i32
        %add3A_902 = arith.addi %mul3A_378, %add3A_901 : i32
        %get3A_903 = arith.index_cast %add3A_902 : i32 to index
        %get3A_904 = arith.constant 0 : index
        %get3A_905 = tpu.vector_load %arg15[%get3A_903, %get3A_904] {strides = array<i32>} : memref<128x64xi32, #tpu.memory_space<vmem>>, vector<16xi32>,
        %bitcast3A_906 = vector.bitcast %get3A_905 : vector<16xi32> to vector<32xbf16>
        %mul3A_907 = arith.mulf %bitcast3A_906, %pack3A_900 : vector<32xbf16>
        %add3A_908 = arith.constant 10 : i32
        %add3A_909 = arith.addi %mul3A_378, %add3A_908 : i32
        %swap3A_910 = arith.index_cast %add3A_909 : i32 to index
        %swap3A_911 = arith.constant 0 : index
        %swap3A_912 = tpu.vector_load %arg17[%swap3A_910, %swap3A_911] {strides = array<i32>} : memref<128x128xbf16, #tpu.memory_space<vmem>>, vector<32xbf16>,
        tpu.vector_store %arg17[%swap3A_910, %swap3A_911], %mul3A_907 {strides = array<i32>} : memref<128x128xbf16, #tpu.memory_space<vmem>>, vector<32xbf16>,
        %add3A_913 = arith.constant 10 : i32
        %add3A_914 = arith.addi %mul3A_378, %add3A_913 : i32
        %get3A_915 = arith.index_cast %add3A_914 : i32 to index
        %get3A_916 = arith.constant 16 : index
        %get3A_917 = tpu.vector_load %arg15[%get3A_915, %get3A_916] {strides = array<i32>} : memref<128x64xi32, #tpu.memory_space<vmem>>, vector<16xi32>,
        %bitcast3A_918 = vector.bitcast %get3A_917 : vector<16xi32> to vector<32xbf16>
        %mul3A_919 = arith.mulf %bitcast3A_918, %pack3A_900 : vector<32xbf16>
        %add3A_920 = arith.constant 10 : i32
        %add3A_921 = arith.addi %mul3A_378, %add3A_920 : i32
        %swap3A_922 = arith.index_cast %add3A_921 : i32 to index
        %swap3A_923 = arith.constant 32 : index
        %swap3A_924 = tpu.vector_load %arg17[%swap3A_922, %swap3A_923] {strides = array<i32>} : memref<128x128xbf16, #tpu.memory_space<vmem>>, vector<32xbf16>,
        tpu.vector_store %arg17[%swap3A_922, %swap3A_923], %mul3A_919 {strides = array<i32>} : memref<128x128xbf16, #tpu.memory_space<vmem>>, vector<32xbf16>,
        %add3A_925 = arith.constant 10 : i32
        %add3A_926 = arith.addi %mul3A_378, %add3A_925 : i32
        %get3A_927 = arith.index_cast %add3A_926 : i32 to index
        %get3A_928 = arith.constant 32 : index
        %get3A_929 = tpu.vector_load %arg15[%get3A_927, %get3A_928] {strides = array<i32>} : memref<128x64xi32, #tpu.memory_space<vmem>>, vector<16xi32>,
        %bitcast3A_930 = vector.bitcast %get3A_929 : vector<16xi32> to vector<32xbf16>
        %mul3A_931 = arith.mulf %bitcast3A_930, %pack3A_900 : vector<32xbf16>
        %add3A_932 = arith.constant 10 : i32
        %add3A_933 = arith.addi %mul3A_378, %add3A_932 : i32
        %swap3A_934 = arith.index_cast %add3A_933 : i32 to index
        %swap3A_935 = arith.constant 64 : index
        %swap3A_936 = tpu.vector_load %arg17[%swap3A_934, %swap3A_935] {strides = array<i32>} : memref<128x128xbf16, #tpu.memory_space<vmem>>, vector<32xbf16>,
        tpu.vector_store %arg17[%swap3A_934, %swap3A_935], %mul3A_931 {strides = array<i32>} : memref<128x128xbf16, #tpu.memory_space<vmem>>, vector<32xbf16>,
        %add3A_937 = arith.constant 10 : i32
        %add3A_938 = arith.addi %mul3A_378, %add3A_937 : i32
        %get3A_939 = arith.index_cast %add3A_938 : i32 to index
        %get3A_940 = arith.constant 48 : index
        %get3A_941 = tpu.vector_load %arg15[%get3A_939, %get3A_940] {strides = array<i32>} : memref<128x64xi32, #tpu.memory_space<vmem>>, vector<16xi32>,
        %bitcast3A_942 = vector.bitcast %get3A_941 : vector<16xi32> to vector<32xbf16>
        %mul3A_943 = arith.mulf %bitcast3A_942, %pack3A_900 : vector<32xbf16>
        %add3A_944 = arith.constant 10 : i32
        %add3A_945 = arith.addi %mul3A_378, %add3A_944 : i32
        %swap3A_946 = arith.index_cast %add3A_945 : i32 to index
        %swap3A_947 = arith.constant 96 : index
        %swap3A_948 = tpu.vector_load %arg17[%swap3A_946, %swap3A_947] {strides = array<i32>} : memref<128x128xbf16, #tpu.memory_space<vmem>>, vector<32xbf16>,
        tpu.vector_store %arg17[%swap3A_946, %swap3A_947], %mul3A_943 {strides = array<i32>} : memref<128x128xbf16, #tpu.memory_space<vmem>>, vector<32xbf16>,
        %slice3A_949 = vector.extract_strided_slice %get3A_380 {offsets = [11], sizes = [1], strides = [1]} : vector<16xf32> to vector<1xf32>
        %squeeze3A_950 = vector.extract %slice3A_949[0] : f32 from vector<1xf32>
        %broadcast_in_dim3A_951 = vector.broadcast %squeeze3A_950 : f32 to vector<16xf32>
        %pack3A_952 = tpu.pack_subelements %broadcast_in_dim3A_951, %broadcast_in_dim3A_951 {pack_format = #tpu.pack_format<interleaved>, positions = array<i32: 0, 1>} : vector<16xf32>, vector<16xf32> -> vector<32xbf16>
        %add3A_953 = arith.constant 11 : i32
        %add3A_954 = arith.addi %mul3A_378, %add3A_953 : i32
        %get3A_955 = arith.index_cast %add3A_954 : i32 to index
        %get3A_956 = arith.constant 0 : index
        %get3A_957 = tpu.vector_load %arg15[%get3A_955, %get3A_956] {strides = array<i32>} : memref<128x64xi32, #tpu.memory_space<vmem>>, vector<16xi32>,
        %bitcast3A_958 = vector.bitcast %get3A_957 : vector<16xi32> to vector<32xbf16>
        %mul3A_959 = arith.mulf %bitcast3A_958, %pack3A_952 : vector<32xbf16>
        %add3A_960 = arith.constant 11 : i32
        %add3A_961 = arith.addi %mul3A_378, %add3A_960 : i32
        %swap3A_962 = arith.index_cast %add3A_961 : i32 to index
        %swap3A_963 = arith.constant 0 : index
        %swap3A_964 = tpu.vector_load %arg17[%swap3A_962, %swap3A_963] {strides = array<i32>} : memref<128x128xbf16, #tpu.memory_space<vmem>>, vector<32xbf16>,
        tpu.vector_store %arg17[%swap3A_962, %swap3A_963], %mul3A_959 {strides = array<i32>} : memref<128x128xbf16, #tpu.memory_space<vmem>>, vector<32xbf16>,
        %add3A_965 = arith.constant 11 : i32
        %add3A_966 = arith.addi %mul3A_378, %add3A_965 : i32
        %get3A_967 = arith.index_cast %add3A_966 : i32 to index
        %get3A_968 = arith.constant 16 : index
        %get3A_969 = tpu.vector_load %arg15[%get3A_967, %get3A_968] {strides = array<i32>} : memref<128x64xi32, #tpu.memory_space<vmem>>, vector<16xi32>,
        %bitcast3A_970 = vector.bitcast %get3A_969 : vector<16xi32> to vector<32xbf16>
        %mul3A_971 = arith.mulf %bitcast3A_970, %pack3A_952 : vector<32xbf16>
        %add3A_972 = arith.constant 11 : i32
        %add3A_973 = arith.addi %mul3A_378, %add3A_972 : i32
        %swap3A_974 = arith.index_cast %add3A_973 : i32 to index
        %swap3A_975 = arith.constant 32 : index
        %swap3A_976 = tpu.vector_load %arg17[%swap3A_974, %swap3A_975] {strides = array<i32>} : memref<128x128xbf16, #tpu.memory_space<vmem>>, vector<32xbf16>,
        tpu.vector_store %arg17[%swap3A_974, %swap3A_975], %mul3A_971 {strides = array<i32>} : memref<128x128xbf16, #tpu.memory_space<vmem>>, vector<32xbf16>,
        %add3A_977 = arith.constant 11 : i32
        %add3A_978 = arith.addi %mul3A_378, %add3A_977 : i32
        %get3A_979 = arith.index_cast %add3A_978 : i32 to index
        %get3A_980 = arith.constant 32 : index
        %get3A_981 = tpu.vector_load %arg15[%get3A_979, %get3A_980] {strides = array<i32>} : memref<128x64xi32, #tpu.memory_space<vmem>>, vector<16xi32>,
        %bitcast3A_982 = vector.bitcast %get3A_981 : vector<16xi32> to vector<32xbf16>
        %mul3A_983 = arith.mulf %bitcast3A_982, %pack3A_952 : vector<32xbf16>
        %add3A_984 = arith.constant 11 : i32
        %add3A_985 = arith.addi %mul3A_378, %add3A_984 : i32
        %swap3A_986 = arith.index_cast %add3A_985 : i32 to index
        %swap3A_987 = arith.constant 64 : index
        %swap3A_988 = tpu.vector_load %arg17[%swap3A_986, %swap3A_987] {strides = array<i32>} : memref<128x128xbf16, #tpu.memory_space<vmem>>, vector<32xbf16>,
        tpu.vector_store %arg17[%swap3A_986, %swap3A_987], %mul3A_983 {strides = array<i32>} : memref<128x128xbf16, #tpu.memory_space<vmem>>, vector<32xbf16>,
        %add3A_989 = arith.constant 11 : i32
        %add3A_990 = arith.addi %mul3A_378, %add3A_989 : i32
        %get3A_991 = arith.index_cast %add3A_990 : i32 to index
        %get3A_992 = arith.constant 48 : index
        %get3A_993 = tpu.vector_load %arg15[%get3A_991, %get3A_992] {strides = array<i32>} : memref<128x64xi32, #tpu.memory_space<vmem>>, vector<16xi32>,
        %bitcast3A_994 = vector.bitcast %get3A_993 : vector<16xi32> to vector<32xbf16>
        %mul3A_995 = arith.mulf %bitcast3A_994, %pack3A_952 : vector<32xbf16>
        %add3A_996 = arith.constant 11 : i32
        %add3A_997 = arith.addi %mul3A_378, %add3A_996 : i32
        %swap3A_998 = arith.index_cast %add3A_997 : i32 to index
        %swap3A_999 = arith.constant 96 : index
        %swap3A_1000 = tpu.vector_load %arg17[%swap3A_998, %swap3A_999] {strides = array<i32>} : memref<128x128xbf16, #tpu.memory_space<vmem>>, vector<32xbf16>,
        tpu.vector_store %arg17[%swap3A_998, %swap3A_999], %mul3A_995 {strides = array<i32>} : memref<128x128xbf16, #tpu.memory_space<vmem>>, vector<32xbf16>,
        %slice3A_1001 = vector.extract_strided_slice %get3A_380 {offsets = [12], sizes = [1], strides = [1]} : vector<16xf32> to vector<1xf32>
        %squeeze3A_1002 = vector.extract %slice3A_1001[0] : f32 from vector<1xf32>
        %broadcast_in_dim3A_1003 = vector.broadcast %squeeze3A_1002 : f32 to vector<16xf32>
        %pack3A_1004 = tpu.pack_subelements %broadcast_in_dim3A_1003, %broadcast_in_dim3A_1003 {pack_format = #tpu.pack_format<interleaved>, positions = array<i32: 0, 1>} : vector<16xf32>, vector<16xf32> -> vector<32xbf16>
        %add3A_1005 = arith.constant 12 : i32
        %add3A_1006 = arith.addi %mul3A_378, %add3A_1005 : i32
        %get3A_1007 = arith.index_cast %add3A_1006 : i32 to index
        %get3A_1008 = arith.constant 0 : index
        %get3A_1009 = tpu.vector_load %arg15[%get3A_1007, %get3A_1008] {strides = array<i32>} : memref<128x64xi32, #tpu.memory_space<vmem>>, vector<16xi32>,
        %bitcast3A_1010 = vector.bitcast %get3A_1009 : vector<16xi32> to vector<32xbf16>
        %mul3A_1011 = arith.mulf %bitcast3A_1010, %pack3A_1004 : vector<32xbf16>
        %add3A_1012 = arith.constant 12 : i32
        %add3A_1013 = arith.addi %mul3A_378, %add3A_1012 : i32
        %swap3A_1014 = arith.index_cast %add3A_1013 : i32 to index
        %swap3A_1015 = arith.constant 0 : index
        %swap3A_1016 = tpu.vector_load %arg17[%swap3A_1014, %swap3A_1015] {strides = array<i32>} : memref<128x128xbf16, #tpu.memory_space<vmem>>, vector<32xbf16>,
        tpu.vector_store %arg17[%swap3A_1014, %swap3A_1015], %mul3A_1011 {strides = array<i32>} : memref<128x128xbf16, #tpu.memory_space<vmem>>, vector<32xbf16>,
        %add3A_1017 = arith.constant 12 : i32
        %add3A_1018 = arith.addi %mul3A_378, %add3A_1017 : i32
        %get3A_1019 = arith.index_cast %add3A_1018 : i32 to index
        %get3A_1020 = arith.constant 16 : index
        %get3A_1021 = tpu.vector_load %arg15[%get3A_1019, %get3A_1020] {strides = array<i32>} : memref<128x64xi32, #tpu.memory_space<vmem>>, vector<16xi32>,
        %bitcast3A_1022 = vector.bitcast %get3A_1021 : vector<16xi32> to vector<32xbf16>
        %mul3A_1023 = arith.mulf %bitcast3A_1022, %pack3A_1004 : vector<32xbf16>
        %add3A_1024 = arith.constant 12 : i32
        %add3A_1025 = arith.addi %mul3A_378, %add3A_1024 : i32
        %swap3A_1026 = arith.index_cast %add3A_1025 : i32 to index
        %swap3A_1027 = arith.constant 32 : index
        %swap3A_1028 = tpu.vector_load %arg17[%swap3A_1026, %swap3A_1027] {strides = array<i32>} : memref<128x128xbf16, #tpu.memory_space<vmem>>, vector<32xbf16>,
        tpu.vector_store %arg17[%swap3A_1026, %swap3A_1027], %mul3A_1023 {strides = array<i32>} : memref<128x128xbf16, #tpu.memory_space<vmem>>, vector<32xbf16>,
        %add3A_1029 = arith.constant 12 : i32
        %add3A_1030 = arith.addi %mul3A_378, %add3A_1029 : i32
        %get3A_1031 = arith.index_cast %add3A_1030 : i32 to index
        %get3A_1032 = arith.constant 32 : index
        %get3A_1033 = tpu.vector_load %arg15[%get3A_1031, %get3A_1032] {strides = array<i32>} : memref<128x64xi32, #tpu.memory_space<vmem>>, vector<16xi32>,
        %bitcast3A_1034 = vector.bitcast %get3A_1033 : vector<16xi32> to vector<32xbf16>
        %mul3A_1035 = arith.mulf %bitcast3A_1034, %pack3A_1004 : vector<32xbf16>
        %add3A_1036 = arith.constant 12 : i32
        %add3A_1037 = arith.addi %mul3A_378, %add3A_1036 : i32
        %swap3A_1038 = arith.index_cast %add3A_1037 : i32 to index
        %swap3A_1039 = arith.constant 64 : index
        %swap3A_1040 = tpu.vector_load %arg17[%swap3A_1038, %swap3A_1039] {strides = array<i32>} : memref<128x128xbf16, #tpu.memory_space<vmem>>, vector<32xbf16>,
        tpu.vector_store %arg17[%swap3A_1038, %swap3A_1039], %mul3A_1035 {strides = array<i32>} : memref<128x128xbf16, #tpu.memory_space<vmem>>, vector<32xbf16>,
        %add3A_1041 = arith.constant 12 : i32
        %add3A_1042 = arith.addi %mul3A_378, %add3A_1041 : i32
        %get3A_1043 = arith.index_cast %add3A_1042 : i32 to index
        %get3A_1044 = arith.constant 48 : index
        %get3A_1045 = tpu.vector_load %arg15[%get3A_1043, %get3A_1044] {strides = array<i32>} : memref<128x64xi32, #tpu.memory_space<vmem>>, vector<16xi32>,
        %bitcast3A_1046 = vector.bitcast %get3A_1045 : vector<16xi32> to vector<32xbf16>
        %mul3A_1047 = arith.mulf %bitcast3A_1046, %pack3A_1004 : vector<32xbf16>
        %add3A_1048 = arith.constant 12 : i32
        %add3A_1049 = arith.addi %mul3A_378, %add3A_1048 : i32
        %swap3A_1050 = arith.index_cast %add3A_1049 : i32 to index
        %swap3A_1051 = arith.constant 96 : index
        %swap3A_1052 = tpu.vector_load %arg17[%swap3A_1050, %swap3A_1051] {strides = array<i32>} : memref<128x128xbf16, #tpu.memory_space<vmem>>, vector<32xbf16>,
        tpu.vector_store %arg17[%swap3A_1050, %swap3A_1051], %mul3A_1047 {strides = array<i32>} : memref<128x128xbf16, #tpu.memory_space<vmem>>, vector<32xbf16>,
        %slice3A_1053 = vector.extract_strided_slice %get3A_380 {offsets = [13], sizes = [1], strides = [1]} : vector<16xf32> to vector<1xf32>
        %squeeze3A_1054 = vector.extract %slice3A_1053[0] : f32 from vector<1xf32>
        %broadcast_in_dim3A_1055 = vector.broadcast %squeeze3A_1054 : f32 to vector<16xf32>
        %pack3A_1056 = tpu.pack_subelements %broadcast_in_dim3A_1055, %broadcast_in_dim3A_1055 {pack_format = #tpu.pack_format<interleaved>, positions = array<i32: 0, 1>} : vector<16xf32>, vector<16xf32> -> vector<32xbf16>
        %add3A_1057 = arith.constant 13 : i32
        %add3A_1058 = arith.addi %mul3A_378, %add3A_1057 : i32
        %get3A_1059 = arith.index_cast %add3A_1058 : i32 to index
        %get3A_1060 = arith.constant 0 : index
        %get3A_1061 = tpu.vector_load %arg15[%get3A_1059, %get3A_1060] {strides = array<i32>} : memref<128x64xi32, #tpu.memory_space<vmem>>, vector<16xi32>,
        %bitcast3A_1062 = vector.bitcast %get3A_1061 : vector<16xi32> to vector<32xbf16>
        %mul3A_1063 = arith.mulf %bitcast3A_1062, %pack3A_1056 : vector<32xbf16>
        %add3A_1064 = arith.constant 13 : i32
        %add3A_1065 = arith.addi %mul3A_378, %add3A_1064 : i32
        %swap3A_1066 = arith.index_cast %add3A_1065 : i32 to index
        %swap3A_1067 = arith.constant 0 : index
        %swap3A_1068 = tpu.vector_load %arg17[%swap3A_1066, %swap3A_1067] {strides = array<i32>} : memref<128x128xbf16, #tpu.memory_space<vmem>>, vector<32xbf16>,
        tpu.vector_store %arg17[%swap3A_1066, %swap3A_1067], %mul3A_1063 {strides = array<i32>} : memref<128x128xbf16, #tpu.memory_space<vmem>>, vector<32xbf16>,
        %add3A_1069 = arith.constant 13 : i32
        %add3A_1070 = arith.addi %mul3A_378, %add3A_1069 : i32
        %get3A_1071 = arith.index_cast %add3A_1070 : i32 to index
        %get3A_1072 = arith.constant 16 : index
        %get3A_1073 = tpu.vector_load %arg15[%get3A_1071, %get3A_1072] {strides = array<i32>} : memref<128x64xi32, #tpu.memory_space<vmem>>, vector<16xi32>,
        %bitcast3A_1074 = vector.bitcast %get3A_1073 : vector<16xi32> to vector<32xbf16>
        %mul3A_1075 = arith.mulf %bitcast3A_1074, %pack3A_1056 : vector<32xbf16>
        %add3A_1076 = arith.constant 13 : i32
        %add3A_1077 = arith.addi %mul3A_378, %add3A_1076 : i32
        %swap3A_1078 = arith.index_cast %add3A_1077 : i32 to index
        %swap3A_1079 = arith.constant 32 : index
        %swap3A_1080 = tpu.vector_load %arg17[%swap3A_1078, %swap3A_1079] {strides = array<i32>} : memref<128x128xbf16, #tpu.memory_space<vmem>>, vector<32xbf16>,
        tpu.vector_store %arg17[%swap3A_1078, %swap3A_1079], %mul3A_1075 {strides = array<i32>} : memref<128x128xbf16, #tpu.memory_space<vmem>>, vector<32xbf16>,
        %add3A_1081 = arith.constant 13 : i32
        %add3A_1082 = arith.addi %mul3A_378, %add3A_1081 : i32
        %get3A_1083 = arith.index_cast %add3A_1082 : i32 to index
        %get3A_1084 = arith.constant 32 : index
        %get3A_1085 = tpu.vector_load %arg15[%get3A_1083, %get3A_1084] {strides = array<i32>} : memref<128x64xi32, #tpu.memory_space<vmem>>, vector<16xi32>,
        %bitcast3A_1086 = vector.bitcast %get3A_1085 : vector<16xi32> to vector<32xbf16>
        %mul3A_1087 = arith.mulf %bitcast3A_1086, %pack3A_1056 : vector<32xbf16>
        %add3A_1088 = arith.constant 13 : i32
        %add3A_1089 = arith.addi %mul3A_378, %add3A_1088 : i32
        %swap3A_1090 = arith.index_cast %add3A_1089 : i32 to index
        %swap3A_1091 = arith.constant 64 : index
        %swap3A_1092 = tpu.vector_load %arg17[%swap3A_1090, %swap3A_1091] {strides = array<i32>} : memref<128x128xbf16, #tpu.memory_space<vmem>>, vector<32xbf16>,
        tpu.vector_store %arg17[%swap3A_1090, %swap3A_1091], %mul3A_1087 {strides = array<i32>} : memref<128x128xbf16, #tpu.memory_space<vmem>>, vector<32xbf16>,
        %add3A_1093 = arith.constant 13 : i32
        %add3A_1094 = arith.addi %mul3A_378, %add3A_1093 : i32
        %get3A_1095 = arith.index_cast %add3A_1094 : i32 to index
        %get3A_1096 = arith.constant 48 : index
        %get3A_1097 = tpu.vector_load %arg15[%get3A_1095, %get3A_1096] {strides = array<i32>} : memref<128x64xi32, #tpu.memory_space<vmem>>, vector<16xi32>,
        %bitcast3A_1098 = vector.bitcast %get3A_1097 : vector<16xi32> to vector<32xbf16>
        %mul3A_1099 = arith.mulf %bitcast3A_1098, %pack3A_1056 : vector<32xbf16>
        %add3A_1100 = arith.constant 13 : i32
        %add3A_1101 = arith.addi %mul3A_378, %add3A_1100 : i32
        %swap3A_1102 = arith.index_cast %add3A_1101 : i32 to index
        %swap3A_1103 = arith.constant 96 : index
        %swap3A_1104 = tpu.vector_load %arg17[%swap3A_1102, %swap3A_1103] {strides = array<i32>} : memref<128x128xbf16, #tpu.memory_space<vmem>>, vector<32xbf16>,
        tpu.vector_store %arg17[%swap3A_1102, %swap3A_1103], %mul3A_1099 {strides = array<i32>} : memref<128x128xbf16, #tpu.memory_space<vmem>>, vector<32xbf16>,
        %slice3A_1105 = vector.extract_strided_slice %get3A_380 {offsets = [14], sizes = [1], strides = [1]} : vector<16xf32> to vector<1xf32>
        %squeeze3A_1106 = vector.extract %slice3A_1105[0] : f32 from vector<1xf32>
        %broadcast_in_dim3A_1107 = vector.broadcast %squeeze3A_1106 : f32 to vector<16xf32>
        %pack3A_1108 = tpu.pack_subelements %broadcast_in_dim3A_1107, %broadcast_in_dim3A_1107 {pack_format = #tpu.pack_format<interleaved>, positions = array<i32: 0, 1>} : vector<16xf32>, vector<16xf32> -> vector<32xbf16>
        %add3A_1109 = arith.constant 14 : i32
        %add3A_1110 = arith.addi %mul3A_378, %add3A_1109 : i32
        %get3A_1111 = arith.index_cast %add3A_1110 : i32 to index
        %get3A_1112 = arith.constant 0 : index
        %get3A_1113 = tpu.vector_load %arg15[%get3A_1111, %get3A_1112] {strides = array<i32>} : memref<128x64xi32, #tpu.memory_space<vmem>>, vector<16xi32>,
        %bitcast3A_1114 = vector.bitcast %get3A_1113 : vector<16xi32> to vector<32xbf16>
        %mul3A_1115 = arith.mulf %bitcast3A_1114, %pack3A_1108 : vector<32xbf16>
        %add3A_1116 = arith.constant 14 : i32
        %add3A_1117 = arith.addi %mul3A_378, %add3A_1116 : i32
        %swap3A_1118 = arith.index_cast %add3A_1117 : i32 to index
        %swap3A_1119 = arith.constant 0 : index
        %swap3A_1120 = tpu.vector_load %arg17[%swap3A_1118, %swap3A_1119] {strides = array<i32>} : memref<128x128xbf16, #tpu.memory_space<vmem>>, vector<32xbf16>,
        tpu.vector_store %arg17[%swap3A_1118, %swap3A_1119], %mul3A_1115 {strides = array<i32>} : memref<128x128xbf16, #tpu.memory_space<vmem>>, vector<32xbf16>,
        %add3A_1121 = arith.constant 14 : i32
        %add3A_1122 = arith.addi %mul3A_378, %add3A_1121 : i32
        %get3A_1123 = arith.index_cast %add3A_1122 : i32 to index
        %get3A_1124 = arith.constant 16 : index
        %get3A_1125 = tpu.vector_load %arg15[%get3A_1123, %get3A_1124] {strides = array<i32>} : memref<128x64xi32, #tpu.memory_space<vmem>>, vector<16xi32>,
        %bitcast3A_1126 = vector.bitcast %get3A_1125 : vector<16xi32> to vector<32xbf16>
        %mul3A_1127 = arith.mulf %bitcast3A_1126, %pack3A_1108 : vector<32xbf16>
        %add3A_1128 = arith.constant 14 : i32
        %add3A_1129 = arith.addi %mul3A_378, %add3A_1128 : i32
        %swap3A_1130 = arith.index_cast %add3A_1129 : i32 to index
        %swap3A_1131 = arith.constant 32 : index
        %swap3A_1132 = tpu.vector_load %arg17[%swap3A_1130, %swap3A_1131] {strides = array<i32>} : memref<128x128xbf16, #tpu.memory_space<vmem>>, vector<32xbf16>,
        tpu.vector_store %arg17[%swap3A_1130, %swap3A_1131], %mul3A_1127 {strides = array<i32>} : memref<128x128xbf16, #tpu.memory_space<vmem>>, vector<32xbf16>,
        %add3A_1133 = arith.constant 14 : i32
        %add3A_1134 = arith.addi %mul3A_378, %add3A_1133 : i32
        %get3A_1135 = arith.index_cast %add3A_1134 : i32 to index
        %get3A_1136 = arith.constant 32 : index
        %get3A_1137 = tpu.vector_load %arg15[%get3A_1135, %get3A_1136] {strides = array<i32>} : memref<128x64xi32, #tpu.memory_space<vmem>>, vector<16xi32>,
        %bitcast3A_1138 = vector.bitcast %get3A_1137 : vector<16xi32> to vector<32xbf16>
        %mul3A_1139 = arith.mulf %bitcast3A_1138, %pack3A_1108 : vector<32xbf16>
        %add3A_1140 = arith.constant 14 : i32
        %add3A_1141 = arith.addi %mul3A_378, %add3A_1140 : i32
        %swap3A_1142 = arith.index_cast %add3A_1141 : i32 to index
        %swap3A_1143 = arith.constant 64 : index
        %swap3A_1144 = tpu.vector_load %arg17[%swap3A_1142, %swap3A_1143] {strides = array<i32>} : memref<128x128xbf16, #tpu.memory_space<vmem>>, vector<32xbf16>,
        tpu.vector_store %arg17[%swap3A_1142, %swap3A_1143], %mul3A_1139 {strides = array<i32>} : memref<128x128xbf16, #tpu.memory_space<vmem>>, vector<32xbf16>,
        %add3A_1145 = arith.constant 14 : i32
        %add3A_1146 = arith.addi %mul3A_378, %add3A_1145 : i32
        %get3A_1147 = arith.index_cast %add3A_1146 : i32 to index
        %get3A_1148 = arith.constant 48 : index
        %get3A_1149 = tpu.vector_load %arg15[%get3A_1147, %get3A_1148] {strides = array<i32>} : memref<128x64xi32, #tpu.memory_space<vmem>>, vector<16xi32>,
        %bitcast3A_1150 = vector.bitcast %get3A_1149 : vector<16xi32> to vector<32xbf16>
        %mul3A_1151 = arith.mulf %bitcast3A_1150, %pack3A_1108 : vector<32xbf16>
        %add3A_1152 = arith.constant 14 : i32
        %add3A_1153 = arith.addi %mul3A_378, %add3A_1152 : i32
        %swap3A_1154 = arith.index_cast %add3A_1153 : i32 to index
        %swap3A_1155 = arith.constant 96 : index
        %swap3A_1156 = tpu.vector_load %arg17[%swap3A_1154, %swap3A_1155] {strides = array<i32>} : memref<128x128xbf16, #tpu.memory_space<vmem>>, vector<32xbf16>,
        tpu.vector_store %arg17[%swap3A_1154, %swap3A_1155], %mul3A_1151 {strides = array<i32>} : memref<128x128xbf16, #tpu.memory_space<vmem>>, vector<32xbf16>,
        %slice3A_1157 = vector.extract_strided_slice %get3A_380 {offsets = [15], sizes = [1], strides = [1]} : vector<16xf32> to vector<1xf32>
        %squeeze3A_1158 = vector.extract %slice3A_1157[0] : f32 from vector<1xf32>
        %broadcast_in_dim3A_1159 = vector.broadcast %squeeze3A_1158 : f32 to vector<16xf32>
        %pack3A_1160 = tpu.pack_subelements %broadcast_in_dim3A_1159, %broadcast_in_dim3A_1159 {pack_format = #tpu.pack_format<interleaved>, positions = array<i32: 0, 1>} : vector<16xf32>, vector<16xf32> -> vector<32xbf16>
        %add3A_1161 = arith.constant 15 : i32
        %add3A_1162 = arith.addi %mul3A_378, %add3A_1161 : i32
        %get3A_1163 = arith.index_cast %add3A_1162 : i32 to index
        %get3A_1164 = arith.constant 0 : index
        %get3A_1165 = tpu.vector_load %arg15[%get3A_1163, %get3A_1164] {strides = array<i32>} : memref<128x64xi32, #tpu.memory_space<vmem>>, vector<16xi32>,
        %bitcast3A_1166 = vector.bitcast %get3A_1165 : vector<16xi32> to vector<32xbf16>
        %mul3A_1167 = arith.mulf %bitcast3A_1166, %pack3A_1160 : vector<32xbf16>
        %add3A_1168 = arith.constant 15 : i32
        %add3A_1169 = arith.addi %mul3A_378, %add3A_1168 : i32
        %swap3A_1170 = arith.index_cast %add3A_1169 : i32 to index
        %swap3A_1171 = arith.constant 0 : index
        %swap3A_1172 = tpu.vector_load %arg17[%swap3A_1170, %swap3A_1171] {strides = array<i32>} : memref<128x128xbf16, #tpu.memory_space<vmem>>, vector<32xbf16>,
        tpu.vector_store %arg17[%swap3A_1170, %swap3A_1171], %mul3A_1167 {strides = array<i32>} : memref<128x128xbf16, #tpu.memory_space<vmem>>, vector<32xbf16>,
        %add3A_1173 = arith.constant 15 : i32
        %add3A_1174 = arith.addi %mul3A_378, %add3A_1173 : i32
        %get3A_1175 = arith.index_cast %add3A_1174 : i32 to index
        %get3A_1176 = arith.constant 16 : index
        %get3A_1177 = tpu.vector_load %arg15[%get3A_1175, %get3A_1176] {strides = array<i32>} : memref<128x64xi32, #tpu.memory_space<vmem>>, vector<16xi32>,
        %bitcast3A_1178 = vector.bitcast %get3A_1177 : vector<16xi32> to vector<32xbf16>
        %mul3A_1179 = arith.mulf %bitcast3A_1178, %pack3A_1160 : vector<32xbf16>
        %add3A_1180 = arith.constant 15 : i32
        %add3A_1181 = arith.addi %mul3A_378, %add3A_1180 : i32
        %swap3A_1182 = arith.index_cast %add3A_1181 : i32 to index
        %swap3A_1183 = arith.constant 32 : index
        %swap3A_1184 = tpu.vector_load %arg17[%swap3A_1182, %swap3A_1183] {strides = array<i32>} : memref<128x128xbf16, #tpu.memory_space<vmem>>, vector<32xbf16>,
        tpu.vector_store %arg17[%swap3A_1182, %swap3A_1183], %mul3A_1179 {strides = array<i32>} : memref<128x128xbf16, #tpu.memory_space<vmem>>, vector<32xbf16>,
        %add3A_1185 = arith.constant 15 : i32
        %add3A_1186 = arith.addi %mul3A_378, %add3A_1185 : i32
        %get3A_1187 = arith.index_cast %add3A_1186 : i32 to index
        %get3A_1188 = arith.constant 32 : index
        %get3A_1189 = tpu.vector_load %arg15[%get3A_1187, %get3A_1188] {strides = array<i32>} : memref<128x64xi32, #tpu.memory_space<vmem>>, vector<16xi32>,
        %bitcast3A_1190 = vector.bitcast %get3A_1189 : vector<16xi32> to vector<32xbf16>
        %mul3A_1191 = arith.mulf %bitcast3A_1190, %pack3A_1160 : vector<32xbf16>
        %add3A_1192 = arith.constant 15 : i32
        %add3A_1193 = arith.addi %mul3A_378, %add3A_1192 : i32
        %swap3A_1194 = arith.index_cast %add3A_1193 : i32 to index
        %swap3A_1195 = arith.constant 64 : index
        %swap3A_1196 = tpu.vector_load %arg17[%swap3A_1194, %swap3A_1195] {strides = array<i32>} : memref<128x128xbf16, #tpu.memory_space<vmem>>, vector<32xbf16>,
        tpu.vector_store %arg17[%swap3A_1194, %swap3A_1195], %mul3A_1191 {strides = array<i32>} : memref<128x128xbf16, #tpu.memory_space<vmem>>, vector<32xbf16>,
        %add3A_1197 = arith.constant 15 : i32
        %add3A_1198 = arith.addi %mul3A_378, %add3A_1197 : i32
        %get3A_1199 = arith.index_cast %add3A_1198 : i32 to index
        %get3A_1200 = arith.constant 48 : index
        %get3A_1201 = tpu.vector_load %arg15[%get3A_1199, %get3A_1200] {strides = array<i32>} : memref<128x64xi32, #tpu.memory_space<vmem>>, vector<16xi32>,
        %bitcast3A_1202 = vector.bitcast %get3A_1201 : vector<16xi32> to vector<32xbf16>
        %mul3A_1203 = arith.mulf %bitcast3A_1202, %pack3A_1160 : vector<32xbf16>
        %add3A_1204 = arith.constant 15 : i32
        %add3A_1205 = arith.addi %mul3A_378, %add3A_1204 : i32
        %swap3A_1206 = arith.index_cast %add3A_1205 : i32 to index
        %swap3A_1207 = arith.constant 96 : index
        %swap3A_1208 = tpu.vector_load %arg17[%swap3A_1206, %swap3A_1207] {strides = array<i32>} : memref<128x128xbf16, #tpu.memory_space<vmem>>, vector<32xbf16>,
        tpu.vector_store %arg17[%swap3A_1206, %swap3A_1207], %mul3A_1203 {strides = array<i32>} : memref<128x128xbf16, #tpu.memory_space<vmem>>, vector<32xbf16>,
      }
      %scan3A_266 = arith.constant 8 : i32
      %dma_start3A_267 = arith.constant 0 : i32
      %dma_start3A_268 = arith.constant 0 : i32
      %dma_start3A_269 = tpu.memref_slice %arg20[%dma_start3A_267, %dma_start3A_268] : memref<10240x128xbf16, #tpu.memory_space<vmem_shared>> -> memref<10240x128xbf16, #tpu.memory_space<vmem_shared>>
      tpu.enqueue_indirect_dma source(%arg17 : memref<128x128xbf16, #tpu.memory_space<vmem>>) target(%dma_start3A_269 : memref<10240x128xbf16, #tpu.memory_space<vmem_shared>>) offsets(%arg10 : memref<128xi32, #tpu.memory_space<vmem>>) semaphore(%arg25 : memref<!tpu.dma_semaphore, #tpu.memory_space<semaphore_mem>>) {add = true}
      %add3A_270 = arith.constant 2 : i32
      %add3A_271 = arith.addi %mul3A_210, %add3A_270 : i32
      %mul3A_272 = arith.constant 128 : i32
      %mul3A_273 = arith.muli %add3A_271, %mul3A_272 : i32
      %add3A_274 = arith.addi %mul3A_107, %mul3A_273 : i32
      %dma_start3A_275 = tpu.memref_slice %arg4[%add3A_274] : memref<335872xi32, #tpu.memory_space<hbm>> -> memref<128xi32, #tpu.memory_space<hbm>>
      %dma_start3A_276 = tpu.memref_slice %arg4[%add3A_274] : memref<335872xi32, #tpu.memory_space<hbm>> -> memref<128xi32, #tpu.memory_space<hbm>>
      tpu.enqueue_dma source(%dma_start3A_276 : memref<128xi32, #tpu.memory_space<hbm>>) target(%arg8 : memref<128xi32, #tpu.memory_space<vmem>>) target_semaphore(%arg23 : memref<!tpu.dma_semaphore, #tpu.memory_space<semaphore_mem>>)
      %add3A_277 = arith.constant 2 : i32
      %add3A_278 = arith.addi %mul3A_210, %add3A_277 : i32
      %mul3A_279 = arith.constant 128 : i32
      %mul3A_280 = arith.muli %add3A_278, %mul3A_279 : i32
      %add3A_281 = arith.addi %mul3A_107, %mul3A_280 : i32
      %dma_start3A_282 = tpu.memref_slice %arg5[%add3A_281] : memref<335872xf32, #tpu.memory_space<hbm>> -> memref<128xf32, #tpu.memory_space<hbm>>
      %dma_start3A_283 = tpu.memref_slice %arg5[%add3A_281] : memref<335872xf32, #tpu.memory_space<hbm>> -> memref<128xf32, #tpu.memory_space<hbm>>
      tpu.enqueue_dma source(%dma_start3A_283 : memref<128xf32, #tpu.memory_space<hbm>>) target(%arg13 : memref<128xf32, #tpu.memory_space<vmem>>) target_semaphore(%arg23 : memref<!tpu.dma_semaphore, #tpu.memory_space<semaphore_mem>>)
      %add3A_284 = arith.constant 2 : i32
      %add3A_285 = arith.addi %mul3A_210, %add3A_284 : i32
      %dma_start3A_286 = arith.constant 0 : i32
      %dma_start3A_287 = tpu.memref_slice %arg7[%add3A_285, %dma_start3A_286] : memref<82x128xi32, #tpu.memory_space<vmem>> -> memref<1x128xi32, #tpu.memory_space<vmem>>
      %dma_start3A_288 = tpu.memref_squeeze %dma_start3A_287 : memref<1x128xi32, #tpu.memory_space<vmem>> -> memref<128xi32, #tpu.memory_space<vmem>>
      %dma_start3A_289 = arith.constant 0 : i32
      %dma_start3A_290 = arith.constant 0 : i32
      %dma_start3A_291 = tpu.memref_slice %arg19[%dma_start3A_289, %dma_start3A_290] : memref<10240x64xi32, #tpu.memory_space<vmem_shared>> -> memref<10240x64xi32, #tpu.memory_space<vmem_shared>>
      tpu.enqueue_indirect_dma source(%dma_start3A_291 : memref<10240x64xi32, #tpu.memory_space<vmem_shared>>) target(%arg15 : memref<128x64xi32, #tpu.memory_space<vmem>>) offsets(%dma_start3A_288 : memref<128xi32, #tpu.memory_space<vmem>>) semaphore(%arg21 : memref<!tpu.dma_semaphore, #tpu.memory_space<semaphore_mem>>)
      %add3A_292 = arith.constant 1 : i32
      %add3A_293 = arith.addi %mul3A_210, %add3A_292 : i32
      %dma_wait3A_294 = arith.constant 0 : i32
      %dma_wait3A_295 = tpu.memref_slice %arg7[%add3A_293, %dma_wait3A_294] : memref<82x128xi32, #tpu.memory_space<vmem>> -> memref<1x128xi32, #tpu.memory_space<vmem>>
      %dma_wait3A_296 = tpu.memref_squeeze %dma_wait3A_295 : memref<1x128xi32, #tpu.memory_space<vmem>> -> memref<128xi32, #tpu.memory_space<vmem>>
      %dma_wait3A_297 = arith.constant 0 : i32
      %dma_wait3A_298 = arith.constant 0 : i32
      %dma_wait3A_299 = tpu.memref_slice %arg19[%dma_wait3A_297, %dma_wait3A_298] : memref<10240x64xi32, #tpu.memory_space<vmem_shared>> -> memref<10240x64xi32, #tpu.memory_space<vmem_shared>>
      tpu.wait_indirect_dma semaphore(%arg22 : memref<!tpu.dma_semaphore, #tpu.memory_space<semaphore_mem>>) src(%dma_wait3A_299 : memref<10240x64xi32, #tpu.memory_space<vmem_shared>>) dst(%arg16 : memref<128x64xi32, #tpu.memory_space<vmem>>)
      %mul3A_300 = arith.constant 128 : i32
      %mul3A_301 = arith.muli %add3A_293, %mul3A_300 : i32
      %add3A_302 = arith.addi %mul3A_107, %mul3A_301 : i32
      %dma_wait3A_303 = tpu.memref_slice %arg4[%add3A_302] : memref<335872xi32, #tpu.memory_space<hbm>> -> memref<128xi32, #tpu.memory_space<hbm>>
      %dma_wait3A_304 = tpu.memref_slice %arg4[%add3A_302] : memref<335872xi32, #tpu.memory_space<hbm>> -> memref<128xi32, #tpu.memory_space<hbm>>
      tpu.wait_dma2 semaphore(%arg24 : memref<!tpu.dma_semaphore, #tpu.memory_space<semaphore_mem>>) src(%dma_wait3A_304 : memref<128xi32, #tpu.memory_space<hbm>>) dst(%arg9 : memref<128xi32, #tpu.memory_space<vmem>>)
      %mul3A_305 = arith.constant 128 : i32
      %mul3A_306 = arith.muli %add3A_293, %mul3A_305 : i32
      %add3A_307 = arith.addi %mul3A_107, %mul3A_306 : i32
      %dma_wait3A_308 = tpu.memref_slice %arg5[%add3A_307] : memref<335872xf32, #tpu.memory_space<hbm>> -> memref<128xf32, #tpu.memory_space<hbm>>
      %dma_wait3A_309 = tpu.memref_slice %arg5[%add3A_307] : memref<335872xf32, #tpu.memory_space<hbm>> -> memref<128xf32, #tpu.memory_space<hbm>>
      tpu.wait_dma2 semaphore(%arg24 : memref<!tpu.dma_semaphore, #tpu.memory_space<semaphore_mem>>) src(%dma_wait3A_309 : memref<128xf32, #tpu.memory_space<hbm>>) dst(%arg14 : memref<128xf32, #tpu.memory_space<vmem>>)
      %dma_wait3A_310 = arith.constant 0 : i32
      %dma_wait3A_311 = arith.constant 0 : i32
      %dma_wait3A_312 = tpu.memref_slice %arg20[%dma_wait3A_310, %dma_wait3A_311] : memref<10240x128xbf16, #tpu.memory_space<vmem_shared>> -> memref<10240x128xbf16, #tpu.memory_space<vmem_shared>>
      tpu.wait_indirect_dma semaphore(%arg26 : memref<!tpu.dma_semaphore, #tpu.memory_space<semaphore_mem>>) src(%arg18 : memref<128x128xbf16, #tpu.memory_space<vmem>>) dst(%dma_wait3A_312 : memref<10240x128xbf16, #tpu.memory_space<vmem_shared>>)
      %get3A_313 = arith.constant 0 : index
      %get3A_314 = tpu.vector_load %arg9[%get3A_313] {strides = array<i32>} : memref<128xi32, #tpu.memory_space<vmem>>, vector<16xi32>,
      %swap3A_315 = arith.constant 0 : index
      %swap3A_316 = tpu.vector_load %arg11[%swap3A_315] {strides = array<i32>} : memref<128xi32, #tpu.memory_space<vmem>>, vector<16xi32>,
      tpu.vector_store %arg11[%swap3A_315], %get3A_314 {strides = array<i32>} : memref<128xi32, #tpu.memory_space<vmem>>, vector<16xi32>,
      %get3A_317 = arith.constant 16 : index
      %get3A_318 = tpu.vector_load %arg9[%get3A_317] {strides = array<i32>} : memref<128xi32, #tpu.memory_space<vmem>>, vector<16xi32>,
      %swap3A_319 = arith.constant 16 : index
      %swap3A_320 = tpu.vector_load %arg11[%swap3A_319] {strides = array<i32>} : memref<128xi32, #tpu.memory_space<vmem>>, vector<16xi32>,
      tpu.vector_store %arg11[%swap3A_319], %get3A_318 {strides = array<i32>} : memref<128xi32, #tpu.memory_space<vmem>>, vector<16xi32>,
      %get3A_321 = arith.constant 32 : index
      %get3A_322 = tpu.vector_load %arg9[%get3A_321] {strides = array<i32>} : memref<128xi32, #tpu.memory_space<vmem>>, vector<16xi32>,
      %swap3A_323 = arith.constant 32 : index
      %swap3A_324 = tpu.vector_load %arg11[%swap3A_323] {strides = array<i32>} : memref<128xi32, #tpu.memory_space<vmem>>, vector<16xi32>,
      tpu.vector_store %arg11[%swap3A_323], %get3A_322 {strides = array<i32>} : memref<128xi32, #tpu.memory_space<vmem>>, vector<16xi32>,
      %get3A_325 = arith.constant 48 : index
      %get3A_326 = tpu.vector_load %arg9[%get3A_325] {strides = array<i32>} : memref<128xi32, #tpu.memory_space<vmem>>, vector<16xi32>,
      %swap3A_327 = arith.constant 48 : index
      %swap3A_328 = tpu.vector_load %arg11[%swap3A_327] {strides = array<i32>} : memref<128xi32, #tpu.memory_space<vmem>>, vector<16xi32>,
      tpu.vector_store %arg11[%swap3A_327], %get3A_326 {strides = array<i32>} : memref<128xi32, #tpu.memory_space<vmem>>, vector<16xi32>,
      %get3A_329 = arith.constant 64 : index
      %get3A_330 = tpu.vector_load %arg9[%get3A_329] {strides = array<i32>} : memref<128xi32, #tpu.memory_space<vmem>>, vector<16xi32>,
      %swap3A_331 = arith.constant 64 : index
      %swap3A_332 = tpu.vector_load %arg11[%swap3A_331] {strides = array<i32>} : memref<128xi32, #tpu.memory_space<vmem>>, vector<16xi32>,
      tpu.vector_store %arg11[%swap3A_331], %get3A_330 {strides = array<i32>} : memref<128xi32, #tpu.memory_space<vmem>>, vector<16xi32>,
      %get3A_333 = arith.constant 80 : index
      %get3A_334 = tpu.vector_load %arg9[%get3A_333] {strides = array<i32>} : memref<128xi32, #tpu.memory_space<vmem>>, vector<16xi32>,
      %swap3A_335 = arith.constant 80 : index
      %swap3A_336 = tpu.vector_load %arg11[%swap3A_335] {strides = array<i32>} : memref<128xi32, #tpu.memory_space<vmem>>, vector<16xi32>,
      tpu.vector_store %arg11[%swap3A_335], %get3A_334 {strides = array<i32>} : memref<128xi32, #tpu.memory_space<vmem>>, vector<16xi32>,
      %get3A_337 = arith.constant 96 : index
      %get3A_338 = tpu.vector_load %arg9[%get3A_337] {strides = array<i32>} : memref<128xi32, #tpu.memory_space<vmem>>, vector<16xi32>,
      %swap3A_339 = arith.constant 96 : index
      %swap3A_340 = tpu.vector_load %arg11[%swap3A_339] {strides = array<i32>} : memref<128xi32, #tpu.memory_space<vmem>>, vector<16xi32>,
      tpu.vector_store %arg11[%swap3A_339], %get3A_338 {strides = array<i32>} : memref<128xi32, #tpu.memory_space<vmem>>, vector<16xi32>,
      %get3A_341 = arith.constant 112 : index
      %get3A_342 = tpu.vector_load %arg9[%get3A_341] {strides = array<i32>} : memref<128xi32, #tpu.memory_space<vmem>>, vector<16xi32>,
      %swap3A_343 = arith.constant 112 : index
      %swap3A_344 = tpu.vector_load %arg11[%swap3A_343] {strides = array<i32>} : memref<128xi32, #tpu.memory_space<vmem>>, vector<16xi32>,
      tpu.vector_store %arg11[%swap3A_343], %get3A_342 {strides = array<i32>} : memref<128xi32, #tpu.memory_space<vmem>>, vector<16xi32>,
      %scan3A_345 = arith.constant 0 : i32
      %scan3A_346 = arith.constant 0 : i32
      %scan3A_347 = arith.constant 8 : i32
      %scan3A_348 = arith.addi %scan3A_346, %scan3A_347 : i32
      %scan3A_349 = arith.constant 1 : i32
      scf.for %scan3A_376 = %scan3A_346 to %scan3A_348 step %scan3A_349  : i32 {
        %mul3A_377 = arith.constant 16 : i32
        %mul3A_378 = arith.muli %scan3A_376, %mul3A_377 : i32
        %get3A_379 = arith.index_cast %mul3A_378 : i32 to index
        %get3A_380 = tpu.vector_load %arg14[%get3A_379] {strides = array<i32>} : memref<128xf32, #tpu.memory_space<vmem>>, vector<16xf32>,
        %slice3A = vector.extract_strided_slice %get3A_380 {offsets = [0], sizes = [1], strides = [1]} : vector<16xf32> to vector<1xf32>
        %squeeze3A = vector.extract %slice3A[0] : f32 from vector<1xf32>
        %broadcast_in_dim3A_381 = vector.broadcast %squeeze3A : f32 to vector<16xf32>
        %pack3A = tpu.pack_subelements %broadcast_in_dim3A_381, %broadcast_in_dim3A_381 {pack_format = #tpu.pack_format<interleaved>, positions = array<i32: 0, 1>} : vector<16xf32>, vector<16xf32> -> vector<32xbf16>
        %add3A_382 = arith.constant 0 : i32
        %add3A_383 = arith.addi %mul3A_378, %add3A_382 : i32
        %get3A_384 = arith.index_cast %add3A_383 : i32 to index
        %get3A_385 = arith.constant 0 : index
        %get3A_386 = tpu.vector_load %arg16[%get3A_384, %get3A_385] {strides = array<i32>} : memref<128x64xi32, #tpu.memory_space<vmem>>, vector<16xi32>,
        %bitcast3A = vector.bitcast %get3A_386 : vector<16xi32> to vector<32xbf16>
        %mul3A_387 = arith.mulf %bitcast3A, %pack3A : vector<32xbf16>
        %add3A_388 = arith.constant 0 : i32
        %add3A_389 = arith.addi %mul3A_378, %add3A_388 : i32
        %swap3A_390 = arith.index_cast %add3A_389 : i32 to index
        %swap3A_391 = arith.constant 0 : index
        %swap3A_392 = tpu.vector_load %arg18[%swap3A_390, %swap3A_391] {strides = array<i32>} : memref<128x128xbf16, #tpu.memory_space<vmem>>, vector<32xbf16>,
        tpu.vector_store %arg18[%swap3A_390, %swap3A_391], %mul3A_387 {strides = array<i32>} : memref<128x128xbf16, #tpu.memory_space<vmem>>, vector<32xbf16>,
        %add3A_393 = arith.constant 0 : i32
        %add3A_394 = arith.addi %mul3A_378, %add3A_393 : i32
        %get3A_395 = arith.index_cast %add3A_394 : i32 to index
        %get3A_396 = arith.constant 16 : index
        %get3A_397 = tpu.vector_load %arg16[%get3A_395, %get3A_396] {strides = array<i32>} : memref<128x64xi32, #tpu.memory_space<vmem>>, vector<16xi32>,
        %bitcast3A_398 = vector.bitcast %get3A_397 : vector<16xi32> to vector<32xbf16>
        %mul3A_399 = arith.mulf %bitcast3A_398, %pack3A : vector<32xbf16>
        %add3A_400 = arith.constant 0 : i32
        %add3A_401 = arith.addi %mul3A_378, %add3A_400 : i32
        %swap3A_402 = arith.index_cast %add3A_401 : i32 to index
        %swap3A_403 = arith.constant 32 : index
        %swap3A_404 = tpu.vector_load %arg18[%swap3A_402, %swap3A_403] {strides = array<i32>} : memref<128x128xbf16, #tpu.memory_space<vmem>>, vector<32xbf16>,
        tpu.vector_store %arg18[%swap3A_402, %swap3A_403], %mul3A_399 {strides = array<i32>} : memref<128x128xbf16, #tpu.memory_space<vmem>>, vector<32xbf16>,
        %add3A_405 = arith.constant 0 : i32
        %add3A_406 = arith.addi %mul3A_378, %add3A_405 : i32
        %get3A_407 = arith.index_cast %add3A_406 : i32 to index
        %get3A_408 = arith.constant 32 : index
        %get3A_409 = tpu.vector_load %arg16[%get3A_407, %get3A_408] {strides = array<i32>} : memref<128x64xi32, #tpu.memory_space<vmem>>, vector<16xi32>,
        %bitcast3A_410 = vector.bitcast %get3A_409 : vector<16xi32> to vector<32xbf16>
        %mul3A_411 = arith.mulf %bitcast3A_410, %pack3A : vector<32xbf16>
        %add3A_412 = arith.constant 0 : i32
        %add3A_413 = arith.addi %mul3A_378, %add3A_412 : i32
        %swap3A_414 = arith.index_cast %add3A_413 : i32 to index
        %swap3A_415 = arith.constant 64 : index
        %swap3A_416 = tpu.vector_load %arg18[%swap3A_414, %swap3A_415] {strides = array<i32>} : memref<128x128xbf16, #tpu.memory_space<vmem>>, vector<32xbf16>,
        tpu.vector_store %arg18[%swap3A_414, %swap3A_415], %mul3A_411 {strides = array<i32>} : memref<128x128xbf16, #tpu.memory_space<vmem>>, vector<32xbf16>,
        %add3A_417 = arith.constant 0 : i32
        %add3A_418 = arith.addi %mul3A_378, %add3A_417 : i32
        %get3A_419 = arith.index_cast %add3A_418 : i32 to index
        %get3A_420 = arith.constant 48 : index
        %get3A_421 = tpu.vector_load %arg16[%get3A_419, %get3A_420] {strides = array<i32>} : memref<128x64xi32, #tpu.memory_space<vmem>>, vector<16xi32>,
        %bitcast3A_422 = vector.bitcast %get3A_421 : vector<16xi32> to vector<32xbf16>
        %mul3A_423 = arith.mulf %bitcast3A_422, %pack3A : vector<32xbf16>
        %add3A_424 = arith.constant 0 : i32
        %add3A_425 = arith.addi %mul3A_378, %add3A_424 : i32
        %swap3A_426 = arith.index_cast %add3A_425 : i32 to index
        %swap3A_427 = arith.constant 96 : index
        %swap3A_428 = tpu.vector_load %arg18[%swap3A_426, %swap3A_427] {strides = array<i32>} : memref<128x128xbf16, #tpu.memory_space<vmem>>, vector<32xbf16>,
        tpu.vector_store %arg18[%swap3A_426, %swap3A_427], %mul3A_423 {strides = array<i32>} : memref<128x128xbf16, #tpu.memory_space<vmem>>, vector<32xbf16>,
        %slice3A_429 = vector.extract_strided_slice %get3A_380 {offsets = [1], sizes = [1], strides = [1]} : vector<16xf32> to vector<1xf32>
        %squeeze3A_430 = vector.extract %slice3A_429[0] : f32 from vector<1xf32>
        %broadcast_in_dim3A_431 = vector.broadcast %squeeze3A_430 : f32 to vector<16xf32>
        %pack3A_432 = tpu.pack_subelements %broadcast_in_dim3A_431, %broadcast_in_dim3A_431 {pack_format = #tpu.pack_format<interleaved>, positions = array<i32: 0, 1>} : vector<16xf32>, vector<16xf32> -> vector<32xbf16>
        %add3A_433 = arith.constant 1 : i32
        %add3A_434 = arith.addi %mul3A_378, %add3A_433 : i32
        %get3A_435 = arith.index_cast %add3A_434 : i32 to index
        %get3A_436 = arith.constant 0 : index
        %get3A_437 = tpu.vector_load %arg16[%get3A_435, %get3A_436] {strides = array<i32>} : memref<128x64xi32, #tpu.memory_space<vmem>>, vector<16xi32>,
        %bitcast3A_438 = vector.bitcast %get3A_437 : vector<16xi32> to vector<32xbf16>
        %mul3A_439 = arith.mulf %bitcast3A_438, %pack3A_432 : vector<32xbf16>
        %add3A_440 = arith.constant 1 : i32
        %add3A_441 = arith.addi %mul3A_378, %add3A_440 : i32
        %swap3A_442 = arith.index_cast %add3A_441 : i32 to index
        %swap3A_443 = arith.constant 0 : index
        %swap3A_444 = tpu.vector_load %arg18[%swap3A_442, %swap3A_443] {strides = array<i32>} : memref<128x128xbf16, #tpu.memory_space<vmem>>, vector<32xbf16>,
        tpu.vector_store %arg18[%swap3A_442, %swap3A_443], %mul3A_439 {strides = array<i32>} : memref<128x128xbf16, #tpu.memory_space<vmem>>, vector<32xbf16>,
        %add3A_445 = arith.constant 1 : i32
        %add3A_446 = arith.addi %mul3A_378, %add3A_445 : i32
        %get3A_447 = arith.index_cast %add3A_446 : i32 to index
        %get3A_448 = arith.constant 16 : index
        %get3A_449 = tpu.vector_load %arg16[%get3A_447, %get3A_448] {strides = array<i32>} : memref<128x64xi32, #tpu.memory_space<vmem>>, vector<16xi32>,
        %bitcast3A_450 = vector.bitcast %get3A_449 : vector<16xi32> to vector<32xbf16>
        %mul3A_451 = arith.mulf %bitcast3A_450, %pack3A_432 : vector<32xbf16>
        %add3A_452 = arith.constant 1 : i32
        %add3A_453 = arith.addi %mul3A_378, %add3A_452 : i32
        %swap3A_454 = arith.index_cast %add3A_453 : i32 to index
        %swap3A_455 = arith.constant 32 : index
        %swap3A_456 = tpu.vector_load %arg18[%swap3A_454, %swap3A_455] {strides = array<i32>} : memref<128x128xbf16, #tpu.memory_space<vmem>>, vector<32xbf16>,
        tpu.vector_store %arg18[%swap3A_454, %swap3A_455], %mul3A_451 {strides = array<i32>} : memref<128x128xbf16, #tpu.memory_space<vmem>>, vector<32xbf16>,
        %add3A_457 = arith.constant 1 : i32
        %add3A_458 = arith.addi %mul3A_378, %add3A_457 : i32
        %get3A_459 = arith.index_cast %add3A_458 : i32 to index
        %get3A_460 = arith.constant 32 : index
        %get3A_461 = tpu.vector_load %arg16[%get3A_459, %get3A_460] {strides = array<i32>} : memref<128x64xi32, #tpu.memory_space<vmem>>, vector<16xi32>,
        %bitcast3A_462 = vector.bitcast %get3A_461 : vector<16xi32> to vector<32xbf16>
        %mul3A_463 = arith.mulf %bitcast3A_462, %pack3A_432 : vector<32xbf16>
        %add3A_464 = arith.constant 1 : i32
        %add3A_465 = arith.addi %mul3A_378, %add3A_464 : i32
        %swap3A_466 = arith.index_cast %add3A_465 : i32 to index
        %swap3A_467 = arith.constant 64 : index
        %swap3A_468 = tpu.vector_load %arg18[%swap3A_466, %swap3A_467] {strides = array<i32>} : memref<128x128xbf16, #tpu.memory_space<vmem>>, vector<32xbf16>,
        tpu.vector_store %arg18[%swap3A_466, %swap3A_467], %mul3A_463 {strides = array<i32>} : memref<128x128xbf16, #tpu.memory_space<vmem>>, vector<32xbf16>,
        %add3A_469 = arith.constant 1 : i32
        %add3A_470 = arith.addi %mul3A_378, %add3A_469 : i32
        %get3A_471 = arith.index_cast %add3A_470 : i32 to index
        %get3A_472 = arith.constant 48 : index
        %get3A_473 = tpu.vector_load %arg16[%get3A_471, %get3A_472] {strides = array<i32>} : memref<128x64xi32, #tpu.memory_space<vmem>>, vector<16xi32>,
        %bitcast3A_474 = vector.bitcast %get3A_473 : vector<16xi32> to vector<32xbf16>
        %mul3A_475 = arith.mulf %bitcast3A_474, %pack3A_432 : vector<32xbf16>
        %add3A_476 = arith.constant 1 : i32
        %add3A_477 = arith.addi %mul3A_378, %add3A_476 : i32
        %swap3A_478 = arith.index_cast %add3A_477 : i32 to index
        %swap3A_479 = arith.constant 96 : index
        %swap3A_480 = tpu.vector_load %arg18[%swap3A_478, %swap3A_479] {strides = array<i32>} : memref<128x128xbf16, #tpu.memory_space<vmem>>, vector<32xbf16>,
        tpu.vector_store %arg18[%swap3A_478, %swap3A_479], %mul3A_475 {strides = array<i32>} : memref<128x128xbf16, #tpu.memory_space<vmem>>, vector<32xbf16>,
        %slice3A_481 = vector.extract_strided_slice %get3A_380 {offsets = [2], sizes = [1], strides = [1]} : vector<16xf32> to vector<1xf32>
        %squeeze3A_482 = vector.extract %slice3A_481[0] : f32 from vector<1xf32>
        %broadcast_in_dim3A_483 = vector.broadcast %squeeze3A_482 : f32 to vector<16xf32>
        %pack3A_484 = tpu.pack_subelements %broadcast_in_dim3A_483, %broadcast_in_dim3A_483 {pack_format = #tpu.pack_format<interleaved>, positions = array<i32: 0, 1>} : vector<16xf32>, vector<16xf32> -> vector<32xbf16>
        %add3A_485 = arith.constant 2 : i32
        %add3A_486 = arith.addi %mul3A_378, %add3A_485 : i32
        %get3A_487 = arith.index_cast %add3A_486 : i32 to index
        %get3A_488 = arith.constant 0 : index
        %get3A_489 = tpu.vector_load %arg16[%get3A_487, %get3A_488] {strides = array<i32>} : memref<128x64xi32, #tpu.memory_space<vmem>>, vector<16xi32>,
        %bitcast3A_490 = vector.bitcast %get3A_489 : vector<16xi32> to vector<32xbf16>
        %mul3A_491 = arith.mulf %bitcast3A_490, %pack3A_484 : vector<32xbf16>
        %add3A_492 = arith.constant 2 : i32
        %add3A_493 = arith.addi %mul3A_378, %add3A_492 : i32
        %swap3A_494 = arith.index_cast %add3A_493 : i32 to index
        %swap3A_495 = arith.constant 0 : index
        %swap3A_496 = tpu.vector_load %arg18[%swap3A_494, %swap3A_495] {strides = array<i32>} : memref<128x128xbf16, #tpu.memory_space<vmem>>, vector<32xbf16>,
        tpu.vector_store %arg18[%swap3A_494, %swap3A_495], %mul3A_491 {strides = array<i32>} : memref<128x128xbf16, #tpu.memory_space<vmem>>, vector<32xbf16>,
        %add3A_497 = arith.constant 2 : i32
        %add3A_498 = arith.addi %mul3A_378, %add3A_497 : i32
        %get3A_499 = arith.index_cast %add3A_498 : i32 to index
        %get3A_500 = arith.constant 16 : index
        %get3A_501 = tpu.vector_load %arg16[%get3A_499, %get3A_500] {strides = array<i32>} : memref<128x64xi32, #tpu.memory_space<vmem>>, vector<16xi32>,
        %bitcast3A_502 = vector.bitcast %get3A_501 : vector<16xi32> to vector<32xbf16>
        %mul3A_503 = arith.mulf %bitcast3A_502, %pack3A_484 : vector<32xbf16>
        %add3A_504 = arith.constant 2 : i32
        %add3A_505 = arith.addi %mul3A_378, %add3A_504 : i32
        %swap3A_506 = arith.index_cast %add3A_505 : i32 to index
        %swap3A_507 = arith.constant 32 : index
        %swap3A_508 = tpu.vector_load %arg18[%swap3A_506, %swap3A_507] {strides = array<i32>} : memref<128x128xbf16, #tpu.memory_space<vmem>>, vector<32xbf16>,
        tpu.vector_store %arg18[%swap3A_506, %swap3A_507], %mul3A_503 {strides = array<i32>} : memref<128x128xbf16, #tpu.memory_space<vmem>>, vector<32xbf16>,
        %add3A_509 = arith.constant 2 : i32
        %add3A_510 = arith.addi %mul3A_378, %add3A_509 : i32
        %get3A_511 = arith.index_cast %add3A_510 : i32 to index
        %get3A_512 = arith.constant 32 : index
        %get3A_513 = tpu.vector_load %arg16[%get3A_511, %get3A_512] {strides = array<i32>} : memref<128x64xi32, #tpu.memory_space<vmem>>, vector<16xi32>,
        %bitcast3A_514 = vector.bitcast %get3A_513 : vector<16xi32> to vector<32xbf16>
        %mul3A_515 = arith.mulf %bitcast3A_514, %pack3A_484 : vector<32xbf16>
        %add3A_516 = arith.constant 2 : i32
        %add3A_517 = arith.addi %mul3A_378, %add3A_516 : i32
        %swap3A_518 = arith.index_cast %add3A_517 : i32 to index
        %swap3A_519 = arith.constant 64 : index
        %swap3A_520 = tpu.vector_load %arg18[%swap3A_518, %swap3A_519] {strides = array<i32>} : memref<128x128xbf16, #tpu.memory_space<vmem>>, vector<32xbf16>,
        tpu.vector_store %arg18[%swap3A_518, %swap3A_519], %mul3A_515 {strides = array<i32>} : memref<128x128xbf16, #tpu.memory_space<vmem>>, vector<32xbf16>,
        %add3A_521 = arith.constant 2 : i32
        %add3A_522 = arith.addi %mul3A_378, %add3A_521 : i32
        %get3A_523 = arith.index_cast %add3A_522 : i32 to index
        %get3A_524 = arith.constant 48 : index
        %get3A_525 = tpu.vector_load %arg16[%get3A_523, %get3A_524] {strides = array<i32>} : memref<128x64xi32, #tpu.memory_space<vmem>>, vector<16xi32>,
        %bitcast3A_526 = vector.bitcast %get3A_525 : vector<16xi32> to vector<32xbf16>
        %mul3A_527 = arith.mulf %bitcast3A_526, %pack3A_484 : vector<32xbf16>
        %add3A_528 = arith.constant 2 : i32
        %add3A_529 = arith.addi %mul3A_378, %add3A_528 : i32
        %swap3A_530 = arith.index_cast %add3A_529 : i32 to index
        %swap3A_531 = arith.constant 96 : index
        %swap3A_532 = tpu.vector_load %arg18[%swap3A_530, %swap3A_531] {strides = array<i32>} : memref<128x128xbf16, #tpu.memory_space<vmem>>, vector<32xbf16>,
        tpu.vector_store %arg18[%swap3A_530, %swap3A_531], %mul3A_527 {strides = array<i32>} : memref<128x128xbf16, #tpu.memory_space<vmem>>, vector<32xbf16>,
        %slice3A_533 = vector.extract_strided_slice %get3A_380 {offsets = [3], sizes = [1], strides = [1]} : vector<16xf32> to vector<1xf32>
        %squeeze3A_534 = vector.extract %slice3A_533[0] : f32 from vector<1xf32>
        %broadcast_in_dim3A_535 = vector.broadcast %squeeze3A_534 : f32 to vector<16xf32>
        %pack3A_536 = tpu.pack_subelements %broadcast_in_dim3A_535, %broadcast_in_dim3A_535 {pack_format = #tpu.pack_format<interleaved>, positions = array<i32: 0, 1>} : vector<16xf32>, vector<16xf32> -> vector<32xbf16>
        %add3A_537 = arith.constant 3 : i32
        %add3A_538 = arith.addi %mul3A_378, %add3A_537 : i32
        %get3A_539 = arith.index_cast %add3A_538 : i32 to index
        %get3A_540 = arith.constant 0 : index
        %get3A_541 = tpu.vector_load %arg16[%get3A_539, %get3A_540] {strides = array<i32>} : memref<128x64xi32, #tpu.memory_space<vmem>>, vector<16xi32>,
        %bitcast3A_542 = vector.bitcast %get3A_541 : vector<16xi32> to vector<32xbf16>
        %mul3A_543 = arith.mulf %bitcast3A_542, %pack3A_536 : vector<32xbf16>
        %add3A_544 = arith.constant 3 : i32
        %add3A_545 = arith.addi %mul3A_378, %add3A_544 : i32
        %swap3A_546 = arith.index_cast %add3A_545 : i32 to index
        %swap3A_547 = arith.constant 0 : index
        %swap3A_548 = tpu.vector_load %arg18[%swap3A_546, %swap3A_547] {strides = array<i32>} : memref<128x128xbf16, #tpu.memory_space<vmem>>, vector<32xbf16>,
        tpu.vector_store %arg18[%swap3A_546, %swap3A_547], %mul3A_543 {strides = array<i32>} : memref<128x128xbf16, #tpu.memory_space<vmem>>, vector<32xbf16>,
        %add3A_549 = arith.constant 3 : i32
        %add3A_550 = arith.addi %mul3A_378, %add3A_549 : i32
        %get3A_551 = arith.index_cast %add3A_550 : i32 to index
        %get3A_552 = arith.constant 16 : index
        %get3A_553 = tpu.vector_load %arg16[%get3A_551, %get3A_552] {strides = array<i32>} : memref<128x64xi32, #tpu.memory_space<vmem>>, vector<16xi32>,
        %bitcast3A_554 = vector.bitcast %get3A_553 : vector<16xi32> to vector<32xbf16>
        %mul3A_555 = arith.mulf %bitcast3A_554, %pack3A_536 : vector<32xbf16>
        %add3A_556 = arith.constant 3 : i32
        %add3A_557 = arith.addi %mul3A_378, %add3A_556 : i32
        %swap3A_558 = arith.index_cast %add3A_557 : i32 to index
        %swap3A_559 = arith.constant 32 : index
        %swap3A_560 = tpu.vector_load %arg18[%swap3A_558, %swap3A_559] {strides = array<i32>} : memref<128x128xbf16, #tpu.memory_space<vmem>>, vector<32xbf16>,
        tpu.vector_store %arg18[%swap3A_558, %swap3A_559], %mul3A_555 {strides = array<i32>} : memref<128x128xbf16, #tpu.memory_space<vmem>>, vector<32xbf16>,
        %add3A_561 = arith.constant 3 : i32
        %add3A_562 = arith.addi %mul3A_378, %add3A_561 : i32
        %get3A_563 = arith.index_cast %add3A_562 : i32 to index
        %get3A_564 = arith.constant 32 : index
        %get3A_565 = tpu.vector_load %arg16[%get3A_563, %get3A_564] {strides = array<i32>} : memref<128x64xi32, #tpu.memory_space<vmem>>, vector<16xi32>,
        %bitcast3A_566 = vector.bitcast %get3A_565 : vector<16xi32> to vector<32xbf16>
        %mul3A_567 = arith.mulf %bitcast3A_566, %pack3A_536 : vector<32xbf16>
        %add3A_568 = arith.constant 3 : i32
        %add3A_569 = arith.addi %mul3A_378, %add3A_568 : i32
        %swap3A_570 = arith.index_cast %add3A_569 : i32 to index
        %swap3A_571 = arith.constant 64 : index
        %swap3A_572 = tpu.vector_load %arg18[%swap3A_570, %swap3A_571] {strides = array<i32>} : memref<128x128xbf16, #tpu.memory_space<vmem>>, vector<32xbf16>,
        tpu.vector_store %arg18[%swap3A_570, %swap3A_571], %mul3A_567 {strides = array<i32>} : memref<128x128xbf16, #tpu.memory_space<vmem>>, vector<32xbf16>,
        %add3A_573 = arith.constant 3 : i32
        %add3A_574 = arith.addi %mul3A_378, %add3A_573 : i32
        %get3A_575 = arith.index_cast %add3A_574 : i32 to index
        %get3A_576 = arith.constant 48 : index
        %get3A_577 = tpu.vector_load %arg16[%get3A_575, %get3A_576] {strides = array<i32>} : memref<128x64xi32, #tpu.memory_space<vmem>>, vector<16xi32>,
        %bitcast3A_578 = vector.bitcast %get3A_577 : vector<16xi32> to vector<32xbf16>
        %mul3A_579 = arith.mulf %bitcast3A_578, %pack3A_536 : vector<32xbf16>
        %add3A_580 = arith.constant 3 : i32
        %add3A_581 = arith.addi %mul3A_378, %add3A_580 : i32
        %swap3A_582 = arith.index_cast %add3A_581 : i32 to index
        %swap3A_583 = arith.constant 96 : index
        %swap3A_584 = tpu.vector_load %arg18[%swap3A_582, %swap3A_583] {strides = array<i32>} : memref<128x128xbf16, #tpu.memory_space<vmem>>, vector<32xbf16>,
        tpu.vector_store %arg18[%swap3A_582, %swap3A_583], %mul3A_579 {strides = array<i32>} : memref<128x128xbf16, #tpu.memory_space<vmem>>, vector<32xbf16>,
        %slice3A_585 = vector.extract_strided_slice %get3A_380 {offsets = [4], sizes = [1], strides = [1]} : vector<16xf32> to vector<1xf32>
        %squeeze3A_586 = vector.extract %slice3A_585[0] : f32 from vector<1xf32>
        %broadcast_in_dim3A_587 = vector.broadcast %squeeze3A_586 : f32 to vector<16xf32>
        %pack3A_588 = tpu.pack_subelements %broadcast_in_dim3A_587, %broadcast_in_dim3A_587 {pack_format = #tpu.pack_format<interleaved>, positions = array<i32: 0, 1>} : vector<16xf32>, vector<16xf32> -> vector<32xbf16>
        %add3A_589 = arith.constant 4 : i32
        %add3A_590 = arith.addi %mul3A_378, %add3A_589 : i32
        %get3A_591 = arith.index_cast %add3A_590 : i32 to index
        %get3A_592 = arith.constant 0 : index
        %get3A_593 = tpu.vector_load %arg16[%get3A_591, %get3A_592] {strides = array<i32>} : memref<128x64xi32, #tpu.memory_space<vmem>>, vector<16xi32>,
        %bitcast3A_594 = vector.bitcast %get3A_593 : vector<16xi32> to vector<32xbf16>
        %mul3A_595 = arith.mulf %bitcast3A_594, %pack3A_588 : vector<32xbf16>
        %add3A_596 = arith.constant 4 : i32
        %add3A_597 = arith.addi %mul3A_378, %add3A_596 : i32
        %swap3A_598 = arith.index_cast %add3A_597 : i32 to index
        %swap3A_599 = arith.constant 0 : index
        %swap3A_600 = tpu.vector_load %arg18[%swap3A_598, %swap3A_599] {strides = array<i32>} : memref<128x128xbf16, #tpu.memory_space<vmem>>, vector<32xbf16>,
        tpu.vector_store %arg18[%swap3A_598, %swap3A_599], %mul3A_595 {strides = array<i32>} : memref<128x128xbf16, #tpu.memory_space<vmem>>, vector<32xbf16>,
        %add3A_601 = arith.constant 4 : i32
        %add3A_602 = arith.addi %mul3A_378, %add3A_601 : i32
        %get3A_603 = arith.index_cast %add3A_602 : i32 to index
        %get3A_604 = arith.constant 16 : index
        %get3A_605 = tpu.vector_load %arg16[%get3A_603, %get3A_604] {strides = array<i32>} : memref<128x64xi32, #tpu.memory_space<vmem>>, vector<16xi32>,
        %bitcast3A_606 = vector.bitcast %get3A_605 : vector<16xi32> to vector<32xbf16>
        %mul3A_607 = arith.mulf %bitcast3A_606, %pack3A_588 : vector<32xbf16>
        %add3A_608 = arith.constant 4 : i32
        %add3A_609 = arith.addi %mul3A_378, %add3A_608 : i32
        %swap3A_610 = arith.index_cast %add3A_609 : i32 to index
        %swap3A_611 = arith.constant 32 : index
        %swap3A_612 = tpu.vector_load %arg18[%swap3A_610, %swap3A_611] {strides = array<i32>} : memref<128x128xbf16, #tpu.memory_space<vmem>>, vector<32xbf16>,
        tpu.vector_store %arg18[%swap3A_610, %swap3A_611], %mul3A_607 {strides = array<i32>} : memref<128x128xbf16, #tpu.memory_space<vmem>>, vector<32xbf16>,
        %add3A_613 = arith.constant 4 : i32
        %add3A_614 = arith.addi %mul3A_378, %add3A_613 : i32
        %get3A_615 = arith.index_cast %add3A_614 : i32 to index
        %get3A_616 = arith.constant 32 : index
        %get3A_617 = tpu.vector_load %arg16[%get3A_615, %get3A_616] {strides = array<i32>} : memref<128x64xi32, #tpu.memory_space<vmem>>, vector<16xi32>,
        %bitcast3A_618 = vector.bitcast %get3A_617 : vector<16xi32> to vector<32xbf16>
        %mul3A_619 = arith.mulf %bitcast3A_618, %pack3A_588 : vector<32xbf16>
        %add3A_620 = arith.constant 4 : i32
        %add3A_621 = arith.addi %mul3A_378, %add3A_620 : i32
        %swap3A_622 = arith.index_cast %add3A_621 : i32 to index
        %swap3A_623 = arith.constant 64 : index
        %swap3A_624 = tpu.vector_load %arg18[%swap3A_622, %swap3A_623] {strides = array<i32>} : memref<128x128xbf16, #tpu.memory_space<vmem>>, vector<32xbf16>,
        tpu.vector_store %arg18[%swap3A_622, %swap3A_623], %mul3A_619 {strides = array<i32>} : memref<128x128xbf16, #tpu.memory_space<vmem>>, vector<32xbf16>,
        %add3A_625 = arith.constant 4 : i32
        %add3A_626 = arith.addi %mul3A_378, %add3A_625 : i32
        %get3A_627 = arith.index_cast %add3A_626 : i32 to index
        %get3A_628 = arith.constant 48 : index
        %get3A_629 = tpu.vector_load %arg16[%get3A_627, %get3A_628] {strides = array<i32>} : memref<128x64xi32, #tpu.memory_space<vmem>>, vector<16xi32>,
        %bitcast3A_630 = vector.bitcast %get3A_629 : vector<16xi32> to vector<32xbf16>
        %mul3A_631 = arith.mulf %bitcast3A_630, %pack3A_588 : vector<32xbf16>
        %add3A_632 = arith.constant 4 : i32
        %add3A_633 = arith.addi %mul3A_378, %add3A_632 : i32
        %swap3A_634 = arith.index_cast %add3A_633 : i32 to index
        %swap3A_635 = arith.constant 96 : index
        %swap3A_636 = tpu.vector_load %arg18[%swap3A_634, %swap3A_635] {strides = array<i32>} : memref<128x128xbf16, #tpu.memory_space<vmem>>, vector<32xbf16>,
        tpu.vector_store %arg18[%swap3A_634, %swap3A_635], %mul3A_631 {strides = array<i32>} : memref<128x128xbf16, #tpu.memory_space<vmem>>, vector<32xbf16>,
        %slice3A_637 = vector.extract_strided_slice %get3A_380 {offsets = [5], sizes = [1], strides = [1]} : vector<16xf32> to vector<1xf32>
        %squeeze3A_638 = vector.extract %slice3A_637[0] : f32 from vector<1xf32>
        %broadcast_in_dim3A_639 = vector.broadcast %squeeze3A_638 : f32 to vector<16xf32>
        %pack3A_640 = tpu.pack_subelements %broadcast_in_dim3A_639, %broadcast_in_dim3A_639 {pack_format = #tpu.pack_format<interleaved>, positions = array<i32: 0, 1>} : vector<16xf32>, vector<16xf32> -> vector<32xbf16>
        %add3A_641 = arith.constant 5 : i32
        %add3A_642 = arith.addi %mul3A_378, %add3A_641 : i32
        %get3A_643 = arith.index_cast %add3A_642 : i32 to index
        %get3A_644 = arith.constant 0 : index
        %get3A_645 = tpu.vector_load %arg16[%get3A_643, %get3A_644] {strides = array<i32>} : memref<128x64xi32, #tpu.memory_space<vmem>>, vector<16xi32>,
        %bitcast3A_646 = vector.bitcast %get3A_645 : vector<16xi32> to vector<32xbf16>
        %mul3A_647 = arith.mulf %bitcast3A_646, %pack3A_640 : vector<32xbf16>
        %add3A_648 = arith.constant 5 : i32
        %add3A_649 = arith.addi %mul3A_378, %add3A_648 : i32
        %swap3A_650 = arith.index_cast %add3A_649 : i32 to index
        %swap3A_651 = arith.constant 0 : index
        %swap3A_652 = tpu.vector_load %arg18[%swap3A_650, %swap3A_651] {strides = array<i32>} : memref<128x128xbf16, #tpu.memory_space<vmem>>, vector<32xbf16>,
        tpu.vector_store %arg18[%swap3A_650, %swap3A_651], %mul3A_647 {strides = array<i32>} : memref<128x128xbf16, #tpu.memory_space<vmem>>, vector<32xbf16>,
        %add3A_653 = arith.constant 5 : i32
        %add3A_654 = arith.addi %mul3A_378, %add3A_653 : i32
        %get3A_655 = arith.index_cast %add3A_654 : i32 to index
        %get3A_656 = arith.constant 16 : index
        %get3A_657 = tpu.vector_load %arg16[%get3A_655, %get3A_656] {strides = array<i32>} : memref<128x64xi32, #tpu.memory_space<vmem>>, vector<16xi32>,
        %bitcast3A_658 = vector.bitcast %get3A_657 : vector<16xi32> to vector<32xbf16>
        %mul3A_659 = arith.mulf %bitcast3A_658, %pack3A_640 : vector<32xbf16>
        %add3A_660 = arith.constant 5 : i32
        %add3A_661 = arith.addi %mul3A_378, %add3A_660 : i32
        %swap3A_662 = arith.index_cast %add3A_661 : i32 to index
        %swap3A_663 = arith.constant 32 : index
        %swap3A_664 = tpu.vector_load %arg18[%swap3A_662, %swap3A_663] {strides = array<i32>} : memref<128x128xbf16, #tpu.memory_space<vmem>>, vector<32xbf16>,
        tpu.vector_store %arg18[%swap3A_662, %swap3A_663], %mul3A_659 {strides = array<i32>} : memref<128x128xbf16, #tpu.memory_space<vmem>>, vector<32xbf16>,
        %add3A_665 = arith.constant 5 : i32
        %add3A_666 = arith.addi %mul3A_378, %add3A_665 : i32
        %get3A_667 = arith.index_cast %add3A_666 : i32 to index
        %get3A_668 = arith.constant 32 : index
        %get3A_669 = tpu.vector_load %arg16[%get3A_667, %get3A_668] {strides = array<i32>} : memref<128x64xi32, #tpu.memory_space<vmem>>, vector<16xi32>,
        %bitcast3A_670 = vector.bitcast %get3A_669 : vector<16xi32> to vector<32xbf16>
        %mul3A_671 = arith.mulf %bitcast3A_670, %pack3A_640 : vector<32xbf16>
        %add3A_672 = arith.constant 5 : i32
        %add3A_673 = arith.addi %mul3A_378, %add3A_672 : i32
        %swap3A_674 = arith.index_cast %add3A_673 : i32 to index
        %swap3A_675 = arith.constant 64 : index
        %swap3A_676 = tpu.vector_load %arg18[%swap3A_674, %swap3A_675] {strides = array<i32>} : memref<128x128xbf16, #tpu.memory_space<vmem>>, vector<32xbf16>,
        tpu.vector_store %arg18[%swap3A_674, %swap3A_675], %mul3A_671 {strides = array<i32>} : memref<128x128xbf16, #tpu.memory_space<vmem>>, vector<32xbf16>,
        %add3A_677 = arith.constant 5 : i32
        %add3A_678 = arith.addi %mul3A_378, %add3A_677 : i32
        %get3A_679 = arith.index_cast %add3A_678 : i32 to index
        %get3A_680 = arith.constant 48 : index
        %get3A_681 = tpu.vector_load %arg16[%get3A_679, %get3A_680] {strides = array<i32>} : memref<128x64xi32, #tpu.memory_space<vmem>>, vector<16xi32>,
        %bitcast3A_682 = vector.bitcast %get3A_681 : vector<16xi32> to vector<32xbf16>
        %mul3A_683 = arith.mulf %bitcast3A_682, %pack3A_640 : vector<32xbf16>
        %add3A_684 = arith.constant 5 : i32
        %add3A_685 = arith.addi %mul3A_378, %add3A_684 : i32
        %swap3A_686 = arith.index_cast %add3A_685 : i32 to index
        %swap3A_687 = arith.constant 96 : index
        %swap3A_688 = tpu.vector_load %arg18[%swap3A_686, %swap3A_687] {strides = array<i32>} : memref<128x128xbf16, #tpu.memory_space<vmem>>, vector<32xbf16>,
        tpu.vector_store %arg18[%swap3A_686, %swap3A_687], %mul3A_683 {strides = array<i32>} : memref<128x128xbf16, #tpu.memory_space<vmem>>, vector<32xbf16>,
        %slice3A_689 = vector.extract_strided_slice %get3A_380 {offsets = [6], sizes = [1], strides = [1]} : vector<16xf32> to vector<1xf32>
        %squeeze3A_690 = vector.extract %slice3A_689[0] : f32 from vector<1xf32>
        %broadcast_in_dim3A_691 = vector.broadcast %squeeze3A_690 : f32 to vector<16xf32>
        %pack3A_692 = tpu.pack_subelements %broadcast_in_dim3A_691, %broadcast_in_dim3A_691 {pack_format = #tpu.pack_format<interleaved>, positions = array<i32: 0, 1>} : vector<16xf32>, vector<16xf32> -> vector<32xbf16>
        %add3A_693 = arith.constant 6 : i32
        %add3A_694 = arith.addi %mul3A_378, %add3A_693 : i32
        %get3A_695 = arith.index_cast %add3A_694 : i32 to index
        %get3A_696 = arith.constant 0 : index
        %get3A_697 = tpu.vector_load %arg16[%get3A_695, %get3A_696] {strides = array<i32>} : memref<128x64xi32, #tpu.memory_space<vmem>>, vector<16xi32>,
        %bitcast3A_698 = vector.bitcast %get3A_697 : vector<16xi32> to vector<32xbf16>
        %mul3A_699 = arith.mulf %bitcast3A_698, %pack3A_692 : vector<32xbf16>
        %add3A_700 = arith.constant 6 : i32
        %add3A_701 = arith.addi %mul3A_378, %add3A_700 : i32
        %swap3A_702 = arith.index_cast %add3A_701 : i32 to index
        %swap3A_703 = arith.constant 0 : index
        %swap3A_704 = tpu.vector_load %arg18[%swap3A_702, %swap3A_703] {strides = array<i32>} : memref<128x128xbf16, #tpu.memory_space<vmem>>, vector<32xbf16>,
        tpu.vector_store %arg18[%swap3A_702, %swap3A_703], %mul3A_699 {strides = array<i32>} : memref<128x128xbf16, #tpu.memory_space<vmem>>, vector<32xbf16>,
        %add3A_705 = arith.constant 6 : i32
        %add3A_706 = arith.addi %mul3A_378, %add3A_705 : i32
        %get3A_707 = arith.index_cast %add3A_706 : i32 to index
        %get3A_708 = arith.constant 16 : index
        %get3A_709 = tpu.vector_load %arg16[%get3A_707, %get3A_708] {strides = array<i32>} : memref<128x64xi32, #tpu.memory_space<vmem>>, vector<16xi32>,
        %bitcast3A_710 = vector.bitcast %get3A_709 : vector<16xi32> to vector<32xbf16>
        %mul3A_711 = arith.mulf %bitcast3A_710, %pack3A_692 : vector<32xbf16>
        %add3A_712 = arith.constant 6 : i32
        %add3A_713 = arith.addi %mul3A_378, %add3A_712 : i32
        %swap3A_714 = arith.index_cast %add3A_713 : i32 to index
        %swap3A_715 = arith.constant 32 : index
        %swap3A_716 = tpu.vector_load %arg18[%swap3A_714, %swap3A_715] {strides = array<i32>} : memref<128x128xbf16, #tpu.memory_space<vmem>>, vector<32xbf16>,
        tpu.vector_store %arg18[%swap3A_714, %swap3A_715], %mul3A_711 {strides = array<i32>} : memref<128x128xbf16, #tpu.memory_space<vmem>>, vector<32xbf16>,
        %add3A_717 = arith.constant 6 : i32
        %add3A_718 = arith.addi %mul3A_378, %add3A_717 : i32
        %get3A_719 = arith.index_cast %add3A_718 : i32 to index
        %get3A_720 = arith.constant 32 : index
        %get3A_721 = tpu.vector_load %arg16[%get3A_719, %get3A_720] {strides = array<i32>} : memref<128x64xi32, #tpu.memory_space<vmem>>, vector<16xi32>,
        %bitcast3A_722 = vector.bitcast %get3A_721 : vector<16xi32> to vector<32xbf16>
        %mul3A_723 = arith.mulf %bitcast3A_722, %pack3A_692 : vector<32xbf16>
        %add3A_724 = arith.constant 6 : i32
        %add3A_725 = arith.addi %mul3A_378, %add3A_724 : i32
        %swap3A_726 = arith.index_cast %add3A_725 : i32 to index
        %swap3A_727 = arith.constant 64 : index
        %swap3A_728 = tpu.vector_load %arg18[%swap3A_726, %swap3A_727] {strides = array<i32>} : memref<128x128xbf16, #tpu.memory_space<vmem>>, vector<32xbf16>,
        tpu.vector_store %arg18[%swap3A_726, %swap3A_727], %mul3A_723 {strides = array<i32>} : memref<128x128xbf16, #tpu.memory_space<vmem>>, vector<32xbf16>,
        %add3A_729 = arith.constant 6 : i32
        %add3A_730 = arith.addi %mul3A_378, %add3A_729 : i32
        %get3A_731 = arith.index_cast %add3A_730 : i32 to index
        %get3A_732 = arith.constant 48 : index
        %get3A_733 = tpu.vector_load %arg16[%get3A_731, %get3A_732] {strides = array<i32>} : memref<128x64xi32, #tpu.memory_space<vmem>>, vector<16xi32>,
        %bitcast3A_734 = vector.bitcast %get3A_733 : vector<16xi32> to vector<32xbf16>
        %mul3A_735 = arith.mulf %bitcast3A_734, %pack3A_692 : vector<32xbf16>
        %add3A_736 = arith.constant 6 : i32
        %add3A_737 = arith.addi %mul3A_378, %add3A_736 : i32
        %swap3A_738 = arith.index_cast %add3A_737 : i32 to index
        %swap3A_739 = arith.constant 96 : index
        %swap3A_740 = tpu.vector_load %arg18[%swap3A_738, %swap3A_739] {strides = array<i32>} : memref<128x128xbf16, #tpu.memory_space<vmem>>, vector<32xbf16>,
        tpu.vector_store %arg18[%swap3A_738, %swap3A_739], %mul3A_735 {strides = array<i32>} : memref<128x128xbf16, #tpu.memory_space<vmem>>, vector<32xbf16>,
        %slice3A_741 = vector.extract_strided_slice %get3A_380 {offsets = [7], sizes = [1], strides = [1]} : vector<16xf32> to vector<1xf32>
        %squeeze3A_742 = vector.extract %slice3A_741[0] : f32 from vector<1xf32>
        %broadcast_in_dim3A_743 = vector.broadcast %squeeze3A_742 : f32 to vector<16xf32>
        %pack3A_744 = tpu.pack_subelements %broadcast_in_dim3A_743, %broadcast_in_dim3A_743 {pack_format = #tpu.pack_format<interleaved>, positions = array<i32: 0, 1>} : vector<16xf32>, vector<16xf32> -> vector<32xbf16>
        %add3A_745 = arith.constant 7 : i32
        %add3A_746 = arith.addi %mul3A_378, %add3A_745 : i32
        %get3A_747 = arith.index_cast %add3A_746 : i32 to index
        %get3A_748 = arith.constant 0 : index
        %get3A_749 = tpu.vector_load %arg16[%get3A_747, %get3A_748] {strides = array<i32>} : memref<128x64xi32, #tpu.memory_space<vmem>>, vector<16xi32>,
        %bitcast3A_750 = vector.bitcast %get3A_749 : vector<16xi32> to vector<32xbf16>
        %mul3A_751 = arith.mulf %bitcast3A_750, %pack3A_744 : vector<32xbf16>
        %add3A_752 = arith.constant 7 : i32
        %add3A_753 = arith.addi %mul3A_378, %add3A_752 : i32
        %swap3A_754 = arith.index_cast %add3A_753 : i32 to index
        %swap3A_755 = arith.constant 0 : index
        %swap3A_756 = tpu.vector_load %arg18[%swap3A_754, %swap3A_755] {strides = array<i32>} : memref<128x128xbf16, #tpu.memory_space<vmem>>, vector<32xbf16>,
        tpu.vector_store %arg18[%swap3A_754, %swap3A_755], %mul3A_751 {strides = array<i32>} : memref<128x128xbf16, #tpu.memory_space<vmem>>, vector<32xbf16>,
        %add3A_757 = arith.constant 7 : i32
        %add3A_758 = arith.addi %mul3A_378, %add3A_757 : i32
        %get3A_759 = arith.index_cast %add3A_758 : i32 to index
        %get3A_760 = arith.constant 16 : index
        %get3A_761 = tpu.vector_load %arg16[%get3A_759, %get3A_760] {strides = array<i32>} : memref<128x64xi32, #tpu.memory_space<vmem>>, vector<16xi32>,
        %bitcast3A_762 = vector.bitcast %get3A_761 : vector<16xi32> to vector<32xbf16>
        %mul3A_763 = arith.mulf %bitcast3A_762, %pack3A_744 : vector<32xbf16>
        %add3A_764 = arith.constant 7 : i32
        %add3A_765 = arith.addi %mul3A_378, %add3A_764 : i32
        %swap3A_766 = arith.index_cast %add3A_765 : i32 to index
        %swap3A_767 = arith.constant 32 : index
        %swap3A_768 = tpu.vector_load %arg18[%swap3A_766, %swap3A_767] {strides = array<i32>} : memref<128x128xbf16, #tpu.memory_space<vmem>>, vector<32xbf16>,
        tpu.vector_store %arg18[%swap3A_766, %swap3A_767], %mul3A_763 {strides = array<i32>} : memref<128x128xbf16, #tpu.memory_space<vmem>>, vector<32xbf16>,
        %add3A_769 = arith.constant 7 : i32
        %add3A_770 = arith.addi %mul3A_378, %add3A_769 : i32
        %get3A_771 = arith.index_cast %add3A_770 : i32 to index
        %get3A_772 = arith.constant 32 : index
        %get3A_773 = tpu.vector_load %arg16[%get3A_771, %get3A_772] {strides = array<i32>} : memref<128x64xi32, #tpu.memory_space<vmem>>, vector<16xi32>,
        %bitcast3A_774 = vector.bitcast %get3A_773 : vector<16xi32> to vector<32xbf16>
        %mul3A_775 = arith.mulf %bitcast3A_774, %pack3A_744 : vector<32xbf16>
        %add3A_776 = arith.constant 7 : i32
        %add3A_777 = arith.addi %mul3A_378, %add3A_776 : i32
        %swap3A_778 = arith.index_cast %add3A_777 : i32 to index
        %swap3A_779 = arith.constant 64 : index
        %swap3A_780 = tpu.vector_load %arg18[%swap3A_778, %swap3A_779] {strides = array<i32>} : memref<128x128xbf16, #tpu.memory_space<vmem>>, vector<32xbf16>,
        tpu.vector_store %arg18[%swap3A_778, %swap3A_779], %mul3A_775 {strides = array<i32>} : memref<128x128xbf16, #tpu.memory_space<vmem>>, vector<32xbf16>,
        %add3A_781 = arith.constant 7 : i32
        %add3A_782 = arith.addi %mul3A_378, %add3A_781 : i32
        %get3A_783 = arith.index_cast %add3A_782 : i32 to index
        %get3A_784 = arith.constant 48 : index
        %get3A_785 = tpu.vector_load %arg16[%get3A_783, %get3A_784] {strides = array<i32>} : memref<128x64xi32, #tpu.memory_space<vmem>>, vector<16xi32>,
        %bitcast3A_786 = vector.bitcast %get3A_785 : vector<16xi32> to vector<32xbf16>
        %mul3A_787 = arith.mulf %bitcast3A_786, %pack3A_744 : vector<32xbf16>
        %add3A_788 = arith.constant 7 : i32
        %add3A_789 = arith.addi %mul3A_378, %add3A_788 : i32
        %swap3A_790 = arith.index_cast %add3A_789 : i32 to index
        %swap3A_791 = arith.constant 96 : index
        %swap3A_792 = tpu.vector_load %arg18[%swap3A_790, %swap3A_791] {strides = array<i32>} : memref<128x128xbf16, #tpu.memory_space<vmem>>, vector<32xbf16>,
        tpu.vector_store %arg18[%swap3A_790, %swap3A_791], %mul3A_787 {strides = array<i32>} : memref<128x128xbf16, #tpu.memory_space<vmem>>, vector<32xbf16>,
        %slice3A_793 = vector.extract_strided_slice %get3A_380 {offsets = [8], sizes = [1], strides = [1]} : vector<16xf32> to vector<1xf32>
        %squeeze3A_794 = vector.extract %slice3A_793[0] : f32 from vector<1xf32>
        %broadcast_in_dim3A_795 = vector.broadcast %squeeze3A_794 : f32 to vector<16xf32>
        %pack3A_796 = tpu.pack_subelements %broadcast_in_dim3A_795, %broadcast_in_dim3A_795 {pack_format = #tpu.pack_format<interleaved>, positions = array<i32: 0, 1>} : vector<16xf32>, vector<16xf32> -> vector<32xbf16>
        %add3A_797 = arith.constant 8 : i32
        %add3A_798 = arith.addi %mul3A_378, %add3A_797 : i32
        %get3A_799 = arith.index_cast %add3A_798 : i32 to index
        %get3A_800 = arith.constant 0 : index
        %get3A_801 = tpu.vector_load %arg16[%get3A_799, %get3A_800] {strides = array<i32>} : memref<128x64xi32, #tpu.memory_space<vmem>>, vector<16xi32>,
        %bitcast3A_802 = vector.bitcast %get3A_801 : vector<16xi32> to vector<32xbf16>
        %mul3A_803 = arith.mulf %bitcast3A_802, %pack3A_796 : vector<32xbf16>
        %add3A_804 = arith.constant 8 : i32
        %add3A_805 = arith.addi %mul3A_378, %add3A_804 : i32
        %swap3A_806 = arith.index_cast %add3A_805 : i32 to index
        %swap3A_807 = arith.constant 0 : index
        %swap3A_808 = tpu.vector_load %arg18[%swap3A_806, %swap3A_807] {strides = array<i32>} : memref<128x128xbf16, #tpu.memory_space<vmem>>, vector<32xbf16>,
        tpu.vector_store %arg18[%swap3A_806, %swap3A_807], %mul3A_803 {strides = array<i32>} : memref<128x128xbf16, #tpu.memory_space<vmem>>, vector<32xbf16>,
        %add3A_809 = arith.constant 8 : i32
        %add3A_810 = arith.addi %mul3A_378, %add3A_809 : i32
        %get3A_811 = arith.index_cast %add3A_810 : i32 to index
        %get3A_812 = arith.constant 16 : index
        %get3A_813 = tpu.vector_load %arg16[%get3A_811, %get3A_812] {strides = array<i32>} : memref<128x64xi32, #tpu.memory_space<vmem>>, vector<16xi32>,
        %bitcast3A_814 = vector.bitcast %get3A_813 : vector<16xi32> to vector<32xbf16>
        %mul3A_815 = arith.mulf %bitcast3A_814, %pack3A_796 : vector<32xbf16>
        %add3A_816 = arith.constant 8 : i32
        %add3A_817 = arith.addi %mul3A_378, %add3A_816 : i32
        %swap3A_818 = arith.index_cast %add3A_817 : i32 to index
        %swap3A_819 = arith.constant 32 : index
        %swap3A_820 = tpu.vector_load %arg18[%swap3A_818, %swap3A_819] {strides = array<i32>} : memref<128x128xbf16, #tpu.memory_space<vmem>>, vector<32xbf16>,
        tpu.vector_store %arg18[%swap3A_818, %swap3A_819], %mul3A_815 {strides = array<i32>} : memref<128x128xbf16, #tpu.memory_space<vmem>>, vector<32xbf16>,
        %add3A_821 = arith.constant 8 : i32
        %add3A_822 = arith.addi %mul3A_378, %add3A_821 : i32
        %get3A_823 = arith.index_cast %add3A_822 : i32 to index
        %get3A_824 = arith.constant 32 : index
        %get3A_825 = tpu.vector_load %arg16[%get3A_823, %get3A_824] {strides = array<i32>} : memref<128x64xi32, #tpu.memory_space<vmem>>, vector<16xi32>,
        %bitcast3A_826 = vector.bitcast %get3A_825 : vector<16xi32> to vector<32xbf16>
        %mul3A_827 = arith.mulf %bitcast3A_826, %pack3A_796 : vector<32xbf16>
        %add3A_828 = arith.constant 8 : i32
        %add3A_829 = arith.addi %mul3A_378, %add3A_828 : i32
        %swap3A_830 = arith.index_cast %add3A_829 : i32 to index
        %swap3A_831 = arith.constant 64 : index
        %swap3A_832 = tpu.vector_load %arg18[%swap3A_830, %swap3A_831] {strides = array<i32>} : memref<128x128xbf16, #tpu.memory_space<vmem>>, vector<32xbf16>,
        tpu.vector_store %arg18[%swap3A_830, %swap3A_831], %mul3A_827 {strides = array<i32>} : memref<128x128xbf16, #tpu.memory_space<vmem>>, vector<32xbf16>,
        %add3A_833 = arith.constant 8 : i32
        %add3A_834 = arith.addi %mul3A_378, %add3A_833 : i32
        %get3A_835 = arith.index_cast %add3A_834 : i32 to index
        %get3A_836 = arith.constant 48 : index
        %get3A_837 = tpu.vector_load %arg16[%get3A_835, %get3A_836] {strides = array<i32>} : memref<128x64xi32, #tpu.memory_space<vmem>>, vector<16xi32>,
        %bitcast3A_838 = vector.bitcast %get3A_837 : vector<16xi32> to vector<32xbf16>
        %mul3A_839 = arith.mulf %bitcast3A_838, %pack3A_796 : vector<32xbf16>
        %add3A_840 = arith.constant 8 : i32
        %add3A_841 = arith.addi %mul3A_378, %add3A_840 : i32
        %swap3A_842 = arith.index_cast %add3A_841 : i32 to index
        %swap3A_843 = arith.constant 96 : index
        %swap3A_844 = tpu.vector_load %arg18[%swap3A_842, %swap3A_843] {strides = array<i32>} : memref<128x128xbf16, #tpu.memory_space<vmem>>, vector<32xbf16>,
        tpu.vector_store %arg18[%swap3A_842, %swap3A_843], %mul3A_839 {strides = array<i32>} : memref<128x128xbf16, #tpu.memory_space<vmem>>, vector<32xbf16>,
        %slice3A_845 = vector.extract_strided_slice %get3A_380 {offsets = [9], sizes = [1], strides = [1]} : vector<16xf32> to vector<1xf32>
        %squeeze3A_846 = vector.extract %slice3A_845[0] : f32 from vector<1xf32>
        %broadcast_in_dim3A_847 = vector.broadcast %squeeze3A_846 : f32 to vector<16xf32>
        %pack3A_848 = tpu.pack_subelements %broadcast_in_dim3A_847, %broadcast_in_dim3A_847 {pack_format = #tpu.pack_format<interleaved>, positions = array<i32: 0, 1>} : vector<16xf32>, vector<16xf32> -> vector<32xbf16>
        %add3A_849 = arith.constant 9 : i32
        %add3A_850 = arith.addi %mul3A_378, %add3A_849 : i32
        %get3A_851 = arith.index_cast %add3A_850 : i32 to index
        %get3A_852 = arith.constant 0 : index
        %get3A_853 = tpu.vector_load %arg16[%get3A_851, %get3A_852] {strides = array<i32>} : memref<128x64xi32, #tpu.memory_space<vmem>>, vector<16xi32>,
        %bitcast3A_854 = vector.bitcast %get3A_853 : vector<16xi32> to vector<32xbf16>
        %mul3A_855 = arith.mulf %bitcast3A_854, %pack3A_848 : vector<32xbf16>
        %add3A_856 = arith.constant 9 : i32
        %add3A_857 = arith.addi %mul3A_378, %add3A_856 : i32
        %swap3A_858 = arith.index_cast %add3A_857 : i32 to index
        %swap3A_859 = arith.constant 0 : index
        %swap3A_860 = tpu.vector_load %arg18[%swap3A_858, %swap3A_859] {strides = array<i32>} : memref<128x128xbf16, #tpu.memory_space<vmem>>, vector<32xbf16>,
        tpu.vector_store %arg18[%swap3A_858, %swap3A_859], %mul3A_855 {strides = array<i32>} : memref<128x128xbf16, #tpu.memory_space<vmem>>, vector<32xbf16>,
        %add3A_861 = arith.constant 9 : i32
        %add3A_862 = arith.addi %mul3A_378, %add3A_861 : i32
        %get3A_863 = arith.index_cast %add3A_862 : i32 to index
        %get3A_864 = arith.constant 16 : index
        %get3A_865 = tpu.vector_load %arg16[%get3A_863, %get3A_864] {strides = array<i32>} : memref<128x64xi32, #tpu.memory_space<vmem>>, vector<16xi32>,
        %bitcast3A_866 = vector.bitcast %get3A_865 : vector<16xi32> to vector<32xbf16>
        %mul3A_867 = arith.mulf %bitcast3A_866, %pack3A_848 : vector<32xbf16>
        %add3A_868 = arith.constant 9 : i32
        %add3A_869 = arith.addi %mul3A_378, %add3A_868 : i32
        %swap3A_870 = arith.index_cast %add3A_869 : i32 to index
        %swap3A_871 = arith.constant 32 : index
        %swap3A_872 = tpu.vector_load %arg18[%swap3A_870, %swap3A_871] {strides = array<i32>} : memref<128x128xbf16, #tpu.memory_space<vmem>>, vector<32xbf16>,
        tpu.vector_store %arg18[%swap3A_870, %swap3A_871], %mul3A_867 {strides = array<i32>} : memref<128x128xbf16, #tpu.memory_space<vmem>>, vector<32xbf16>,
        %add3A_873 = arith.constant 9 : i32
        %add3A_874 = arith.addi %mul3A_378, %add3A_873 : i32
        %get3A_875 = arith.index_cast %add3A_874 : i32 to index
        %get3A_876 = arith.constant 32 : index
        %get3A_877 = tpu.vector_load %arg16[%get3A_875, %get3A_876] {strides = array<i32>} : memref<128x64xi32, #tpu.memory_space<vmem>>, vector<16xi32>,
        %bitcast3A_878 = vector.bitcast %get3A_877 : vector<16xi32> to vector<32xbf16>
        %mul3A_879 = arith.mulf %bitcast3A_878, %pack3A_848 : vector<32xbf16>
        %add3A_880 = arith.constant 9 : i32
        %add3A_881 = arith.addi %mul3A_378, %add3A_880 : i32
        %swap3A_882 = arith.index_cast %add3A_881 : i32 to index
        %swap3A_883 = arith.constant 64 : index
        %swap3A_884 = tpu.vector_load %arg18[%swap3A_882, %swap3A_883] {strides = array<i32>} : memref<128x128xbf16, #tpu.memory_space<vmem>>, vector<32xbf16>,
        tpu.vector_store %arg18[%swap3A_882, %swap3A_883], %mul3A_879 {strides = array<i32>} : memref<128x128xbf16, #tpu.memory_space<vmem>>, vector<32xbf16>,
        %add3A_885 = arith.constant 9 : i32
        %add3A_886 = arith.addi %mul3A_378, %add3A_885 : i32
        %get3A_887 = arith.index_cast %add3A_886 : i32 to index
        %get3A_888 = arith.constant 48 : index
        %get3A_889 = tpu.vector_load %arg16[%get3A_887, %get3A_888] {strides = array<i32>} : memref<128x64xi32, #tpu.memory_space<vmem>>, vector<16xi32>,
        %bitcast3A_890 = vector.bitcast %get3A_889 : vector<16xi32> to vector<32xbf16>
        %mul3A_891 = arith.mulf %bitcast3A_890, %pack3A_848 : vector<32xbf16>
        %add3A_892 = arith.constant 9 : i32
        %add3A_893 = arith.addi %mul3A_378, %add3A_892 : i32
        %swap3A_894 = arith.index_cast %add3A_893 : i32 to index
        %swap3A_895 = arith.constant 96 : index
        %swap3A_896 = tpu.vector_load %arg18[%swap3A_894, %swap3A_895] {strides = array<i32>} : memref<128x128xbf16, #tpu.memory_space<vmem>>, vector<32xbf16>,
        tpu.vector_store %arg18[%swap3A_894, %swap3A_895], %mul3A_891 {strides = array<i32>} : memref<128x128xbf16, #tpu.memory_space<vmem>>, vector<32xbf16>,
        %slice3A_897 = vector.extract_strided_slice %get3A_380 {offsets = [10], sizes = [1], strides = [1]} : vector<16xf32> to vector<1xf32>
        %squeeze3A_898 = vector.extract %slice3A_897[0] : f32 from vector<1xf32>
        %broadcast_in_dim3A_899 = vector.broadcast %squeeze3A_898 : f32 to vector<16xf32>
        %pack3A_900 = tpu.pack_subelements %broadcast_in_dim3A_899, %broadcast_in_dim3A_899 {pack_format = #tpu.pack_format<interleaved>, positions = array<i32: 0, 1>} : vector<16xf32>, vector<16xf32> -> vector<32xbf16>
        %add3A_901 = arith.constant 10 : i32
        %add3A_902 = arith.addi %mul3A_378, %add3A_901 : i32
        %get3A_903 = arith.index_cast %add3A_902 : i32 to index
        %get3A_904 = arith.constant 0 : index
        %get3A_905 = tpu.vector_load %arg16[%get3A_903, %get3A_904] {strides = array<i32>} : memref<128x64xi32, #tpu.memory_space<vmem>>, vector<16xi32>,
        %bitcast3A_906 = vector.bitcast %get3A_905 : vector<16xi32> to vector<32xbf16>
        %mul3A_907 = arith.mulf %bitcast3A_906, %pack3A_900 : vector<32xbf16>
        %add3A_908 = arith.constant 10 : i32
        %add3A_909 = arith.addi %mul3A_378, %add3A_908 : i32
        %swap3A_910 = arith.index_cast %add3A_909 : i32 to index
        %swap3A_911 = arith.constant 0 : index
        %swap3A_912 = tpu.vector_load %arg18[%swap3A_910, %swap3A_911] {strides = array<i32>} : memref<128x128xbf16, #tpu.memory_space<vmem>>, vector<32xbf16>,
        tpu.vector_store %arg18[%swap3A_910, %swap3A_911], %mul3A_907 {strides = array<i32>} : memref<128x128xbf16, #tpu.memory_space<vmem>>, vector<32xbf16>,
        %add3A_913 = arith.constant 10 : i32
        %add3A_914 = arith.addi %mul3A_378, %add3A_913 : i32
        %get3A_915 = arith.index_cast %add3A_914 : i32 to index
        %get3A_916 = arith.constant 16 : index
        %get3A_917 = tpu.vector_load %arg16[%get3A_915, %get3A_916] {strides = array<i32>} : memref<128x64xi32, #tpu.memory_space<vmem>>, vector<16xi32>,
        %bitcast3A_918 = vector.bitcast %get3A_917 : vector<16xi32> to vector<32xbf16>
        %mul3A_919 = arith.mulf %bitcast3A_918, %pack3A_900 : vector<32xbf16>
        %add3A_920 = arith.constant 10 : i32
        %add3A_921 = arith.addi %mul3A_378, %add3A_920 : i32
        %swap3A_922 = arith.index_cast %add3A_921 : i32 to index
        %swap3A_923 = arith.constant 32 : index
        %swap3A_924 = tpu.vector_load %arg18[%swap3A_922, %swap3A_923] {strides = array<i32>} : memref<128x128xbf16, #tpu.memory_space<vmem>>, vector<32xbf16>,
        tpu.vector_store %arg18[%swap3A_922, %swap3A_923], %mul3A_919 {strides = array<i32>} : memref<128x128xbf16, #tpu.memory_space<vmem>>, vector<32xbf16>,
        %add3A_925 = arith.constant 10 : i32
        %add3A_926 = arith.addi %mul3A_378, %add3A_925 : i32
        %get3A_927 = arith.index_cast %add3A_926 : i32 to index
        %get3A_928 = arith.constant 32 : index
        %get3A_929 = tpu.vector_load %arg16[%get3A_927, %get3A_928] {strides = array<i32>} : memref<128x64xi32, #tpu.memory_space<vmem>>, vector<16xi32>,
        %bitcast3A_930 = vector.bitcast %get3A_929 : vector<16xi32> to vector<32xbf16>
        %mul3A_931 = arith.mulf %bitcast3A_930, %pack3A_900 : vector<32xbf16>
        %add3A_932 = arith.constant 10 : i32
        %add3A_933 = arith.addi %mul3A_378, %add3A_932 : i32
        %swap3A_934 = arith.index_cast %add3A_933 : i32 to index
        %swap3A_935 = arith.constant 64 : index
        %swap3A_936 = tpu.vector_load %arg18[%swap3A_934, %swap3A_935] {strides = array<i32>} : memref<128x128xbf16, #tpu.memory_space<vmem>>, vector<32xbf16>,
        tpu.vector_store %arg18[%swap3A_934, %swap3A_935], %mul3A_931 {strides = array<i32>} : memref<128x128xbf16, #tpu.memory_space<vmem>>, vector<32xbf16>,
        %add3A_937 = arith.constant 10 : i32
        %add3A_938 = arith.addi %mul3A_378, %add3A_937 : i32
        %get3A_939 = arith.index_cast %add3A_938 : i32 to index
        %get3A_940 = arith.constant 48 : index
        %get3A_941 = tpu.vector_load %arg16[%get3A_939, %get3A_940] {strides = array<i32>} : memref<128x64xi32, #tpu.memory_space<vmem>>, vector<16xi32>,
        %bitcast3A_942 = vector.bitcast %get3A_941 : vector<16xi32> to vector<32xbf16>
        %mul3A_943 = arith.mulf %bitcast3A_942, %pack3A_900 : vector<32xbf16>
        %add3A_944 = arith.constant 10 : i32
        %add3A_945 = arith.addi %mul3A_378, %add3A_944 : i32
        %swap3A_946 = arith.index_cast %add3A_945 : i32 to index
        %swap3A_947 = arith.constant 96 : index
        %swap3A_948 = tpu.vector_load %arg18[%swap3A_946, %swap3A_947] {strides = array<i32>} : memref<128x128xbf16, #tpu.memory_space<vmem>>, vector<32xbf16>,
        tpu.vector_store %arg18[%swap3A_946, %swap3A_947], %mul3A_943 {strides = array<i32>} : memref<128x128xbf16, #tpu.memory_space<vmem>>, vector<32xbf16>,
        %slice3A_949 = vector.extract_strided_slice %get3A_380 {offsets = [11], sizes = [1], strides = [1]} : vector<16xf32> to vector<1xf32>
        %squeeze3A_950 = vector.extract %slice3A_949[0] : f32 from vector<1xf32>
        %broadcast_in_dim3A_951 = vector.broadcast %squeeze3A_950 : f32 to vector<16xf32>
        %pack3A_952 = tpu.pack_subelements %broadcast_in_dim3A_951, %broadcast_in_dim3A_951 {pack_format = #tpu.pack_format<interleaved>, positions = array<i32: 0, 1>} : vector<16xf32>, vector<16xf32> -> vector<32xbf16>
        %add3A_953 = arith.constant 11 : i32
        %add3A_954 = arith.addi %mul3A_378, %add3A_953 : i32
        %get3A_955 = arith.index_cast %add3A_954 : i32 to index
        %get3A_956 = arith.constant 0 : index
        %get3A_957 = tpu.vector_load %arg16[%get3A_955, %get3A_956] {strides = array<i32>} : memref<128x64xi32, #tpu.memory_space<vmem>>, vector<16xi32>,
        %bitcast3A_958 = vector.bitcast %get3A_957 : vector<16xi32> to vector<32xbf16>
        %mul3A_959 = arith.mulf %bitcast3A_958, %pack3A_952 : vector<32xbf16>
        %add3A_960 = arith.constant 11 : i32
        %add3A_961 = arith.addi %mul3A_378, %add3A_960 : i32
        %swap3A_962 = arith.index_cast %add3A_961 : i32 to index
        %swap3A_963 = arith.constant 0 : index
        %swap3A_964 = tpu.vector_load %arg18[%swap3A_962, %swap3A_963] {strides = array<i32>} : memref<128x128xbf16, #tpu.memory_space<vmem>>, vector<32xbf16>,
        tpu.vector_store %arg18[%swap3A_962, %swap3A_963], %mul3A_959 {strides = array<i32>} : memref<128x128xbf16, #tpu.memory_space<vmem>>, vector<32xbf16>,
        %add3A_965 = arith.constant 11 : i32
        %add3A_966 = arith.addi %mul3A_378, %add3A_965 : i32
        %get3A_967 = arith.index_cast %add3A_966 : i32 to index
        %get3A_968 = arith.constant 16 : index
        %get3A_969 = tpu.vector_load %arg16[%get3A_967, %get3A_968] {strides = array<i32>} : memref<128x64xi32, #tpu.memory_space<vmem>>, vector<16xi32>,
        %bitcast3A_970 = vector.bitcast %get3A_969 : vector<16xi32> to vector<32xbf16>
        %mul3A_971 = arith.mulf %bitcast3A_970, %pack3A_952 : vector<32xbf16>
        %add3A_972 = arith.constant 11 : i32
        %add3A_973 = arith.addi %mul3A_378, %add3A_972 : i32
        %swap3A_974 = arith.index_cast %add3A_973 : i32 to index
        %swap3A_975 = arith.constant 32 : index
        %swap3A_976 = tpu.vector_load %arg18[%swap3A_974, %swap3A_975] {strides = array<i32>} : memref<128x128xbf16, #tpu.memory_space<vmem>>, vector<32xbf16>,
        tpu.vector_store %arg18[%swap3A_974, %swap3A_975], %mul3A_971 {strides = array<i32>} : memref<128x128xbf16, #tpu.memory_space<vmem>>, vector<32xbf16>,
        %add3A_977 = arith.constant 11 : i32
        %add3A_978 = arith.addi %mul3A_378, %add3A_977 : i32
        %get3A_979 = arith.index_cast %add3A_978 : i32 to index
        %get3A_980 = arith.constant 32 : index
        %get3A_981 = tpu.vector_load %arg16[%get3A_979, %get3A_980] {strides = array<i32>} : memref<128x64xi32, #tpu.memory_space<vmem>>, vector<16xi32>,
        %bitcast3A_982 = vector.bitcast %get3A_981 : vector<16xi32> to vector<32xbf16>
        %mul3A_983 = arith.mulf %bitcast3A_982, %pack3A_952 : vector<32xbf16>
        %add3A_984 = arith.constant 11 : i32
        %add3A_985 = arith.addi %mul3A_378, %add3A_984 : i32
        %swap3A_986 = arith.index_cast %add3A_985 : i32 to index
        %swap3A_987 = arith.constant 64 : index
        %swap3A_988 = tpu.vector_load %arg18[%swap3A_986, %swap3A_987] {strides = array<i32>} : memref<128x128xbf16, #tpu.memory_space<vmem>>, vector<32xbf16>,
        tpu.vector_store %arg18[%swap3A_986, %swap3A_987], %mul3A_983 {strides = array<i32>} : memref<128x128xbf16, #tpu.memory_space<vmem>>, vector<32xbf16>,
        %add3A_989 = arith.constant 11 : i32
        %add3A_990 = arith.addi %mul3A_378, %add3A_989 : i32
        %get3A_991 = arith.index_cast %add3A_990 : i32 to index
        %get3A_992 = arith.constant 48 : index
        %get3A_993 = tpu.vector_load %arg16[%get3A_991, %get3A_992] {strides = array<i32>} : memref<128x64xi32, #tpu.memory_space<vmem>>, vector<16xi32>,
        %bitcast3A_994 = vector.bitcast %get3A_993 : vector<16xi32> to vector<32xbf16>
        %mul3A_995 = arith.mulf %bitcast3A_994, %pack3A_952 : vector<32xbf16>
        %add3A_996 = arith.constant 11 : i32
        %add3A_997 = arith.addi %mul3A_378, %add3A_996 : i32
        %swap3A_998 = arith.index_cast %add3A_997 : i32 to index
        %swap3A_999 = arith.constant 96 : index
        %swap3A_1000 = tpu.vector_load %arg18[%swap3A_998, %swap3A_999] {strides = array<i32>} : memref<128x128xbf16, #tpu.memory_space<vmem>>, vector<32xbf16>,
        tpu.vector_store %arg18[%swap3A_998, %swap3A_999], %mul3A_995 {strides = array<i32>} : memref<128x128xbf16, #tpu.memory_space<vmem>>, vector<32xbf16>,
        %slice3A_1001 = vector.extract_strided_slice %get3A_380 {offsets = [12], sizes = [1], strides = [1]} : vector<16xf32> to vector<1xf32>
        %squeeze3A_1002 = vector.extract %slice3A_1001[0] : f32 from vector<1xf32>
        %broadcast_in_dim3A_1003 = vector.broadcast %squeeze3A_1002 : f32 to vector<16xf32>
        %pack3A_1004 = tpu.pack_subelements %broadcast_in_dim3A_1003, %broadcast_in_dim3A_1003 {pack_format = #tpu.pack_format<interleaved>, positions = array<i32: 0, 1>} : vector<16xf32>, vector<16xf32> -> vector<32xbf16>
        %add3A_1005 = arith.constant 12 : i32
        %add3A_1006 = arith.addi %mul3A_378, %add3A_1005 : i32
        %get3A_1007 = arith.index_cast %add3A_1006 : i32 to index
        %get3A_1008 = arith.constant 0 : index
        %get3A_1009 = tpu.vector_load %arg16[%get3A_1007, %get3A_1008] {strides = array<i32>} : memref<128x64xi32, #tpu.memory_space<vmem>>, vector<16xi32>,
        %bitcast3A_1010 = vector.bitcast %get3A_1009 : vector<16xi32> to vector<32xbf16>
        %mul3A_1011 = arith.mulf %bitcast3A_1010, %pack3A_1004 : vector<32xbf16>
        %add3A_1012 = arith.constant 12 : i32
        %add3A_1013 = arith.addi %mul3A_378, %add3A_1012 : i32
        %swap3A_1014 = arith.index_cast %add3A_1013 : i32 to index
        %swap3A_1015 = arith.constant 0 : index
        %swap3A_1016 = tpu.vector_load %arg18[%swap3A_1014, %swap3A_1015] {strides = array<i32>} : memref<128x128xbf16, #tpu.memory_space<vmem>>, vector<32xbf16>,
        tpu.vector_store %arg18[%swap3A_1014, %swap3A_1015], %mul3A_1011 {strides = array<i32>} : memref<128x128xbf16, #tpu.memory_space<vmem>>, vector<32xbf16>,
        %add3A_1017 = arith.constant 12 : i32
        %add3A_1018 = arith.addi %mul3A_378, %add3A_1017 : i32
        %get3A_1019 = arith.index_cast %add3A_1018 : i32 to index
        %get3A_1020 = arith.constant 16 : index
        %get3A_1021 = tpu.vector_load %arg16[%get3A_1019, %get3A_1020] {strides = array<i32>} : memref<128x64xi32, #tpu.memory_space<vmem>>, vector<16xi32>,
        %bitcast3A_1022 = vector.bitcast %get3A_1021 : vector<16xi32> to vector<32xbf16>
        %mul3A_1023 = arith.mulf %bitcast3A_1022, %pack3A_1004 : vector<32xbf16>
        %add3A_1024 = arith.constant 12 : i32
        %add3A_1025 = arith.addi %mul3A_378, %add3A_1024 : i32
        %swap3A_1026 = arith.index_cast %add3A_1025 : i32 to index
        %swap3A_1027 = arith.constant 32 : index
        %swap3A_1028 = tpu.vector_load %arg18[%swap3A_1026, %swap3A_1027] {strides = array<i32>} : memref<128x128xbf16, #tpu.memory_space<vmem>>, vector<32xbf16>,
        tpu.vector_store %arg18[%swap3A_1026, %swap3A_1027], %mul3A_1023 {strides = array<i32>} : memref<128x128xbf16, #tpu.memory_space<vmem>>, vector<32xbf16>,
        %add3A_1029 = arith.constant 12 : i32
        %add3A_1030 = arith.addi %mul3A_378, %add3A_1029 : i32
        %get3A_1031 = arith.index_cast %add3A_1030 : i32 to index
        %get3A_1032 = arith.constant 32 : index
        %get3A_1033 = tpu.vector_load %arg16[%get3A_1031, %get3A_1032] {strides = array<i32>} : memref<128x64xi32, #tpu.memory_space<vmem>>, vector<16xi32>,
        %bitcast3A_1034 = vector.bitcast %get3A_1033 : vector<16xi32> to vector<32xbf16>
        %mul3A_1035 = arith.mulf %bitcast3A_1034, %pack3A_1004 : vector<32xbf16>
        %add3A_1036 = arith.constant 12 : i32
        %add3A_1037 = arith.addi %mul3A_378, %add3A_1036 : i32
        %swap3A_1038 = arith.index_cast %add3A_1037 : i32 to index
        %swap3A_1039 = arith.constant 64 : index
        %swap3A_1040 = tpu.vector_load %arg18[%swap3A_1038, %swap3A_1039] {strides = array<i32>} : memref<128x128xbf16, #tpu.memory_space<vmem>>, vector<32xbf16>,
        tpu.vector_store %arg18[%swap3A_1038, %swap3A_1039], %mul3A_1035 {strides = array<i32>} : memref<128x128xbf16, #tpu.memory_space<vmem>>, vector<32xbf16>,
        %add3A_1041 = arith.constant 12 : i32
        %add3A_1042 = arith.addi %mul3A_378, %add3A_1041 : i32
        %get3A_1043 = arith.index_cast %add3A_1042 : i32 to index
        %get3A_1044 = arith.constant 48 : index
        %get3A_1045 = tpu.vector_load %arg16[%get3A_1043, %get3A_1044] {strides = array<i32>} : memref<128x64xi32, #tpu.memory_space<vmem>>, vector<16xi32>,
        %bitcast3A_1046 = vector.bitcast %get3A_1045 : vector<16xi32> to vector<32xbf16>
        %mul3A_1047 = arith.mulf %bitcast3A_1046, %pack3A_1004 : vector<32xbf16>
        %add3A_1048 = arith.constant 12 : i32
        %add3A_1049 = arith.addi %mul3A_378, %add3A_1048 : i32
        %swap3A_1050 = arith.index_cast %add3A_1049 : i32 to index
        %swap3A_1051 = arith.constant 96 : index
        %swap3A_1052 = tpu.vector_load %arg18[%swap3A_1050, %swap3A_1051] {strides = array<i32>} : memref<128x128xbf16, #tpu.memory_space<vmem>>, vector<32xbf16>,
        tpu.vector_store %arg18[%swap3A_1050, %swap3A_1051], %mul3A_1047 {strides = array<i32>} : memref<128x128xbf16, #tpu.memory_space<vmem>>, vector<32xbf16>,
        %slice3A_1053 = vector.extract_strided_slice %get3A_380 {offsets = [13], sizes = [1], strides = [1]} : vector<16xf32> to vector<1xf32>
        %squeeze3A_1054 = vector.extract %slice3A_1053[0] : f32 from vector<1xf32>
        %broadcast_in_dim3A_1055 = vector.broadcast %squeeze3A_1054 : f32 to vector<16xf32>
        %pack3A_1056 = tpu.pack_subelements %broadcast_in_dim3A_1055, %broadcast_in_dim3A_1055 {pack_format = #tpu.pack_format<interleaved>, positions = array<i32: 0, 1>} : vector<16xf32>, vector<16xf32> -> vector<32xbf16>
        %add3A_1057 = arith.constant 13 : i32
        %add3A_1058 = arith.addi %mul3A_378, %add3A_1057 : i32
        %get3A_1059 = arith.index_cast %add3A_1058 : i32 to index
        %get3A_1060 = arith.constant 0 : index
        %get3A_1061 = tpu.vector_load %arg16[%get3A_1059, %get3A_1060] {strides = array<i32>} : memref<128x64xi32, #tpu.memory_space<vmem>>, vector<16xi32>,
        %bitcast3A_1062 = vector.bitcast %get3A_1061 : vector<16xi32> to vector<32xbf16>
        %mul3A_1063 = arith.mulf %bitcast3A_1062, %pack3A_1056 : vector<32xbf16>
        %add3A_1064 = arith.constant 13 : i32
        %add3A_1065 = arith.addi %mul3A_378, %add3A_1064 : i32
        %swap3A_1066 = arith.index_cast %add3A_1065 : i32 to index
        %swap3A_1067 = arith.constant 0 : index
        %swap3A_1068 = tpu.vector_load %arg18[%swap3A_1066, %swap3A_1067] {strides = array<i32>} : memref<128x128xbf16, #tpu.memory_space<vmem>>, vector<32xbf16>,
        tpu.vector_store %arg18[%swap3A_1066, %swap3A_1067], %mul3A_1063 {strides = array<i32>} : memref<128x128xbf16, #tpu.memory_space<vmem>>, vector<32xbf16>,
        %add3A_1069 = arith.constant 13 : i32
        %add3A_1070 = arith.addi %mul3A_378, %add3A_1069 : i32
        %get3A_1071 = arith.index_cast %add3A_1070 : i32 to index
        %get3A_1072 = arith.constant 16 : index
        %get3A_1073 = tpu.vector_load %arg16[%get3A_1071, %get3A_1072] {strides = array<i32>} : memref<128x64xi32, #tpu.memory_space<vmem>>, vector<16xi32>,
        %bitcast3A_1074 = vector.bitcast %get3A_1073 : vector<16xi32> to vector<32xbf16>
        %mul3A_1075 = arith.mulf %bitcast3A_1074, %pack3A_1056 : vector<32xbf16>
        %add3A_1076 = arith.constant 13 : i32
        %add3A_1077 = arith.addi %mul3A_378, %add3A_1076 : i32
        %swap3A_1078 = arith.index_cast %add3A_1077 : i32 to index
        %swap3A_1079 = arith.constant 32 : index
        %swap3A_1080 = tpu.vector_load %arg18[%swap3A_1078, %swap3A_1079] {strides = array<i32>} : memref<128x128xbf16, #tpu.memory_space<vmem>>, vector<32xbf16>,
        tpu.vector_store %arg18[%swap3A_1078, %swap3A_1079], %mul3A_1075 {strides = array<i32>} : memref<128x128xbf16, #tpu.memory_space<vmem>>, vector<32xbf16>,
        %add3A_1081 = arith.constant 13 : i32
        %add3A_1082 = arith.addi %mul3A_378, %add3A_1081 : i32
        %get3A_1083 = arith.index_cast %add3A_1082 : i32 to index
        %get3A_1084 = arith.constant 32 : index
        %get3A_1085 = tpu.vector_load %arg16[%get3A_1083, %get3A_1084] {strides = array<i32>} : memref<128x64xi32, #tpu.memory_space<vmem>>, vector<16xi32>,
        %bitcast3A_1086 = vector.bitcast %get3A_1085 : vector<16xi32> to vector<32xbf16>
        %mul3A_1087 = arith.mulf %bitcast3A_1086, %pack3A_1056 : vector<32xbf16>
        %add3A_1088 = arith.constant 13 : i32
        %add3A_1089 = arith.addi %mul3A_378, %add3A_1088 : i32
        %swap3A_1090 = arith.index_cast %add3A_1089 : i32 to index
        %swap3A_1091 = arith.constant 64 : index
        %swap3A_1092 = tpu.vector_load %arg18[%swap3A_1090, %swap3A_1091] {strides = array<i32>} : memref<128x128xbf16, #tpu.memory_space<vmem>>, vector<32xbf16>,
        tpu.vector_store %arg18[%swap3A_1090, %swap3A_1091], %mul3A_1087 {strides = array<i32>} : memref<128x128xbf16, #tpu.memory_space<vmem>>, vector<32xbf16>,
        %add3A_1093 = arith.constant 13 : i32
        %add3A_1094 = arith.addi %mul3A_378, %add3A_1093 : i32
        %get3A_1095 = arith.index_cast %add3A_1094 : i32 to index
        %get3A_1096 = arith.constant 48 : index
        %get3A_1097 = tpu.vector_load %arg16[%get3A_1095, %get3A_1096] {strides = array<i32>} : memref<128x64xi32, #tpu.memory_space<vmem>>, vector<16xi32>,
        %bitcast3A_1098 = vector.bitcast %get3A_1097 : vector<16xi32> to vector<32xbf16>
        %mul3A_1099 = arith.mulf %bitcast3A_1098, %pack3A_1056 : vector<32xbf16>
        %add3A_1100 = arith.constant 13 : i32
        %add3A_1101 = arith.addi %mul3A_378, %add3A_1100 : i32
        %swap3A_1102 = arith.index_cast %add3A_1101 : i32 to index
        %swap3A_1103 = arith.constant 96 : index
        %swap3A_1104 = tpu.vector_load %arg18[%swap3A_1102, %swap3A_1103] {strides = array<i32>} : memref<128x128xbf16, #tpu.memory_space<vmem>>, vector<32xbf16>,
        tpu.vector_store %arg18[%swap3A_1102, %swap3A_1103], %mul3A_1099 {strides = array<i32>} : memref<128x128xbf16, #tpu.memory_space<vmem>>, vector<32xbf16>,
        %slice3A_1105 = vector.extract_strided_slice %get3A_380 {offsets = [14], sizes = [1], strides = [1]} : vector<16xf32> to vector<1xf32>
        %squeeze3A_1106 = vector.extract %slice3A_1105[0] : f32 from vector<1xf32>
        %broadcast_in_dim3A_1107 = vector.broadcast %squeeze3A_1106 : f32 to vector<16xf32>
        %pack3A_1108 = tpu.pack_subelements %broadcast_in_dim3A_1107, %broadcast_in_dim3A_1107 {pack_format = #tpu.pack_format<interleaved>, positions = array<i32: 0, 1>} : vector<16xf32>, vector<16xf32> -> vector<32xbf16>
        %add3A_1109 = arith.constant 14 : i32
        %add3A_1110 = arith.addi %mul3A_378, %add3A_1109 : i32
        %get3A_1111 = arith.index_cast %add3A_1110 : i32 to index
        %get3A_1112 = arith.constant 0 : index
        %get3A_1113 = tpu.vector_load %arg16[%get3A_1111, %get3A_1112] {strides = array<i32>} : memref<128x64xi32, #tpu.memory_space<vmem>>, vector<16xi32>,
        %bitcast3A_1114 = vector.bitcast %get3A_1113 : vector<16xi32> to vector<32xbf16>
        %mul3A_1115 = arith.mulf %bitcast3A_1114, %pack3A_1108 : vector<32xbf16>
        %add3A_1116 = arith.constant 14 : i32
        %add3A_1117 = arith.addi %mul3A_378, %add3A_1116 : i32
        %swap3A_1118 = arith.index_cast %add3A_1117 : i32 to index
        %swap3A_1119 = arith.constant 0 : index
        %swap3A_1120 = tpu.vector_load %arg18[%swap3A_1118, %swap3A_1119] {strides = array<i32>} : memref<128x128xbf16, #tpu.memory_space<vmem>>, vector<32xbf16>,
        tpu.vector_store %arg18[%swap3A_1118, %swap3A_1119], %mul3A_1115 {strides = array<i32>} : memref<128x128xbf16, #tpu.memory_space<vmem>>, vector<32xbf16>,
        %add3A_1121 = arith.constant 14 : i32
        %add3A_1122 = arith.addi %mul3A_378, %add3A_1121 : i32
        %get3A_1123 = arith.index_cast %add3A_1122 : i32 to index
        %get3A_1124 = arith.constant 16 : index
        %get3A_1125 = tpu.vector_load %arg16[%get3A_1123, %get3A_1124] {strides = array<i32>} : memref<128x64xi32, #tpu.memory_space<vmem>>, vector<16xi32>,
        %bitcast3A_1126 = vector.bitcast %get3A_1125 : vector<16xi32> to vector<32xbf16>
        %mul3A_1127 = arith.mulf %bitcast3A_1126, %pack3A_1108 : vector<32xbf16>
        %add3A_1128 = arith.constant 14 : i32
        %add3A_1129 = arith.addi %mul3A_378, %add3A_1128 : i32
        %swap3A_1130 = arith.index_cast %add3A_1129 : i32 to index
        %swap3A_1131 = arith.constant 32 : index
        %swap3A_1132 = tpu.vector_load %arg18[%swap3A_1130, %swap3A_1131] {strides = array<i32>} : memref<128x128xbf16, #tpu.memory_space<vmem>>, vector<32xbf16>,
        tpu.vector_store %arg18[%swap3A_1130, %swap3A_1131], %mul3A_1127 {strides = array<i32>} : memref<128x128xbf16, #tpu.memory_space<vmem>>, vector<32xbf16>,
        %add3A_1133 = arith.constant 14 : i32
        %add3A_1134 = arith.addi %mul3A_378, %add3A_1133 : i32
        %get3A_1135 = arith.index_cast %add3A_1134 : i32 to index
        %get3A_1136 = arith.constant 32 : index
        %get3A_1137 = tpu.vector_load %arg16[%get3A_1135, %get3A_1136] {strides = array<i32>} : memref<128x64xi32, #tpu.memory_space<vmem>>, vector<16xi32>,
        %bitcast3A_1138 = vector.bitcast %get3A_1137 : vector<16xi32> to vector<32xbf16>
        %mul3A_1139 = arith.mulf %bitcast3A_1138, %pack3A_1108 : vector<32xbf16>
        %add3A_1140 = arith.constant 14 : i32
        %add3A_1141 = arith.addi %mul3A_378, %add3A_1140 : i32
        %swap3A_1142 = arith.index_cast %add3A_1141 : i32 to index
        %swap3A_1143 = arith.constant 64 : index
        %swap3A_1144 = tpu.vector_load %arg18[%swap3A_1142, %swap3A_1143] {strides = array<i32>} : memref<128x128xbf16, #tpu.memory_space<vmem>>, vector<32xbf16>,
        tpu.vector_store %arg18[%swap3A_1142, %swap3A_1143], %mul3A_1139 {strides = array<i32>} : memref<128x128xbf16, #tpu.memory_space<vmem>>, vector<32xbf16>,
        %add3A_1145 = arith.constant 14 : i32
        %add3A_1146 = arith.addi %mul3A_378, %add3A_1145 : i32
        %get3A_1147 = arith.index_cast %add3A_1146 : i32 to index
        %get3A_1148 = arith.constant 48 : index
        %get3A_1149 = tpu.vector_load %arg16[%get3A_1147, %get3A_1148] {strides = array<i32>} : memref<128x64xi32, #tpu.memory_space<vmem>>, vector<16xi32>,
        %bitcast3A_1150 = vector.bitcast %get3A_1149 : vector<16xi32> to vector<32xbf16>
        %mul3A_1151 = arith.mulf %bitcast3A_1150, %pack3A_1108 : vector<32xbf16>
        %add3A_1152 = arith.constant 14 : i32
        %add3A_1153 = arith.addi %mul3A_378, %add3A_1152 : i32
        %swap3A_1154 = arith.index_cast %add3A_1153 : i32 to index
        %swap3A_1155 = arith.constant 96 : index
        %swap3A_1156 = tpu.vector_load %arg18[%swap3A_1154, %swap3A_1155] {strides = array<i32>} : memref<128x128xbf16, #tpu.memory_space<vmem>>, vector<32xbf16>,
        tpu.vector_store %arg18[%swap3A_1154, %swap3A_1155], %mul3A_1151 {strides = array<i32>} : memref<128x128xbf16, #tpu.memory_space<vmem>>, vector<32xbf16>,
        %slice3A_1157 = vector.extract_strided_slice %get3A_380 {offsets = [15], sizes = [1], strides = [1]} : vector<16xf32> to vector<1xf32>
        %squeeze3A_1158 = vector.extract %slice3A_1157[0] : f32 from vector<1xf32>
        %broadcast_in_dim3A_1159 = vector.broadcast %squeeze3A_1158 : f32 to vector<16xf32>
        %pack3A_1160 = tpu.pack_subelements %broadcast_in_dim3A_1159, %broadcast_in_dim3A_1159 {pack_format = #tpu.pack_format<interleaved>, positions = array<i32: 0, 1>} : vector<16xf32>, vector<16xf32> -> vector<32xbf16>
        %add3A_1161 = arith.constant 15 : i32
        %add3A_1162 = arith.addi %mul3A_378, %add3A_1161 : i32
        %get3A_1163 = arith.index_cast %add3A_1162 : i32 to index
        %get3A_1164 = arith.constant 0 : index
        %get3A_1165 = tpu.vector_load %arg16[%get3A_1163, %get3A_1164] {strides = array<i32>} : memref<128x64xi32, #tpu.memory_space<vmem>>, vector<16xi32>,
        %bitcast3A_1166 = vector.bitcast %get3A_1165 : vector<16xi32> to vector<32xbf16>
        %mul3A_1167 = arith.mulf %bitcast3A_1166, %pack3A_1160 : vector<32xbf16>
        %add3A_1168 = arith.constant 15 : i32
        %add3A_1169 = arith.addi %mul3A_378, %add3A_1168 : i32
        %swap3A_1170 = arith.index_cast %add3A_1169 : i32 to index
        %swap3A_1171 = arith.constant 0 : index
        %swap3A_1172 = tpu.vector_load %arg18[%swap3A_1170, %swap3A_1171] {strides = array<i32>} : memref<128x128xbf16, #tpu.memory_space<vmem>>, vector<32xbf16>,
        tpu.vector_store %arg18[%swap3A_1170, %swap3A_1171], %mul3A_1167 {strides = array<i32>} : memref<128x128xbf16, #tpu.memory_space<vmem>>, vector<32xbf16>,
        %add3A_1173 = arith.constant 15 : i32
        %add3A_1174 = arith.addi %mul3A_378, %add3A_1173 : i32
        %get3A_1175 = arith.index_cast %add3A_1174 : i32 to index
        %get3A_1176 = arith.constant 16 : index
        %get3A_1177 = tpu.vector_load %arg16[%get3A_1175, %get3A_1176] {strides = array<i32>} : memref<128x64xi32, #tpu.memory_space<vmem>>, vector<16xi32>,
        %bitcast3A_1178 = vector.bitcast %get3A_1177 : vector<16xi32> to vector<32xbf16>
        %mul3A_1179 = arith.mulf %bitcast3A_1178, %pack3A_1160 : vector<32xbf16>
        %add3A_1180 = arith.constant 15 : i32
        %add3A_1181 = arith.addi %mul3A_378, %add3A_1180 : i32
        %swap3A_1182 = arith.index_cast %add3A_1181 : i32 to index
        %swap3A_1183 = arith.constant 32 : index
        %swap3A_1184 = tpu.vector_load %arg18[%swap3A_1182, %swap3A_1183] {strides = array<i32>} : memref<128x128xbf16, #tpu.memory_space<vmem>>, vector<32xbf16>,
        tpu.vector_store %arg18[%swap3A_1182, %swap3A_1183], %mul3A_1179 {strides = array<i32>} : memref<128x128xbf16, #tpu.memory_space<vmem>>, vector<32xbf16>,
        %add3A_1185 = arith.constant 15 : i32
        %add3A_1186 = arith.addi %mul3A_378, %add3A_1185 : i32
        %get3A_1187 = arith.index_cast %add3A_1186 : i32 to index
        %get3A_1188 = arith.constant 32 : index
        %get3A_1189 = tpu.vector_load %arg16[%get3A_1187, %get3A_1188] {strides = array<i32>} : memref<128x64xi32, #tpu.memory_space<vmem>>, vector<16xi32>,
        %bitcast3A_1190 = vector.bitcast %get3A_1189 : vector<16xi32> to vector<32xbf16>
        %mul3A_1191 = arith.mulf %bitcast3A_1190, %pack3A_1160 : vector<32xbf16>
        %add3A_1192 = arith.constant 15 : i32
        %add3A_1193 = arith.addi %mul3A_378, %add3A_1192 : i32
        %swap3A_1194 = arith.index_cast %add3A_1193 : i32 to index
        %swap3A_1195 = arith.constant 64 : index
        %swap3A_1196 = tpu.vector_load %arg18[%swap3A_1194, %swap3A_1195] {strides = array<i32>} : memref<128x128xbf16, #tpu.memory_space<vmem>>, vector<32xbf16>,
        tpu.vector_store %arg18[%swap3A_1194, %swap3A_1195], %mul3A_1191 {strides = array<i32>} : memref<128x128xbf16, #tpu.memory_space<vmem>>, vector<32xbf16>,
        %add3A_1197 = arith.constant 15 : i32
        %add3A_1198 = arith.addi %mul3A_378, %add3A_1197 : i32
        %get3A_1199 = arith.index_cast %add3A_1198 : i32 to index
        %get3A_1200 = arith.constant 48 : index
        %get3A_1201 = tpu.vector_load %arg16[%get3A_1199, %get3A_1200] {strides = array<i32>} : memref<128x64xi32, #tpu.memory_space<vmem>>, vector<16xi32>,
        %bitcast3A_1202 = vector.bitcast %get3A_1201 : vector<16xi32> to vector<32xbf16>
        %mul3A_1203 = arith.mulf %bitcast3A_1202, %pack3A_1160 : vector<32xbf16>
        %add3A_1204 = arith.constant 15 : i32
        %add3A_1205 = arith.addi %mul3A_378, %add3A_1204 : i32
        %swap3A_1206 = arith.index_cast %add3A_1205 : i32 to index
        %swap3A_1207 = arith.constant 96 : index
        %swap3A_1208 = tpu.vector_load %arg18[%swap3A_1206, %swap3A_1207] {strides = array<i32>} : memref<128x128xbf16, #tpu.memory_space<vmem>>, vector<32xbf16>,
        tpu.vector_store %arg18[%swap3A_1206, %swap3A_1207], %mul3A_1203 {strides = array<i32>} : memref<128x128xbf16, #tpu.memory_space<vmem>>, vector<32xbf16>,
      }
      %scan3A_350 = arith.constant 8 : i32
      %dma_start3A_351 = arith.constant 0 : i32
      %dma_start3A_352 = arith.constant 0 : i32
      %dma_start3A_353 = tpu.memref_slice %arg20[%dma_start3A_351, %dma_start3A_352] : memref<10240x128xbf16, #tpu.memory_space<vmem_shared>> -> memref<10240x128xbf16, #tpu.memory_space<vmem_shared>>
      tpu.enqueue_indirect_dma source(%arg18 : memref<128x128xbf16, #tpu.memory_space<vmem>>) target(%dma_start3A_353 : memref<10240x128xbf16, #tpu.memory_space<vmem_shared>>) offsets(%arg11 : memref<128xi32, #tpu.memory_space<vmem>>) semaphore(%arg26 : memref<!tpu.dma_semaphore, #tpu.memory_space<semaphore_mem>>) {add = true}
      %add3A_354 = arith.constant 2 : i32
      %add3A_355 = arith.addi %add3A_293, %add3A_354 : i32
      %mul3A_356 = arith.constant 128 : i32
      %mul3A_357 = arith.muli %add3A_355, %mul3A_356 : i32
      %add3A_358 = arith.addi %mul3A_107, %mul3A_357 : i32
      %dma_start3A_359 = tpu.memref_slice %arg4[%add3A_358] : memref<335872xi32, #tpu.memory_space<hbm>> -> memref<128xi32, #tpu.memory_space<hbm>>
      %dma_start3A_360 = tpu.memref_slice %arg4[%add3A_358] : memref<335872xi32, #tpu.memory_space<hbm>> -> memref<128xi32, #tpu.memory_space<hbm>>
      tpu.enqueue_dma source(%dma_start3A_360 : memref<128xi32, #tpu.memory_space<hbm>>) target(%arg9 : memref<128xi32, #tpu.memory_space<vmem>>) target_semaphore(%arg24 : memref<!tpu.dma_semaphore, #tpu.memory_space<semaphore_mem>>)
      %add3A_361 = arith.constant 2 : i32
      %add3A_362 = arith.addi %add3A_293, %add3A_361 : i32
      %mul3A_363 = arith.constant 128 : i32
      %mul3A_364 = arith.muli %add3A_362, %mul3A_363 : i32
      %add3A_365 = arith.addi %mul3A_107, %mul3A_364 : i32
      %dma_start3A_366 = tpu.memref_slice %arg5[%add3A_365] : memref<335872xf32, #tpu.memory_space<hbm>> -> memref<128xf32, #tpu.memory_space<hbm>>
      %dma_start3A_367 = tpu.memref_slice %arg5[%add3A_365] : memref<335872xf32, #tpu.memory_space<hbm>> -> memref<128xf32, #tpu.memory_space<hbm>>
      tpu.enqueue_dma source(%dma_start3A_367 : memref<128xf32, #tpu.memory_space<hbm>>) target(%arg14 : memref<128xf32, #tpu.memory_space<vmem>>) target_semaphore(%arg24 : memref<!tpu.dma_semaphore, #tpu.memory_space<semaphore_mem>>)
      %add3A_368 = arith.constant 2 : i32
      %add3A_369 = arith.addi %add3A_293, %add3A_368 : i32
      %dma_start3A_370 = arith.constant 0 : i32
      %dma_start3A_371 = tpu.memref_slice %arg7[%add3A_369, %dma_start3A_370] : memref<82x128xi32, #tpu.memory_space<vmem>> -> memref<1x128xi32, #tpu.memory_space<vmem>>
      %dma_start3A_372 = tpu.memref_squeeze %dma_start3A_371 : memref<1x128xi32, #tpu.memory_space<vmem>> -> memref<128xi32, #tpu.memory_space<vmem>>
      %dma_start3A_373 = arith.constant 0 : i32
      %dma_start3A_374 = arith.constant 0 : i32
      %dma_start3A_375 = tpu.memref_slice %arg19[%dma_start3A_373, %dma_start3A_374] : memref<10240x64xi32, #tpu.memory_space<vmem_shared>> -> memref<10240x64xi32, #tpu.memory_space<vmem_shared>>
      tpu.enqueue_indirect_dma source(%dma_start3A_375 : memref<10240x64xi32, #tpu.memory_space<vmem_shared>>) target(%arg16 : memref<128x64xi32, #tpu.memory_space<vmem>>) offsets(%dma_start3A_372 : memref<128xi32, #tpu.memory_space<vmem>>) semaphore(%arg22 : memref<!tpu.dma_semaphore, #tpu.memory_space<semaphore_mem>>)
    }
    %scan3A_145 = arith.constant 40 : i32
    %dma_wait3A_146 = arith.constant 80 : i32
    %dma_wait3A_147 = arith.constant 0 : i32
    %dma_wait3A_148 = tpu.memref_slice %arg7[%dma_wait3A_146, %dma_wait3A_147] : memref<82x128xi32, #tpu.memory_space<vmem>> -> memref<1x128xi32, #tpu.memory_space<vmem>>
    %dma_wait3A_149 = tpu.memref_squeeze %dma_wait3A_148 : memref<1x128xi32, #tpu.memory_space<vmem>> -> memref<128xi32, #tpu.memory_space<vmem>>
    %dma_wait3A_150 = arith.constant 0 : i32
    %dma_wait3A_151 = arith.constant 0 : i32
    %dma_wait3A_152 = tpu.memref_slice %arg19[%dma_wait3A_150, %dma_wait3A_151] : memref<10240x64xi32, #tpu.memory_space<vmem_shared>> -> memref<10240x64xi32, #tpu.memory_space<vmem_shared>>
    tpu.wait_indirect_dma semaphore(%arg21 : memref<!tpu.dma_semaphore, #tpu.memory_space<semaphore_mem>>) src(%dma_wait3A_152 : memref<10240x64xi32, #tpu.memory_space<vmem_shared>>) dst(%arg15 : memref<128x64xi32, #tpu.memory_space<vmem>>)
    %dma_wait3A_153 = arith.constant 81 : i32
    %dma_wait3A_154 = arith.constant 0 : i32
    %dma_wait3A_155 = tpu.memref_slice %arg7[%dma_wait3A_153, %dma_wait3A_154] : memref<82x128xi32, #tpu.memory_space<vmem>> -> memref<1x128xi32, #tpu.memory_space<vmem>>
    %dma_wait3A_156 = tpu.memref_squeeze %dma_wait3A_155 : memref<1x128xi32, #tpu.memory_space<vmem>> -> memref<128xi32, #tpu.memory_space<vmem>>
    %dma_wait3A_157 = arith.constant 0 : i32
    %dma_wait3A_158 = arith.constant 0 : i32
    %dma_wait3A_159 = tpu.memref_slice %arg19[%dma_wait3A_157, %dma_wait3A_158] : memref<10240x64xi32, #tpu.memory_space<vmem_shared>> -> memref<10240x64xi32, #tpu.memory_space<vmem_shared>>
    tpu.wait_indirect_dma semaphore(%arg22 : memref<!tpu.dma_semaphore, #tpu.memory_space<semaphore_mem>>) src(%dma_wait3A_159 : memref<10240x64xi32, #tpu.memory_space<vmem_shared>>) dst(%arg16 : memref<128x64xi32, #tpu.memory_space<vmem>>)
    %add3A_160 = arith.constant 10240 : i32
    %add3A_161 = arith.addi %mul3A_107, %add3A_160 : i32
    %dma_wait3A_162 = tpu.memref_slice %arg4[%add3A_161] : memref<335872xi32, #tpu.memory_space<hbm>> -> memref<128xi32, #tpu.memory_space<hbm>>
    %dma_wait3A_163 = tpu.memref_slice %arg4[%add3A_161] : memref<335872xi32, #tpu.memory_space<hbm>> -> memref<128xi32, #tpu.memory_space<hbm>>
    tpu.wait_dma2 semaphore(%arg23 : memref<!tpu.dma_semaphore, #tpu.memory_space<semaphore_mem>>) src(%dma_wait3A_163 : memref<128xi32, #tpu.memory_space<hbm>>) dst(%arg8 : memref<128xi32, #tpu.memory_space<vmem>>)
    %add3A_164 = arith.constant 10240 : i32
    %add3A_165 = arith.addi %mul3A_107, %add3A_164 : i32
    %dma_wait3A_166 = tpu.memref_slice %arg5[%add3A_165] : memref<335872xf32, #tpu.memory_space<hbm>> -> memref<128xf32, #tpu.memory_space<hbm>>
    %dma_wait3A_167 = tpu.memref_slice %arg5[%add3A_165] : memref<335872xf32, #tpu.memory_space<hbm>> -> memref<128xf32, #tpu.memory_space<hbm>>
    tpu.wait_dma2 semaphore(%arg23 : memref<!tpu.dma_semaphore, #tpu.memory_space<semaphore_mem>>) src(%dma_wait3A_167 : memref<128xf32, #tpu.memory_space<hbm>>) dst(%arg13 : memref<128xf32, #tpu.memory_space<vmem>>)
    %add3A_168 = arith.constant 10368 : i32
    %add3A_169 = arith.addi %mul3A_107, %add3A_168 : i32
    %dma_wait3A_170 = tpu.memref_slice %arg4[%add3A_169] : memref<335872xi32, #tpu.memory_space<hbm>> -> memref<128xi32, #tpu.memory_space<hbm>>
    %dma_wait3A_171 = tpu.memref_slice %arg4[%add3A_169] : memref<335872xi32, #tpu.memory_space<hbm>> -> memref<128xi32, #tpu.memory_space<hbm>>
    tpu.wait_dma2 semaphore(%arg24 : memref<!tpu.dma_semaphore, #tpu.memory_space<semaphore_mem>>) src(%dma_wait3A_171 : memref<128xi32, #tpu.memory_space<hbm>>) dst(%arg9 : memref<128xi32, #tpu.memory_space<vmem>>)
    %add3A_172 = arith.constant 10368 : i32
    %add3A_173 = arith.addi %mul3A_107, %add3A_172 : i32
    %dma_wait3A_174 = tpu.memref_slice %arg5[%add3A_173] : memref<335872xf32, #tpu.memory_space<hbm>> -> memref<128xf32, #tpu.memory_space<hbm>>
    %dma_wait3A_175 = tpu.memref_slice %arg5[%add3A_173] : memref<335872xf32, #tpu.memory_space<hbm>> -> memref<128xf32, #tpu.memory_space<hbm>>
    tpu.wait_dma2 semaphore(%arg24 : memref<!tpu.dma_semaphore, #tpu.memory_space<semaphore_mem>>) src(%dma_wait3A_175 : memref<128xf32, #tpu.memory_space<hbm>>) dst(%arg14 : memref<128xf32, #tpu.memory_space<vmem>>)
    %dma_wait3A_176 = arith.constant 0 : i32
    %dma_wait3A_177 = arith.constant 0 : i32
    %dma_wait3A_178 = tpu.memref_slice %arg20[%dma_wait3A_176, %dma_wait3A_177] : memref<10240x128xbf16, #tpu.memory_space<vmem_shared>> -> memref<10240x128xbf16, #tpu.memory_space<vmem_shared>>
    tpu.wait_indirect_dma semaphore(%arg25 : memref<!tpu.dma_semaphore, #tpu.memory_space<semaphore_mem>>) src(%arg17 : memref<128x128xbf16, #tpu.memory_space<vmem>>) dst(%dma_wait3A_178 : memref<10240x128xbf16, #tpu.memory_space<vmem_shared>>)
    %dma_wait3A_179 = arith.constant 0 : i32
    %dma_wait3A_180 = arith.constant 0 : i32
    %dma_wait3A_181 = tpu.memref_slice %arg20[%dma_wait3A_179, %dma_wait3A_180] : memref<10240x128xbf16, #tpu.memory_space<vmem_shared>> -> memref<10240x128xbf16, #tpu.memory_space<vmem_shared>>
    tpu.wait_indirect_dma semaphore(%arg26 : memref<!tpu.dma_semaphore, #tpu.memory_space<semaphore_mem>>) src(%arg18 : memref<128x128xbf16, #tpu.memory_space<vmem>>) dst(%dma_wait3A_181 : memref<10240x128xbf16, #tpu.memory_space<vmem_shared>>)
    %barrier3A_182 = arith.constant 0 : index
    tpu.barrier barrier_id(%barrier3A_182)
    %add3A_183 = arith.constant 0 : i32
    %add3A_184 = arith.addi %mul3A_2, %add3A_183 : i32
    "tpu.region"() ({
      %run_scoped3A = tpu.sem_alloc : memref<!tpu.dma_semaphore, #tpu.memory_space<semaphore_mem>>
      %dma_start3A_208 = arith.constant 0 : i32
      %dma_start3A_209 = tpu.memref_slice %arg20[%add3A_184, %dma_start3A_208] : memref<10240x128xbf16, #tpu.memory_space<vmem_shared>> -> memref<128x128xbf16, #tpu.memory_space<vmem_shared>>
      %dma_start3A_210 = arith.constant 0 : i32
      %dma_start3A_211 = tpu.memref_slice %arg20[%add3A_184, %dma_start3A_210] : memref<10240x128xbf16, #tpu.memory_space<vmem_shared>> -> memref<128x128xbf16, #tpu.memory_space<vmem_shared>>
      tpu.enqueue_dma source(%dma_start3A_211 : memref<128x128xbf16, #tpu.memory_space<vmem_shared>>) target(%arg17 : memref<128x128xbf16, #tpu.memory_space<vmem>>) target_semaphore(%run_scoped3A : memref<!tpu.dma_semaphore, #tpu.memory_space<semaphore_mem>>)
      %dma_wait3A_212 = arith.constant 0 : i32
      %dma_wait3A_213 = tpu.memref_slice %arg20[%add3A_184, %dma_wait3A_212] : memref<10240x128xbf16, #tpu.memory_space<vmem_shared>> -> memref<128x128xbf16, #tpu.memory_space<vmem_shared>>
      %dma_wait3A_214 = arith.constant 0 : i32
      %dma_wait3A_215 = tpu.memref_slice %arg20[%add3A_184, %dma_wait3A_214] : memref<10240x128xbf16, #tpu.memory_space<vmem_shared>> -> memref<128x128xbf16, #tpu.memory_space<vmem_shared>>
      tpu.wait_dma2 semaphore(%run_scoped3A : memref<!tpu.dma_semaphore, #tpu.memory_space<semaphore_mem>>) src(%dma_wait3A_215 : memref<128x128xbf16, #tpu.memory_space<vmem_shared>>) dst(%arg17 : memref<128x128xbf16, #tpu.memory_space<vmem>>)
      tpu.yield
    }) : () -> ()
    %mul3A_185 = arith.constant 10240 : i32
    %mul3A_186 = arith.muli %arg0, %mul3A_185 : i32
    %add3A_187 = arith.addi %mul3A_186, %add3A_184 : i32
    "tpu.region"() ({
      %run_scoped3A = tpu.sem_alloc : memref<!tpu.dma_semaphore, #tpu.memory_space<semaphore_mem>>
      %dma_start3A_208 = arith.constant 0 : i32
      %dma_start3A_209 = tpu.memref_slice %arg6[%add3A_187, %dma_start3A_208] : memref<20480x128xbf16, #tpu.memory_space<hbm>> -> memref<128x128xbf16, #tpu.memory_space<hbm>>
      %dma_start3A_210 = arith.constant 0 : i32
      %dma_start3A_211 = tpu.memref_slice %arg6[%add3A_187, %dma_start3A_210] : memref<20480x128xbf16, #tpu.memory_space<hbm>> -> memref<128x128xbf16, #tpu.memory_space<hbm>>
      tpu.enqueue_dma source(%arg17 : memref<128x128xbf16, #tpu.memory_space<vmem>>) target(%dma_start3A_211 : memref<128x128xbf16, #tpu.memory_space<hbm>>) target_semaphore(%run_scoped3A : memref<!tpu.dma_semaphore, #tpu.memory_space<semaphore_mem>>)
      %dma_wait3A_212 = arith.constant 0 : i32
      %dma_wait3A_213 = tpu.memref_slice %arg6[%add3A_187, %dma_wait3A_212] : memref<20480x128xbf16, #tpu.memory_space<hbm>> -> memref<128x128xbf16, #tpu.memory_space<hbm>>
      %dma_wait3A_214 = arith.constant 0 : i32
      %dma_wait3A_215 = tpu.memref_slice %arg6[%add3A_187, %dma_wait3A_214] : memref<20480x128xbf16, #tpu.memory_space<hbm>> -> memref<128x128xbf16, #tpu.memory_space<hbm>>
      tpu.wait_dma2 semaphore(%run_scoped3A : memref<!tpu.dma_semaphore, #tpu.memory_space<semaphore_mem>>) src(%arg17 : memref<128x128xbf16, #tpu.memory_space<vmem>>) dst(%dma_wait3A_215 : memref<128x128xbf16, #tpu.memory_space<hbm>>)
      tpu.yield
    }) : () -> ()
    %add3A_188 = arith.constant 128 : i32
    %add3A_189 = arith.addi %mul3A_2, %add3A_188 : i32
    "tpu.region"() ({
      %run_scoped3A = tpu.sem_alloc : memref<!tpu.dma_semaphore, #tpu.memory_space<semaphore_mem>>
      %dma_start3A_208 = arith.constant 0 : i32
      %dma_start3A_209 = tpu.memref_slice %arg20[%add3A_189, %dma_start3A_208] : memref<10240x128xbf16, #tpu.memory_space<vmem_shared>> -> memref<128x128xbf16, #tpu.memory_space<vmem_shared>>
      %dma_start3A_210 = arith.constant 0 : i32
      %dma_start3A_211 = tpu.memref_slice %arg20[%add3A_189, %dma_start3A_210] : memref<10240x128xbf16, #tpu.memory_space<vmem_shared>> -> memref<128x128xbf16, #tpu.memory_space<vmem_shared>>
      tpu.enqueue_dma source(%dma_start3A_211 : memref<128x128xbf16, #tpu.memory_space<vmem_shared>>) target(%arg17 : memref<128x128xbf16, #tpu.memory_space<vmem>>) target_semaphore(%run_scoped3A : memref<!tpu.dma_semaphore, #tpu.memory_space<semaphore_mem>>)
      %dma_wait3A_212 = arith.constant 0 : i32
      %dma_wait3A_213 = tpu.memref_slice %arg20[%add3A_189, %dma_wait3A_212] : memref<10240x128xbf16, #tpu.memory_space<vmem_shared>> -> memref<128x128xbf16, #tpu.memory_space<vmem_shared>>
      %dma_wait3A_214 = arith.constant 0 : i32
      %dma_wait3A_215 = tpu.memref_slice %arg20[%add3A_189, %dma_wait3A_214] : memref<10240x128xbf16, #tpu.memory_space<vmem_shared>> -> memref<128x128xbf16, #tpu.memory_space<vmem_shared>>
      tpu.wait_dma2 semaphore(%run_scoped3A : memref<!tpu.dma_semaphore, #tpu.memory_space<semaphore_mem>>) src(%dma_wait3A_215 : memref<128x128xbf16, #tpu.memory_space<vmem_shared>>) dst(%arg17 : memref<128x128xbf16, #tpu.memory_space<vmem>>)
      tpu.yield
    }) : () -> ()
    %mul3A_190 = arith.constant 10240 : i32
    %mul3A_191 = arith.muli %arg0, %mul3A_190 : i32
    %add3A_192 = arith.addi %mul3A_191, %add3A_189 : i32
    "tpu.region"() ({
      %run_scoped3A = tpu.sem_alloc : memref<!tpu.dma_semaphore, #tpu.memory_space<semaphore_mem>>
      %dma_start3A_208 = arith.constant 0 : i32
      %dma_start3A_209 = tpu.memref_slice %arg6[%add3A_192, %dma_start3A_208] : memref<20480x128xbf16, #tpu.memory_space<hbm>> -> memref<128x128xbf16, #tpu.memory_space<hbm>>
      %dma_start3A_210 = arith.constant 0 : i32
      %dma_start3A_211 = tpu.memref_slice %arg6[%add3A_192, %dma_start3A_210] : memref<20480x128xbf16, #tpu.memory_space<hbm>> -> memref<128x128xbf16, #tpu.memory_space<hbm>>
      tpu.enqueue_dma source(%arg17 : memref<128x128xbf16, #tpu.memory_space<vmem>>) target(%dma_start3A_211 : memref<128x128xbf16, #tpu.memory_space<hbm>>) target_semaphore(%run_scoped3A : memref<!tpu.dma_semaphore, #tpu.memory_space<semaphore_mem>>)
      %dma_wait3A_212 = arith.constant 0 : i32
      %dma_wait3A_213 = tpu.memref_slice %arg6[%add3A_192, %dma_wait3A_212] : memref<20480x128xbf16, #tpu.memory_space<hbm>> -> memref<128x128xbf16, #tpu.memory_space<hbm>>
      %dma_wait3A_214 = arith.constant 0 : i32
      %dma_wait3A_215 = tpu.memref_slice %arg6[%add3A_192, %dma_wait3A_214] : memref<20480x128xbf16, #tpu.memory_space<hbm>> -> memref<128x128xbf16, #tpu.memory_space<hbm>>
      tpu.wait_dma2 semaphore(%run_scoped3A : memref<!tpu.dma_semaphore, #tpu.memory_space<semaphore_mem>>) src(%arg17 : memref<128x128xbf16, #tpu.memory_space<vmem>>) dst(%dma_wait3A_215 : memref<128x128xbf16, #tpu.memory_space<hbm>>)
      tpu.yield
    }) : () -> ()
    %add3A_193 = arith.constant 256 : i32
    %add3A_194 = arith.addi %mul3A_2, %add3A_193 : i32
    "tpu.region"() ({
      %run_scoped3A = tpu.sem_alloc : memref<!tpu.dma_semaphore, #tpu.memory_space<semaphore_mem>>
      %dma_start3A_208 = arith.constant 0 : i32
      %dma_start3A_209 = tpu.memref_slice %arg20[%add3A_194, %dma_start3A_208] : memref<10240x128xbf16, #tpu.memory_space<vmem_shared>> -> memref<128x128xbf16, #tpu.memory_space<vmem_shared>>
      %dma_start3A_210 = arith.constant 0 : i32
      %dma_start3A_211 = tpu.memref_slice %arg20[%add3A_194, %dma_start3A_210] : memref<10240x128xbf16, #tpu.memory_space<vmem_shared>> -> memref<128x128xbf16, #tpu.memory_space<vmem_shared>>
      tpu.enqueue_dma source(%dma_start3A_211 : memref<128x128xbf16, #tpu.memory_space<vmem_shared>>) target(%arg17 : memref<128x128xbf16, #tpu.memory_space<vmem>>) target_semaphore(%run_scoped3A : memref<!tpu.dma_semaphore, #tpu.memory_space<semaphore_mem>>)
      %dma_wait3A_212 = arith.constant 0 : i32
      %dma_wait3A_213 = tpu.memref_slice %arg20[%add3A_194, %dma_wait3A_212] : memref<10240x128xbf16, #tpu.memory_space<vmem_shared>> -> memref<128x128xbf16, #tpu.memory_space<vmem_shared>>
      %dma_wait3A_214 = arith.constant 0 : i32
      %dma_wait3A_215 = tpu.memref_slice %arg20[%add3A_194, %dma_wait3A_214] : memref<10240x128xbf16, #tpu.memory_space<vmem_shared>> -> memref<128x128xbf16, #tpu.memory_space<vmem_shared>>
      tpu.wait_dma2 semaphore(%run_scoped3A : memref<!tpu.dma_semaphore, #tpu.memory_space<semaphore_mem>>) src(%dma_wait3A_215 : memref<128x128xbf16, #tpu.memory_space<vmem_shared>>) dst(%arg17 : memref<128x128xbf16, #tpu.memory_space<vmem>>)
      tpu.yield
    }) : () -> ()
    %mul3A_195 = arith.constant 10240 : i32
    %mul3A_196 = arith.muli %arg0, %mul3A_195 : i32
    %add3A_197 = arith.addi %mul3A_196, %add3A_194 : i32
    "tpu.region"() ({
      %run_scoped3A = tpu.sem_alloc : memref<!tpu.dma_semaphore, #tpu.memory_space<semaphore_mem>>
      %dma_start3A_208 = arith.constant 0 : i32
      %dma_start3A_209 = tpu.memref_slice %arg6[%add3A_197, %dma_start3A_208] : memref<20480x128xbf16, #tpu.memory_space<hbm>> -> memref<128x128xbf16, #tpu.memory_space<hbm>>
      %dma_start3A_210 = arith.constant 0 : i32
      %dma_start3A_211 = tpu.memref_slice %arg6[%add3A_197, %dma_start3A_210] : memref<20480x128xbf16, #tpu.memory_space<hbm>> -> memref<128x128xbf16, #tpu.memory_space<hbm>>
      tpu.enqueue_dma source(%arg17 : memref<128x128xbf16, #tpu.memory_space<vmem>>) target(%dma_start3A_211 : memref<128x128xbf16, #tpu.memory_space<hbm>>) target_semaphore(%run_scoped3A : memref<!tpu.dma_semaphore, #tpu.memory_space<semaphore_mem>>)
      %dma_wait3A_212 = arith.constant 0 : i32
      %dma_wait3A_213 = tpu.memref_slice %arg6[%add3A_197, %dma_wait3A_212] : memref<20480x128xbf16, #tpu.memory_space<hbm>> -> memref<128x128xbf16, #tpu.memory_space<hbm>>
      %dma_wait3A_214 = arith.constant 0 : i32
      %dma_wait3A_215 = tpu.memref_slice %arg6[%add3A_197, %dma_wait3A_214] : memref<20480x128xbf16, #tpu.memory_space<hbm>> -> memref<128x128xbf16, #tpu.memory_space<hbm>>
      tpu.wait_dma2 semaphore(%run_scoped3A : memref<!tpu.dma_semaphore, #tpu.memory_space<semaphore_mem>>) src(%arg17 : memref<128x128xbf16, #tpu.memory_space<vmem>>) dst(%dma_wait3A_215 : memref<128x128xbf16, #tpu.memory_space<hbm>>)
      tpu.yield
    }) : () -> ()
    %add3A_198 = arith.constant 384 : i32
    %add3A_199 = arith.addi %mul3A_2, %add3A_198 : i32
    "tpu.region"() ({
      %run_scoped3A = tpu.sem_alloc : memref<!tpu.dma_semaphore, #tpu.memory_space<semaphore_mem>>
      %dma_start3A_208 = arith.constant 0 : i32
      %dma_start3A_209 = tpu.memref_slice %arg20[%add3A_199, %dma_start3A_208] : memref<10240x128xbf16, #tpu.memory_space<vmem_shared>> -> memref<128x128xbf16, #tpu.memory_space<vmem_shared>>
      %dma_start3A_210 = arith.constant 0 : i32
      %dma_start3A_211 = tpu.memref_slice %arg20[%add3A_199, %dma_start3A_210] : memref<10240x128xbf16, #tpu.memory_space<vmem_shared>> -> memref<128x128xbf16, #tpu.memory_space<vmem_shared>>
      tpu.enqueue_dma source(%dma_start3A_211 : memref<128x128xbf16, #tpu.memory_space<vmem_shared>>) target(%arg17 : memref<128x128xbf16, #tpu.memory_space<vmem>>) target_semaphore(%run_scoped3A : memref<!tpu.dma_semaphore, #tpu.memory_space<semaphore_mem>>)
      %dma_wait3A_212 = arith.constant 0 : i32
      %dma_wait3A_213 = tpu.memref_slice %arg20[%add3A_199, %dma_wait3A_212] : memref<10240x128xbf16, #tpu.memory_space<vmem_shared>> -> memref<128x128xbf16, #tpu.memory_space<vmem_shared>>
      %dma_wait3A_214 = arith.constant 0 : i32
      %dma_wait3A_215 = tpu.memref_slice %arg20[%add3A_199, %dma_wait3A_214] : memref<10240x128xbf16, #tpu.memory_space<vmem_shared>> -> memref<128x128xbf16, #tpu.memory_space<vmem_shared>>
      tpu.wait_dma2 semaphore(%run_scoped3A : memref<!tpu.dma_semaphore, #tpu.memory_space<semaphore_mem>>) src(%dma_wait3A_215 : memref<128x128xbf16, #tpu.memory_space<vmem_shared>>) dst(%arg17 : memref<128x128xbf16, #tpu.memory_space<vmem>>)
      tpu.yield
    }) : () -> ()
    %mul3A_200 = arith.constant 10240 : i32
    %mul3A_201 = arith.muli %arg0, %mul3A_200 : i32
    %add3A_202 = arith.addi %mul3A_201, %add3A_199 : i32
    "tpu.region"() ({
      %run_scoped3A = tpu.sem_alloc : memref<!tpu.dma_semaphore, #tpu.memory_space<semaphore_mem>>
      %dma_start3A_208 = arith.constant 0 : i32
      %dma_start3A_209 = tpu.memref_slice %arg6[%add3A_202, %dma_start3A_208] : memref<20480x128xbf16, #tpu.memory_space<hbm>> -> memref<128x128xbf16, #tpu.memory_space<hbm>>
      %dma_start3A_210 = arith.constant 0 : i32
      %dma_start3A_211 = tpu.memref_slice %arg6[%add3A_202, %dma_start3A_210] : memref<20480x128xbf16, #tpu.memory_space<hbm>> -> memref<128x128xbf16, #tpu.memory_space<hbm>>
      tpu.enqueue_dma source(%arg17 : memref<128x128xbf16, #tpu.memory_space<vmem>>) target(%dma_start3A_211 : memref<128x128xbf16, #tpu.memory_space<hbm>>) target_semaphore(%run_scoped3A : memref<!tpu.dma_semaphore, #tpu.memory_space<semaphore_mem>>)
      %dma_wait3A_212 = arith.constant 0 : i32
      %dma_wait3A_213 = tpu.memref_slice %arg6[%add3A_202, %dma_wait3A_212] : memref<20480x128xbf16, #tpu.memory_space<hbm>> -> memref<128x128xbf16, #tpu.memory_space<hbm>>
      %dma_wait3A_214 = arith.constant 0 : i32
      %dma_wait3A_215 = tpu.memref_slice %arg6[%add3A_202, %dma_wait3A_214] : memref<20480x128xbf16, #tpu.memory_space<hbm>> -> memref<128x128xbf16, #tpu.memory_space<hbm>>
      tpu.wait_dma2 semaphore(%run_scoped3A : memref<!tpu.dma_semaphore, #tpu.memory_space<semaphore_mem>>) src(%arg17 : memref<128x128xbf16, #tpu.memory_space<vmem>>) dst(%dma_wait3A_215 : memref<128x128xbf16, #tpu.memory_space<hbm>>)
      tpu.yield
    }) : () -> ()
    %add3A_203 = arith.constant 512 : i32
    %add3A_204 = arith.addi %mul3A_2, %add3A_203 : i32
    "tpu.region"() ({
      %run_scoped3A = tpu.sem_alloc : memref<!tpu.dma_semaphore, #tpu.memory_space<semaphore_mem>>
      %dma_start3A_208 = arith.constant 0 : i32
      %dma_start3A_209 = tpu.memref_slice %arg20[%add3A_204, %dma_start3A_208] : memref<10240x128xbf16, #tpu.memory_space<vmem_shared>> -> memref<128x128xbf16, #tpu.memory_space<vmem_shared>>
      %dma_start3A_210 = arith.constant 0 : i32
      %dma_start3A_211 = tpu.memref_slice %arg20[%add3A_204, %dma_start3A_210] : memref<10240x128xbf16, #tpu.memory_space<vmem_shared>> -> memref<128x128xbf16, #tpu.memory_space<vmem_shared>>
      tpu.enqueue_dma source(%dma_start3A_211 : memref<128x128xbf16, #tpu.memory_space<vmem_shared>>) target(%arg17 : memref<128x128xbf16, #tpu.memory_space<vmem>>) target_semaphore(%run_scoped3A : memref<!tpu.dma_semaphore, #tpu.memory_space<semaphore_mem>>)
      %dma_wait3A_212 = arith.constant 0 : i32
      %dma_wait3A_213 = tpu.memref_slice %arg20[%add3A_204, %dma_wait3A_212] : memref<10240x128xbf16, #tpu.memory_space<vmem_shared>> -> memref<128x128xbf16, #tpu.memory_space<vmem_shared>>
      %dma_wait3A_214 = arith.constant 0 : i32
      %dma_wait3A_215 = tpu.memref_slice %arg20[%add3A_204, %dma_wait3A_214] : memref<10240x128xbf16, #tpu.memory_space<vmem_shared>> -> memref<128x128xbf16, #tpu.memory_space<vmem_shared>>
      tpu.wait_dma2 semaphore(%run_scoped3A : memref<!tpu.dma_semaphore, #tpu.memory_space<semaphore_mem>>) src(%dma_wait3A_215 : memref<128x128xbf16, #tpu.memory_space<vmem_shared>>) dst(%arg17 : memref<128x128xbf16, #tpu.memory_space<vmem>>)
      tpu.yield
    }) : () -> ()
    %mul3A_205 = arith.constant 10240 : i32
    %mul3A_206 = arith.muli %arg0, %mul3A_205 : i32
    %add3A_207 = arith.addi %mul3A_206, %add3A_204 : i32
    "tpu.region"() ({
      %run_scoped3A = tpu.sem_alloc : memref<!tpu.dma_semaphore, #tpu.memory_space<semaphore_mem>>
      %dma_start3A_208 = arith.constant 0 : i32
      %dma_start3A_209 = tpu.memref_slice %arg6[%add3A_207, %dma_start3A_208] : memref<20480x128xbf16, #tpu.memory_space<hbm>> -> memref<128x128xbf16, #tpu.memory_space<hbm>>
      %dma_start3A_210 = arith.constant 0 : i32
      %dma_start3A_211 = tpu.memref_slice %arg6[%add3A_207, %dma_start3A_210] : memref<20480x128xbf16, #tpu.memory_space<hbm>> -> memref<128x128xbf16, #tpu.memory_space<hbm>>
      tpu.enqueue_dma source(%arg17 : memref<128x128xbf16, #tpu.memory_space<vmem>>) target(%dma_start3A_211 : memref<128x128xbf16, #tpu.memory_space<hbm>>) target_semaphore(%run_scoped3A : memref<!tpu.dma_semaphore, #tpu.memory_space<semaphore_mem>>)
      %dma_wait3A_212 = arith.constant 0 : i32
      %dma_wait3A_213 = tpu.memref_slice %arg6[%add3A_207, %dma_wait3A_212] : memref<20480x128xbf16, #tpu.memory_space<hbm>> -> memref<128x128xbf16, #tpu.memory_space<hbm>>
      %dma_wait3A_214 = arith.constant 0 : i32
      %dma_wait3A_215 = tpu.memref_slice %arg6[%add3A_207, %dma_wait3A_214] : memref<20480x128xbf16, #tpu.memory_space<hbm>> -> memref<128x128xbf16, #tpu.memory_space<hbm>>
      tpu.wait_dma2 semaphore(%run_scoped3A : memref<!tpu.dma_semaphore, #tpu.memory_space<semaphore_mem>>) src(%arg17 : memref<128x128xbf16, #tpu.memory_space<vmem>>) dst(%dma_wait3A_215 : memref<128x128xbf16, #tpu.memory_space<hbm>>)
      tpu.yield
    }) : () -> ()
    return
  }
}

module attributes {stable_mosaic.version = 14 : i64} {
  func.func @_finalize_body(%arg0: i32, %arg1: memref<1000x128xbf16, #tpu.memory_space<vmem>>, %arg2: memref<1000x128xbf16, #tpu.memory_space<vmem>>, %arg3: memref<128x128xf32, #tpu.memory_space<vmem>>, %arg4: memref<1x128xf32, #tpu.memory_space<vmem>>, %arg5: memref<1000x128xf32, #tpu.memory_space<vmem>>) attributes {dimension_semantics = [#tpu.dimension_semantics<arbitrary>], iteration_bounds = array<i64: 10>, scalar_prefetch = 0 : i64, scratch_operands = 0 : i64, tpu.core_type = #tpu.core_type<tc>, window_params = [{transform_indices = @transform_0, window_bounds = array<i64: 1000, 128>}, {transform_indices = @transform_1, window_bounds = array<i64: 1000, 128>}, {pipeline_mode = #tpu.pipeline_mode<synchronous>, transform_indices = @transform_2, window_bounds = array<i64: 128, 128>}, {pipeline_mode = #tpu.pipeline_mode<synchronous>, transform_indices = @transform_3, window_bounds = array<i64: 1, 128>}, {transform_indices = @transform_4, window_bounds = array<i64: 1000, 128>}]} {
    %get3A = arith.constant 0 : index
    %get3A_0 = arith.constant 0 : index
    %get3A_1 = vector.load %arg1[%get3A, %get3A_0] : memref<1000x128xbf16, #tpu.memory_space<vmem>>, vector<1000x128xbf16>
    %convert_element_type3A = arith.extf %get3A_1 : vector<1000x128xbf16> to vector<1000x128xf32>
    %get3A_2 = arith.constant 0 : index
    %get3A_3 = arith.constant 0 : index
    %get3A_4 = vector.load %arg2[%get3A_2, %get3A_3] : memref<1000x128xbf16, #tpu.memory_space<vmem>>, vector<1000x128xbf16>
    %convert_element_type3A_5 = arith.extf %get3A_4 : vector<1000x128xbf16> to vector<1000x128xf32>
    %add3A = arith.addf %convert_element_type3A, %convert_element_type3A_5 : vector<1000x128xf32>
    %get3A_6 = arith.constant 0 : index
    %get3A_7 = arith.constant 0 : index
    %get3A_8 = vector.load %arg3[%get3A_6, %get3A_7] : memref<128x128xf32, #tpu.memory_space<vmem>>, vector<128x128xf32>
    %dot_general3A = arith.constant dense<0.000000e+00> : vector<1000x128xf32>
    %dot_general3A_9 = tpu.matmul %add3A, %get3A_8, %dot_general3A {dimension_numbers = #tpu.dot_dimension_numbers<[1], [0], [0], [1], [0, 0, 1, 1], [], []>, transpose_lhs_hint = false} : vector<1000x128xf32>, vector<128x128xf32>, vector<1000x128xf32> -> vector<1000x128xf32>
    %exp3A = math.exp %dot_general3A_9 : vector<1000x128xf32>
    %sub3A = arith.constant 1.000000e+00 : f32
    %sub3A_10 = vector.broadcast %sub3A : f32 to vector<1000x128xf32>
    %sub3A_11 = arith.subf %exp3A, %sub3A_10 : vector<1000x128xf32>
    %mul3A = arith.constant 1.67326319 : f32
    %mul3A_12 = vector.broadcast %mul3A : f32 to vector<1000x128xf32>
    %mul3A_13 = arith.mulf %mul3A_12, %sub3A_11 : vector<1000x128xf32>
    %gt3A = arith.constant 0.000000e+00 : f32
    %gt3A_14 = vector.broadcast %gt3A : f32 to vector<1000x128xf32>
    %gt3A_15 = arith.cmpf ogt, %dot_general3A_9, %gt3A_14 : vector<1000x128xf32>
    %select_n3A = arith.select %gt3A_15, %dot_general3A_9, %mul3A_13 : vector<1000x128xi1>, vector<1000x128xf32>
    %mul3A_16 = arith.constant 1.05070102 : f32
    %mul3A_17 = vector.broadcast %mul3A_16 : f32 to vector<1000x128xf32>
    %mul3A_18 = arith.mulf %mul3A_17, %select_n3A : vector<1000x128xf32>
    %get3A_19 = arith.constant 0 : index
    %get3A_20 = arith.constant 0 : index
    %get3A_21 = vector.load %arg4[%get3A_19, %get3A_20] : memref<1x128xf32, #tpu.memory_space<vmem>>, vector<1x128xf32>
    %add3A_22 = vector.broadcast %get3A_21 : vector<1x128xf32> to vector<1000x128xf32>
    %add3A_23 = arith.addf %mul3A_18, %add3A_22 : vector<1000x128xf32>
    %swap3A = arith.constant 0 : index
    %swap3A_24 = arith.constant 0 : index
    %swap3A_25 = vector.load %arg5[%swap3A, %swap3A_24] : memref<1000x128xf32, #tpu.memory_space<vmem>>, vector<1000x128xf32>
    tpu.vector_store %arg5[%swap3A, %swap3A_24], %add3A_23 {strides = array<i32>} : memref<1000x128xf32, #tpu.memory_space<vmem>>, vector<1000x128xf32>,
    return
  }
  func.func @transform_0(%arg0: i32) -> (i32, i32) {
    %c0_i32 = arith.constant 0 : i32
    %c0_i32_0 = arith.constant 0 : i32
    return %arg0, %c0_i32 : i32, i32
  }
  func.func @transform_1(%arg0: i32) -> (i32, i32) {
    %c0_i32 = arith.constant 0 : i32
    %c0_i32_0 = arith.constant 0 : i32
    return %arg0, %c0_i32 : i32, i32
  }
  func.func @transform_2(%arg0: i32) -> (i32, i32) {
    %c0_i32 = arith.constant 0 : i32
    %c0_i32_0 = arith.constant 0 : i32
    %c0_i32_1 = arith.constant 0 : i32
    return %c0_i32, %c0_i32_0 : i32, i32
  }
  func.func @transform_3(%arg0: i32) -> (i32, i32) {
    %c0_i32 = arith.constant 0 : i32
    %c0_i32_0 = arith.constant 0 : i32
    %c0_i32_1 = arith.constant 0 : i32
    return %c0_i32, %c0_i32_0 : i32, i32
  }
  func.func @transform_4(%arg0: i32) -> (i32, i32) {
    %c0_i32 = arith.constant 0 : i32
    %c0_i32_0 = arith.constant 0 : i32
    return %arg0, %c0_i32 : i32, i32
  }
}

</mosaic_0001>

<sc_bundles>
// kernel: kernel.4.cloned.1.call-start
scs
__scs_entry_jumppad:
0x0: {  	(pc) =	sbr.rel $0x88, $3  }
0x1: {  	(tag) =	ssettag $0x0;
	lr =	simm.s32 $0x1  }
0x2: {  	[smem:$0x3F9C] =	sst lr;
	_ =	strace $0xD0000000  }
0x3: {  	_ = 	snop  }
0x4: {  	_ = 	snop  }
0x5: {  	_ = 	snop  }
0x6: {  	_ = 	snop  }
0x7: {  	_ = 	snop  }
__scs_overlays_trampoline_lowered:
0x8: {  	[smem:$0x3FAB] =	sst s0  }
0x9: {  	[smem:$0x3FAC] =	sst s1  }
0xa: {  	[smem:$0x3FAD] =	sst s2  }
0xb: {  	[smem:$0x3FAE] =	sst s3  }
0xc: {  	[smem:$0x3FAF] =	sst s4  }
0xd: {  	[smem:$0x3FB0] =	sst s5  }
0xe: {  	[smem:$0x3FB1] =	sst s6  }
0xf: {  	[smem:$0x3FB2] =	sst s7  }
0x10: {  	[smem:$0x3FB3] =	sst s8  }
0x11: {  	[smem:$0x3FB4] =	sst s9;
	s0 =	simm.s32 @!p0 $0x0  }
0x12: {  	s1 =	sld [smem:$0x3F9A];
	s0 =	simm.s32 @p0 $0x1  }
0x13: {  	[smem:$0x3FB5] =	sst s0;
	s0 =	simm.s32 @!p1 $0x0  }
0x14: {  	s2 =	sld [smem:$0x3F99];
	s0 =	simm.s32 @p1 $0x1  }
0x15: {  	[smem:$0x3FB6] =	sst s0;
	s0 =	simm.s32 @!p2 $0x0  }
0x16: {  	s3 =	sld [smem:$0x3FDB];
	s0 =	simm.s32 @p2 $0x1  }
0x17: {  	s4 =	simm.s32 $0x1BF5;
	[smem:$0x3FB8] =	sst s0  }
0x18: {  	s0 =	sld [smem:$0x3F9B];
	_ =	swait.ge [sflag:s4], $0x0  }
0x19: {  	s7 =	sld [smem:$0x3F9C]  }
0x1a: {  	s8 =	sadd.s32 $0xFFFFE003, lr  }
0x1b: {  	s9 =	sadd.s32 $0xFFFFFEF7, lr;
	s5 =	simm.s32 $0xFFFFFFFF;
	p2 =	slt.u32 s8, $0xFFFFF086  }
0x1c: {  	p1 =	slt.u32 s9, $0xF7A;
	s5 =	simm.s32 @!p2 $0x0  }
0x1d: {  	s5 =	simm.s32 @p1 $0x1;
	p0 =	seq.s32 s7, s2  }
0x1e: {  	s7 =	smul.u32 @!p0 $0xF7A, s2;
	p2 =	seq.s32 @!p0 s5, $0x0  }
0x1f: {  	s9 =	smul.u32 $0xF7A, s1;
	s8 =	simm.s32 @!p0 $0x1BF5;
	p2 =	por !p2, p0  }
0x20: {  	[sflag:s8] =	ssyncset.s32 @!p0 $0xFFFFF086;
	s6 =	sadd.s32 @!p0 s3, s7;
	s7 =	simm.s32 @!p0 $0x108  }
0x21: {  	s3 =	sadd.s32 s3, s9;
	s6 =	sadd.s32 @!p0 $0x88, s6;
	s7 =	simm.s32 @p2 $0x1082  }
0x22: {  	[simem:s7], [sflag:s8] =	dma.local @!p0 [hbm:s6], $0xF7A  }
0x23: {  	s9 =	sor.u32 $0xD0000000, s2;
	s6 =	simm.s32 $0x108;
	_ =	swait.ge @!p0 [sflag:s8], $0x0  }
0x24: {  	s3 =	sadd.s32 $0x88, s3;
	s6 =	simm.s32 @!p1 $0x1082;
	[sflag:s4] =	ssyncset.s32 $0xFFFFF086  }
0x25: {  	[simem:s6], [sflag:s4] =	dma.local [hbm:s3], $0xF7A  }
0x26: {  	[smem:$0x3F9C] =	sst s1;
	(tag) =	ssettag s2;
	_ =	strace s9  }
0x27: {  	s1 =	sld [smem:$0x3FAC]  }
0x28: {  	s2 =	sld [smem:$0x3FAD]  }
0x29: {  	s4 =	sld [smem:$0x3FAF]  }
0x2a: {  	p0 =	seq.s32 s5, $0x0;
	s5 =	sld [smem:$0x3FB0]  }
0x2b: {  	s6 =	sld [smem:$0x3FB1]  }
0x2c: {  	s7 =	sld [smem:$0x3FB2]  }
0x2d: {  	s3 =	simm.s32 $0x108;
	s8 =	sld [smem:$0x3FB3]  }
0x2e: {  	s3 =	simm.s32 @!p0 $0x1082;
	s9 =	sld [smem:$0x3FB4]  }
0x2f: {  	lr =	sadd.s32 s0, s3;
	s0 =	sld [smem:$0x3FAB]  }
0x30: {  	s3 =	sld [smem:$0x3FAE]  }
0x31: {  	[smem:$0x3FB7] =	sst s10  }
0x32: {  	s10 =	sld [smem:$0x3FB5];
	_ =	sdelay $0x3  }
0x33: {  	p0 =	seq.s32 s10, $0x1;
	s10 =	sld [smem:$0x3FB7];
	_ =	sdelay $0x3  }
0x34: {  	[smem:$0x3FB7] =	sst s10  }
0x35: {  	s10 =	sld [smem:$0x3FB6];
	_ =	sdelay $0x3  }
0x36: {  	p1 =	seq.s32 s10, $0x1;
	s10 =	sld [smem:$0x3FB7];
	_ =	sdelay $0x3  }
0x37: {  	[smem:$0x3FB7] =	sst s10  }
0x38: {  	s10 =	sld [smem:$0x3FB8]  }
0x39: {  	_ = 	snop;
	(pc) =	sbr.ind lr, $3  }
0x3a: {  	_ = 	snop  }
0x3b: {  	_ = 	snop  }
0x3c: {  	p2 =	seq.s32 s10, $0x1;
	s10 =	sld [smem:$0x3FB7]  }
0x3d: {  	_ =	shalt  }
0x3e: {  	_ =	shalt  }
0x3f: {  	_ =	shalt  }
0x40: {  	_ =	shalt  }
0x41: {  	_ =	shalt  }
0x42: {  	_ =	shalt  }
0x43: {  	_ =	shalt  }
0x44: {  	_ =	shalt  }
0x45: {  	_ =	shalt  }
0x46: {  	_ =	shalt  }
0x47: {  	_ =	shalt  }
0x48: {  	_ =	shalt  }
0x49: {  	_ =	shalt  }
0x4a: {  	_ =	shalt  }
0x4b: {  	_ =	shalt  }
0x4c: {  	_ =	shalt  }
0x4d: {  	_ =	shalt  }
0x4e: {  	_ =	shalt  }
0x4f: {  	_ =	shalt  }
0x50: {  	_ =	shalt  }
0x51: {  	_ =	shalt  }
0x52: {  	_ =	shalt  }
0x53: {  	_ =	shalt  }
0x54: {  	_ =	shalt  }
0x55: {  	_ =	shalt  }
0x56: {  	_ =	shalt  }
0x57: {  	_ =	shalt  }
0x58: {  	_ =	shalt  }
0x59: {  	_ =	shalt  }
0x5a: {  	_ =	shalt  }
0x5b: {  	_ =	shalt  }
0x5c: {  	_ =	shalt  }
0x5d: {  	_ =	shalt  }
0x5e: {  	_ =	shalt  }
0x5f: {  	_ =	shalt  }
0x60: {  	_ =	shalt  }
0x61: {  	_ =	shalt  }
0x62: {  	_ =	shalt  }
0x63: {  	_ =	shalt  }
0x64: {  	_ =	shalt  }
0x65: {  	_ =	shalt  }
0x66: {  	_ =	shalt  }
0x67: {  	_ =	shalt  }
0x68: {  	_ =	shalt  }
0x69: {  	_ =	shalt  }
0x6a: {  	_ =	shalt  }
0x6b: {  	_ =	shalt  }
0x6c: {  	_ =	shalt  }
0x6d: {  	_ =	shalt  }
0x6e: {  	_ =	shalt  }
0x6f: {  	_ =	shalt  }
0x70: {  	_ =	shalt  }
0x71: {  	_ =	shalt  }
0x72: {  	_ =	shalt  }
0x73: {  	_ =	shalt  }
0x74: {  	_ =	shalt  }
0x75: {  	_ =	shalt  }
0x76: {  	_ =	shalt  }
0x77: {  	_ =	shalt  }
0x78: {  	_ =	shalt  }
0x79: {  	_ =	shalt  }
0x7a: {  	_ =	shalt  }
0x7b: {  	_ =	shalt  }
0x7c: {  	_ =	shalt  }
0x7d: {  	_ =	shalt  }
0x7e: {  	_ =	shalt  }
0x7f: {  	_ =	shalt  }
0x80: {  	_ =	shalt  }
0x81: {  	_ =	shalt  }
0x82: {  	_ =	shalt  }
0x83: {  	_ =	shalt  }
0x84: {  	_ =	shalt  }
0x85: {  	_ =	shalt  }
0x86: {  	_ =	shalt  }
0x87: {  	_ =	shalt  }
.Lfunc_end0:
.L_simem_size_0:
called_computation_lowered:
.L_overlay_start_0:
0x88: {  	s2 =	sld [smem:$0x3FD9]  }
0x89: {  	s3 =	sld [smem:$0x3FFE];
	_ =	sdelay $0x1  }
0x8a: {  	s1 =	srdreg.scid  }
0x8b: {  	s0 =	sand.u32 $0x1, s1  }
0x8c: {  	s17 =	sshll.u32 s0, $0xA;
	s2 =	sadd.s32 s3, s2  }
0x8d: {  	s2 =	sadd.s32 s2, s17  }
0x8e: {  	[smem:$0x3FC3] =	sst s2  }
0x8f: {  	_ = 	snop  }
0x90: {  	s2 =	sld [smem:$0x3FD0];
	(tm) =	ssettm $0x1  }
0x91: {  	s18 =	sld [smem:$0x3FFB];
	_ =	sdelay $0x3  }
0x92: {  	_ =	strace s18  }
0x93: {  	s3 =	sld [smem:$0x3FFC];
	_ =	sdelay $0x3  }
0x94: {  	_ =	strace s3  }
0x95: {  	s3 =	sld [smem:$0x3FFD];
	_ =	sdelay $0x3  }
0x96: {  	_ =	strace s3  }
0x97: {  	_ =	strace $0x8FFFFFFF  }
0x98: {  	s19 =	sld [smem:$0x3FDB];
	_ =	sdelay $0x1  }
0x99: {  	s4 =	simm.s32 $_scs_section_size  }
0x9a: {  	s5 =	simm.s32 $_size__tile_overlayer_lowered;
	s6 =	simm.s32 $_tile_overlayer_lowered  }
0x9b: {  	s22 =	simm.s32 $0x1BFF;
	s21 =	sshll.u32 s6, $0x1;
	s3 =	sadd.s32 s4, s19  }
0x9c: {  	s7 =	simm.s32 $0x0;
	s20 =	sshll.u32 s5, $0x1;
	s5 =	sadd.s32 s21, s3  }
0x9d: {  	[timem:s7], [sflag:s22] =	dma.local [hbm:s5], s20  }
0x9e: {  	_ =	swait.ge [sflag:s22], s20  }
0x9f: {  	s4 =	ssub.s32 $0x0, s20;
	[sflag:s22] =	ssyncset.done $0x0  }
0xa0: {  	[sflag:s22] =	ssyncadd.s32 s4;
	_ =	sdelay $0x1  }
0xa1: {  	s23 =	simm.s32 $0x1B8B  }
0xa2: {  	_ =	swait.ge [sflag:s23], $0x1  }
0xa3: {  	[sflag:s23] =	ssyncset.done $0x0  }
0xa4: {  	s25 =	simm.s32 $0x1B8E;
	s24 =	sld [smem:$0x3FFE];
	[sflag:s23] =	ssyncadd.s32 $0xFFFFFFFF  }
0xa5: {  	s26 =	simm.s32 $execute0_lowered;
	[smem:$0x3FD2] =	sst s25  }
0xa6: {  	s5 =	sshll.u32 s26, $0x1;
	_ =	strace $0x80000046;
	[dreg:$0x1] =	wrdreg $0xFFFFFFFF  }
0xa7: {  	s28 =	simm.s32 $_size_execute0_lowered;
	s3 =	sadd.s32 s3, s5;
	[dreg:$0x0] =	wrdreg $0x0  }
0xa8: {  	s5 =	sshll.u32 s28, $0x1;
	[dreg:$0x2] =	wrdreg s3  }
0xa9: {  	[dreg:$0x3] =	wrdreg s5  }
0xaa: {  	[dreg:$0x4] =	wrdreg $0xC0  }
0xab: {  	_ =	task [dreg:s7], $0x5FFFF  }
0xac: {  	[dreg:$0x1] =	wrdreg $0xFFFFFFFF  }
0xad: {  	[dreg:$0x0] =	wrdreg $0x60  }
0xae: {  	[dreg:$0x2] =	wrdreg s2  }
0xaf: {  	[dreg:$0x3] =	wrdreg s24  }
0xb0: {  	[dreg:$0x4] =	wrdreg $0xAC800  }
0xb1: {  	[dreg:$0x5] =	wrdreg $0x14C800  }
0xb2: {  	[dreg:$0x6] =	wrdreg $0x9  }
0xb3: {  	_ =	task.clear_ibuf [dreg:s7], $0x7FFFF;
	_ =	strace $0x90000046  }
0xb4: {  	s29 =	simm.s32 $0x9;
	_ =	strace $0x80000048  }
0xb5: {  	_ =	swait.ge [sflag:s29], $0x1  }
0xb6: {  	[sflag:s29] =	ssyncadd.s32 $0xFFFFFFFF  }
0xb7: {  	_ =	strace $0x90000048  }
0xb8: {  	_ =	sfence  }
0xb9: {  	s30 =	sld [smem:$0x0];
	_ =	sdelay $0x2  }
0xba: {  	s31 =	sshll.u32 s1, $0xD;
	s1 =	sshrl.u32 s1, $0x2  }
0xbb: {  	s3 =	sand.u32 $0x4000, s31;
	s1 =	sadd.s32 s1, s30  }
0xbc: {  	s0 =	sor.u32 s3, s0;
	s1 =	sshll.u32 s1, $0x11  }
0xbd: {  	s0 =	sor.u32 s1, s0  }
0xbe: {  	s0 =	sadd.s32 $0x8F2B, s0  }
0xbf: {  	[sflag:s0] =	ssyncadd.remote.s32 $0x1  }
0xc0: {  	_ =	sfence.sel $0xFFFF  }
0xc1: {  	[dreg:$0x0] =	wrdreg $0xFFFFFFFF;
	(pc) =	sbr.abs _section_cstart, $3  }
0xc2: {  	[dreg:$0x1] =	wrdreg $0xFFFFFFFF  }
0xc3: {  	_ =	task.clear_ibuf [dreg:s7], $0x2FFFF;
	_ =	strace $0x9FFFFFFF  }
0xc4: {  	(tm) =	ssettm $0x7FFFFFFF  }
0xc5: {  	_ =	shalt  }
tec
execute0_lowered:
.L_overlay_start_1:
0x0: {  	(tag) =	ssettag $0x1  }
0x1: {  	s0 =	rddreg [dreg:$0x0]  }
0x2: {  	s4 =	rddreg [dreg:$0x1]  }
0x3: {  	s1 =	rddreg [dreg:$0x2]  }
0x4: {  	s2 =	rddreg [dreg:$0x3];
	s3 =	simm.s32 $0x0;
	s6 =	srdreg.scid  }
0x5: {  	s19 =	stileid.u32;
	s28 =	simm.s32 $0x2A00;
	s30 =	simm.s32 $0x4  }
0x6: {  	s31 =	simm.s32 $0x6;
	[smem:$0x7FF] =	sst s3;
	s9 =	smul.u32 $0x280, s19  }
0x7: {  	s5 =	sadd.s32 $0xA400, s4;
	s8 =	sand.u32 $0x1, s6;
	s12 =	smul.u32 $0xA000, s19  }
0x8: {  	s6 =	sadd.s32 $0x14800, s4;
	s13 =	sadd.s32 $0x1EC00, s4;
	s25 =	smul.u32 $0x28000, s19  }
0x9: {  	_ =	strace $0x80000047;
	s7 =	ssub.s32 $0x2, s8;
	s11 =	sshll.u32 s8, $0x4  }
0xa: {  	s8 =	smul.u32 $0x2800, s8;
	s10 =	sshrl.u32 s7, $0x1;
	s18 =	sor.u32 s19, s11  }
0xb: {  	s20 =	sshrl.u32 s12, $0x3;
	s14 =	sadd.s32 $0x80, s9;
	s15 =	sadd.s32 $0x100, s9  }
0xc: {  	s17 =	sadd.s32 $0x180, s9;
	s24 =	sadd.s32 $0x200, s9;
	s10 =	ssub.s32 s7, s10  }
0xd: {  	s7 =	smul.u32 $0x2900, s18;
	s11 =	sadd.s32 s0, s20;
	s21 =	sshll.u32 s14, $0x3  }
0xe: {  	s16 =	sshll.u32 s15, $0x3;
	s23 =	sshll.u32 s17, $0x3;
	s9 =	sadd.s32 s9, s8  }
0xf: {  	s26 =	sshll.u32 s24, $0x3;
	s18 =	sadd.s32 s8, s14;
	s20 =	sadd.s32 s8, s17  }
0x10: {  	[dreg:$0x5] =	wrdreg s11;
	s11 =	sadd.s32 s0, s21;
	s22 =	sadd.s32 s0, s16  }
0x11: {  	s9 =	sshll.u32 s9, $0x3;
	s16 =	sshll.u32 s18, $0x3;
	[dreg:$0x6] =	wrdreg s11  }
0x12: {  	s18 =	sadd.s32 s8, s15;
	s8 =	sadd.s32 s8, s24;
	[dreg:$0x7] =	wrdreg s22  }
0x13: {  	s11 =	sadd.s32 s0, s23;
	s0 =	sadd.s32 s0, s26;
	s9 =	sadd.s32 s13, s9  }
0x14: {  	s22 =	sshll.u32 s8, $0x3;
	s23 =	sshrl.u32 s7, $0x3;
	[dreg:$0x8] =	wrdreg s11  }
0x15: {  	s26 =	sadd.s32 s12, s1;
	s12 =	sshll.u32 s15, $0x6;
	[dreg:$0x9] =	wrdreg s0  }
0x16: {  	s8 =	sshrl.u32 s25, $0x2;
	s25 =	smax.u32 s10, $0x1;
	[dreg:$0xa] =	wrdreg s9  }
0x17: {  	s10 =	simm.s32 $0x2C80;
	s0 =	sadd.s32 s13, s16;
	[dreg:$0x10] =	wrdreg s26  }
0x18: {  	s9 =	sshll.u32 s20, $0x3;
	s4 =	sadd.s32 s4, s23;
	[dreg:$0x1e] =	wrdreg s25  }
0x19: {  	s11 =	sshll.u32 s24, $0x6;
	s15 =	sadd.s32 s12, s1;
	[dreg:$0xb] =	wrdreg s0  }
0x1a: {  	s26 =	sadd.s32 s12, s2;
	s19 =	sadd.s32 s5, s23;
	[dreg:$0xf] =	wrdreg s4  }
0x1b: {  	s20 =	sor.u32 $0x10, s23;
	s12 =	simm.s32 $0x1;
	[dreg:$0x14] =	wrdreg s15  }
0x1c: {  	s25 =	simm.s32 $0x5;
	s0 =	sshll.u32 s18, $0x3;
	[dreg:$0x1a] =	wrdreg s19  }
0x1d: {  	s21 =	sadd.s32 s13, s9;
	s9 =	sshll.u32 s14, $0x6;
	[dreg:$0x15] =	wrdreg s26  }
0x1e: {  	s18 =	sadd.s32 s11, s2;
	s15 =	simm.s32 $0x2900;
	[dreg:$0xd] =	wrdreg s21  }
0x1f: {  	s19 =	simm.s32 $0x80;
	s0 =	sadd.s32 s13, s0;
	[dreg:$0x19] =	wrdreg s18  }
0x20: {  	s4 =	simm.s32 $0x0;
	s14 =	sadd.s32 s9, s1;
	[dreg:$0xc] =	wrdreg s0  }
0x21: {  	s24 =	sadd.s32 s9, s2;
	s21 =	sadd.s32 s5, s20;
	[dreg:$0x12] =	wrdreg s14  }
0x22: {  	s9 =	simm.s32 $0x7;
	s18 =	simm.s32 $0x2C00;
	[dreg:$0x1c] =	wrdreg s21  }
0x23: {  	s0 =	sadd.s32 s13, s22;
	s13 =	sshll.u32 s17, $0x6;
	[dreg:$0x13] =	wrdreg s24  }
0x24: {  	s22 =	sadd.s32 s8, s2;
	s17 =	sadd.s32 s11, s1;
	[dreg:$0xe] =	wrdreg s0  }
0x25: {  	s11 =	simm.s32 $0x4C80;
	s14 =	simm.s32 $0x6C80;
	[dreg:$0x18] =	wrdreg s17  }
0x26: {  	s21 =	simm.s32 $0x3;
	s16 =	sadd.s32 s13, s1;
	[dreg:$0x11] =	wrdreg s22  }
0x27: {  	s29 =	sadd.s32 s13, s2;
	s0 =	sadd.s32 s6, s23;
	[dreg:$0x16] =	wrdreg s16  }
0x28: {  	s23 =	sadd.s32 s6, s20;
	s13 =	simm.s32 $0x2;
	[dreg:$0x1b] =	wrdreg s0  }
0x29: {  	s17 =	simm.s32 $0x2980;
	[dreg:$0x1d] =	wrdreg s23;
	s16 =	simm.s32 $0x2B80  }
0x2a: {  	v0 =	vimm.bf16 $0.0e+00;
	v1 =	vimm.s32 $0x0;
	s23 =	simm.s32 $0x8C80;
	s0 =	simm.s32 $0x2A80;
	[dreg:$0x17] =	wrdreg s29  }
.LBB2_1:
0x2b: {  	s8 =	rddreg [dreg:$0xf]  }
0x2c: {  	[tilespmem:s3], [sflag:$0x7] =	stream.linear.gather [hbm4b:s8+s3], $0x2900, $0x38;
	[tilespmem:$0x1EC80] =	vst v63  }
0x2d: {  	_ =	swait.ge [sflag:s9], $0x2900  }
0x2e: {  	[sflag:s9] =	ssyncset.done $0x0  }
0x2f: {  	s20 =	rddreg [dreg:$0x5];
	[sflag:s9] =	ssyncadd.s32 $0xFFFFD700  }
0x30: {  	[tilespmem:s10], [sflag:$0x1] =	stream.linear.gather [hbm4b:s20+s3], $0x2000, $0x38;
	[tilespmem:$0x1EC80] =	vst v63  }
0x31: {  	s20 =	rddreg [dreg:$0x6]  }
0x32: {  	[tilespmem:s11], [sflag:$0x2] =	stream.linear.gather [hbm4b:s20+s3], $0x2000, $0x38;
	[tilespmem:$0x1EC80] =	vst v63  }
0x33: {  	_ =	swait.ge [sflag:s12], $0x2000  }
0x34: {  	[sflag:s12] =	ssyncset.done $0x0  }
0x35: {  	s20 =	rddreg [dreg:$0x10];
	[sflag:s12] =	ssyncadd.s32 $0xFFFFE000  }
0x36: {  	[spmem:s20] =	stream.linear.scatter [tilespmem:s10], [sflag:$0x7], $0x2000, $0x38;
	[tilespmem:$0x1EC80] =	vst v63  }
0x37: {  	_ =	swait.ge [sflag:s9], $0x2000  }
0x38: {  	[sflag:s9] =	ssyncset.done $0x0  }
0x39: {  	s20 =	rddreg [dreg:$0x7];
	[sflag:s9] =	ssyncadd.s32 $0xFFFFE000  }
0x3a: {  	[tilespmem:s10], [sflag:$0x1] =	stream.linear.gather [hbm4b:s20+s3], $0x2000, $0x38;
	[tilespmem:$0x1EC80] =	vst v63  }
0x3b: {  	_ =	swait.ge [sflag:s13], $0x2000  }
0x3c: {  	[sflag:s13] =	ssyncset.done $0x0  }
0x3d: {  	s20 =	rddreg [dreg:$0x12];
	[sflag:s13] =	ssyncadd.s32 $0xFFFFE000  }
0x3e: {  	[spmem:s20] =	stream.linear.scatter [tilespmem:s11], [sflag:$0x7], $0x2000, $0x38;
	[tilespmem:$0x1EC80] =	vst v63  }
0x3f: {  	_ =	swait.ge [sflag:s9], $0x2000  }
0x40: {  	[sflag:s9] =	ssyncset.done $0x0  }
0x41: {  	s20 =	rddreg [dreg:$0x8];
	[sflag:s9] =	ssyncadd.s32 $0xFFFFE000  }
0x42: {  	[tilespmem:s11], [sflag:$0x2] =	stream.linear.gather [hbm4b:s20+s3], $0x2000, $0x38;
	[tilespmem:$0x1EC80] =	vst v63  }
0x43: {  	_ =	swait.ge [sflag:s12], $0x2000  }
0x44: {  	[sflag:s12] =	ssyncset.done $0x0  }
0x45: {  	s20 =	rddreg [dreg:$0x14];
	[sflag:s12] =	ssyncadd.s32 $0xFFFFE000  }
0x46: {  	[spmem:s20] =	stream.linear.scatter [tilespmem:s10], [sflag:$0x7], $0x2000, $0x38;
	[tilespmem:$0x1EC80] =	vst v63  }
0x47: {  	_ =	swait.ge [sflag:s9], $0x2000  }
0x48: {  	[sflag:s9] =	ssyncset.done $0x0  }
0x49: {  	s20 =	rddreg [dreg:$0x9];
	[sflag:s9] =	ssyncadd.s32 $0xFFFFE000  }
0x4a: {  	[tilespmem:s10], [sflag:$0x1] =	stream.linear.gather [hbm4b:s20+s3], $0x2000, $0x38;
	[tilespmem:$0x1EC80] =	vst v63  }
0x4b: {  	_ =	swait.ge [sflag:s13], $0x2000  }
0x4c: {  	[sflag:s13] =	ssyncset.done $0x0  }
0x4d: {  	s20 =	rddreg [dreg:$0x16];
	[sflag:s13] =	ssyncadd.s32 $0xFFFFE000  }
0x4e: {  	[spmem:s20] =	stream.linear.scatter [tilespmem:s11], [sflag:$0x7], $0x2000, $0x38;
	[tilespmem:$0x1EC80] =	vst v63  }
0x4f: {  	_ =	swait.ge [sflag:s9], $0x2000  }
0x50: {  	[sflag:s9] =	ssyncset.done $0x0  }
0x51: {  	[sflag:s9] =	ssyncadd.s32 $0xFFFFE000  }
0x52: {  	_ =	swait.ge [sflag:s12], $0x2000  }
0x53: {  	[sflag:s12] =	ssyncset.done $0x0  }
0x54: {  	s20 =	rddreg [dreg:$0x18];
	[sflag:s12] =	ssyncadd.s32 $0xFFFFE000  }
0x55: {  	[spmem:s20] =	stream.linear.scatter [tilespmem:s10], [sflag:$0x7], $0x2000, $0x38;
	[tilespmem:$0x1EC80] =	vst v63  }
0x56: {  	_ =	swait.ge [sflag:s9], $0x2000  }
0x57: {  	[sflag:s9] =	ssyncset.done $0x0  }
0x58: {  	s8 =	simm.s32 $0x0;
	s20 =	simm.s32 $0x100;
	[sflag:s9] =	ssyncadd.s32 $0xFFFFE000  }
.LBB2_2:
0x59: {  	p0 =	sne.s32 s20, $0x7F00;
	[tilespmem:s8+$0x8CB0] =	vst v0  }
0x5a: {  	[tilespmem:s8+$0x6C80] =	vst v0  }
0x5b: {  	[tilespmem:s8+$0x8C80] =	vst v0  }
.Ltmp0:
0x5c: {  	[tilespmem:s8+$0x6C90] =	vst v0;
	(pc) =	sbr.rel @p0 .LBB2_2-.Ltmp0, $4  }
0x5d: {  	[tilespmem:s8+$0x8C90] =	vst v0  }
0x5e: {  	[tilespmem:s8+$0x6CA0] =	vst v0  }
0x5f: {  	[tilespmem:s8+$0x8CA0] =	vst v0  }
0x60: {  	[tilespmem:s8+$0x6CB0] =	vst v0;
	s8 =	sshra.s32 s20, $0x2;
	s20 =	sadd.s32 $0x100, s20  }
0x61: {  	[tilespmem:s8+$0x8CB0] =	vst v0  }
0x62: {  	[tilespmem:s8+$0x6C80] =	vst v0  }
0x63: {  	[tilespmem:s8+$0x8C80] =	vst v0  }
0x64: {  	[tilespmem:s8+$0x6C90] =	vst v0  }
0x65: {  	[tilespmem:s8+$0x8C90] =	vst v0  }
0x66: {  	[tilespmem:s8+$0x6CA0] =	vst v0  }
0x67: {  	[tilespmem:s8+$0x8CA0] =	vst v0  }
0x68: {  	[tilespmem:s8+$0x6CB0] =	vst v0  }
0x69: {  	[tilespmem:$0x2B00] =	vst v1  }
0x6a: {  	[tilespmem:$0x2B10] =	vst v1  }
0x6b: {  	[tilespmem:$0x2B20] =	vst v1  }
0x6c: {  	[tilespmem:$0x2B30] =	vst v1  }
0x6d: {  	[tilespmem:$0x2B40] =	vst v1  }
0x6e: {  	[tilespmem:$0x2B50] =	vst v1  }
0x6f: {  	[tilespmem:$0x2B60] =	vst v1  }
0x70: {  	[tilespmem:$0x2B70] =	vst v1  }
0x71: {  	[spmem:s22] =	stream.linear.scatter [tilespmem:s14], [sflag:$0x7], $0x2000, $0x38;
	[tilespmem:$0x1EC80] =	vst v63  }
0x72: {  	_ =	swait.ge [sflag:s9], $0x2000  }
0x73: {  	[sflag:s9] =	ssyncset.done $0x0  }
0x74: {  	[sflag:s9] =	ssyncadd.s32 $0xFFFFE000  }
0x75: {  	[spmem:s24] =	stream.linear.scatter [tilespmem:s14], [sflag:$0x7], $0x2000, $0x38;
	[tilespmem:$0x1EC80] =	vst v63  }
0x76: {  	_ =	swait.ge [sflag:s9], $0x2000  }
0x77: {  	[sflag:s9] =	ssyncset.done $0x0  }
0x78: {  	[sflag:s9] =	ssyncadd.s32 $0xFFFFE000  }
0x79: {  	[spmem:s26] =	stream.linear.scatter [tilespmem:s14], [sflag:$0x7], $0x2000, $0x38;
	[tilespmem:$0x1EC80] =	vst v63  }
0x7a: {  	_ =	swait.ge [sflag:s9], $0x2000  }
0x7b: {  	[sflag:s9] =	ssyncset.done $0x0  }
0x7c: {  	[sflag:s9] =	ssyncadd.s32 $0xFFFFE000  }
0x7d: {  	[spmem:s29] =	stream.linear.scatter [tilespmem:s14], [sflag:$0x7], $0x2000, $0x38;
	[tilespmem:$0x1EC80] =	vst v63  }
0x7e: {  	_ =	swait.ge [sflag:s9], $0x2000  }
0x7f: {  	[sflag:s9] =	ssyncset.done $0x0  }
0x80: {  	s20 =	rddreg [dreg:$0x19];
	[sflag:s9] =	ssyncadd.s32 $0xFFFFE000  }
0x81: {  	[spmem:s20] =	stream.linear.scatter [tilespmem:s14], [sflag:$0x7], $0x2000, $0x38;
	[tilespmem:$0x1EC80] =	vst v63  }
0x82: {  	_ =	swait.ge [sflag:s9], $0x2000  }
0x83: {  	[sflag:s9] =	ssyncset.done $0x0  }
0x84: {  	[sflag:s9] =	ssyncadd.s32 $0xFFFFE000  }
0x85: {  	[bflag:$0x0] =	sbarrier.arrive $0xFFFF  }
0x86: {  	s8 =	simm.s32 $0x0;
	s20 =	rddreg [dreg:$0x1a]  }
0x87: {  	[tilespmem:s15], [sflag:$0x3] =	stream.linear.gather [hbm4b:s20+s8], $0x80, $0x38;
	[tilespmem:$0x1EC80] =	vst v63  }
0x88: {  	s22 =	rddreg [dreg:$0x1b]  }
0x89: {  	[tilespmem:s16], [sflag:$0x3] =	stream.linear.gather [hbm4b:s22+s8], $0x80, $0x38;
	[tilespmem:$0x1EC80] =	vst v63  }
0x8a: {  	s24 =	rddreg [dreg:$0x1c]  }
0x8b: {  	[tilespmem:s17], [sflag:$0x4] =	stream.linear.gather [hbm4b:s24+s8], $0x80, $0x38;
	[tilespmem:$0x1EC80] =	vst v63  }
0x8c: {  	s26 =	rddreg [dreg:$0x1d]  }
0x8d: {  	[tilespmem:s18], [sflag:$0x4] =	stream.linear.gather [hbm4b:s26+s8], $0x80, $0x38;
	[tilespmem:$0x1EC80] =	vst v63  }
0x8e: {  	_ = 	snop  }
0x8f: {  	[tilespmem:s10], [sflag:$0x1] =	stream.indirect.gather [spmem:s1], $0x40, s8, s19, $0xb8;
	[tilespmem:$0x1EC80] =	vst v63  }
0x90: {  	_ = 	snop  }
0x91: {  	[tilespmem:s11], [sflag:$0x2] =	stream.indirect.gather [spmem:s1], $0x40, s19, s19, $0xb8;
	[tilespmem:$0x1EC80] =	vst v63  }
0x92: {  	s29 =	simm.s32 $0x2B00  }
0x93: {  	[spmem:s2] =	stream.indirect.scatter.add.bf16 [tilespmem:s14], [sflag:$0x5], $0x40, s29, s19, $0xb8;
	[tilespmem:$0x1EC80] =	vst v63  }
0x94: {  	_ = 	snop  }
0x95: {  	[spmem:s2] =	stream.indirect.scatter.add.bf16 [tilespmem:s23], [sflag:$0x6], $0x40, s29, s19, $0xb8;
	[tilespmem:$0x1EC80] =	vst v63  }
.LBB2_4:
0x96: {  	_ =	swait.ge [sflag:s12], $0x2000  }
0x97: {  	[sflag:s12] =	ssyncset.done $0x0  }
0x98: {  	[sflag:s12] =	ssyncadd.s32 $0xFFFFE000  }
0x99: {  	_ =	swait.ge [sflag:s21], $0x80  }
0x9a: {  	[sflag:s21] =	ssyncset.done $0x0  }
0x9b: {  	[sflag:s21] =	ssyncadd.s32 $0xFFFFFF80  }
0x9c: {  	_ =	swait.ge [sflag:s21], $0x80  }
0x9d: {  	[sflag:s21] =	ssyncset.done $0x0  }
0x9e: {  	[sflag:s21] =	ssyncadd.s32 $0xFFFFFF80  }
0x9f: {  	_ =	swait.ge [sflag:s25], $0x2000  }
0xa0: {  	[sflag:s25] =	ssyncset.done $0x0  }
0xa1: {  	[sflag:s25] =	ssyncadd.s32 $0xFFFFE000  }
0xa2: {  	v2 =	vld [tilespmem:$0x2900]  }
0xa3: {  	v3 =	vld [tilespmem:$0x2910]  }
0xa4: {  	v4 =	vld [tilespmem:$0x2920]  }
0xa5: {  	v5 =	vld [tilespmem:$0x2930]  }
0xa6: {  	v6 =	vld [tilespmem:$0x2940]  }
0xa7: {  	[tilespmem:$0x2A00] =	vst v2;
	v2 =	vld [tilespmem:$0x2950]  }
0xa8: {  	[tilespmem:$0x2A10] =	vst v3;
	v3 =	vld [tilespmem:$0x2960]  }
0xa9: {  	[tilespmem:$0x2A20] =	vst v4;
	v4 =	vld [tilespmem:$0x2970]  }
0xaa: {  	[tilespmem:$0x2A30] =	vst v5  }
0xab: {  	[tilespmem:$0x2A40] =	vst v6  }
0xac: {  	[tilespmem:$0x2A50] =	vst v2  }
0xad: {  	[tilespmem:$0x2A60] =	vst v3  }
0xae: {  	s20 =	simm.s32 $0x0;
	[tilespmem:$0x2A70] =	vst v4  }
0xaf: {  	v23 =	vld [tilespmem:s20+$0x2C80]  }
0xb0: {  	v24 =	vld [tilespmem:s20+$0x2C90]  }
0xb1: {  	v22 =	vld [tilespmem:s20+$0x2CA0]  }
0xb2: {  	v21 =	vld [tilespmem:s20+$0x2CB0]  }
0xb3: {  	v19 =	vld [tilespmem:s20+$0x2CC0]  }
0xb4: {  	v20 =	vld [tilespmem:s20+$0x2CD0]  }
0xb5: {  	v18 =	vld [tilespmem:s20+$0x2CE0]  }
0xb6: {  	v17 =	vld [tilespmem:s20+$0x2CF0]  }
0xb7: {  	v15 =	vld [tilespmem:s20+$0x2D00]  }
0xb8: {  	v16 =	vld [tilespmem:s20+$0x2D10]  }
0xb9: {  	v14 =	vld [tilespmem:s20+$0x2D20]  }
0xba: {  	v13 =	vld [tilespmem:s20+$0x2D30]  }
0xbb: {  	v11 =	vld [tilespmem:s20+$0x2D40]  }
0xbc: {  	v12 =	vld [tilespmem:s20+$0x2D50]  }
0xbd: {  	v10 =	vld [tilespmem:s20+$0x2D60]  }
0xbe: {  	v9 =	vld [tilespmem:s20+$0x2D70]  }
0xbf: {  	v7 =	vld [tilespmem:s20+$0x2D80]  }
0xc0: {  	v8 =	vld [tilespmem:s20+$0x2D90]  }
0xc1: {  	v6 =	vld [tilespmem:s20+$0x2DA0]  }
0xc2: {  	v5 =	vld [tilespmem:s20+$0x2DB0]  }
0xc3: {  	v3 =	vld [tilespmem:s20+$0x2DC0]  }
0xc4: {  	s22 =	simm.s32 $0x2B80;
	v4 =	vld [tilespmem:s20+$0x2DD0]  }
0xc5: {  	s24 =	simm.s32 $0x1000;
	v2 =	vld [tilespmem:s22+$0x0]  }
.LBB2_5:
0xc6: {  	p0 =	sne.s32 s24, $0x7000;
	v25 =	vld [tilespmem:s20+$0x2DE0]  }
0xc7: {  	v26 =	vld [tilespmem:s20+$0x2DF0]  }
0xc8: {  	v27 =	vld [tilespmem:s20+$0x2E00]  }
0xc9: {  	v28 =	vld [tilespmem:s20+$0x2E10]  }
0xca: {  	v29 =	vbroadcast v2, $0x0;
	v30 =	vbroadcast v2, $0x1;
	v31 =	vld [tilespmem:s20+$0x2E20]  }
0xcb: {  	v32 =	vbroadcast v2, $0x2;
	v33 =	vbroadcast v2, $0x3;
	v34 =	vld [tilespmem:s20+$0x2E30]  }
0xcc: {  	v35 =	vbroadcast v2, $0x4;
	v29 =	vpack.i.f32.bf16 v29, v29;
	v30 =	vpack.i.f32.bf16 v30, v30;
	v36 =	vld [tilespmem:s20+$0x2E40]  }
0xcd: {  	v32 =	vpack.i.f32.bf16 v32, v32;
	v23 =	vmul.bf16 v23, v29;
	v24 =	vmul.bf16 v24, v29;
	v37 =	vld [tilespmem:s20+$0x2E50]  }
0xce: {  	v22 =	vmul.bf16 v22, v29;
	v21 =	vmul.bf16 v21, v29;
	v29 =	vpack.i.f32.bf16 v33, v33;
	v33 =	vld [tilespmem:s20+$0x2E60]  }
0xcf: {  	v19 =	vmul.bf16 v19, v30;
	v20 =	vmul.bf16 v20, v30;
	[tilespmem:s20+$0x6C80] =	vst v23;
	v23 =	vpack.i.f32.bf16 v35, v35;
	v35 =	vld [tilespmem:s20+$0x2E70]  }
0xd0: {  	v18 =	vmul.bf16 v18, v30;
	v17 =	vmul.bf16 v17, v30;
	[tilespmem:s20+$0x6C90] =	vst v24;
	v24 =	vld [tilespmem:s20+$0x2E80]  }
0xd1: {  	v15 =	vmul.bf16 v15, v32;
	v16 =	vmul.bf16 v16, v32;
	[tilespmem:s20+$0x6CA0] =	vst v22;
	v22 =	vld [tilespmem:s20+$0x2E90]  }
0xd2: {  	v14 =	vmul.bf16 v14, v32;
	v13 =	vmul.bf16 v13, v32;
	[tilespmem:s20+$0x6CB0] =	vst v21;
	v21 =	vld [tilespmem:s20+$0x2EA0]  }
0xd3: {  	v11 =	vmul.bf16 v11, v29;
	v12 =	vmul.bf16 v12, v29;
	[tilespmem:s20+$0x6CC0] =	vst v19;
	v19 =	vld [tilespmem:s20+$0x2EB0]  }
0xd4: {  	v10 =	vmul.bf16 v10, v29;
	v9 =	vmul.bf16 v9, v29;
	[tilespmem:s20+$0x6CD0] =	vst v20;
	v20 =	vld [tilespmem:s20+$0x2EC0]  }
0xd5: {  	v7 =	vmul.bf16 v7, v23;
	v8 =	vmul.bf16 v8, v23;
	[tilespmem:s20+$0x6CE0] =	vst v18;
	v18 =	vld [tilespmem:s20+$0x2ED0]  }
0xd6: {  	v6 =	vmul.bf16 v6, v23;
	v5 =	vmul.bf16 v5, v23;
	[tilespmem:s20+$0x6CF0] =	vst v17;
	v17 =	vld [tilespmem:s20+$0x2EE0]  }
0xd7: {  	v23 =	vbroadcast v2, $0x6;
	[tilespmem:s20+$0x6D00] =	vst v15;
	v15 =	vbroadcast v2, $0x5;
	v29 =	vld [tilespmem:s20+$0x2EF0]  }
0xd8: {  	v30 =	vbroadcast v2, $0x8;
	[tilespmem:s20+$0x6D10] =	vst v16;
	v16 =	vbroadcast v2, $0x7;
	v32 =	vld [tilespmem:s20+$0x2F00]  }
0xd9: {  	[tilespmem:s20+$0x6D20] =	vst v14;
	v14 =	vpack.i.f32.bf16 v15, v15;
	v15 =	vpack.i.f32.bf16 v23, v23;
	v23 =	vbroadcast v2, $0x9;
	v38 =	vld [tilespmem:s20+$0x2F10]  }
0xda: {  	[tilespmem:s20+$0x6D30] =	vst v13;
	v3 =	vmul.bf16 v3, v14;
	v4 =	vmul.bf16 v4, v14;
	v13 =	vpack.i.f32.bf16 v16, v16;
	v16 =	vld [tilespmem:s20+$0x2F20]  }
0xdb: {  	[tilespmem:s20+$0x6D40] =	vst v11;
	v11 =	vmul.bf16 v25, v14;
	v14 =	vmul.bf16 v26, v14;
	v25 =	vpack.i.f32.bf16 v30, v30;
	v26 =	vld [tilespmem:s20+$0x2F30]  }
0xdc: {  	v23 =	vpack.i.f32.bf16 v23, v23;
	[tilespmem:s20+$0x6D50] =	vst v12;
	v12 =	vmul.bf16 v27, v15;
	v27 =	vmul.bf16 v28, v15;
	v28 =	vld [tilespmem:s20+$0x2F40]  }
0xdd: {  	[tilespmem:s20+$0x6D60] =	vst v10;
	v10 =	vmul.bf16 v31, v15;
	v15 =	vmul.bf16 v34, v15;
	v30 =	vld [tilespmem:s20+$0x2F50]  }
0xde: {  	v31 =	vmul.bf16 v37, v13;
	[tilespmem:s20+$0x6D70] =	vst v9;
	v9 =	vmul.bf16 v36, v13;
	v34 =	vld [tilespmem:s20+$0x2F60]  }
0xdf: {  	[tilespmem:s20+$0x6D80] =	vst v7;
	v7 =	vmul.bf16 v33, v13;
	v13 =	vmul.bf16 v35, v13;
	v33 =	vld [tilespmem:s20+$0x2F70]  }
0xe0: {  	v22 =	vmul.bf16 v22, v25;
	[tilespmem:s20+$0x6D90] =	vst v8;
	v8 =	vmul.bf16 v24, v25;
	v24 =	vld [tilespmem:s20+$0x2F80]  }
0xe1: {  	v19 =	vmul.bf16 v19, v25;
	[tilespmem:s20+$0x6DA0] =	vst v6;
	v6 =	vmul.bf16 v21, v25;
	v21 =	vld [tilespmem:s20+$0x2F90]  }
0xe2: {  	v18 =	vmul.bf16 v18, v23;
	[tilespmem:s20+$0x6DB0] =	vst v5;
	v5 =	vmul.bf16 v20, v23;
	v20 =	vld [tilespmem:s20+$0x2FA0]  }
0xe3: {  	[tilespmem:s20+$0x6DC0] =	vst v3;
	v3 =	vmul.bf16 v17, v23;
	v17 =	vmul.bf16 v29, v23;
	v23 =	vld [tilespmem:s20+$0x2FB0]  }
0xe4: {  	v25 =	vbroadcast v2, $0xB;
	[tilespmem:s20+$0x6DD0] =	vst v4;
	v4 =	vbroadcast v2, $0xA;
	v29 =	vld [tilespmem:s20+$0x2FC0]  }
0xe5: {  	v35 =	vbroadcast v2, $0xD;
	[tilespmem:s20+$0x6DE0] =	vst v11;
	v11 =	vbroadcast v2, $0xC;
	v36 =	vld [tilespmem:s20+$0x2FD0]  }
0xe6: {  	v37 =	vbroadcast v2, $0xE;
	[tilespmem:s20+$0x6DF0] =	vst v14;
	v4 =	vpack.i.f32.bf16 v4, v4;
	v14 =	vpack.i.f32.bf16 v25, v25;
	v25 =	vld [tilespmem:s20+$0x2FE0]  }
0xe7: {  	[tilespmem:s20+$0x6E00] =	vst v12;
	v12 =	vmul.bf16 v32, v4;
	v32 =	vmul.bf16 v38, v4;
	v11 =	vpack.i.f32.bf16 v11, v11;
	v38 =	vld [tilespmem:s20+$0x2FF0]  }
0xe8: {  	v16 =	vmul.bf16 v16, v4;
	v4 =	vmul.bf16 v26, v4;
	v26 =	vpack.i.f32.bf16 v35, v35;
	[tilespmem:s20+$0x6E10] =	vst v27;
	v27 =	vld [tilespmem:s20+$0x3000]  }
0xe9: {  	[tilespmem:s20+$0x6E20] =	vst v10;
	v10 =	vmul.bf16 v28, v14;
	v28 =	vmul.bf16 v30, v14;
	v30 =	vpack.i.f32.bf16 v37, v37;
	v35 =	vld [tilespmem:s20+$0x3010]  }
0xea: {  	[tilespmem:s20+$0x6E30] =	vst v15;
	v15 =	vmul.bf16 v34, v14;
	v14 =	vmul.bf16 v33, v14;
	v33 =	vld [tilespmem:s20+$0x3020]  }
0xeb: {  	v34 =	vmul.bf16 v21, v11;
	[tilespmem:s20+$0x6E40] =	vst v9;
	v9 =	vmul.bf16 v24, v11;
	v21 =	vld [tilespmem:s20+$0x3030]  }
0xec: {  	[tilespmem:s20+$0x6E50] =	vst v31;
	v31 =	vmul.bf16 v20, v11;
	v11 =	vmul.bf16 v23, v11  }
0xed: {  	[tilespmem:s20+$0x6E60] =	vst v7;
	v7 =	vmul.bf16 v29, v26;
	v29 =	vmul.bf16 v36, v26;
	v20 =	vld [tilespmem:s20+$0x3040]  }
0xee: {  	v25 =	vmul.bf16 v25, v26;
	v26 =	vmul.bf16 v38, v26;
	[tilespmem:s20+$0x6E70] =	vst v13;
	v13 =	vld [tilespmem:s20+$0x3050]  }
0xef: {  	[tilespmem:s20+$0x6E80] =	vst v8;
	v8 =	vmul.bf16 v27, v30;
	v27 =	vmul.bf16 v35, v30;
	v23 =	vld [tilespmem:s20+$0x3060]  }
0xf0: {  	v33 =	vmul.bf16 v33, v30;
	[tilespmem:s20+$0x6E90] =	vst v22;
	v30 =	vmul.bf16 v21, v30;
	v21 =	vld [tilespmem:s20+$0x3070]  }
0xf1: {  	v2 =	vbroadcast v2, $0xF;
	[tilespmem:s20+$0x6EA0] =	vst v6  }
0xf2: {  	[tilespmem:s20+$0x6EB0] =	vst v19  }
0xf3: {  	v2 =	vpack.i.f32.bf16 v2, v2;
	[tilespmem:s20+$0x6EC0] =	vst v5  }
0xf4: {  	v5 =	vmul.bf16 v20, v2;
	v35 =	vmul.bf16 v13, v2;
	[tilespmem:s20+$0x6ED0] =	vst v18  }
0xf5: {  	v36 =	vmul.bf16 v23, v2;
	[tilespmem:s20+$0x6EE0] =	vst v3;
	v2 =	vmul.bf16 v21, v2  }
0xf6: {  	[tilespmem:s20+$0x6EF0] =	vst v17  }
0xf7: {  	[tilespmem:s20+$0x6F00] =	vst v12  }
0xf8: {  	s26 =	sshra.s32 s24, $0x2;
	[tilespmem:s20+$0x6F10] =	vst v32  }
0xf9: {  	v23 =	vld [tilespmem:s26+$0x2C80];
	[tilespmem:s20+$0x6F20] =	vst v16  }
0xfa: {  	v24 =	vld [tilespmem:s26+$0x2C90];
	[tilespmem:s20+$0x6F30] =	vst v4  }
0xfb: {  	v22 =	vld [tilespmem:s26+$0x2CA0];
	[tilespmem:s20+$0x6F40] =	vst v10  }
0xfc: {  	v21 =	vld [tilespmem:s26+$0x2CB0];
	[tilespmem:s20+$0x6F50] =	vst v28  }
0xfd: {  	v19 =	vld [tilespmem:s26+$0x2CC0];
	[tilespmem:s20+$0x6F60] =	vst v15  }
0xfe: {  	v20 =	vld [tilespmem:s26+$0x2CD0];
	[tilespmem:s20+$0x6F70] =	vst v14  }
0xff: {  	v18 =	vld [tilespmem:s26+$0x2CE0];
	[tilespmem:s20+$0x6F80] =	vst v9  }
0x100: {  	v17 =	vld [tilespmem:s26+$0x2CF0];
	[tilespmem:s20+$0x6F90] =	vst v34  }
0x101: {  	v15 =	vld [tilespmem:s26+$0x2D00];
	[tilespmem:s20+$0x6FA0] =	vst v31  }
0x102: {  	v16 =	vld [tilespmem:s26+$0x2D10];
	[tilespmem:s20+$0x6FB0] =	vst v11  }
0x103: {  	v14 =	vld [tilespmem:s26+$0x2D20];
	[tilespmem:s20+$0x6FC0] =	vst v7  }
0x104: {  	v13 =	vld [tilespmem:s26+$0x2D30];
	[tilespmem:s20+$0x6FD0] =	vst v29  }
0x105: {  	v11 =	vld [tilespmem:s26+$0x2D40];
	[tilespmem:s20+$0x6FE0] =	vst v25  }
0x106: {  	v12 =	vld [tilespmem:s26+$0x2D50];
	[tilespmem:s20+$0x6FF0] =	vst v26  }
0x107: {  	v10 =	vld [tilespmem:s26+$0x2D60];
	[tilespmem:s20+$0x7000] =	vst v8  }
0x108: {  	v9 =	vld [tilespmem:s26+$0x2D70];
	[tilespmem:s20+$0x7010] =	vst v27  }
0x109: {  	v7 =	vld [tilespmem:s26+$0x2D80];
	[tilespmem:s20+$0x7020] =	vst v33  }
0x10a: {  	v8 =	vld [tilespmem:s26+$0x2D90];
	[tilespmem:s20+$0x7030] =	vst v30  }
.Ltmp1:
0x10b: {  	v6 =	vld [tilespmem:s26+$0x2DA0];
	[tilespmem:s20+$0x7040] =	vst v5;
	(pc) =	sbr.rel @p0 .LBB2_5-.Ltmp1, $4  }
0x10c: {  	v5 =	vld [tilespmem:s26+$0x2DB0];
	[tilespmem:s20+$0x7050] =	vst v35  }
0x10d: {  	v3 =	vld [tilespmem:s26+$0x2DC0];
	[tilespmem:s20+$0x7060] =	vst v36  }
0x10e: {  	s22 =	sadd.s32 $0x10, s22;
	v4 =	vld [tilespmem:s26+$0x2DD0];
	[tilespmem:s20+$0x7070] =	vst v2;
	s20 =	smov.u32 s26  }
0x10f: {  	s24 =	sadd.s32 $0x1000, s24;
	v2 =	vld [tilespmem:s22+$0x0]  }
0x110: {  	_ =	sdelay $0x3  }
0x111: {  	v29 =	vbroadcast v2, $0x0;
	_ =	sdelay $0x1  }
0x112: {  	v29 =	vpack.i.f32.bf16 v29, v29  }
0x113: {  	v24 =	vmul.bf16 v24, v29;
	_ =	sdelay $0x1  }
0x114: {  	v22 =	vmul.bf16 v22, v29;
	[tilespmem:s20+$0x6C90] =	vst v24;
	v24 =	vbroadcast v2, $0x1;
	_ =	sdelay $0x1  }
0x115: {  	[tilespmem:s20+$0x6CA0] =	vst v22;
	v22 =	vpack.i.f32.bf16 v24, v24  }
0x116: {  	v20 =	vmul.bf16 v20, v22;
	_ =	sdelay $0x1  }
0x117: {  	v18 =	vmul.bf16 v18, v22;
	[tilespmem:s20+$0x6CD0] =	vst v20;
	v20 =	vbroadcast v2, $0x2;
	_ =	sdelay $0x1  }
0x118: {  	[tilespmem:s20+$0x6CE0] =	vst v18;
	v18 =	vpack.i.f32.bf16 v20, v20  }
0x119: {  	v16 =	vmul.bf16 v16, v18;
	_ =	sdelay $0x1  }
0x11a: {  	v14 =	vmul.bf16 v14, v18;
	[tilespmem:s20+$0x6D10] =	vst v16;
	v16 =	vbroadcast v2, $0x3  }
0x11b: {  	v23 =	vmul.bf16 v23, v29  }
0x11c: {  	v21 =	vmul.bf16 v21, v29;
	[tilespmem:s20+$0x6D20] =	vst v14;
	v14 =	vpack.i.f32.bf16 v16, v16  }
0x11d: {  	[tilespmem:s20+$0x6C80] =	vst v23;
	v12 =	vmul.bf16 v12, v14  }
0x11e: {  	[tilespmem:s20+$0x6CB0] =	vst v21;
	v19 =	vmul.bf16 v19, v22  }
0x11f: {  	v10 =	vmul.bf16 v10, v14;
	[tilespmem:s20+$0x6D50] =	vst v12;
	v12 =	vbroadcast v2, $0x4  }
0x120: {  	v17 =	vmul.bf16 v17, v22;
	[tilespmem:s20+$0x6CC0] =	vst v19  }
0x121: {  	v15 =	vmul.bf16 v15, v18;
	[tilespmem:s20+$0x6D60] =	vst v10;
	v10 =	vpack.i.f32.bf16 v12, v12  }
0x122: {  	[tilespmem:s20+$0x6CF0] =	vst v17;
	v8 =	vmul.bf16 v8, v10  }
0x123: {  	v13 =	vmul.bf16 v13, v18;
	[tilespmem:s20+$0x6D00] =	vst v15  }
0x124: {  	v25 =	vld [tilespmem:s20+$0x2DE0];
	v6 =	vmul.bf16 v6, v10;
	[tilespmem:s20+$0x6D90] =	vst v8;
	v8 =	vbroadcast v2, $0x5  }
0x125: {  	v26 =	vld [tilespmem:s20+$0x2DF0];
	[tilespmem:s20+$0x6D30] =	vst v13;
	v11 =	vmul.bf16 v11, v14  }
0x126: {  	v27 =	vld [tilespmem:s20+$0x2E00];
	v9 =	vmul.bf16 v9, v14;
	[tilespmem:s20+$0x6DA0] =	vst v6;
	v6 =	vpack.i.f32.bf16 v8, v8  }
0x127: {  	v28 =	vld [tilespmem:s20+$0x2E10];
	[tilespmem:s20+$0x6D40] =	vst v11;
	v4 =	vmul.bf16 v4, v6  }
0x128: {  	[tilespmem:s20+$0x6D70] =	vst v9;
	v7 =	vmul.bf16 v7, v10  }
0x129: {  	v5 =	vmul.bf16 v5, v10;
	[tilespmem:s20+$0x6DD0] =	vst v4;
	v4 =	vbroadcast v2, $0x6  }
0x12a: {  	v30 =	vld [tilespmem:s20+$0x2E20];
	[tilespmem:s20+$0x6D80] =	vst v7;
	v3 =	vmul.bf16 v3, v6  }
0x12b: {  	v31 =	vld [tilespmem:s20+$0x2E30];
	[tilespmem:s20+$0x6DB0] =	vst v5;
	v10 =	vmul.bf16 v25, v6;
	v6 =	vmul.bf16 v26, v6;
	v4 =	vpack.i.f32.bf16 v4, v4  }
0x12c: {  	v32 =	vld [tilespmem:s20+$0x2E40];
	[tilespmem:s20+$0x6DC0] =	vst v3;
	v26 =	vmul.bf16 v27, v4;
	v27 =	vmul.bf16 v28, v4  }
0x12d: {  	v33 =	vld [tilespmem:s20+$0x2E50];
	[tilespmem:s20+$0x6DE0] =	vst v10  }
0x12e: {  	v34 =	vld [tilespmem:s20+$0x2E60];
	[tilespmem:s20+$0x6E10] =	vst v27;
	v27 =	vbroadcast v2, $0x7  }
0x12f: {  	v23 =	vld [tilespmem:s20+$0x2E70];
	[tilespmem:s20+$0x6DF0] =	vst v6;
	v52 =	vmul.bf16 v30, v4  }
0x130: {  	v35 =	vld [tilespmem:s20+$0x2E80];
	v4 =	vmul.bf16 v31, v4;
	[tilespmem:s20+$0x6E00] =	vst v26;
	v27 =	vpack.i.f32.bf16 v27, v27  }
0x131: {  	v24 =	vld [tilespmem:s20+$0x2E90];
	[tilespmem:s20+$0x6E20] =	vst v52;
	v55 =	vmul.bf16 v32, v27  }
0x132: {  	v59 =	vbroadcast v2, $0x8;
	v21 =	vld [tilespmem:s20+$0x2EA0];
	[tilespmem:s20+$0x6E30] =	vst v4;
	v56 =	vmul.bf16 v33, v27  }
0x133: {  	v19 =	vld [tilespmem:s20+$0x2EB0];
	v57 =	vmul.bf16 v34, v27;
	[tilespmem:s20+$0x6E40] =	vst v55  }
0x134: {  	v51 =	vld [tilespmem:s20+$0x2EC0];
	v23 =	vmul.bf16 v23, v27;
	v27 =	vpack.i.f32.bf16 v59, v59;
	[tilespmem:s20+$0x6E50] =	vst v56  }
0x135: {  	v20 =	vld [tilespmem:s20+$0x2ED0];
	v61 =	vmul.bf16 v35, v27;
	[tilespmem:s20+$0x6E60] =	vst v57  }
0x136: {  	v62 =	vbroadcast v2, $0x9;
	v17 =	vld [tilespmem:s20+$0x2EE0];
	v24 =	vmul.bf16 v24, v27;
	[tilespmem:s20+$0x6E70] =	vst v23  }
0x137: {  	v15 =	vld [tilespmem:s20+$0x2EF0];
	v21 =	vmul.bf16 v21, v27;
	[tilespmem:s20+$0x6E80] =	vst v61  }
0x138: {  	v22 =	vld [tilespmem:s20+$0x2F00];
	v19 =	vmul.bf16 v19, v27;
	[tilespmem:s20+$0x6E90] =	vst v24;
	v24 =	vpack.i.f32.bf16 v62, v62  }
0x139: {  	v16 =	vld [tilespmem:s20+$0x2F10];
	[tilespmem:s20+$0x6EA0] =	vst v21;
	v29 =	vmul.bf16 v51, v24  }
0x13a: {  	v13 =	vld [tilespmem:s20+$0x2F20];
	v21 =	vbroadcast v2, $0xA;
	[tilespmem:s20+$0x6EB0] =	vst v19;
	v20 =	vmul.bf16 v20, v24  }
0x13b: {  	v11 =	vld [tilespmem:s20+$0x2F30];
	v17 =	vmul.bf16 v17, v24;
	[tilespmem:s20+$0x6EC0] =	vst v29  }
0x13c: {  	v18 =	vld [tilespmem:s20+$0x2F40];
	v15 =	vmul.bf16 v15, v24;
	v19 =	vpack.i.f32.bf16 v21, v21;
	[tilespmem:s20+$0x6ED0] =	vst v20  }
0x13d: {  	v12 =	vld [tilespmem:s20+$0x2F50];
	v20 =	vmul.bf16 v22, v19;
	[tilespmem:s20+$0x6EE0] =	vst v17  }
0x13e: {  	v9 =	vld [tilespmem:s20+$0x2F60];
	v17 =	vbroadcast v2, $0xB;
	v16 =	vmul.bf16 v16, v19;
	[tilespmem:s20+$0x6EF0] =	vst v15  }
0x13f: {  	v7 =	vld [tilespmem:s20+$0x2F70];
	v13 =	vmul.bf16 v13, v19;
	[tilespmem:s20+$0x6F00] =	vst v20  }
0x140: {  	v14 =	vld [tilespmem:s20+$0x2F80];
	v11 =	vmul.bf16 v11, v19;
	v15 =	vpack.i.f32.bf16 v17, v17;
	[tilespmem:s20+$0x6F10] =	vst v16  }
0x141: {  	v8 =	vld [tilespmem:s20+$0x2F90];
	[tilespmem:s20+$0x6F20] =	vst v13;
	v16 =	vmul.bf16 v18, v15  }
0x142: {  	v5 =	vld [tilespmem:s20+$0x2FA0];
	v13 =	vbroadcast v2, $0xC;
	[tilespmem:s20+$0x6F30] =	vst v11;
	v12 =	vmul.bf16 v12, v15  }
0x143: {  	v3 =	vld [tilespmem:s20+$0x2FB0];
	v9 =	vmul.bf16 v9, v15;
	[tilespmem:s20+$0x6F40] =	vst v16  }
0x144: {  	v25 =	vld [tilespmem:s20+$0x2FC0];
	v7 =	vmul.bf16 v7, v15;
	v11 =	vpack.i.f32.bf16 v13, v13;
	[tilespmem:s20+$0x6F50] =	vst v12  }
0x145: {  	v10 =	vld [tilespmem:s20+$0x2FD0];
	v12 =	vmul.bf16 v14, v11;
	[tilespmem:s20+$0x6F60] =	vst v9  }
0x146: {  	v6 =	vld [tilespmem:s20+$0x2FE0];
	v9 =	vbroadcast v2, $0xD;
	v8 =	vmul.bf16 v8, v11;
	[tilespmem:s20+$0x6F70] =	vst v7  }
0x147: {  	v26 =	vld [tilespmem:s20+$0x2FF0];
	v5 =	vmul.bf16 v5, v11;
	[tilespmem:s20+$0x6F80] =	vst v12  }
0x148: {  	v53 =	vld [tilespmem:s20+$0x3000];
	v3 =	vmul.bf16 v3, v11;
	v7 =	vpack.i.f32.bf16 v9, v9;
	[tilespmem:s20+$0x6F90] =	vst v8  }
0x149: {  	v54 =	vld [tilespmem:s20+$0x3010];
	[tilespmem:s20+$0x6FA0] =	vst v5;
	v8 =	vmul.bf16 v25, v7  }
0x14a: {  	v4 =	vld [tilespmem:s20+$0x3020];
	v5 =	vbroadcast v2, $0xE;
	[tilespmem:s20+$0x6FB0] =	vst v3;
	v9 =	vmul.bf16 v10, v7  }
0x14b: {  	v58 =	vld [tilespmem:s20+$0x3030];
	v3 =	vmul.bf16 v6, v7;
	[tilespmem:s20+$0x6FC0] =	vst v8  }
0x14c: {  	v60 =	vld [tilespmem:s20+$0x3040];
	v6 =	vmul.bf16 v26, v7;
	v5 =	vpack.i.f32.bf16 v5, v5;
	[tilespmem:s20+$0x6FD0] =	vst v9  }
0x14d: {  	v23 =	vld [tilespmem:s20+$0x3050];
	v7 =	vmul.bf16 v53, v5;
	[tilespmem:s20+$0x6FE0] =	vst v3  }
0x14e: {  	v63 =	vld [tilespmem:s20+$0x3060];
	v2 =	vbroadcast v2, $0xF;
	v3 =	vmul.bf16 v54, v5;
	[tilespmem:s20+$0x6FF0] =	vst v6  }
0x14f: {  	v27 =	vld [tilespmem:s20+$0x3070];
	v4 =	vmul.bf16 v4, v5;
	[tilespmem:s20+$0x7000] =	vst v7  }
0x150: {  	v2 =	vpack.i.f32.bf16 v2, v2;
	v5 =	vmul.bf16 v58, v5;
	[tilespmem:s20+$0x7010] =	vst v3  }
0x151: {  	v3 =	vmul.bf16 v60, v2;
	[tilespmem:s20+$0x7020] =	vst v4  }
0x152: {  	v4 =	vmul.bf16 v23, v2;
	[tilespmem:s20+$0x7030] =	vst v5  }
0x153: {  	v5 =	vmul.bf16 v63, v2;
	[tilespmem:s20+$0x7040] =	vst v3  }
0x154: {  	v2 =	vmul.bf16 v27, v2;
	[tilespmem:s20+$0x7050] =	vst v4  }
0x155: {  	[tilespmem:s20+$0x7060] =	vst v5  }
0x156: {  	[tilespmem:s20+$0x7070] =	vst v2;
	s20 =	sshll.u32 s8, $0x8  }
0x157: {  	[spmem:s2] =	stream.indirect.scatter.add.bf16 [tilespmem:s14], [sflag:$0x5], $0x40, s28, s19, $0xb8;
	[tilespmem:$0x1EC80] =	vst v63  }
0x158: {  	s22 =	sadd.s32 $0x100, s20  }
0x159: {  	s24 =	sadd.s32 s7, s22  }
0x15a: {  	s24 =	sshrl.u32 s24, $0x3  }
0x15b: {  	s29 =	simm.s32 $0x0;
	s26 =	sadd.s32 s5, s24  }
0x15c: {  	[tilespmem:s15], [sflag:$0x3] =	stream.linear.gather [hbm4b:s26+s29], $0x80, $0x38;
	[tilespmem:$0x1EC80] =	vst v63  }
0x15d: {  	s24 =	sadd.s32 s6, s24  }
0x15e: {  	[tilespmem:s16], [sflag:$0x3] =	stream.linear.gather [hbm4b:s24+s29], $0x80, $0x38;
	[tilespmem:$0x1EC80] =	vst v63  }
0x15f: {  	_ = 	snop  }
0x160: {  	[tilespmem:s10], [sflag:$0x1] =	stream.indirect.gather [spmem:s1], $0x40, s22, s19, $0xb8;
	[tilespmem:$0x1EC80] =	vst v63  }
0x161: {  	_ =	swait.ge [sflag:s13], $0x2000  }
0x162: {  	[sflag:s13] =	ssyncset.done $0x0  }
0x163: {  	[sflag:s13] =	ssyncadd.s32 $0xFFFFE000  }
0x164: {  	_ =	swait.ge [sflag:s30], $0x80  }
0x165: {  	[sflag:s30] =	ssyncset.done $0x0  }
0x166: {  	[sflag:s30] =	ssyncadd.s32 $0xFFFFFF80  }
0x167: {  	_ =	swait.ge [sflag:s30], $0x80  }
0x168: {  	[sflag:s30] =	ssyncset.done $0x0  }
0x169: {  	[sflag:s30] =	ssyncadd.s32 $0xFFFFFF80  }
0x16a: {  	_ =	swait.ge [sflag:s31], $0x2000  }
0x16b: {  	[sflag:s31] =	ssyncset.done $0x0  }
0x16c: {  	[sflag:s31] =	ssyncadd.s32 $0xFFFFE000  }
0x16d: {  	v2 =	vld [tilespmem:$0x2980]  }
0x16e: {  	v3 =	vld [tilespmem:$0x2990]  }
0x16f: {  	v4 =	vld [tilespmem:$0x29A0]  }
0x170: {  	v5 =	vld [tilespmem:$0x29B0]  }
0x171: {  	v6 =	vld [tilespmem:$0x29C0]  }
0x172: {  	[tilespmem:$0x2A80] =	vst v2;
	v2 =	vld [tilespmem:$0x29D0]  }
0x173: {  	[tilespmem:$0x2A90] =	vst v3;
	v3 =	vld [tilespmem:$0x29E0]  }
0x174: {  	[tilespmem:$0x2AA0] =	vst v4;
	v4 =	vld [tilespmem:$0x29F0]  }
0x175: {  	[tilespmem:$0x2AB0] =	vst v5  }
0x176: {  	[tilespmem:$0x2AC0] =	vst v6  }
0x177: {  	[tilespmem:$0x2AD0] =	vst v2  }
0x178: {  	[tilespmem:$0x2AE0] =	vst v3  }
0x179: {  	s22 =	simm.s32 $0x0;
	[tilespmem:$0x2AF0] =	vst v4  }
0x17a: {  	v23 =	vld [tilespmem:s22+$0x4C80]  }
0x17b: {  	v24 =	vld [tilespmem:s22+$0x4C90]  }
0x17c: {  	v22 =	vld [tilespmem:s22+$0x4CA0]  }
0x17d: {  	v21 =	vld [tilespmem:s22+$0x4CB0]  }
0x17e: {  	v19 =	vld [tilespmem:s22+$0x4CC0]  }
0x17f: {  	v20 =	vld [tilespmem:s22+$0x4CD0]  }
0x180: {  	v18 =	vld [tilespmem:s22+$0x4CE0]  }
0x181: {  	v17 =	vld [tilespmem:s22+$0x4CF0]  }
0x182: {  	v15 =	vld [tilespmem:s22+$0x4D00]  }
0x183: {  	v16 =	vld [tilespmem:s22+$0x4D10]  }
0x184: {  	v14 =	vld [tilespmem:s22+$0x4D20]  }
0x185: {  	v13 =	vld [tilespmem:s22+$0x4D30]  }
0x186: {  	v11 =	vld [tilespmem:s22+$0x4D40]  }
0x187: {  	v12 =	vld [tilespmem:s22+$0x4D50]  }
0x188: {  	v10 =	vld [tilespmem:s22+$0x4D60]  }
0x189: {  	v9 =	vld [tilespmem:s22+$0x4D70]  }
0x18a: {  	v7 =	vld [tilespmem:s22+$0x4D80]  }
0x18b: {  	v8 =	vld [tilespmem:s22+$0x4D90]  }
0x18c: {  	v6 =	vld [tilespmem:s22+$0x4DA0]  }
0x18d: {  	v5 =	vld [tilespmem:s22+$0x4DB0]  }
0x18e: {  	v3 =	vld [tilespmem:s22+$0x4DC0]  }
0x18f: {  	s24 =	simm.s32 $0x2C00;
	v4 =	vld [tilespmem:s22+$0x4DD0]  }
0x190: {  	s26 =	simm.s32 $0x1000;
	v2 =	vld [tilespmem:s24+$0x0]  }
.LBB2_7:
0x191: {  	p0 =	sne.s32 s26, $0x7000;
	v25 =	vld [tilespmem:s22+$0x4DE0]  }
0x192: {  	v26 =	vld [tilespmem:s22+$0x4DF0]  }
0x193: {  	v27 =	vld [tilespmem:s22+$0x4E00]  }
0x194: {  	v28 =	vld [tilespmem:s22+$0x4E10]  }
0x195: {  	v29 =	vbroadcast v2, $0x0;
	v30 =	vbroadcast v2, $0x1;
	v31 =	vld [tilespmem:s22+$0x4E20]  }
0x196: {  	v32 =	vbroadcast v2, $0x2;
	v33 =	vbroadcast v2, $0x3;
	v34 =	vld [tilespmem:s22+$0x4E30]  }
0x197: {  	v35 =	vbroadcast v2, $0x4;
	v29 =	vpack.i.f32.bf16 v29, v29;
	v30 =	vpack.i.f32.bf16 v30, v30;
	v36 =	vld [tilespmem:s22+$0x4E40]  }
0x198: {  	v32 =	vpack.i.f32.bf16 v32, v32;
	v23 =	vmul.bf16 v23, v29;
	v24 =	vmul.bf16 v24, v29;
	v37 =	vld [tilespmem:s22+$0x4E50]  }
0x199: {  	v22 =	vmul.bf16 v22, v29;
	v21 =	vmul.bf16 v21, v29;
	v29 =	vpack.i.f32.bf16 v33, v33;
	v33 =	vld [tilespmem:s22+$0x4E60]  }
0x19a: {  	v19 =	vmul.bf16 v19, v30;
	v20 =	vmul.bf16 v20, v30;
	[tilespmem:s22+$0x8C80] =	vst v23;
	v23 =	vpack.i.f32.bf16 v35, v35;
	v35 =	vld [tilespmem:s22+$0x4E70]  }
0x19b: {  	v18 =	vmul.bf16 v18, v30;
	v17 =	vmul.bf16 v17, v30;
	[tilespmem:s22+$0x8C90] =	vst v24;
	v24 =	vld [tilespmem:s22+$0x4E80]  }
0x19c: {  	v15 =	vmul.bf16 v15, v32;
	v16 =	vmul.bf16 v16, v32;
	[tilespmem:s22+$0x8CA0] =	vst v22;
	v22 =	vld [tilespmem:s22+$0x4E90]  }
0x19d: {  	v14 =	vmul.bf16 v14, v32;
	v13 =	vmul.bf16 v13, v32;
	[tilespmem:s22+$0x8CB0] =	vst v21;
	v21 =	vld [tilespmem:s22+$0x4EA0]  }
0x19e: {  	v11 =	vmul.bf16 v11, v29;
	v12 =	vmul.bf16 v12, v29;
	[tilespmem:s22+$0x8CC0] =	vst v19;
	v19 =	vld [tilespmem:s22+$0x4EB0]  }
0x19f: {  	v10 =	vmul.bf16 v10, v29;
	v9 =	vmul.bf16 v9, v29;
	[tilespmem:s22+$0x8CD0] =	vst v20;
	v20 =	vld [tilespmem:s22+$0x4EC0]  }
0x1a0: {  	v7 =	vmul.bf16 v7, v23;
	v8 =	vmul.bf16 v8, v23;
	[tilespmem:s22+$0x8CE0] =	vst v18;
	v18 =	vld [tilespmem:s22+$0x4ED0]  }
0x1a1: {  	v6 =	vmul.bf16 v6, v23;
	v5 =	vmul.bf16 v5, v23;
	[tilespmem:s22+$0x8CF0] =	vst v17;
	v17 =	vld [tilespmem:s22+$0x4EE0]  }
0x1a2: {  	v23 =	vbroadcast v2, $0x6;
	[tilespmem:s22+$0x8D00] =	vst v15;
	v15 =	vbroadcast v2, $0x5;
	v29 =	vld [tilespmem:s22+$0x4EF0]  }
0x1a3: {  	v30 =	vbroadcast v2, $0x8;
	[tilespmem:s22+$0x8D10] =	vst v16;
	v16 =	vbroadcast v2, $0x7;
	v32 =	vld [tilespmem:s22+$0x4F00]  }
0x1a4: {  	[tilespmem:s22+$0x8D20] =	vst v14;
	v14 =	vpack.i.f32.bf16 v15, v15;
	v15 =	vpack.i.f32.bf16 v23, v23;
	v23 =	vbroadcast v2, $0x9;
	v38 =	vld [tilespmem:s22+$0x4F10]  }
0x1a5: {  	[tilespmem:s22+$0x8D30] =	vst v13;
	v3 =	vmul.bf16 v3, v14;
	v4 =	vmul.bf16 v4, v14;
	v13 =	vpack.i.f32.bf16 v16, v16;
	v16 =	vld [tilespmem:s22+$0x4F20]  }
0x1a6: {  	[tilespmem:s22+$0x8D40] =	vst v11;
	v11 =	vmul.bf16 v25, v14;
	v14 =	vmul.bf16 v26, v14;
	v25 =	vpack.i.f32.bf16 v30, v30;
	v26 =	vld [tilespmem:s22+$0x4F30]  }
0x1a7: {  	v23 =	vpack.i.f32.bf16 v23, v23;
	[tilespmem:s22+$0x8D50] =	vst v12;
	v12 =	vmul.bf16 v27, v15;
	v27 =	vmul.bf16 v28, v15;
	v28 =	vld [tilespmem:s22+$0x4F40]  }
0x1a8: {  	[tilespmem:s22+$0x8D60] =	vst v10;
	v10 =	vmul.bf16 v31, v15;
	v15 =	vmul.bf16 v34, v15;
	v30 =	vld [tilespmem:s22+$0x4F50]  }
0x1a9: {  	v31 =	vmul.bf16 v37, v13;
	[tilespmem:s22+$0x8D70] =	vst v9;
	v9 =	vmul.bf16 v36, v13;
	v34 =	vld [tilespmem:s22+$0x4F60]  }
0x1aa: {  	[tilespmem:s22+$0x8D80] =	vst v7;
	v7 =	vmul.bf16 v33, v13;
	v13 =	vmul.bf16 v35, v13;
	v33 =	vld [tilespmem:s22+$0x4F70]  }
0x1ab: {  	v22 =	vmul.bf16 v22, v25;
	[tilespmem:s22+$0x8D90] =	vst v8;
	v8 =	vmul.bf16 v24, v25;
	v24 =	vld [tilespmem:s22+$0x4F80]  }
0x1ac: {  	v19 =	vmul.bf16 v19, v25;
	[tilespmem:s22+$0x8DA0] =	vst v6;
	v6 =	vmul.bf16 v21, v25;
	v21 =	vld [tilespmem:s22+$0x4F90]  }
0x1ad: {  	v18 =	vmul.bf16 v18, v23;
	[tilespmem:s22+$0x8DB0] =	vst v5;
	v5 =	vmul.bf16 v20, v23;
	v20 =	vld [tilespmem:s22+$0x4FA0]  }
0x1ae: {  	[tilespmem:s22+$0x8DC0] =	vst v3;
	v3 =	vmul.bf16 v17, v23;
	v17 =	vmul.bf16 v29, v23;
	v23 =	vld [tilespmem:s22+$0x4FB0]  }
0x1af: {  	v25 =	vbroadcast v2, $0xB;
	[tilespmem:s22+$0x8DD0] =	vst v4;
	v4 =	vbroadcast v2, $0xA;
	v29 =	vld [tilespmem:s22+$0x4FC0]  }
0x1b0: {  	v35 =	vbroadcast v2, $0xD;
	[tilespmem:s22+$0x8DE0] =	vst v11;
	v11 =	vbroadcast v2, $0xC;
	v36 =	vld [tilespmem:s22+$0x4FD0]  }
0x1b1: {  	v37 =	vbroadcast v2, $0xE;
	[tilespmem:s22+$0x8DF0] =	vst v14;
	v4 =	vpack.i.f32.bf16 v4, v4;
	v14 =	vpack.i.f32.bf16 v25, v25;
	v25 =	vld [tilespmem:s22+$0x4FE0]  }
0x1b2: {  	[tilespmem:s22+$0x8E00] =	vst v12;
	v12 =	vmul.bf16 v32, v4;
	v32 =	vmul.bf16 v38, v4;
	v11 =	vpack.i.f32.bf16 v11, v11;
	v38 =	vld [tilespmem:s22+$0x4FF0]  }
0x1b3: {  	v16 =	vmul.bf16 v16, v4;
	v4 =	vmul.bf16 v26, v4;
	v26 =	vpack.i.f32.bf16 v35, v35;
	[tilespmem:s22+$0x8E10] =	vst v27;
	v27 =	vld [tilespmem:s22+$0x5000]  }
0x1b4: {  	[tilespmem:s22+$0x8E20] =	vst v10;
	v10 =	vmul.bf16 v28, v14;
	v28 =	vmul.bf16 v30, v14;
	v30 =	vpack.i.f32.bf16 v37, v37;
	v35 =	vld [tilespmem:s22+$0x5010]  }
0x1b5: {  	[tilespmem:s22+$0x8E30] =	vst v15;
	v15 =	vmul.bf16 v34, v14;
	v14 =	vmul.bf16 v33, v14;
	v33 =	vld [tilespmem:s22+$0x5020]  }
0x1b6: {  	v34 =	vmul.bf16 v21, v11;
	[tilespmem:s22+$0x8E40] =	vst v9;
	v9 =	vmul.bf16 v24, v11;
	v21 =	vld [tilespmem:s22+$0x5030]  }
0x1b7: {  	[tilespmem:s22+$0x8E50] =	vst v31;
	v31 =	vmul.bf16 v20, v11;
	v11 =	vmul.bf16 v23, v11  }
0x1b8: {  	[tilespmem:s22+$0x8E60] =	vst v7;
	v7 =	vmul.bf16 v29, v26;
	v29 =	vmul.bf16 v36, v26;
	v20 =	vld [tilespmem:s22+$0x5040]  }
0x1b9: {  	v25 =	vmul.bf16 v25, v26;
	v26 =	vmul.bf16 v38, v26;
	[tilespmem:s22+$0x8E70] =	vst v13;
	v13 =	vld [tilespmem:s22+$0x5050]  }
0x1ba: {  	[tilespmem:s22+$0x8E80] =	vst v8;
	v8 =	vmul.bf16 v27, v30;
	v27 =	vmul.bf16 v35, v30;
	v23 =	vld [tilespmem:s22+$0x5060]  }
0x1bb: {  	v33 =	vmul.bf16 v33, v30;
	[tilespmem:s22+$0x8E90] =	vst v22;
	v30 =	vmul.bf16 v21, v30;
	v21 =	vld [tilespmem:s22+$0x5070]  }
0x1bc: {  	v2 =	vbroadcast v2, $0xF;
	[tilespmem:s22+$0x8EA0] =	vst v6  }
0x1bd: {  	[tilespmem:s22+$0x8EB0] =	vst v19  }
0x1be: {  	v2 =	vpack.i.f32.bf16 v2, v2;
	[tilespmem:s22+$0x8EC0] =	vst v5  }
0x1bf: {  	v5 =	vmul.bf16 v20, v2;
	v35 =	vmul.bf16 v13, v2;
	[tilespmem:s22+$0x8ED0] =	vst v18  }
0x1c0: {  	v36 =	vmul.bf16 v23, v2;
	[tilespmem:s22+$0x8EE0] =	vst v3;
	v2 =	vmul.bf16 v21, v2  }
0x1c1: {  	[tilespmem:s22+$0x8EF0] =	vst v17  }
0x1c2: {  	[tilespmem:s22+$0x8F00] =	vst v12  }
0x1c3: {  	s29 =	sshra.s32 s26, $0x2;
	[tilespmem:s22+$0x8F10] =	vst v32  }
0x1c4: {  	v23 =	vld [tilespmem:s29+$0x4C80];
	[tilespmem:s22+$0x8F20] =	vst v16  }
0x1c5: {  	v24 =	vld [tilespmem:s29+$0x4C90];
	[tilespmem:s22+$0x8F30] =	vst v4  }
0x1c6: {  	v22 =	vld [tilespmem:s29+$0x4CA0];
	[tilespmem:s22+$0x8F40] =	vst v10  }
0x1c7: {  	v21 =	vld [tilespmem:s29+$0x4CB0];
	[tilespmem:s22+$0x8F50] =	vst v28  }
0x1c8: {  	v19 =	vld [tilespmem:s29+$0x4CC0];
	[tilespmem:s22+$0x8F60] =	vst v15  }
0x1c9: {  	v20 =	vld [tilespmem:s29+$0x4CD0];
	[tilespmem:s22+$0x8F70] =	vst v14  }
0x1ca: {  	v18 =	vld [tilespmem:s29+$0x4CE0];
	[tilespmem:s22+$0x8F80] =	vst v9  }
0x1cb: {  	v17 =	vld [tilespmem:s29+$0x4CF0];
	[tilespmem:s22+$0x8F90] =	vst v34  }
0x1cc: {  	v15 =	vld [tilespmem:s29+$0x4D00];
	[tilespmem:s22+$0x8FA0] =	vst v31  }
0x1cd: {  	v16 =	vld [tilespmem:s29+$0x4D10];
	[tilespmem:s22+$0x8FB0] =	vst v11  }
0x1ce: {  	v14 =	vld [tilespmem:s29+$0x4D20];
	[tilespmem:s22+$0x8FC0] =	vst v7  }
0x1cf: {  	v13 =	vld [tilespmem:s29+$0x4D30];
	[tilespmem:s22+$0x8FD0] =	vst v29  }
0x1d0: {  	v11 =	vld [tilespmem:s29+$0x4D40];
	[tilespmem:s22+$0x8FE0] =	vst v25  }
0x1d1: {  	v12 =	vld [tilespmem:s29+$0x4D50];
	[tilespmem:s22+$0x8FF0] =	vst v26  }
0x1d2: {  	v10 =	vld [tilespmem:s29+$0x4D60];
	[tilespmem:s22+$0x9000] =	vst v8  }
0x1d3: {  	v9 =	vld [tilespmem:s29+$0x4D70];
	[tilespmem:s22+$0x9010] =	vst v27  }
0x1d4: {  	v7 =	vld [tilespmem:s29+$0x4D80];
	[tilespmem:s22+$0x9020] =	vst v33  }
0x1d5: {  	v8 =	vld [tilespmem:s29+$0x4D90];
	[tilespmem:s22+$0x9030] =	vst v30  }
.Ltmp2:
0x1d6: {  	v6 =	vld [tilespmem:s29+$0x4DA0];
	[tilespmem:s22+$0x9040] =	vst v5;
	(pc) =	sbr.rel @p0 .LBB2_7-.Ltmp2, $4  }
0x1d7: {  	v5 =	vld [tilespmem:s29+$0x4DB0];
	[tilespmem:s22+$0x9050] =	vst v35  }
0x1d8: {  	v3 =	vld [tilespmem:s29+$0x4DC0];
	[tilespmem:s22+$0x9060] =	vst v36  }
0x1d9: {  	s24 =	sadd.s32 $0x10, s24;
	v4 =	vld [tilespmem:s29+$0x4DD0];
	[tilespmem:s22+$0x9070] =	vst v2;
	s22 =	smov.u32 s29  }
0x1da: {  	s26 =	sadd.s32 $0x1000, s26;
	v2 =	vld [tilespmem:s24+$0x0]  }
0x1db: {  	_ =	sdelay $0x3  }
0x1dc: {  	v29 =	vbroadcast v2, $0x0;
	_ =	sdelay $0x1  }
0x1dd: {  	v29 =	vpack.i.f32.bf16 v29, v29  }
0x1de: {  	v23 =	vmul.bf16 v23, v29  }
0x1df: {  	v42 =	vbroadcast v2, $0x1;
	v24 =	vmul.bf16 v24, v29  }
0x1e0: {  	v22 =	vmul.bf16 v22, v29;
	[tilespmem:s22+$0x8C80] =	vst v23  }
0x1e1: {  	v43 =	vpack.i.f32.bf16 v42, v42;
	v21 =	vmul.bf16 v21, v29;
	[tilespmem:s22+$0x8C90] =	vst v24  }
0x1e2: {  	v19 =	vmul.bf16 v19, v43;
	[tilespmem:s22+$0x8CA0] =	vst v22  }
0x1e3: {  	v45 =	vbroadcast v2, $0x2;
	v20 =	vmul.bf16 v20, v43;
	[tilespmem:s22+$0x8CB0] =	vst v21  }
0x1e4: {  	v18 =	vmul.bf16 v18, v43;
	[tilespmem:s22+$0x8CC0] =	vst v19  }
0x1e5: {  	v46 =	vpack.i.f32.bf16 v45, v45;
	v17 =	vmul.bf16 v17, v43;
	[tilespmem:s22+$0x8CD0] =	vst v20  }
0x1e6: {  	v15 =	vmul.bf16 v15, v46;
	[tilespmem:s22+$0x8CE0] =	vst v18  }
0x1e7: {  	v48 =	vbroadcast v2, $0x3;
	v16 =	vmul.bf16 v16, v46;
	[tilespmem:s22+$0x8CF0] =	vst v17  }
0x1e8: {  	v14 =	vmul.bf16 v14, v46;
	[tilespmem:s22+$0x8D00] =	vst v15  }
0x1e9: {  	v50 =	vpack.i.f32.bf16 v48, v48;
	v13 =	vmul.bf16 v13, v46;
	[tilespmem:s22+$0x8D10] =	vst v16  }
0x1ea: {  	v11 =	vmul.bf16 v11, v50;
	[tilespmem:s22+$0x8D20] =	vst v14  }
0x1eb: {  	v51 =	vbroadcast v2, $0x4;
	v12 =	vmul.bf16 v12, v50;
	[tilespmem:s22+$0x8D30] =	vst v13  }
0x1ec: {  	v10 =	vmul.bf16 v10, v50;
	[tilespmem:s22+$0x8D40] =	vst v11  }
0x1ed: {  	v52 =	vpack.i.f32.bf16 v51, v51;
	v9 =	vmul.bf16 v9, v50;
	[tilespmem:s22+$0x8D50] =	vst v12  }
0x1ee: {  	v7 =	vmul.bf16 v7, v52;
	[tilespmem:s22+$0x8D60] =	vst v10  }
0x1ef: {  	v25 =	vld [tilespmem:s22+$0x4DE0];
	v53 =	vbroadcast v2, $0x5;
	v8 =	vmul.bf16 v8, v52;
	[tilespmem:s22+$0x8D70] =	vst v9  }
0x1f0: {  	v26 =	vld [tilespmem:s22+$0x4DF0];
	v6 =	vmul.bf16 v6, v52;
	[tilespmem:s22+$0x8D80] =	vst v7  }
0x1f1: {  	v44 =	vld [tilespmem:s22+$0x4E90];
	v54 =	vpack.i.f32.bf16 v53, v53;
	v5 =	vmul.bf16 v5, v52;
	[tilespmem:s22+$0x8D90] =	vst v8  }
0x1f2: {  	v27 =	vld [tilespmem:s22+$0x4E00];
	v3 =	vmul.bf16 v3, v54;
	[tilespmem:s22+$0x8DA0] =	vst v6  }
0x1f3: {  	v28 =	vld [tilespmem:s22+$0x4E10];
	v38 =	vbroadcast v2, $0x8;
	v4 =	vmul.bf16 v4, v54;
	[tilespmem:s22+$0x8DB0] =	vst v5  }
0x1f4: {  	v30 =	vld [tilespmem:s22+$0x4E20];
	v56 =	vbroadcast v2, $0x6;
	v55 =	vmul.bf16 v25, v54;
	[tilespmem:s22+$0x8DC0] =	vst v3  }
0x1f5: {  	v31 =	vld [tilespmem:s22+$0x4E30];
	v39 =	vpack.i.f32.bf16 v38, v38;
	[tilespmem:s22+$0x8DD0] =	vst v4;
	v6 =	vmul.bf16 v26, v54  }
0x1f6: {  	v47 =	vld [tilespmem:s22+$0x4ED0];
	[tilespmem:s22+$0x8DE0] =	vst v55;
	v4 =	vpack.i.f32.bf16 v56, v56;
	v24 =	vmul.bf16 v44, v39  }
0x1f7: {  	v32 =	vld [tilespmem:s22+$0x4E40];
	v57 =	vmul.bf16 v27, v4;
	[tilespmem:s22+$0x8DF0] =	vst v6  }
0x1f8: {  	v33 =	vld [tilespmem:s22+$0x4E50];
	v43 =	vbroadcast v2, $0x9;
	v58 =	vmul.bf16 v28, v4;
	[tilespmem:s22+$0x8E90] =	vst v24  }
0x1f9: {  	v34 =	vld [tilespmem:s22+$0x4E60];
	v60 =	vbroadcast v2, $0x7;
	v59 =	vmul.bf16 v30, v4;
	[tilespmem:s22+$0x8E00] =	vst v57  }
0x1fa: {  	v41 =	vld [tilespmem:s22+$0x4E70];
	v45 =	vpack.i.f32.bf16 v43, v43;
	v4 =	vmul.bf16 v31, v4;
	[tilespmem:s22+$0x8E10] =	vst v58  }
0x1fb: {  	v35 =	vld [tilespmem:s22+$0x4E80];
	v27 =	vpack.i.f32.bf16 v60, v60;
	v20 =	vmul.bf16 v47, v45;
	[tilespmem:s22+$0x8E20] =	vst v59  }
0x1fc: {  	v29 =	vld [tilespmem:s22+$0x4EC0];
	v61 =	vmul.bf16 v32, v27;
	[tilespmem:s22+$0x8E30] =	vst v4  }
0x1fd: {  	v49 =	vld [tilespmem:s22+$0x4F00];
	v63 =	vmul.bf16 v33, v27;
	[tilespmem:s22+$0x8ED0] =	vst v20  }
0x1fe: {  	v25 =	vld [tilespmem:s22+$0x4FC0];
	v36 =	vmul.bf16 v34, v27;
	[tilespmem:s22+$0x8E40] =	vst v61  }
0x1ff: {  	v21 =	vld [tilespmem:s22+$0x4EA0];
	v47 =	vbroadcast v2, $0xA;
	v23 =	vmul.bf16 v41, v27;
	[tilespmem:s22+$0x8E50] =	vst v63  }
0x200: {  	v19 =	vld [tilespmem:s22+$0x4EB0];
	v56 =	vbroadcast v2, $0xD;
	v41 =	vmul.bf16 v35, v39;
	[tilespmem:s22+$0x8E60] =	vst v36  }
0x201: {  	v17 =	vld [tilespmem:s22+$0x4EE0];
	v29 =	vmul.bf16 v29, v45;
	v48 =	vpack.i.f32.bf16 v47, v47;
	[tilespmem:s22+$0x8E70] =	vst v23  }
0x202: {  	v15 =	vld [tilespmem:s22+$0x4EF0];
	v57 =	vpack.i.f32.bf16 v56, v56;
	[tilespmem:s22+$0x8E80] =	vst v41;
	v49 =	vmul.bf16 v49, v48  }
0x203: {  	v16 =	vld [tilespmem:s22+$0x4F10];
	v58 =	vmul.bf16 v25, v57;
	[tilespmem:s22+$0x8EC0] =	vst v29  }
0x204: {  	v13 =	vld [tilespmem:s22+$0x4F20];
	v21 =	vmul.bf16 v21, v39;
	[tilespmem:s22+$0x8F00] =	vst v49  }
0x205: {  	v11 =	vld [tilespmem:s22+$0x4F30];
	v19 =	vmul.bf16 v19, v39;
	[tilespmem:s22+$0x8FC0] =	vst v58  }
0x206: {  	v18 =	vld [tilespmem:s22+$0x4F40];
	v17 =	vmul.bf16 v17, v45;
	[tilespmem:s22+$0x8EA0] =	vst v21  }
0x207: {  	v12 =	vld [tilespmem:s22+$0x4F50];
	v15 =	vmul.bf16 v15, v45;
	[tilespmem:s22+$0x8EB0] =	vst v19  }
0x208: {  	v50 =	vbroadcast v2, $0xB;
	v9 =	vld [tilespmem:s22+$0x4F60];
	v16 =	vmul.bf16 v16, v48;
	[tilespmem:s22+$0x8EE0] =	vst v17  }
0x209: {  	v7 =	vld [tilespmem:s22+$0x4F70];
	v13 =	vmul.bf16 v13, v48;
	[tilespmem:s22+$0x8EF0] =	vst v15  }
0x20a: {  	v14 =	vld [tilespmem:s22+$0x4F80];
	v51 =	vpack.i.f32.bf16 v50, v50;
	v11 =	vmul.bf16 v11, v48;
	[tilespmem:s22+$0x8F10] =	vst v16  }
0x20b: {  	v8 =	vld [tilespmem:s22+$0x4F90];
	v52 =	vmul.bf16 v18, v51;
	[tilespmem:s22+$0x8F20] =	vst v13  }
0x20c: {  	v53 =	vbroadcast v2, $0xC;
	v5 =	vld [tilespmem:s22+$0x4FA0];
	v12 =	vmul.bf16 v12, v51;
	[tilespmem:s22+$0x8F30] =	vst v11  }
0x20d: {  	v3 =	vld [tilespmem:s22+$0x4FB0];
	v9 =	vmul.bf16 v9, v51;
	[tilespmem:s22+$0x8F40] =	vst v52  }
0x20e: {  	v26 =	vld [tilespmem:s22+$0x4FF0];
	v54 =	vpack.i.f32.bf16 v53, v53;
	v7 =	vmul.bf16 v7, v51;
	[tilespmem:s22+$0x8F50] =	vst v12  }
0x20f: {  	v44 =	vld [tilespmem:s22+$0x5060];
	v55 =	vmul.bf16 v14, v54;
	[tilespmem:s22+$0x8F60] =	vst v9  }
0x210: {  	v10 =	vld [tilespmem:s22+$0x4FD0];
	v59 =	vbroadcast v2, $0xE;
	v8 =	vmul.bf16 v8, v54;
	[tilespmem:s22+$0x8F70] =	vst v7  }
0x211: {  	v6 =	vld [tilespmem:s22+$0x4FE0];
	v2 =	vbroadcast v2, $0xF;
	v5 =	vmul.bf16 v5, v54;
	[tilespmem:s22+$0x8F80] =	vst v55  }
0x212: {  	v30 =	vld [tilespmem:s22+$0x5000];
	v3 =	vmul.bf16 v3, v54;
	[tilespmem:s22+$0x8F90] =	vst v8  }
0x213: {  	v62 =	vld [tilespmem:s22+$0x5020];
	v60 =	vmul.bf16 v26, v57;
	v2 =	vpack.i.f32.bf16 v2, v2;
	[tilespmem:s22+$0x8FA0] =	vst v5  }
0x214: {  	v42 =	vld [tilespmem:s22+$0x5050];
	v63 =	vmul.bf16 v44, v2;
	[tilespmem:s22+$0x8FB0] =	vst v3  }
0x215: {  	v28 =	vld [tilespmem:s22+$0x5010];
	v9 =	vmul.bf16 v10, v57;
	[tilespmem:s22+$0x8FF0] =	vst v60  }
0x216: {  	v37 =	vld [tilespmem:s22+$0x5030];
	v3 =	vmul.bf16 v6, v57;
	v5 =	vpack.i.f32.bf16 v59, v59;
	[tilespmem:s22+$0x9060] =	vst v63  }
0x217: {  	v40 =	vld [tilespmem:s22+$0x5040];
	v61 =	vmul.bf16 v30, v5;
	[tilespmem:s22+$0x8FD0] =	vst v9  }
0x218: {  	v46 =	vld [tilespmem:s22+$0x5070];
	v4 =	vmul.bf16 v62, v5;
	[tilespmem:s22+$0x8FE0] =	vst v3  }
0x219: {  	v62 =	vmul.bf16 v42, v2;
	[tilespmem:s22+$0x9000] =	vst v61  }
0x21a: {  	v3 =	vmul.bf16 v28, v5;
	[tilespmem:s22+$0x9020] =	vst v4  }
0x21b: {  	v5 =	vmul.bf16 v37, v5;
	[tilespmem:s22+$0x9050] =	vst v62  }
0x21c: {  	[tilespmem:s22+$0x9010] =	vst v3;
	v3 =	vmul.bf16 v40, v2  }
0x21d: {  	s20 =	sadd.s32 $0x180, s20;
	[tilespmem:s22+$0x9030] =	vst v5;
	v2 =	vmul.bf16 v46, v2  }
0x21e: {  	s29 =	sadd.s32 s7, s20;
	[tilespmem:s22+$0x9040] =	vst v3  }
0x21f: {  	s8 =	sadd.s32 $0x1, s8;
	[tilespmem:s22+$0x9070] =	vst v2;
	s22 =	sshrl.u32 s29, $0x3  }
0x220: {  	[spmem:s2] =	stream.indirect.scatter.add.bf16 [tilespmem:s23], [sflag:$0x6], $0x40, s0, s19, $0xb8;
	[tilespmem:$0x1EC80] =	vst v63  }
0x221: {  	p0 =	sne.s32 s8, $0x28;
	s24 =	sadd.s32 s5, s22  }
0x222: {  	[tilespmem:s17], [sflag:$0x4] =	stream.linear.gather [hbm4b:s24+s3], $0x80, $0x38;
	[tilespmem:$0x1EC80] =	vst v63  }
.Ltmp3:
0x223: {  	_ = 	snop;
	(pc) =	sbr.rel @p0 .LBB2_4-.Ltmp3, $4  }
0x224: {  	s22 =	sadd.s32 s6, s22  }
0x225: {  	[tilespmem:s18], [sflag:$0x4] =	stream.linear.gather [hbm4b:s22+s3], $0x80, $0x38;
	[tilespmem:$0x1EC80] =	vst v63  }
0x226: {  	_ = 	snop  }
0x227: {  	[tilespmem:s11], [sflag:$0x2] =	stream.indirect.gather [spmem:s1], $0x40, s20, s19, $0xb8;
	[tilespmem:$0x1EC80] =	vst v63  }
0x228: {  	_ =	swait.ge [sflag:s12], $0x2000  }
0x229: {  	[sflag:s12] =	ssyncset.done $0x0  }
0x22a: {  	[sflag:s12] =	ssyncadd.s32 $0xFFFFE000  }
0x22b: {  	_ =	swait.ge [sflag:s13], $0x2000  }
0x22c: {  	[sflag:s13] =	ssyncset.done $0x0  }
0x22d: {  	[sflag:s13] =	ssyncadd.s32 $0xFFFFE000  }
0x22e: {  	_ =	swait.ge [sflag:s21], $0x80  }
0x22f: {  	[sflag:s21] =	ssyncset.done $0x0  }
0x230: {  	[sflag:s21] =	ssyncadd.s32 $0xFFFFFF80  }
0x231: {  	_ =	swait.ge [sflag:s21], $0x80  }
0x232: {  	[sflag:s21] =	ssyncset.done $0x0  }
0x233: {  	[sflag:s21] =	ssyncadd.s32 $0xFFFFFF80  }
0x234: {  	_ =	swait.ge [sflag:s30], $0x80  }
0x235: {  	[sflag:s30] =	ssyncset.done $0x0  }
0x236: {  	[sflag:s30] =	ssyncadd.s32 $0xFFFFFF80  }
0x237: {  	_ =	swait.ge [sflag:s30], $0x80  }
0x238: {  	[sflag:s30] =	ssyncset.done $0x0  }
0x239: {  	[sflag:s30] =	ssyncadd.s32 $0xFFFFFF80  }
0x23a: {  	_ =	swait.ge [sflag:s25], $0x2000  }
0x23b: {  	[sflag:s25] =	ssyncset.done $0x0  }
0x23c: {  	[sflag:s25] =	ssyncadd.s32 $0xFFFFE000  }
0x23d: {  	_ =	swait.ge [sflag:s31], $0x2000  }
0x23e: {  	[sflag:s31] =	ssyncset.done $0x0  }
0x23f: {  	[sflag:s31] =	ssyncadd.s32 $0xFFFFE000  }
0x240: {  	[bflag:$0x0] =	sbarrier.arrive $0xFFFF  }
0x241: {  	s22 =	rddreg [dreg:$0x11]  }
0x242: {  	[tilespmem:s14], [sflag:$0x7] =	stream.linear.gather [spmem:s22], $0x2000, $0x38;
	[tilespmem:$0x1EC80] =	vst v63  }
0x243: {  	_ =	swait.ge [sflag:s9], $0x2000  }
0x244: {  	[sflag:s9] =	ssyncset.done $0x0  }
0x245: {  	s8 =	rddreg [dreg:$0xa];
	[sflag:s9] =	ssyncadd.s32 $0xFFFFE000  }
0x246: {  	[hbm4b:s8+s3] =	stream.linear.scatter [tilespmem:s14], [sflag:$0x7], $0x2000, $0x38;
	[tilespmem:$0x1EC80] =	vst v63  }
0x247: {  	_ =	swait.ge [sflag:s9], $0x2000  }
0x248: {  	[sflag:s9] =	ssyncset.done $0x0  }
0x249: {  	s24 =	rddreg [dreg:$0x13];
	[sflag:s9] =	ssyncadd.s32 $0xFFFFE000  }
0x24a: {  	[tilespmem:s14], [sflag:$0x7] =	stream.linear.gather [spmem:s24], $0x2000, $0x38;
	[tilespmem:$0x1EC80] =	vst v63  }
0x24b: {  	_ =	swait.ge [sflag:s9], $0x2000  }
0x24c: {  	[sflag:s9] =	ssyncset.done $0x0  }
0x24d: {  	s26 =	rddreg [dreg:$0xb];
	[sflag:s9] =	ssyncadd.s32 $0xFFFFE000  }
0x24e: {  	[hbm4b:s26+s3] =	stream.linear.scatter [tilespmem:s14], [sflag:$0x7], $0x2000, $0x38;
	[tilespmem:$0x1EC80] =	vst v63  }
0x24f: {  	_ =	swait.ge [sflag:s9], $0x2000  }
0x250: {  	[sflag:s9] =	ssyncset.done $0x0  }
0x251: {  	s26 =	rddreg [dreg:$0x15];
	[sflag:s9] =	ssyncadd.s32 $0xFFFFE000  }
0x252: {  	[tilespmem:s14], [sflag:$0x7] =	stream.linear.gather [spmem:s26], $0x2000, $0x38;
	[tilespmem:$0x1EC80] =	vst v63  }
0x253: {  	_ =	swait.ge [sflag:s9], $0x2000  }
0x254: {  	[sflag:s9] =	ssyncset.done $0x0  }
0x255: {  	s20 =	rddreg [dreg:$0xc];
	[sflag:s9] =	ssyncadd.s32 $0xFFFFE000  }
0x256: {  	[hbm4b:s20+s3] =	stream.linear.scatter [tilespmem:s14], [sflag:$0x7], $0x2000, $0x38;
	[tilespmem:$0x1EC80] =	vst v63  }
0x257: {  	_ =	swait.ge [sflag:s9], $0x2000  }
0x258: {  	[sflag:s9] =	ssyncset.done $0x0  }
0x259: {  	s29 =	rddreg [dreg:$0x17];
	[sflag:s9] =	ssyncadd.s32 $0xFFFFE000  }
0x25a: {  	[tilespmem:s14], [sflag:$0x7] =	stream.linear.gather [spmem:s29], $0x2000, $0x38;
	[tilespmem:$0x1EC80] =	vst v63  }
0x25b: {  	_ =	swait.ge [sflag:s9], $0x2000  }
0x25c: {  	[sflag:s9] =	ssyncset.done $0x0  }
0x25d: {  	s20 =	rddreg [dreg:$0xd];
	[sflag:s9] =	ssyncadd.s32 $0xFFFFE000  }
0x25e: {  	[hbm4b:s20+s3] =	stream.linear.scatter [tilespmem:s14], [sflag:$0x7], $0x2000, $0x38;
	[tilespmem:$0x1EC80] =	vst v63  }
0x25f: {  	_ =	swait.ge [sflag:s9], $0x2000  }
0x260: {  	[sflag:s9] =	ssyncset.done $0x0  }
0x261: {  	s20 =	rddreg [dreg:$0x19];
	[sflag:s9] =	ssyncadd.s32 $0xFFFFE000  }
0x262: {  	[tilespmem:s14], [sflag:$0x7] =	stream.linear.gather [spmem:s20], $0x2000, $0x38;
	[tilespmem:$0x1EC80] =	vst v63  }
0x263: {  	_ =	swait.ge [sflag:s9], $0x2000  }
0x264: {  	[sflag:s9] =	ssyncset.done $0x0  }
0x265: {  	s20 =	rddreg [dreg:$0xe];
	[sflag:s9] =	ssyncadd.s32 $0xFFFFE000  }
0x266: {  	[hbm4b:s20+s3] =	stream.linear.scatter [tilespmem:s14], [sflag:$0x7], $0x2000, $0x38;
	[tilespmem:$0x1EC80] =	vst v63  }
0x267: {  	_ =	swait.ge [sflag:s9], $0x2000  }
0x268: {  	s4 =	sadd.s32 $0x1, s4;
	s20 =	rddreg [dreg:$0x1e]  }
0x269: {  	p0 =	sne.s32 s4, s20  }
.Ltmp4:
0x26a: {  	_ = 	snop;
	(pc) =	sbr.rel @p0 .LBB2_1-.Ltmp4, $3  }
0x26b: {  	_ =	sdelay $0x1  }
0x26c: {  	[sflag:s9] =	ssyncset.done $0x0  }
0x26d: {  	[sflag:s9] =	ssyncadd.s32 $0xFFFFE000  }
0x26e: {  	_ =	sfence.sel $0x180000  }
0x26f: {  	[bflag:$0x0] =	sbarrier.arrive $0xFFFF  }
0x270: {  	_ =	strace $0x90000047  }
0x271: {  	s0 =	stileid.u32;
	[bflag:$0x2] =	sbarrier.arrive $0xFFFF  }
0x272: {  	p0 =	sne.s32 s0, $0x0;
	s0 =	rddreg [dreg:$0x4]  }
0x273: {  	s0 =	sadd.s32 @!p0 $0x100000, s0  }
0x274: {  	[sflag:s0] =	ssyncadd.tile.s32 @!p0 $0x1;
	_ =	shalt  }
.Lfunc_end2:
_tile_overlayer_lowered:
.L_overlay_start_2:
0x275: {  	(tag) =	ssettag $0x2  }
0x276: {  	s0 =	rddreg [dreg:$0x0];
	s2 =	stileid.u32  }
0x277: {  	s1 =	rddreg [dreg:$0x1];
	p0 =	sne.s32 s2, $0x0  }
0x278: {  	s3 =	rddreg [dreg:$0x2];
	[bflag:$0x3] =	sbarrier.arrive $0xFFFF;
	s2 =	simm.s32 @!p0 $0x1C07  }
0x279: {  	[timem:s3], [sflag:s2] =	dma.local @!p0 [hbm:s0], s1  }
0x27a: {  	s0 =	simm.s32 @!p0 $0x7  }
0x27b: {  	_ =	swait.ge @!p0 [sflag:s0], s1  }
0x27c: {  	s1 =	ssub.s32 @!p0 $0x0, s1;
	[sflag:s0] =	ssyncset.done @!p0 $0x0  }
0x27d: {  	[sflag:s0] =	ssyncadd.s32 @!p0 s1  }
0x27e: {  	[bflag:$0x3] =	sbarrier.arrive $0xFFFF  }
0x27f: {  	_ =	shalt  }

</sc_bundles>
